<compile_context>
chip_gen: v7x
topology: tpu7x:2x2x1
jax: 0.10.2.dev20260603
libtpu: 0.0.44.dev20260713+nightly
codegen_flags: <defaults>
</compile_context>

<pallas_src>
import functools

import jax
import jax.numpy as jnp
from jax import lax
from jax.experimental import pallas as pl
from jax.experimental.pallas import tpu as pltpu
from jax.experimental.pallas import tpu_sc as plsc

B = 1024
T = 20
G = 64
FLAT = T * G * G
ROW_W = 128

_RND = 12582912.0


def _sc_tp_body(coords_hbm, yhat_rows_hbm, tp_hbm,
                coords_v, rowidx_v, elemidx_v, rows_v, tp_v, sem,
                *, samples_w, n_streams):
    info = plsc.get_sparse_core_info()
    nc = info.num_cores
    p_w = samples_w * T
    wid = lax.axis_index("s") * nc + lax.axis_index("c")
    base_p = wid * p_w
    lane = lax.iota(jnp.int32, 16)

    pltpu.sync_copy(coords_hbm.at[pl.ds(base_p * 2, p_w * 2)], coords_v)

    for sg in range(samples_w // 16):
        s_loc = sg * 16 + lane
        for t in range(T):
            p_loc = s_loc * T + t
            x = plsc.load_gather(coords_v, [p_loc * 2])
            y = plsc.load_gather(coords_v, [p_loc * 2 + 1])
            xi = ((x * 64.0 + _RND) - _RND).astype(jnp.int32)
            yi = ((y * 64.0 + _RND) - _RND).astype(jnp.int32)
            flat = (base_p + p_loc) * (G * G) + xi * G + yi
            plsc.store_scatter(rowidx_v, [p_loc >> 7, p_loc & 127], flat >> 7)
            plsc.store_scatter(elemidx_v, [p_loc], flat & 127)

    copies = [
        pltpu.async_copy(
            yhat_rows_hbm.at[rowidx_v.at[i]],
            rows_v.at[pl.ds(i * 128, 128)],
            sem,
        )
        for i in range(n_streams)
    ]
    for c in copies:
        c.wait()

    for sg in range(samples_w // 16):
        s_loc = sg * 16 + lane
        acc = jnp.zeros((16,), jnp.float32)
        for t in range(T):
            p_loc = s_loc * T + t
            elem = plsc.load_gather(elemidx_v, [p_loc])
            val = plsc.load_gather(rows_v, [p_loc, elem])
            acc = acc + jnp.where(val > 0.0, 1.0, 0.0).astype(jnp.float32)
        tp_v[pl.ds(sg * 16, 16)] = acc

    pltpu.sync_copy(tp_v, tp_hbm.at[pl.ds(wid * samples_w, samples_w)])


def _sc_tp(coords_flat, yhat_rows):
    info = plsc.get_sparse_core_info()
    nw = info.num_cores * info.num_subcores
    samples_w = B // nw
    p_w = samples_w * T
    n_streams = p_w // 128
    body = functools.partial(_sc_tp_body, samples_w=samples_w,
                             n_streams=n_streams)
    return pl.kernel(
        body,
        mesh=plsc.VectorSubcoreMesh(core_axis_name="c", subcore_axis_name="s"),
        compiler_params=pltpu.CompilerParams(needs_layout_passes=False,
                                             use_tc_tiling_on_sc=True),
        out_type=jax.ShapeDtypeStruct((B,), jnp.float32),
        scratch_types=[
            pltpu.VMEM((p_w * 2,), jnp.float32),
            pltpu.VMEM((n_streams, 128), jnp.int32),
            pltpu.VMEM((p_w,), jnp.int32),
            pltpu.VMEM((p_w, ROW_W), jnp.float32),
            pltpu.VMEM((samples_w,), jnp.float32),
            pltpu.SemaphoreType.DMA,
        ],
    )(coords_flat, yhat_rows)


def _count_body(y_ref, out_ref, *, rows_per_blk):
    x = (y_ref[...] > 0.0).astype(jnp.float32)
    x = x.reshape(rows_per_blk, FLAT // ROW_W, ROW_W)
    out_ref[0, 0, :] = jnp.sum(x, axis=(1, 2))


def _combine_body(tp_ref, s_ref, out_ref):
    prec = tp_ref[...] / (s_ref[...] + 1e-7)
    out_ref[0, 0] = 1.0 - jnp.sum(prec) * (1.0 / B)


def kernel(y_hat, coords):
    rows_per_blk = 16
    rows_per_samp = FLAT // ROW_W
    yd = y_hat.reshape(B * rows_per_samp, ROW_W)

    tp = _sc_tp(coords.reshape(-1), yd)

    s_counts = pl.pallas_call(
        functools.partial(_count_body, rows_per_blk=rows_per_blk),
        grid=(B // rows_per_blk,),
        in_specs=[pl.BlockSpec((rows_per_blk * rows_per_samp, ROW_W),
                               lambda i: (i, 0))],
        out_specs=pl.BlockSpec((1, 1, rows_per_blk), lambda i: (i, 0, 0)),
        out_shape=jax.ShapeDtypeStruct((B // rows_per_blk, 1, rows_per_blk),
                                       jnp.float32),
    )(yd)

    loss = pl.pallas_call(
        _combine_body,
        in_specs=[
            pl.BlockSpec((8, B // 8), lambda: (0, 0)),
            pl.BlockSpec((8, B // 8), lambda: (0, 0)),
        ],
        out_specs=pl.BlockSpec(memory_space=pltpu.SMEM),
        out_shape=jax.ShapeDtypeStruct((1, 1), jnp.float32),
    )(tp.reshape(8, B // 8), s_counts.reshape(8, B // 8))

    return loss[0, 0]

# --- scband reference (transcript-rebuilt; emitter-appended) ---
"""Pipeline reference for scband-precision-loss-8074538517074 (READ-ONLY COPY).

The authoritative reference and input builder live on the scoring server;
editing this copy changes nothing except your own understanding.
"""

import jax, jax.numpy as jnp
import numpy as np

GRID_SIZE = 64


def create_gt_hard_heatmap(coords, grid_size=GRID_SIZE):
    B = coords.shape[0]
    T = coords.shape[1]
    heatmap = jnp.zeros((B, T, grid_size, grid_size), dtype=jnp.float32)
    x_coords = jnp.round(coords[:, :, 0] * grid_size).astype(jnp.int32)
    y_coords = jnp.round(coords[:, :, 1] * grid_size).astype(jnp.int32)
    batch_idx = jnp.broadcast_to(jnp.arange(B)[:, None], (B, T))
    time_idx = jnp.broadcast_to(jnp.arange(T)[None, :], (B, T))
    heatmap = heatmap.at[batch_idx, time_idx, x_coords, y_coords].set(1.0)
    return heatmap


def setup_inputs(seed: int = 0) -> dict:
    key = jax.random.key(seed)
    k1, k2 = jax.random.split(key)
    y_hat = jax.random.normal(k1, (1024, 20, GRID_SIZE, GRID_SIZE), dtype=jnp.float32)
    # scale uniform coords by 0.98 so round(c*grid) stays strictly in-bounds (< grid_size)
    coords = jax.random.uniform(k2, (1024, 20, 2), dtype=jnp.float32) * 0.98
    return {"y_hat": y_hat, "coords": coords}


def reference(y_hat, coords):
    grid_size = GRID_SIZE
    gt_heatmap = create_gt_hard_heatmap(coords, grid_size=grid_size)
    y_hat_flat = y_hat.reshape(y_hat.shape[0], -1)
    gt_flat = gt_heatmap.reshape(gt_heatmap.shape[0], -1)
    y_hat_binary = jax.nn.sigmoid(y_hat_flat)
    y_hat_binary = jnp.round(y_hat_binary)
    tp = (y_hat_binary * gt_flat).sum(axis=-1)
    fp = ((1.0 - gt_flat) * y_hat_binary).sum(axis=-1)
    precision = tp / (tp + fp + 1e-07)
    precision_loss = 1.0 - precision.mean()
    return precision_loss

if __name__ == "__main__":
    import jax
    _d = setup_inputs()
    print(jax.jit(kernel)(*tuple(_d.values())))

</pallas_src>

<mosaic_0001>
#map = affine_map<(d0, d1) -> (0)>
#map1 = affine_map<(d0, d1) -> (0, 0)>
module attributes {stable_mosaic.version = 14 : i64} {
  func.func @_sc_tp_body(%arg0: i32, %arg1: i32, %arg2: memref<40960xf32, #tpu.memory_space<hbm>>, %arg3: memref<655360x128xf32, #tpu.memory_space<hbm>>, %arg4: memref<1024xf32, #tpu.memory_space<hbm>>, %arg5: memref<1280xf32, #tpu.memory_space<vmem>>, %arg6: memref<5x128xi32, #tpu.memory_space<vmem>>, %arg7: memref<640xi32, #tpu.memory_space<vmem>>, %arg8: memref<640x128xf32, #tpu.memory_space<vmem>>, %arg9: memref<32xf32, #tpu.memory_space<vmem>>, %arg10: memref<!tpu.dma_semaphore, #tpu.memory_space<semaphore_mem>>) attributes {dimension_semantics = [#tpu.dimension_semantics<core_parallel>, #tpu.dimension_semantics<subcore_parallel>], iteration_bounds = array<i64: 2, 16>, scalar_prefetch = 0 : i64, scratch_operands = 6 : i64, tpu.core_type = #tpu.core_type<sc_vector_subcore>, window_params = [{transform_indices = #map}, {transform_indices = #map1}, {transform_indices = #map}]} {
    %mul3A = arith.constant 2 : i32
    %mul3A_0 = arith.muli %arg1, %mul3A : i32
    %add3A = arith.addi %mul3A_0, %arg0 : i32
    %mul3A_1 = arith.constant 640 : i32
    %mul3A_2 = arith.muli %add3A, %mul3A_1 : i32
    %iota3A = tpu.iota {dimensions = array<i32: 0>} : vector<16xi32>
    %mul3A_3 = arith.constant 2 : i32
    %mul3A_4 = arith.muli %mul3A_2, %mul3A_3 : i32
    "tpu.region"() ({
      %run_scoped3A = tpu.sem_alloc : memref<!tpu.dma_semaphore, #tpu.memory_space<semaphore_mem>>
      %dma_start3A_3155 = tpu.memref_slice %arg2[%mul3A_4] : memref<40960xf32, #tpu.memory_space<hbm>> -> memref<1280xf32, #tpu.memory_space<hbm>>
      %dma_start3A_3156 = tpu.memref_slice %arg2[%mul3A_4] : memref<40960xf32, #tpu.memory_space<hbm>> -> memref<1280xf32, #tpu.memory_space<hbm>>
      tpu.enqueue_dma source(%dma_start3A_3156 : memref<1280xf32, #tpu.memory_space<hbm>>) target(%arg5 : memref<1280xf32, #tpu.memory_space<vmem>>) target_semaphore(%run_scoped3A : memref<!tpu.dma_semaphore, #tpu.memory_space<semaphore_mem>>)
      %dma_wait3A_3157 = tpu.memref_slice %arg2[%mul3A_4] : memref<40960xf32, #tpu.memory_space<hbm>> -> memref<1280xf32, #tpu.memory_space<hbm>>
      %dma_wait3A_3158 = tpu.memref_slice %arg2[%mul3A_4] : memref<40960xf32, #tpu.memory_space<hbm>> -> memref<1280xf32, #tpu.memory_space<hbm>>
      tpu.wait_dma2 semaphore(%run_scoped3A : memref<!tpu.dma_semaphore, #tpu.memory_space<semaphore_mem>>) src(%dma_wait3A_3158 : memref<1280xf32, #tpu.memory_space<hbm>>) dst(%arg5 : memref<1280xf32, #tpu.memory_space<vmem>>)
      tpu.yield
    }) : () -> ()
    %add3A_5 = arith.constant 0 : i32
    %add3A_6 = vector.broadcast %add3A_5 : i32 to vector<16xi32>
    %add3A_7 = arith.addi %add3A_6, %iota3A : vector<16xi32>
    %mul3A_8 = arith.constant 20 : i32
    %mul3A_9 = vector.broadcast %mul3A_8 : i32 to vector<16xi32>
    %mul3A_10 = arith.muli %add3A_7, %mul3A_9 : vector<16xi32>
    %add3A_11 = arith.constant 0 : i32
    %add3A_12 = vector.broadcast %add3A_11 : i32 to vector<16xi32>
    %add3A_13 = arith.addi %mul3A_10, %add3A_12 : vector<16xi32>
    %mul3A_14 = arith.constant 2 : i32
    %mul3A_15 = vector.broadcast %mul3A_14 : i32 to vector<16xi32>
    %mul3A_16 = arith.muli %add3A_13, %mul3A_15 : vector<16xi32>
    %gather3A = tpu.vector_load_idx %arg5[%mul3A_16] : memref<1280xf32, #tpu.memory_space<vmem>>[vector<16xi32>], vector<16xf32>,
    %mul3A_17 = arith.constant 2 : i32
    %mul3A_18 = vector.broadcast %mul3A_17 : i32 to vector<16xi32>
    %mul3A_19 = arith.muli %add3A_13, %mul3A_18 : vector<16xi32>
    %add3A_20 = arith.constant 1 : i32
    %add3A_21 = vector.broadcast %add3A_20 : i32 to vector<16xi32>
    %add3A_22 = arith.addi %mul3A_19, %add3A_21 : vector<16xi32>
    %gather3A_23 = tpu.vector_load_idx %arg5[%add3A_22] : memref<1280xf32, #tpu.memory_space<vmem>>[vector<16xi32>], vector<16xf32>,
    %mul3A_24 = arith.constant 6.400000e+01 : f32
    %mul3A_25 = vector.broadcast %mul3A_24 : f32 to vector<16xf32>
    %mul3A_26 = arith.mulf %gather3A, %mul3A_25 : vector<16xf32>
    %add3A_27 = arith.constant 0x4B400000 : f32
    %add3A_28 = vector.broadcast %add3A_27 : f32 to vector<16xf32>
    %add3A_29 = arith.addf %mul3A_26, %add3A_28 : vector<16xf32>
    %sub3A = arith.constant 0x4B400000 : f32
    %sub3A_30 = vector.broadcast %sub3A : f32 to vector<16xf32>
    %sub3A_31 = arith.subf %add3A_29, %sub3A_30 : vector<16xf32>
    %convert_element_type3A = arith.fptosi %sub3A_31 : vector<16xf32> to vector<16xi32>
    %mul3A_32 = arith.constant 6.400000e+01 : f32
    %mul3A_33 = vector.broadcast %mul3A_32 : f32 to vector<16xf32>
    %mul3A_34 = arith.mulf %gather3A_23, %mul3A_33 : vector<16xf32>
    %add3A_35 = arith.constant 0x4B400000 : f32
    %add3A_36 = vector.broadcast %add3A_35 : f32 to vector<16xf32>
    %add3A_37 = arith.addf %mul3A_34, %add3A_36 : vector<16xf32>
    %sub3A_38 = arith.constant 0x4B400000 : f32
    %sub3A_39 = vector.broadcast %sub3A_38 : f32 to vector<16xf32>
    %sub3A_40 = arith.subf %add3A_37, %sub3A_39 : vector<16xf32>
    %convert_element_type3A_41 = arith.fptosi %sub3A_40 : vector<16xf32> to vector<16xi32>
    %add3A_42 = vector.broadcast %mul3A_2 : i32 to vector<16xi32>
    %add3A_43 = arith.addi %add3A_42, %add3A_13 : vector<16xi32>
    %mul3A_44 = arith.constant 4096 : i32
    %mul3A_45 = vector.broadcast %mul3A_44 : i32 to vector<16xi32>
    %mul3A_46 = arith.muli %add3A_43, %mul3A_45 : vector<16xi32>
    %mul3A_47 = arith.constant 64 : i32
    %mul3A_48 = vector.broadcast %mul3A_47 : i32 to vector<16xi32>
    %mul3A_49 = arith.muli %convert_element_type3A, %mul3A_48 : vector<16xi32>
    %add3A_50 = arith.addi %mul3A_46, %mul3A_49 : vector<16xi32>
    %add3A_51 = arith.addi %add3A_50, %convert_element_type3A_41 : vector<16xi32>
    %shift_right_arithmetic3A = arith.constant 7 : i32
    %shift_right_arithmetic3A_52 = vector.broadcast %shift_right_arithmetic3A : i32 to vector<16xi32>
    %shift_right_arithmetic3A_53 = arith.shrsi %add3A_13, %shift_right_arithmetic3A_52 : vector<16xi32>
    %and3A = arith.constant 127 : i32
    %and3A_54 = vector.broadcast %and3A : i32 to vector<16xi32>
    %and3A_55 = arith.andi %add3A_13, %and3A_54 : vector<16xi32>
    %shift_right_arithmetic3A_56 = arith.constant 7 : i32
    %shift_right_arithmetic3A_57 = vector.broadcast %shift_right_arithmetic3A_56 : i32 to vector<16xi32>
    %shift_right_arithmetic3A_58 = arith.shrsi %add3A_51, %shift_right_arithmetic3A_57 : vector<16xi32>
    tpu.vector_store_idx %arg6[%shift_right_arithmetic3A_53, %and3A_55], %shift_right_arithmetic3A_58 : memref<5x128xi32, #tpu.memory_space<vmem>>[vector<16xi32>, vector<16xi32>], vector<16xi32>,
    %and3A_59 = arith.constant 127 : i32
    %and3A_60 = vector.broadcast %and3A_59 : i32 to vector<16xi32>
    %and3A_61 = arith.andi %add3A_51, %and3A_60 : vector<16xi32>
    tpu.vector_store_idx %arg7[%add3A_13], %and3A_61 : memref<640xi32, #tpu.memory_space<vmem>>[vector<16xi32>], vector<16xi32>,
    %mul3A_62 = arith.constant 20 : i32
    %mul3A_63 = vector.broadcast %mul3A_62 : i32 to vector<16xi32>
    %mul3A_64 = arith.muli %add3A_7, %mul3A_63 : vector<16xi32>
    %add3A_65 = arith.constant 1 : i32
    %add3A_66 = vector.broadcast %add3A_65 : i32 to vector<16xi32>
    %add3A_67 = arith.addi %mul3A_64, %add3A_66 : vector<16xi32>
    %mul3A_68 = arith.constant 2 : i32
    %mul3A_69 = vector.broadcast %mul3A_68 : i32 to vector<16xi32>
    %mul3A_70 = arith.muli %add3A_67, %mul3A_69 : vector<16xi32>
    %gather3A_71 = tpu.vector_load_idx %arg5[%mul3A_70] : memref<1280xf32, #tpu.memory_space<vmem>>[vector<16xi32>], vector<16xf32>,
    %mul3A_72 = arith.constant 2 : i32
    %mul3A_73 = vector.broadcast %mul3A_72 : i32 to vector<16xi32>
    %mul3A_74 = arith.muli %add3A_67, %mul3A_73 : vector<16xi32>
    %add3A_75 = arith.constant 1 : i32
    %add3A_76 = vector.broadcast %add3A_75 : i32 to vector<16xi32>
    %add3A_77 = arith.addi %mul3A_74, %add3A_76 : vector<16xi32>
    %gather3A_78 = tpu.vector_load_idx %arg5[%add3A_77] : memref<1280xf32, #tpu.memory_space<vmem>>[vector<16xi32>], vector<16xf32>,
    %mul3A_79 = arith.constant 6.400000e+01 : f32
    %mul3A_80 = vector.broadcast %mul3A_79 : f32 to vector<16xf32>
    %mul3A_81 = arith.mulf %gather3A_71, %mul3A_80 : vector<16xf32>
    %add3A_82 = arith.constant 0x4B400000 : f32
    %add3A_83 = vector.broadcast %add3A_82 : f32 to vector<16xf32>
    %add3A_84 = arith.addf %mul3A_81, %add3A_83 : vector<16xf32>
    %sub3A_85 = arith.constant 0x4B400000 : f32
    %sub3A_86 = vector.broadcast %sub3A_85 : f32 to vector<16xf32>
    %sub3A_87 = arith.subf %add3A_84, %sub3A_86 : vector<16xf32>
    %convert_element_type3A_88 = arith.fptosi %sub3A_87 : vector<16xf32> to vector<16xi32>
    %mul3A_89 = arith.constant 6.400000e+01 : f32
    %mul3A_90 = vector.broadcast %mul3A_89 : f32 to vector<16xf32>
    %mul3A_91 = arith.mulf %gather3A_78, %mul3A_90 : vector<16xf32>
    %add3A_92 = arith.constant 0x4B400000 : f32
    %add3A_93 = vector.broadcast %add3A_92 : f32 to vector<16xf32>
    %add3A_94 = arith.addf %mul3A_91, %add3A_93 : vector<16xf32>
    %sub3A_95 = arith.constant 0x4B400000 : f32
    %sub3A_96 = vector.broadcast %sub3A_95 : f32 to vector<16xf32>
    %sub3A_97 = arith.subf %add3A_94, %sub3A_96 : vector<16xf32>
    %convert_element_type3A_98 = arith.fptosi %sub3A_97 : vector<16xf32> to vector<16xi32>
    %add3A_99 = vector.broadcast %mul3A_2 : i32 to vector<16xi32>
    %add3A_100 = arith.addi %add3A_99, %add3A_67 : vector<16xi32>
    %mul3A_101 = arith.constant 4096 : i32
    %mul3A_102 = vector.broadcast %mul3A_101 : i32 to vector<16xi32>
    %mul3A_103 = arith.muli %add3A_100, %mul3A_102 : vector<16xi32>
    %mul3A_104 = arith.constant 64 : i32
    %mul3A_105 = vector.broadcast %mul3A_104 : i32 to vector<16xi32>
    %mul3A_106 = arith.muli %convert_element_type3A_88, %mul3A_105 : vector<16xi32>
    %add3A_107 = arith.addi %mul3A_103, %mul3A_106 : vector<16xi32>
    %add3A_108 = arith.addi %add3A_107, %convert_element_type3A_98 : vector<16xi32>
    %shift_right_arithmetic3A_109 = arith.constant 7 : i32
    %shift_right_arithmetic3A_110 = vector.broadcast %shift_right_arithmetic3A_109 : i32 to vector<16xi32>
    %shift_right_arithmetic3A_111 = arith.shrsi %add3A_67, %shift_right_arithmetic3A_110 : vector<16xi32>
    %and3A_112 = arith.constant 127 : i32
    %and3A_113 = vector.broadcast %and3A_112 : i32 to vector<16xi32>
    %and3A_114 = arith.andi %add3A_67, %and3A_113 : vector<16xi32>
    %shift_right_arithmetic3A_115 = arith.constant 7 : i32
    %shift_right_arithmetic3A_116 = vector.broadcast %shift_right_arithmetic3A_115 : i32 to vector<16xi32>
    %shift_right_arithmetic3A_117 = arith.shrsi %add3A_108, %shift_right_arithmetic3A_116 : vector<16xi32>
    tpu.vector_store_idx %arg6[%shift_right_arithmetic3A_111, %and3A_114], %shift_right_arithmetic3A_117 : memref<5x128xi32, #tpu.memory_space<vmem>>[vector<16xi32>, vector<16xi32>], vector<16xi32>,
    %and3A_118 = arith.constant 127 : i32
    %and3A_119 = vector.broadcast %and3A_118 : i32 to vector<16xi32>
    %and3A_120 = arith.andi %add3A_108, %and3A_119 : vector<16xi32>
    tpu.vector_store_idx %arg7[%add3A_67], %and3A_120 : memref<640xi32, #tpu.memory_space<vmem>>[vector<16xi32>], vector<16xi32>,
    %mul3A_121 = arith.constant 20 : i32
    %mul3A_122 = vector.broadcast %mul3A_121 : i32 to vector<16xi32>
    %mul3A_123 = arith.muli %add3A_7, %mul3A_122 : vector<16xi32>
    %add3A_124 = arith.constant 2 : i32
    %add3A_125 = vector.broadcast %add3A_124 : i32 to vector<16xi32>
    %add3A_126 = arith.addi %mul3A_123, %add3A_125 : vector<16xi32>
    %mul3A_127 = arith.constant 2 : i32
    %mul3A_128 = vector.broadcast %mul3A_127 : i32 to vector<16xi32>
    %mul3A_129 = arith.muli %add3A_126, %mul3A_128 : vector<16xi32>
    %gather3A_130 = tpu.vector_load_idx %arg5[%mul3A_129] : memref<1280xf32, #tpu.memory_space<vmem>>[vector<16xi32>], vector<16xf32>,
    %mul3A_131 = arith.constant 2 : i32
    %mul3A_132 = vector.broadcast %mul3A_131 : i32 to vector<16xi32>
    %mul3A_133 = arith.muli %add3A_126, %mul3A_132 : vector<16xi32>
    %add3A_134 = arith.constant 1 : i32
    %add3A_135 = vector.broadcast %add3A_134 : i32 to vector<16xi32>
    %add3A_136 = arith.addi %mul3A_133, %add3A_135 : vector<16xi32>
    %gather3A_137 = tpu.vector_load_idx %arg5[%add3A_136] : memref<1280xf32, #tpu.memory_space<vmem>>[vector<16xi32>], vector<16xf32>,
    %mul3A_138 = arith.constant 6.400000e+01 : f32
    %mul3A_139 = vector.broadcast %mul3A_138 : f32 to vector<16xf32>
    %mul3A_140 = arith.mulf %gather3A_130, %mul3A_139 : vector<16xf32>
    %add3A_141 = arith.constant 0x4B400000 : f32
    %add3A_142 = vector.broadcast %add3A_141 : f32 to vector<16xf32>
    %add3A_143 = arith.addf %mul3A_140, %add3A_142 : vector<16xf32>
    %sub3A_144 = arith.constant 0x4B400000 : f32
    %sub3A_145 = vector.broadcast %sub3A_144 : f32 to vector<16xf32>
    %sub3A_146 = arith.subf %add3A_143, %sub3A_145 : vector<16xf32>
    %convert_element_type3A_147 = arith.fptosi %sub3A_146 : vector<16xf32> to vector<16xi32>
    %mul3A_148 = arith.constant 6.400000e+01 : f32
    %mul3A_149 = vector.broadcast %mul3A_148 : f32 to vector<16xf32>
    %mul3A_150 = arith.mulf %gather3A_137, %mul3A_149 : vector<16xf32>
    %add3A_151 = arith.constant 0x4B400000 : f32
    %add3A_152 = vector.broadcast %add3A_151 : f32 to vector<16xf32>
    %add3A_153 = arith.addf %mul3A_150, %add3A_152 : vector<16xf32>
    %sub3A_154 = arith.constant 0x4B400000 : f32
    %sub3A_155 = vector.broadcast %sub3A_154 : f32 to vector<16xf32>
    %sub3A_156 = arith.subf %add3A_153, %sub3A_155 : vector<16xf32>
    %convert_element_type3A_157 = arith.fptosi %sub3A_156 : vector<16xf32> to vector<16xi32>
    %add3A_158 = vector.broadcast %mul3A_2 : i32 to vector<16xi32>
    %add3A_159 = arith.addi %add3A_158, %add3A_126 : vector<16xi32>
    %mul3A_160 = arith.constant 4096 : i32
    %mul3A_161 = vector.broadcast %mul3A_160 : i32 to vector<16xi32>
    %mul3A_162 = arith.muli %add3A_159, %mul3A_161 : vector<16xi32>
    %mul3A_163 = arith.constant 64 : i32
    %mul3A_164 = vector.broadcast %mul3A_163 : i32 to vector<16xi32>
    %mul3A_165 = arith.muli %convert_element_type3A_147, %mul3A_164 : vector<16xi32>
    %add3A_166 = arith.addi %mul3A_162, %mul3A_165 : vector<16xi32>
    %add3A_167 = arith.addi %add3A_166, %convert_element_type3A_157 : vector<16xi32>
    %shift_right_arithmetic3A_168 = arith.constant 7 : i32
    %shift_right_arithmetic3A_169 = vector.broadcast %shift_right_arithmetic3A_168 : i32 to vector<16xi32>
    %shift_right_arithmetic3A_170 = arith.shrsi %add3A_126, %shift_right_arithmetic3A_169 : vector<16xi32>
    %and3A_171 = arith.constant 127 : i32
    %and3A_172 = vector.broadcast %and3A_171 : i32 to vector<16xi32>
    %and3A_173 = arith.andi %add3A_126, %and3A_172 : vector<16xi32>
    %shift_right_arithmetic3A_174 = arith.constant 7 : i32
    %shift_right_arithmetic3A_175 = vector.broadcast %shift_right_arithmetic3A_174 : i32 to vector<16xi32>
    %shift_right_arithmetic3A_176 = arith.shrsi %add3A_167, %shift_right_arithmetic3A_175 : vector<16xi32>
    tpu.vector_store_idx %arg6[%shift_right_arithmetic3A_170, %and3A_173], %shift_right_arithmetic3A_176 : memref<5x128xi32, #tpu.memory_space<vmem>>[vector<16xi32>, vector<16xi32>], vector<16xi32>,
    %and3A_177 = arith.constant 127 : i32
    %and3A_178 = vector.broadcast %and3A_177 : i32 to vector<16xi32>
    %and3A_179 = arith.andi %add3A_167, %and3A_178 : vector<16xi32>
    tpu.vector_store_idx %arg7[%add3A_126], %and3A_179 : memref<640xi32, #tpu.memory_space<vmem>>[vector<16xi32>], vector<16xi32>,
    %mul3A_180 = arith.constant 20 : i32
    %mul3A_181 = vector.broadcast %mul3A_180 : i32 to vector<16xi32>
    %mul3A_182 = arith.muli %add3A_7, %mul3A_181 : vector<16xi32>
    %add3A_183 = arith.constant 3 : i32
    %add3A_184 = vector.broadcast %add3A_183 : i32 to vector<16xi32>
    %add3A_185 = arith.addi %mul3A_182, %add3A_184 : vector<16xi32>
    %mul3A_186 = arith.constant 2 : i32
    %mul3A_187 = vector.broadcast %mul3A_186 : i32 to vector<16xi32>
    %mul3A_188 = arith.muli %add3A_185, %mul3A_187 : vector<16xi32>
    %gather3A_189 = tpu.vector_load_idx %arg5[%mul3A_188] : memref<1280xf32, #tpu.memory_space<vmem>>[vector<16xi32>], vector<16xf32>,
    %mul3A_190 = arith.constant 2 : i32
    %mul3A_191 = vector.broadcast %mul3A_190 : i32 to vector<16xi32>
    %mul3A_192 = arith.muli %add3A_185, %mul3A_191 : vector<16xi32>
    %add3A_193 = arith.constant 1 : i32
    %add3A_194 = vector.broadcast %add3A_193 : i32 to vector<16xi32>
    %add3A_195 = arith.addi %mul3A_192, %add3A_194 : vector<16xi32>
    %gather3A_196 = tpu.vector_load_idx %arg5[%add3A_195] : memref<1280xf32, #tpu.memory_space<vmem>>[vector<16xi32>], vector<16xf32>,
    %mul3A_197 = arith.constant 6.400000e+01 : f32
    %mul3A_198 = vector.broadcast %mul3A_197 : f32 to vector<16xf32>
    %mul3A_199 = arith.mulf %gather3A_189, %mul3A_198 : vector<16xf32>
    %add3A_200 = arith.constant 0x4B400000 : f32
    %add3A_201 = vector.broadcast %add3A_200 : f32 to vector<16xf32>
    %add3A_202 = arith.addf %mul3A_199, %add3A_201 : vector<16xf32>
    %sub3A_203 = arith.constant 0x4B400000 : f32
    %sub3A_204 = vector.broadcast %sub3A_203 : f32 to vector<16xf32>
    %sub3A_205 = arith.subf %add3A_202, %sub3A_204 : vector<16xf32>
    %convert_element_type3A_206 = arith.fptosi %sub3A_205 : vector<16xf32> to vector<16xi32>
    %mul3A_207 = arith.constant 6.400000e+01 : f32
    %mul3A_208 = vector.broadcast %mul3A_207 : f32 to vector<16xf32>
    %mul3A_209 = arith.mulf %gather3A_196, %mul3A_208 : vector<16xf32>
    %add3A_210 = arith.constant 0x4B400000 : f32
    %add3A_211 = vector.broadcast %add3A_210 : f32 to vector<16xf32>
    %add3A_212 = arith.addf %mul3A_209, %add3A_211 : vector<16xf32>
    %sub3A_213 = arith.constant 0x4B400000 : f32
    %sub3A_214 = vector.broadcast %sub3A_213 : f32 to vector<16xf32>
    %sub3A_215 = arith.subf %add3A_212, %sub3A_214 : vector<16xf32>
    %convert_element_type3A_216 = arith.fptosi %sub3A_215 : vector<16xf32> to vector<16xi32>
    %add3A_217 = vector.broadcast %mul3A_2 : i32 to vector<16xi32>
    %add3A_218 = arith.addi %add3A_217, %add3A_185 : vector<16xi32>
    %mul3A_219 = arith.constant 4096 : i32
    %mul3A_220 = vector.broadcast %mul3A_219 : i32 to vector<16xi32>
    %mul3A_221 = arith.muli %add3A_218, %mul3A_220 : vector<16xi32>
    %mul3A_222 = arith.constant 64 : i32
    %mul3A_223 = vector.broadcast %mul3A_222 : i32 to vector<16xi32>
    %mul3A_224 = arith.muli %convert_element_type3A_206, %mul3A_223 : vector<16xi32>
    %add3A_225 = arith.addi %mul3A_221, %mul3A_224 : vector<16xi32>
    %add3A_226 = arith.addi %add3A_225, %convert_element_type3A_216 : vector<16xi32>
    %shift_right_arithmetic3A_227 = arith.constant 7 : i32
    %shift_right_arithmetic3A_228 = vector.broadcast %shift_right_arithmetic3A_227 : i32 to vector<16xi32>
    %shift_right_arithmetic3A_229 = arith.shrsi %add3A_185, %shift_right_arithmetic3A_228 : vector<16xi32>
    %and3A_230 = arith.constant 127 : i32
    %and3A_231 = vector.broadcast %and3A_230 : i32 to vector<16xi32>
    %and3A_232 = arith.andi %add3A_185, %and3A_231 : vector<16xi32>
    %shift_right_arithmetic3A_233 = arith.constant 7 : i32
    %shift_right_arithmetic3A_234 = vector.broadcast %shift_right_arithmetic3A_233 : i32 to vector<16xi32>
    %shift_right_arithmetic3A_235 = arith.shrsi %add3A_226, %shift_right_arithmetic3A_234 : vector<16xi32>
    tpu.vector_store_idx %arg6[%shift_right_arithmetic3A_229, %and3A_232], %shift_right_arithmetic3A_235 : memref<5x128xi32, #tpu.memory_space<vmem>>[vector<16xi32>, vector<16xi32>], vector<16xi32>,
    %and3A_236 = arith.constant 127 : i32
    %and3A_237 = vector.broadcast %and3A_236 : i32 to vector<16xi32>
    %and3A_238 = arith.andi %add3A_226, %and3A_237 : vector<16xi32>
    tpu.vector_store_idx %arg7[%add3A_185], %and3A_238 : memref<640xi32, #tpu.memory_space<vmem>>[vector<16xi32>], vector<16xi32>,
    %mul3A_239 = arith.constant 20 : i32
    %mul3A_240 = vector.broadcast %mul3A_239 : i32 to vector<16xi32>
    %mul3A_241 = arith.muli %add3A_7, %mul3A_240 : vector<16xi32>
    %add3A_242 = arith.constant 4 : i32
    %add3A_243 = vector.broadcast %add3A_242 : i32 to vector<16xi32>
    %add3A_244 = arith.addi %mul3A_241, %add3A_243 : vector<16xi32>
    %mul3A_245 = arith.constant 2 : i32
    %mul3A_246 = vector.broadcast %mul3A_245 : i32 to vector<16xi32>
    %mul3A_247 = arith.muli %add3A_244, %mul3A_246 : vector<16xi32>
    %gather3A_248 = tpu.vector_load_idx %arg5[%mul3A_247] : memref<1280xf32, #tpu.memory_space<vmem>>[vector<16xi32>], vector<16xf32>,
    %mul3A_249 = arith.constant 2 : i32
    %mul3A_250 = vector.broadcast %mul3A_249 : i32 to vector<16xi32>
    %mul3A_251 = arith.muli %add3A_244, %mul3A_250 : vector<16xi32>
    %add3A_252 = arith.constant 1 : i32
    %add3A_253 = vector.broadcast %add3A_252 : i32 to vector<16xi32>
    %add3A_254 = arith.addi %mul3A_251, %add3A_253 : vector<16xi32>
    %gather3A_255 = tpu.vector_load_idx %arg5[%add3A_254] : memref<1280xf32, #tpu.memory_space<vmem>>[vector<16xi32>], vector<16xf32>,
    %mul3A_256 = arith.constant 6.400000e+01 : f32
    %mul3A_257 = vector.broadcast %mul3A_256 : f32 to vector<16xf32>
    %mul3A_258 = arith.mulf %gather3A_248, %mul3A_257 : vector<16xf32>
    %add3A_259 = arith.constant 0x4B400000 : f32
    %add3A_260 = vector.broadcast %add3A_259 : f32 to vector<16xf32>
    %add3A_261 = arith.addf %mul3A_258, %add3A_260 : vector<16xf32>
    %sub3A_262 = arith.constant 0x4B400000 : f32
    %sub3A_263 = vector.broadcast %sub3A_262 : f32 to vector<16xf32>
    %sub3A_264 = arith.subf %add3A_261, %sub3A_263 : vector<16xf32>
    %convert_element_type3A_265 = arith.fptosi %sub3A_264 : vector<16xf32> to vector<16xi32>
    %mul3A_266 = arith.constant 6.400000e+01 : f32
    %mul3A_267 = vector.broadcast %mul3A_266 : f32 to vector<16xf32>
    %mul3A_268 = arith.mulf %gather3A_255, %mul3A_267 : vector<16xf32>
    %add3A_269 = arith.constant 0x4B400000 : f32
    %add3A_270 = vector.broadcast %add3A_269 : f32 to vector<16xf32>
    %add3A_271 = arith.addf %mul3A_268, %add3A_270 : vector<16xf32>
    %sub3A_272 = arith.constant 0x4B400000 : f32
    %sub3A_273 = vector.broadcast %sub3A_272 : f32 to vector<16xf32>
    %sub3A_274 = arith.subf %add3A_271, %sub3A_273 : vector<16xf32>
    %convert_element_type3A_275 = arith.fptosi %sub3A_274 : vector<16xf32> to vector<16xi32>
    %add3A_276 = vector.broadcast %mul3A_2 : i32 to vector<16xi32>
    %add3A_277 = arith.addi %add3A_276, %add3A_244 : vector<16xi32>
    %mul3A_278 = arith.constant 4096 : i32
    %mul3A_279 = vector.broadcast %mul3A_278 : i32 to vector<16xi32>
    %mul3A_280 = arith.muli %add3A_277, %mul3A_279 : vector<16xi32>
    %mul3A_281 = arith.constant 64 : i32
    %mul3A_282 = vector.broadcast %mul3A_281 : i32 to vector<16xi32>
    %mul3A_283 = arith.muli %convert_element_type3A_265, %mul3A_282 : vector<16xi32>
    %add3A_284 = arith.addi %mul3A_280, %mul3A_283 : vector<16xi32>
    %add3A_285 = arith.addi %add3A_284, %convert_element_type3A_275 : vector<16xi32>
    %shift_right_arithmetic3A_286 = arith.constant 7 : i32
    %shift_right_arithmetic3A_287 = vector.broadcast %shift_right_arithmetic3A_286 : i32 to vector<16xi32>
    %shift_right_arithmetic3A_288 = arith.shrsi %add3A_244, %shift_right_arithmetic3A_287 : vector<16xi32>
    %and3A_289 = arith.constant 127 : i32
    %and3A_290 = vector.broadcast %and3A_289 : i32 to vector<16xi32>
    %and3A_291 = arith.andi %add3A_244, %and3A_290 : vector<16xi32>
    %shift_right_arithmetic3A_292 = arith.constant 7 : i32
    %shift_right_arithmetic3A_293 = vector.broadcast %shift_right_arithmetic3A_292 : i32 to vector<16xi32>
    %shift_right_arithmetic3A_294 = arith.shrsi %add3A_285, %shift_right_arithmetic3A_293 : vector<16xi32>
    tpu.vector_store_idx %arg6[%shift_right_arithmetic3A_288, %and3A_291], %shift_right_arithmetic3A_294 : memref<5x128xi32, #tpu.memory_space<vmem>>[vector<16xi32>, vector<16xi32>], vector<16xi32>,
    %and3A_295 = arith.constant 127 : i32
    %and3A_296 = vector.broadcast %and3A_295 : i32 to vector<16xi32>
    %and3A_297 = arith.andi %add3A_285, %and3A_296 : vector<16xi32>
    tpu.vector_store_idx %arg7[%add3A_244], %and3A_297 : memref<640xi32, #tpu.memory_space<vmem>>[vector<16xi32>], vector<16xi32>,
    %mul3A_298 = arith.constant 20 : i32
    %mul3A_299 = vector.broadcast %mul3A_298 : i32 to vector<16xi32>
    %mul3A_300 = arith.muli %add3A_7, %mul3A_299 : vector<16xi32>
    %add3A_301 = arith.constant 5 : i32
    %add3A_302 = vector.broadcast %add3A_301 : i32 to vector<16xi32>
    %add3A_303 = arith.addi %mul3A_300, %add3A_302 : vector<16xi32>
    %mul3A_304 = arith.constant 2 : i32
    %mul3A_305 = vector.broadcast %mul3A_304 : i32 to vector<16xi32>
    %mul3A_306 = arith.muli %add3A_303, %mul3A_305 : vector<16xi32>
    %gather3A_307 = tpu.vector_load_idx %arg5[%mul3A_306] : memref<1280xf32, #tpu.memory_space<vmem>>[vector<16xi32>], vector<16xf32>,
    %mul3A_308 = arith.constant 2 : i32
    %mul3A_309 = vector.broadcast %mul3A_308 : i32 to vector<16xi32>
    %mul3A_310 = arith.muli %add3A_303, %mul3A_309 : vector<16xi32>
    %add3A_311 = arith.constant 1 : i32
    %add3A_312 = vector.broadcast %add3A_311 : i32 to vector<16xi32>
    %add3A_313 = arith.addi %mul3A_310, %add3A_312 : vector<16xi32>
    %gather3A_314 = tpu.vector_load_idx %arg5[%add3A_313] : memref<1280xf32, #tpu.memory_space<vmem>>[vector<16xi32>], vector<16xf32>,
    %mul3A_315 = arith.constant 6.400000e+01 : f32
    %mul3A_316 = vector.broadcast %mul3A_315 : f32 to vector<16xf32>
    %mul3A_317 = arith.mulf %gather3A_307, %mul3A_316 : vector<16xf32>
    %add3A_318 = arith.constant 0x4B400000 : f32
    %add3A_319 = vector.broadcast %add3A_318 : f32 to vector<16xf32>
    %add3A_320 = arith.addf %mul3A_317, %add3A_319 : vector<16xf32>
    %sub3A_321 = arith.constant 0x4B400000 : f32
    %sub3A_322 = vector.broadcast %sub3A_321 : f32 to vector<16xf32>
    %sub3A_323 = arith.subf %add3A_320, %sub3A_322 : vector<16xf32>
    %convert_element_type3A_324 = arith.fptosi %sub3A_323 : vector<16xf32> to vector<16xi32>
    %mul3A_325 = arith.constant 6.400000e+01 : f32
    %mul3A_326 = vector.broadcast %mul3A_325 : f32 to vector<16xf32>
    %mul3A_327 = arith.mulf %gather3A_314, %mul3A_326 : vector<16xf32>
    %add3A_328 = arith.constant 0x4B400000 : f32
    %add3A_329 = vector.broadcast %add3A_328 : f32 to vector<16xf32>
    %add3A_330 = arith.addf %mul3A_327, %add3A_329 : vector<16xf32>
    %sub3A_331 = arith.constant 0x4B400000 : f32
    %sub3A_332 = vector.broadcast %sub3A_331 : f32 to vector<16xf32>
    %sub3A_333 = arith.subf %add3A_330, %sub3A_332 : vector<16xf32>
    %convert_element_type3A_334 = arith.fptosi %sub3A_333 : vector<16xf32> to vector<16xi32>
    %add3A_335 = vector.broadcast %mul3A_2 : i32 to vector<16xi32>
    %add3A_336 = arith.addi %add3A_335, %add3A_303 : vector<16xi32>
    %mul3A_337 = arith.constant 4096 : i32
    %mul3A_338 = vector.broadcast %mul3A_337 : i32 to vector<16xi32>
    %mul3A_339 = arith.muli %add3A_336, %mul3A_338 : vector<16xi32>
    %mul3A_340 = arith.constant 64 : i32
    %mul3A_341 = vector.broadcast %mul3A_340 : i32 to vector<16xi32>
    %mul3A_342 = arith.muli %convert_element_type3A_324, %mul3A_341 : vector<16xi32>
    %add3A_343 = arith.addi %mul3A_339, %mul3A_342 : vector<16xi32>
    %add3A_344 = arith.addi %add3A_343, %convert_element_type3A_334 : vector<16xi32>
    %shift_right_arithmetic3A_345 = arith.constant 7 : i32
    %shift_right_arithmetic3A_346 = vector.broadcast %shift_right_arithmetic3A_345 : i32 to vector<16xi32>
    %shift_right_arithmetic3A_347 = arith.shrsi %add3A_303, %shift_right_arithmetic3A_346 : vector<16xi32>
    %and3A_348 = arith.constant 127 : i32
    %and3A_349 = vector.broadcast %and3A_348 : i32 to vector<16xi32>
    %and3A_350 = arith.andi %add3A_303, %and3A_349 : vector<16xi32>
    %shift_right_arithmetic3A_351 = arith.constant 7 : i32
    %shift_right_arithmetic3A_352 = vector.broadcast %shift_right_arithmetic3A_351 : i32 to vector<16xi32>
    %shift_right_arithmetic3A_353 = arith.shrsi %add3A_344, %shift_right_arithmetic3A_352 : vector<16xi32>
    tpu.vector_store_idx %arg6[%shift_right_arithmetic3A_347, %and3A_350], %shift_right_arithmetic3A_353 : memref<5x128xi32, #tpu.memory_space<vmem>>[vector<16xi32>, vector<16xi32>], vector<16xi32>,
    %and3A_354 = arith.constant 127 : i32
    %and3A_355 = vector.broadcast %and3A_354 : i32 to vector<16xi32>
    %and3A_356 = arith.andi %add3A_344, %and3A_355 : vector<16xi32>
    tpu.vector_store_idx %arg7[%add3A_303], %and3A_356 : memref<640xi32, #tpu.memory_space<vmem>>[vector<16xi32>], vector<16xi32>,
    %mul3A_357 = arith.constant 20 : i32
    %mul3A_358 = vector.broadcast %mul3A_357 : i32 to vector<16xi32>
    %mul3A_359 = arith.muli %add3A_7, %mul3A_358 : vector<16xi32>
    %add3A_360 = arith.constant 6 : i32
    %add3A_361 = vector.broadcast %add3A_360 : i32 to vector<16xi32>
    %add3A_362 = arith.addi %mul3A_359, %add3A_361 : vector<16xi32>
    %mul3A_363 = arith.constant 2 : i32
    %mul3A_364 = vector.broadcast %mul3A_363 : i32 to vector<16xi32>
    %mul3A_365 = arith.muli %add3A_362, %mul3A_364 : vector<16xi32>
    %gather3A_366 = tpu.vector_load_idx %arg5[%mul3A_365] : memref<1280xf32, #tpu.memory_space<vmem>>[vector<16xi32>], vector<16xf32>,
    %mul3A_367 = arith.constant 2 : i32
    %mul3A_368 = vector.broadcast %mul3A_367 : i32 to vector<16xi32>
    %mul3A_369 = arith.muli %add3A_362, %mul3A_368 : vector<16xi32>
    %add3A_370 = arith.constant 1 : i32
    %add3A_371 = vector.broadcast %add3A_370 : i32 to vector<16xi32>
    %add3A_372 = arith.addi %mul3A_369, %add3A_371 : vector<16xi32>
    %gather3A_373 = tpu.vector_load_idx %arg5[%add3A_372] : memref<1280xf32, #tpu.memory_space<vmem>>[vector<16xi32>], vector<16xf32>,
    %mul3A_374 = arith.constant 6.400000e+01 : f32
    %mul3A_375 = vector.broadcast %mul3A_374 : f32 to vector<16xf32>
    %mul3A_376 = arith.mulf %gather3A_366, %mul3A_375 : vector<16xf32>
    %add3A_377 = arith.constant 0x4B400000 : f32
    %add3A_378 = vector.broadcast %add3A_377 : f32 to vector<16xf32>
    %add3A_379 = arith.addf %mul3A_376, %add3A_378 : vector<16xf32>
    %sub3A_380 = arith.constant 0x4B400000 : f32
    %sub3A_381 = vector.broadcast %sub3A_380 : f32 to vector<16xf32>
    %sub3A_382 = arith.subf %add3A_379, %sub3A_381 : vector<16xf32>
    %convert_element_type3A_383 = arith.fptosi %sub3A_382 : vector<16xf32> to vector<16xi32>
    %mul3A_384 = arith.constant 6.400000e+01 : f32
    %mul3A_385 = vector.broadcast %mul3A_384 : f32 to vector<16xf32>
    %mul3A_386 = arith.mulf %gather3A_373, %mul3A_385 : vector<16xf32>
    %add3A_387 = arith.constant 0x4B400000 : f32
    %add3A_388 = vector.broadcast %add3A_387 : f32 to vector<16xf32>
    %add3A_389 = arith.addf %mul3A_386, %add3A_388 : vector<16xf32>
    %sub3A_390 = arith.constant 0x4B400000 : f32
    %sub3A_391 = vector.broadcast %sub3A_390 : f32 to vector<16xf32>
    %sub3A_392 = arith.subf %add3A_389, %sub3A_391 : vector<16xf32>
    %convert_element_type3A_393 = arith.fptosi %sub3A_392 : vector<16xf32> to vector<16xi32>
    %add3A_394 = vector.broadcast %mul3A_2 : i32 to vector<16xi32>
    %add3A_395 = arith.addi %add3A_394, %add3A_362 : vector<16xi32>
    %mul3A_396 = arith.constant 4096 : i32
    %mul3A_397 = vector.broadcast %mul3A_396 : i32 to vector<16xi32>
    %mul3A_398 = arith.muli %add3A_395, %mul3A_397 : vector<16xi32>
    %mul3A_399 = arith.constant 64 : i32
    %mul3A_400 = vector.broadcast %mul3A_399 : i32 to vector<16xi32>
    %mul3A_401 = arith.muli %convert_element_type3A_383, %mul3A_400 : vector<16xi32>
    %add3A_402 = arith.addi %mul3A_398, %mul3A_401 : vector<16xi32>
    %add3A_403 = arith.addi %add3A_402, %convert_element_type3A_393 : vector<16xi32>
    %shift_right_arithmetic3A_404 = arith.constant 7 : i32
    %shift_right_arithmetic3A_405 = vector.broadcast %shift_right_arithmetic3A_404 : i32 to vector<16xi32>
    %shift_right_arithmetic3A_406 = arith.shrsi %add3A_362, %shift_right_arithmetic3A_405 : vector<16xi32>
    %and3A_407 = arith.constant 127 : i32
    %and3A_408 = vector.broadcast %and3A_407 : i32 to vector<16xi32>
    %and3A_409 = arith.andi %add3A_362, %and3A_408 : vector<16xi32>
    %shift_right_arithmetic3A_410 = arith.constant 7 : i32
    %shift_right_arithmetic3A_411 = vector.broadcast %shift_right_arithmetic3A_410 : i32 to vector<16xi32>
    %shift_right_arithmetic3A_412 = arith.shrsi %add3A_403, %shift_right_arithmetic3A_411 : vector<16xi32>
    tpu.vector_store_idx %arg6[%shift_right_arithmetic3A_406, %and3A_409], %shift_right_arithmetic3A_412 : memref<5x128xi32, #tpu.memory_space<vmem>>[vector<16xi32>, vector<16xi32>], vector<16xi32>,
    %and3A_413 = arith.constant 127 : i32
    %and3A_414 = vector.broadcast %and3A_413 : i32 to vector<16xi32>
    %and3A_415 = arith.andi %add3A_403, %and3A_414 : vector<16xi32>
    tpu.vector_store_idx %arg7[%add3A_362], %and3A_415 : memref<640xi32, #tpu.memory_space<vmem>>[vector<16xi32>], vector<16xi32>,
    %mul3A_416 = arith.constant 20 : i32
    %mul3A_417 = vector.broadcast %mul3A_416 : i32 to vector<16xi32>
    %mul3A_418 = arith.muli %add3A_7, %mul3A_417 : vector<16xi32>
    %add3A_419 = arith.constant 7 : i32
    %add3A_420 = vector.broadcast %add3A_419 : i32 to vector<16xi32>
    %add3A_421 = arith.addi %mul3A_418, %add3A_420 : vector<16xi32>
    %mul3A_422 = arith.constant 2 : i32
    %mul3A_423 = vector.broadcast %mul3A_422 : i32 to vector<16xi32>
    %mul3A_424 = arith.muli %add3A_421, %mul3A_423 : vector<16xi32>
    %gather3A_425 = tpu.vector_load_idx %arg5[%mul3A_424] : memref<1280xf32, #tpu.memory_space<vmem>>[vector<16xi32>], vector<16xf32>,
    %mul3A_426 = arith.constant 2 : i32
    %mul3A_427 = vector.broadcast %mul3A_426 : i32 to vector<16xi32>
    %mul3A_428 = arith.muli %add3A_421, %mul3A_427 : vector<16xi32>
    %add3A_429 = arith.constant 1 : i32
    %add3A_430 = vector.broadcast %add3A_429 : i32 to vector<16xi32>
    %add3A_431 = arith.addi %mul3A_428, %add3A_430 : vector<16xi32>
    %gather3A_432 = tpu.vector_load_idx %arg5[%add3A_431] : memref<1280xf32, #tpu.memory_space<vmem>>[vector<16xi32>], vector<16xf32>,
    %mul3A_433 = arith.constant 6.400000e+01 : f32
    %mul3A_434 = vector.broadcast %mul3A_433 : f32 to vector<16xf32>
    %mul3A_435 = arith.mulf %gather3A_425, %mul3A_434 : vector<16xf32>
    %add3A_436 = arith.constant 0x4B400000 : f32
    %add3A_437 = vector.broadcast %add3A_436 : f32 to vector<16xf32>
    %add3A_438 = arith.addf %mul3A_435, %add3A_437 : vector<16xf32>
    %sub3A_439 = arith.constant 0x4B400000 : f32
    %sub3A_440 = vector.broadcast %sub3A_439 : f32 to vector<16xf32>
    %sub3A_441 = arith.subf %add3A_438, %sub3A_440 : vector<16xf32>
    %convert_element_type3A_442 = arith.fptosi %sub3A_441 : vector<16xf32> to vector<16xi32>
    %mul3A_443 = arith.constant 6.400000e+01 : f32
    %mul3A_444 = vector.broadcast %mul3A_443 : f32 to vector<16xf32>
    %mul3A_445 = arith.mulf %gather3A_432, %mul3A_444 : vector<16xf32>
    %add3A_446 = arith.constant 0x4B400000 : f32
    %add3A_447 = vector.broadcast %add3A_446 : f32 to vector<16xf32>
    %add3A_448 = arith.addf %mul3A_445, %add3A_447 : vector<16xf32>
    %sub3A_449 = arith.constant 0x4B400000 : f32
    %sub3A_450 = vector.broadcast %sub3A_449 : f32 to vector<16xf32>
    %sub3A_451 = arith.subf %add3A_448, %sub3A_450 : vector<16xf32>
    %convert_element_type3A_452 = arith.fptosi %sub3A_451 : vector<16xf32> to vector<16xi32>
    %add3A_453 = vector.broadcast %mul3A_2 : i32 to vector<16xi32>
    %add3A_454 = arith.addi %add3A_453, %add3A_421 : vector<16xi32>
    %mul3A_455 = arith.constant 4096 : i32
    %mul3A_456 = vector.broadcast %mul3A_455 : i32 to vector<16xi32>
    %mul3A_457 = arith.muli %add3A_454, %mul3A_456 : vector<16xi32>
    %mul3A_458 = arith.constant 64 : i32
    %mul3A_459 = vector.broadcast %mul3A_458 : i32 to vector<16xi32>
    %mul3A_460 = arith.muli %convert_element_type3A_442, %mul3A_459 : vector<16xi32>
    %add3A_461 = arith.addi %mul3A_457, %mul3A_460 : vector<16xi32>
    %add3A_462 = arith.addi %add3A_461, %convert_element_type3A_452 : vector<16xi32>
    %shift_right_arithmetic3A_463 = arith.constant 7 : i32
    %shift_right_arithmetic3A_464 = vector.broadcast %shift_right_arithmetic3A_463 : i32 to vector<16xi32>
    %shift_right_arithmetic3A_465 = arith.shrsi %add3A_421, %shift_right_arithmetic3A_464 : vector<16xi32>
    %and3A_466 = arith.constant 127 : i32
    %and3A_467 = vector.broadcast %and3A_466 : i32 to vector<16xi32>
    %and3A_468 = arith.andi %add3A_421, %and3A_467 : vector<16xi32>
    %shift_right_arithmetic3A_469 = arith.constant 7 : i32
    %shift_right_arithmetic3A_470 = vector.broadcast %shift_right_arithmetic3A_469 : i32 to vector<16xi32>
    %shift_right_arithmetic3A_471 = arith.shrsi %add3A_462, %shift_right_arithmetic3A_470 : vector<16xi32>
    tpu.vector_store_idx %arg6[%shift_right_arithmetic3A_465, %and3A_468], %shift_right_arithmetic3A_471 : memref<5x128xi32, #tpu.memory_space<vmem>>[vector<16xi32>, vector<16xi32>], vector<16xi32>,
    %and3A_472 = arith.constant 127 : i32
    %and3A_473 = vector.broadcast %and3A_472 : i32 to vector<16xi32>
    %and3A_474 = arith.andi %add3A_462, %and3A_473 : vector<16xi32>
    tpu.vector_store_idx %arg7[%add3A_421], %and3A_474 : memref<640xi32, #tpu.memory_space<vmem>>[vector<16xi32>], vector<16xi32>,
    %mul3A_475 = arith.constant 20 : i32
    %mul3A_476 = vector.broadcast %mul3A_475 : i32 to vector<16xi32>
    %mul3A_477 = arith.muli %add3A_7, %mul3A_476 : vector<16xi32>
    %add3A_478 = arith.constant 8 : i32
    %add3A_479 = vector.broadcast %add3A_478 : i32 to vector<16xi32>
    %add3A_480 = arith.addi %mul3A_477, %add3A_479 : vector<16xi32>
    %mul3A_481 = arith.constant 2 : i32
    %mul3A_482 = vector.broadcast %mul3A_481 : i32 to vector<16xi32>
    %mul3A_483 = arith.muli %add3A_480, %mul3A_482 : vector<16xi32>
    %gather3A_484 = tpu.vector_load_idx %arg5[%mul3A_483] : memref<1280xf32, #tpu.memory_space<vmem>>[vector<16xi32>], vector<16xf32>,
    %mul3A_485 = arith.constant 2 : i32
    %mul3A_486 = vector.broadcast %mul3A_485 : i32 to vector<16xi32>
    %mul3A_487 = arith.muli %add3A_480, %mul3A_486 : vector<16xi32>
    %add3A_488 = arith.constant 1 : i32
    %add3A_489 = vector.broadcast %add3A_488 : i32 to vector<16xi32>
    %add3A_490 = arith.addi %mul3A_487, %add3A_489 : vector<16xi32>
    %gather3A_491 = tpu.vector_load_idx %arg5[%add3A_490] : memref<1280xf32, #tpu.memory_space<vmem>>[vector<16xi32>], vector<16xf32>,
    %mul3A_492 = arith.constant 6.400000e+01 : f32
    %mul3A_493 = vector.broadcast %mul3A_492 : f32 to vector<16xf32>
    %mul3A_494 = arith.mulf %gather3A_484, %mul3A_493 : vector<16xf32>
    %add3A_495 = arith.constant 0x4B400000 : f32
    %add3A_496 = vector.broadcast %add3A_495 : f32 to vector<16xf32>
    %add3A_497 = arith.addf %mul3A_494, %add3A_496 : vector<16xf32>
    %sub3A_498 = arith.constant 0x4B400000 : f32
    %sub3A_499 = vector.broadcast %sub3A_498 : f32 to vector<16xf32>
    %sub3A_500 = arith.subf %add3A_497, %sub3A_499 : vector<16xf32>
    %convert_element_type3A_501 = arith.fptosi %sub3A_500 : vector<16xf32> to vector<16xi32>
    %mul3A_502 = arith.constant 6.400000e+01 : f32
    %mul3A_503 = vector.broadcast %mul3A_502 : f32 to vector<16xf32>
    %mul3A_504 = arith.mulf %gather3A_491, %mul3A_503 : vector<16xf32>
    %add3A_505 = arith.constant 0x4B400000 : f32
    %add3A_506 = vector.broadcast %add3A_505 : f32 to vector<16xf32>
    %add3A_507 = arith.addf %mul3A_504, %add3A_506 : vector<16xf32>
    %sub3A_508 = arith.constant 0x4B400000 : f32
    %sub3A_509 = vector.broadcast %sub3A_508 : f32 to vector<16xf32>
    %sub3A_510 = arith.subf %add3A_507, %sub3A_509 : vector<16xf32>
    %convert_element_type3A_511 = arith.fptosi %sub3A_510 : vector<16xf32> to vector<16xi32>
    %add3A_512 = vector.broadcast %mul3A_2 : i32 to vector<16xi32>
    %add3A_513 = arith.addi %add3A_512, %add3A_480 : vector<16xi32>
    %mul3A_514 = arith.constant 4096 : i32
    %mul3A_515 = vector.broadcast %mul3A_514 : i32 to vector<16xi32>
    %mul3A_516 = arith.muli %add3A_513, %mul3A_515 : vector<16xi32>
    %mul3A_517 = arith.constant 64 : i32
    %mul3A_518 = vector.broadcast %mul3A_517 : i32 to vector<16xi32>
    %mul3A_519 = arith.muli %convert_element_type3A_501, %mul3A_518 : vector<16xi32>
    %add3A_520 = arith.addi %mul3A_516, %mul3A_519 : vector<16xi32>
    %add3A_521 = arith.addi %add3A_520, %convert_element_type3A_511 : vector<16xi32>
    %shift_right_arithmetic3A_522 = arith.constant 7 : i32
    %shift_right_arithmetic3A_523 = vector.broadcast %shift_right_arithmetic3A_522 : i32 to vector<16xi32>
    %shift_right_arithmetic3A_524 = arith.shrsi %add3A_480, %shift_right_arithmetic3A_523 : vector<16xi32>
    %and3A_525 = arith.constant 127 : i32
    %and3A_526 = vector.broadcast %and3A_525 : i32 to vector<16xi32>
    %and3A_527 = arith.andi %add3A_480, %and3A_526 : vector<16xi32>
    %shift_right_arithmetic3A_528 = arith.constant 7 : i32
    %shift_right_arithmetic3A_529 = vector.broadcast %shift_right_arithmetic3A_528 : i32 to vector<16xi32>
    %shift_right_arithmetic3A_530 = arith.shrsi %add3A_521, %shift_right_arithmetic3A_529 : vector<16xi32>
    tpu.vector_store_idx %arg6[%shift_right_arithmetic3A_524, %and3A_527], %shift_right_arithmetic3A_530 : memref<5x128xi32, #tpu.memory_space<vmem>>[vector<16xi32>, vector<16xi32>], vector<16xi32>,
    %and3A_531 = arith.constant 127 : i32
    %and3A_532 = vector.broadcast %and3A_531 : i32 to vector<16xi32>
    %and3A_533 = arith.andi %add3A_521, %and3A_532 : vector<16xi32>
    tpu.vector_store_idx %arg7[%add3A_480], %and3A_533 : memref<640xi32, #tpu.memory_space<vmem>>[vector<16xi32>], vector<16xi32>,
    %mul3A_534 = arith.constant 20 : i32
    %mul3A_535 = vector.broadcast %mul3A_534 : i32 to vector<16xi32>
    %mul3A_536 = arith.muli %add3A_7, %mul3A_535 : vector<16xi32>
    %add3A_537 = arith.constant 9 : i32
    %add3A_538 = vector.broadcast %add3A_537 : i32 to vector<16xi32>
    %add3A_539 = arith.addi %mul3A_536, %add3A_538 : vector<16xi32>
    %mul3A_540 = arith.constant 2 : i32
    %mul3A_541 = vector.broadcast %mul3A_540 : i32 to vector<16xi32>
    %mul3A_542 = arith.muli %add3A_539, %mul3A_541 : vector<16xi32>
    %gather3A_543 = tpu.vector_load_idx %arg5[%mul3A_542] : memref<1280xf32, #tpu.memory_space<vmem>>[vector<16xi32>], vector<16xf32>,
    %mul3A_544 = arith.constant 2 : i32
    %mul3A_545 = vector.broadcast %mul3A_544 : i32 to vector<16xi32>
    %mul3A_546 = arith.muli %add3A_539, %mul3A_545 : vector<16xi32>
    %add3A_547 = arith.constant 1 : i32
    %add3A_548 = vector.broadcast %add3A_547 : i32 to vector<16xi32>
    %add3A_549 = arith.addi %mul3A_546, %add3A_548 : vector<16xi32>
    %gather3A_550 = tpu.vector_load_idx %arg5[%add3A_549] : memref<1280xf32, #tpu.memory_space<vmem>>[vector<16xi32>], vector<16xf32>,
    %mul3A_551 = arith.constant 6.400000e+01 : f32
    %mul3A_552 = vector.broadcast %mul3A_551 : f32 to vector<16xf32>
    %mul3A_553 = arith.mulf %gather3A_543, %mul3A_552 : vector<16xf32>
    %add3A_554 = arith.constant 0x4B400000 : f32
    %add3A_555 = vector.broadcast %add3A_554 : f32 to vector<16xf32>
    %add3A_556 = arith.addf %mul3A_553, %add3A_555 : vector<16xf32>
    %sub3A_557 = arith.constant 0x4B400000 : f32
    %sub3A_558 = vector.broadcast %sub3A_557 : f32 to vector<16xf32>
    %sub3A_559 = arith.subf %add3A_556, %sub3A_558 : vector<16xf32>
    %convert_element_type3A_560 = arith.fptosi %sub3A_559 : vector<16xf32> to vector<16xi32>
    %mul3A_561 = arith.constant 6.400000e+01 : f32
    %mul3A_562 = vector.broadcast %mul3A_561 : f32 to vector<16xf32>
    %mul3A_563 = arith.mulf %gather3A_550, %mul3A_562 : vector<16xf32>
    %add3A_564 = arith.constant 0x4B400000 : f32
    %add3A_565 = vector.broadcast %add3A_564 : f32 to vector<16xf32>
    %add3A_566 = arith.addf %mul3A_563, %add3A_565 : vector<16xf32>
    %sub3A_567 = arith.constant 0x4B400000 : f32
    %sub3A_568 = vector.broadcast %sub3A_567 : f32 to vector<16xf32>
    %sub3A_569 = arith.subf %add3A_566, %sub3A_568 : vector<16xf32>
    %convert_element_type3A_570 = arith.fptosi %sub3A_569 : vector<16xf32> to vector<16xi32>
    %add3A_571 = vector.broadcast %mul3A_2 : i32 to vector<16xi32>
    %add3A_572 = arith.addi %add3A_571, %add3A_539 : vector<16xi32>
    %mul3A_573 = arith.constant 4096 : i32
    %mul3A_574 = vector.broadcast %mul3A_573 : i32 to vector<16xi32>
    %mul3A_575 = arith.muli %add3A_572, %mul3A_574 : vector<16xi32>
    %mul3A_576 = arith.constant 64 : i32
    %mul3A_577 = vector.broadcast %mul3A_576 : i32 to vector<16xi32>
    %mul3A_578 = arith.muli %convert_element_type3A_560, %mul3A_577 : vector<16xi32>
    %add3A_579 = arith.addi %mul3A_575, %mul3A_578 : vector<16xi32>
    %add3A_580 = arith.addi %add3A_579, %convert_element_type3A_570 : vector<16xi32>
    %shift_right_arithmetic3A_581 = arith.constant 7 : i32
    %shift_right_arithmetic3A_582 = vector.broadcast %shift_right_arithmetic3A_581 : i32 to vector<16xi32>
    %shift_right_arithmetic3A_583 = arith.shrsi %add3A_539, %shift_right_arithmetic3A_582 : vector<16xi32>
    %and3A_584 = arith.constant 127 : i32
    %and3A_585 = vector.broadcast %and3A_584 : i32 to vector<16xi32>
    %and3A_586 = arith.andi %add3A_539, %and3A_585 : vector<16xi32>
    %shift_right_arithmetic3A_587 = arith.constant 7 : i32
    %shift_right_arithmetic3A_588 = vector.broadcast %shift_right_arithmetic3A_587 : i32 to vector<16xi32>
    %shift_right_arithmetic3A_589 = arith.shrsi %add3A_580, %shift_right_arithmetic3A_588 : vector<16xi32>
    tpu.vector_store_idx %arg6[%shift_right_arithmetic3A_583, %and3A_586], %shift_right_arithmetic3A_589 : memref<5x128xi32, #tpu.memory_space<vmem>>[vector<16xi32>, vector<16xi32>], vector<16xi32>,
    %and3A_590 = arith.constant 127 : i32
    %and3A_591 = vector.broadcast %and3A_590 : i32 to vector<16xi32>
    %and3A_592 = arith.andi %add3A_580, %and3A_591 : vector<16xi32>
    tpu.vector_store_idx %arg7[%add3A_539], %and3A_592 : memref<640xi32, #tpu.memory_space<vmem>>[vector<16xi32>], vector<16xi32>,
    %mul3A_593 = arith.constant 20 : i32
    %mul3A_594 = vector.broadcast %mul3A_593 : i32 to vector<16xi32>
    %mul3A_595 = arith.muli %add3A_7, %mul3A_594 : vector<16xi32>
    %add3A_596 = arith.constant 10 : i32
    %add3A_597 = vector.broadcast %add3A_596 : i32 to vector<16xi32>
    %add3A_598 = arith.addi %mul3A_595, %add3A_597 : vector<16xi32>
    %mul3A_599 = arith.constant 2 : i32
    %mul3A_600 = vector.broadcast %mul3A_599 : i32 to vector<16xi32>
    %mul3A_601 = arith.muli %add3A_598, %mul3A_600 : vector<16xi32>
    %gather3A_602 = tpu.vector_load_idx %arg5[%mul3A_601] : memref<1280xf32, #tpu.memory_space<vmem>>[vector<16xi32>], vector<16xf32>,
    %mul3A_603 = arith.constant 2 : i32
    %mul3A_604 = vector.broadcast %mul3A_603 : i32 to vector<16xi32>
    %mul3A_605 = arith.muli %add3A_598, %mul3A_604 : vector<16xi32>
    %add3A_606 = arith.constant 1 : i32
    %add3A_607 = vector.broadcast %add3A_606 : i32 to vector<16xi32>
    %add3A_608 = arith.addi %mul3A_605, %add3A_607 : vector<16xi32>
    %gather3A_609 = tpu.vector_load_idx %arg5[%add3A_608] : memref<1280xf32, #tpu.memory_space<vmem>>[vector<16xi32>], vector<16xf32>,
    %mul3A_610 = arith.constant 6.400000e+01 : f32
    %mul3A_611 = vector.broadcast %mul3A_610 : f32 to vector<16xf32>
    %mul3A_612 = arith.mulf %gather3A_602, %mul3A_611 : vector<16xf32>
    %add3A_613 = arith.constant 0x4B400000 : f32
    %add3A_614 = vector.broadcast %add3A_613 : f32 to vector<16xf32>
    %add3A_615 = arith.addf %mul3A_612, %add3A_614 : vector<16xf32>
    %sub3A_616 = arith.constant 0x4B400000 : f32
    %sub3A_617 = vector.broadcast %sub3A_616 : f32 to vector<16xf32>
    %sub3A_618 = arith.subf %add3A_615, %sub3A_617 : vector<16xf32>
    %convert_element_type3A_619 = arith.fptosi %sub3A_618 : vector<16xf32> to vector<16xi32>
    %mul3A_620 = arith.constant 6.400000e+01 : f32
    %mul3A_621 = vector.broadcast %mul3A_620 : f32 to vector<16xf32>
    %mul3A_622 = arith.mulf %gather3A_609, %mul3A_621 : vector<16xf32>
    %add3A_623 = arith.constant 0x4B400000 : f32
    %add3A_624 = vector.broadcast %add3A_623 : f32 to vector<16xf32>
    %add3A_625 = arith.addf %mul3A_622, %add3A_624 : vector<16xf32>
    %sub3A_626 = arith.constant 0x4B400000 : f32
    %sub3A_627 = vector.broadcast %sub3A_626 : f32 to vector<16xf32>
    %sub3A_628 = arith.subf %add3A_625, %sub3A_627 : vector<16xf32>
    %convert_element_type3A_629 = arith.fptosi %sub3A_628 : vector<16xf32> to vector<16xi32>
    %add3A_630 = vector.broadcast %mul3A_2 : i32 to vector<16xi32>
    %add3A_631 = arith.addi %add3A_630, %add3A_598 : vector<16xi32>
    %mul3A_632 = arith.constant 4096 : i32
    %mul3A_633 = vector.broadcast %mul3A_632 : i32 to vector<16xi32>
    %mul3A_634 = arith.muli %add3A_631, %mul3A_633 : vector<16xi32>
    %mul3A_635 = arith.constant 64 : i32
    %mul3A_636 = vector.broadcast %mul3A_635 : i32 to vector<16xi32>
    %mul3A_637 = arith.muli %convert_element_type3A_619, %mul3A_636 : vector<16xi32>
    %add3A_638 = arith.addi %mul3A_634, %mul3A_637 : vector<16xi32>
    %add3A_639 = arith.addi %add3A_638, %convert_element_type3A_629 : vector<16xi32>
    %shift_right_arithmetic3A_640 = arith.constant 7 : i32
    %shift_right_arithmetic3A_641 = vector.broadcast %shift_right_arithmetic3A_640 : i32 to vector<16xi32>
    %shift_right_arithmetic3A_642 = arith.shrsi %add3A_598, %shift_right_arithmetic3A_641 : vector<16xi32>
    %and3A_643 = arith.constant 127 : i32
    %and3A_644 = vector.broadcast %and3A_643 : i32 to vector<16xi32>
    %and3A_645 = arith.andi %add3A_598, %and3A_644 : vector<16xi32>
    %shift_right_arithmetic3A_646 = arith.constant 7 : i32
    %shift_right_arithmetic3A_647 = vector.broadcast %shift_right_arithmetic3A_646 : i32 to vector<16xi32>
    %shift_right_arithmetic3A_648 = arith.shrsi %add3A_639, %shift_right_arithmetic3A_647 : vector<16xi32>
    tpu.vector_store_idx %arg6[%shift_right_arithmetic3A_642, %and3A_645], %shift_right_arithmetic3A_648 : memref<5x128xi32, #tpu.memory_space<vmem>>[vector<16xi32>, vector<16xi32>], vector<16xi32>,
    %and3A_649 = arith.constant 127 : i32
    %and3A_650 = vector.broadcast %and3A_649 : i32 to vector<16xi32>
    %and3A_651 = arith.andi %add3A_639, %and3A_650 : vector<16xi32>
    tpu.vector_store_idx %arg7[%add3A_598], %and3A_651 : memref<640xi32, #tpu.memory_space<vmem>>[vector<16xi32>], vector<16xi32>,
    %mul3A_652 = arith.constant 20 : i32
    %mul3A_653 = vector.broadcast %mul3A_652 : i32 to vector<16xi32>
    %mul3A_654 = arith.muli %add3A_7, %mul3A_653 : vector<16xi32>
    %add3A_655 = arith.constant 11 : i32
    %add3A_656 = vector.broadcast %add3A_655 : i32 to vector<16xi32>
    %add3A_657 = arith.addi %mul3A_654, %add3A_656 : vector<16xi32>
    %mul3A_658 = arith.constant 2 : i32
    %mul3A_659 = vector.broadcast %mul3A_658 : i32 to vector<16xi32>
    %mul3A_660 = arith.muli %add3A_657, %mul3A_659 : vector<16xi32>
    %gather3A_661 = tpu.vector_load_idx %arg5[%mul3A_660] : memref<1280xf32, #tpu.memory_space<vmem>>[vector<16xi32>], vector<16xf32>,
    %mul3A_662 = arith.constant 2 : i32
    %mul3A_663 = vector.broadcast %mul3A_662 : i32 to vector<16xi32>
    %mul3A_664 = arith.muli %add3A_657, %mul3A_663 : vector<16xi32>
    %add3A_665 = arith.constant 1 : i32
    %add3A_666 = vector.broadcast %add3A_665 : i32 to vector<16xi32>
    %add3A_667 = arith.addi %mul3A_664, %add3A_666 : vector<16xi32>
    %gather3A_668 = tpu.vector_load_idx %arg5[%add3A_667] : memref<1280xf32, #tpu.memory_space<vmem>>[vector<16xi32>], vector<16xf32>,
    %mul3A_669 = arith.constant 6.400000e+01 : f32
    %mul3A_670 = vector.broadcast %mul3A_669 : f32 to vector<16xf32>
    %mul3A_671 = arith.mulf %gather3A_661, %mul3A_670 : vector<16xf32>
    %add3A_672 = arith.constant 0x4B400000 : f32
    %add3A_673 = vector.broadcast %add3A_672 : f32 to vector<16xf32>
    %add3A_674 = arith.addf %mul3A_671, %add3A_673 : vector<16xf32>
    %sub3A_675 = arith.constant 0x4B400000 : f32
    %sub3A_676 = vector.broadcast %sub3A_675 : f32 to vector<16xf32>
    %sub3A_677 = arith.subf %add3A_674, %sub3A_676 : vector<16xf32>
    %convert_element_type3A_678 = arith.fptosi %sub3A_677 : vector<16xf32> to vector<16xi32>
    %mul3A_679 = arith.constant 6.400000e+01 : f32
    %mul3A_680 = vector.broadcast %mul3A_679 : f32 to vector<16xf32>
    %mul3A_681 = arith.mulf %gather3A_668, %mul3A_680 : vector<16xf32>
    %add3A_682 = arith.constant 0x4B400000 : f32
    %add3A_683 = vector.broadcast %add3A_682 : f32 to vector<16xf32>
    %add3A_684 = arith.addf %mul3A_681, %add3A_683 : vector<16xf32>
    %sub3A_685 = arith.constant 0x4B400000 : f32
    %sub3A_686 = vector.broadcast %sub3A_685 : f32 to vector<16xf32>
    %sub3A_687 = arith.subf %add3A_684, %sub3A_686 : vector<16xf32>
    %convert_element_type3A_688 = arith.fptosi %sub3A_687 : vector<16xf32> to vector<16xi32>
    %add3A_689 = vector.broadcast %mul3A_2 : i32 to vector<16xi32>
    %add3A_690 = arith.addi %add3A_689, %add3A_657 : vector<16xi32>
    %mul3A_691 = arith.constant 4096 : i32
    %mul3A_692 = vector.broadcast %mul3A_691 : i32 to vector<16xi32>
    %mul3A_693 = arith.muli %add3A_690, %mul3A_692 : vector<16xi32>
    %mul3A_694 = arith.constant 64 : i32
    %mul3A_695 = vector.broadcast %mul3A_694 : i32 to vector<16xi32>
    %mul3A_696 = arith.muli %convert_element_type3A_678, %mul3A_695 : vector<16xi32>
    %add3A_697 = arith.addi %mul3A_693, %mul3A_696 : vector<16xi32>
    %add3A_698 = arith.addi %add3A_697, %convert_element_type3A_688 : vector<16xi32>
    %shift_right_arithmetic3A_699 = arith.constant 7 : i32
    %shift_right_arithmetic3A_700 = vector.broadcast %shift_right_arithmetic3A_699 : i32 to vector<16xi32>
    %shift_right_arithmetic3A_701 = arith.shrsi %add3A_657, %shift_right_arithmetic3A_700 : vector<16xi32>
    %and3A_702 = arith.constant 127 : i32
    %and3A_703 = vector.broadcast %and3A_702 : i32 to vector<16xi32>
    %and3A_704 = arith.andi %add3A_657, %and3A_703 : vector<16xi32>
    %shift_right_arithmetic3A_705 = arith.constant 7 : i32
    %shift_right_arithmetic3A_706 = vector.broadcast %shift_right_arithmetic3A_705 : i32 to vector<16xi32>
    %shift_right_arithmetic3A_707 = arith.shrsi %add3A_698, %shift_right_arithmetic3A_706 : vector<16xi32>
    tpu.vector_store_idx %arg6[%shift_right_arithmetic3A_701, %and3A_704], %shift_right_arithmetic3A_707 : memref<5x128xi32, #tpu.memory_space<vmem>>[vector<16xi32>, vector<16xi32>], vector<16xi32>,
    %and3A_708 = arith.constant 127 : i32
    %and3A_709 = vector.broadcast %and3A_708 : i32 to vector<16xi32>
    %and3A_710 = arith.andi %add3A_698, %and3A_709 : vector<16xi32>
    tpu.vector_store_idx %arg7[%add3A_657], %and3A_710 : memref<640xi32, #tpu.memory_space<vmem>>[vector<16xi32>], vector<16xi32>,
    %mul3A_711 = arith.constant 20 : i32
    %mul3A_712 = vector.broadcast %mul3A_711 : i32 to vector<16xi32>
    %mul3A_713 = arith.muli %add3A_7, %mul3A_712 : vector<16xi32>
    %add3A_714 = arith.constant 12 : i32
    %add3A_715 = vector.broadcast %add3A_714 : i32 to vector<16xi32>
    %add3A_716 = arith.addi %mul3A_713, %add3A_715 : vector<16xi32>
    %mul3A_717 = arith.constant 2 : i32
    %mul3A_718 = vector.broadcast %mul3A_717 : i32 to vector<16xi32>
    %mul3A_719 = arith.muli %add3A_716, %mul3A_718 : vector<16xi32>
    %gather3A_720 = tpu.vector_load_idx %arg5[%mul3A_719] : memref<1280xf32, #tpu.memory_space<vmem>>[vector<16xi32>], vector<16xf32>,
    %mul3A_721 = arith.constant 2 : i32
    %mul3A_722 = vector.broadcast %mul3A_721 : i32 to vector<16xi32>
    %mul3A_723 = arith.muli %add3A_716, %mul3A_722 : vector<16xi32>
    %add3A_724 = arith.constant 1 : i32
    %add3A_725 = vector.broadcast %add3A_724 : i32 to vector<16xi32>
    %add3A_726 = arith.addi %mul3A_723, %add3A_725 : vector<16xi32>
    %gather3A_727 = tpu.vector_load_idx %arg5[%add3A_726] : memref<1280xf32, #tpu.memory_space<vmem>>[vector<16xi32>], vector<16xf32>,
    %mul3A_728 = arith.constant 6.400000e+01 : f32
    %mul3A_729 = vector.broadcast %mul3A_728 : f32 to vector<16xf32>
    %mul3A_730 = arith.mulf %gather3A_720, %mul3A_729 : vector<16xf32>
    %add3A_731 = arith.constant 0x4B400000 : f32
    %add3A_732 = vector.broadcast %add3A_731 : f32 to vector<16xf32>
    %add3A_733 = arith.addf %mul3A_730, %add3A_732 : vector<16xf32>
    %sub3A_734 = arith.constant 0x4B400000 : f32
    %sub3A_735 = vector.broadcast %sub3A_734 : f32 to vector<16xf32>
    %sub3A_736 = arith.subf %add3A_733, %sub3A_735 : vector<16xf32>
    %convert_element_type3A_737 = arith.fptosi %sub3A_736 : vector<16xf32> to vector<16xi32>
    %mul3A_738 = arith.constant 6.400000e+01 : f32
    %mul3A_739 = vector.broadcast %mul3A_738 : f32 to vector<16xf32>
    %mul3A_740 = arith.mulf %gather3A_727, %mul3A_739 : vector<16xf32>
    %add3A_741 = arith.constant 0x4B400000 : f32
    %add3A_742 = vector.broadcast %add3A_741 : f32 to vector<16xf32>
    %add3A_743 = arith.addf %mul3A_740, %add3A_742 : vector<16xf32>
    %sub3A_744 = arith.constant 0x4B400000 : f32
    %sub3A_745 = vector.broadcast %sub3A_744 : f32 to vector<16xf32>
    %sub3A_746 = arith.subf %add3A_743, %sub3A_745 : vector<16xf32>
    %convert_element_type3A_747 = arith.fptosi %sub3A_746 : vector<16xf32> to vector<16xi32>
    %add3A_748 = vector.broadcast %mul3A_2 : i32 to vector<16xi32>
    %add3A_749 = arith.addi %add3A_748, %add3A_716 : vector<16xi32>
    %mul3A_750 = arith.constant 4096 : i32
    %mul3A_751 = vector.broadcast %mul3A_750 : i32 to vector<16xi32>
    %mul3A_752 = arith.muli %add3A_749, %mul3A_751 : vector<16xi32>
    %mul3A_753 = arith.constant 64 : i32
    %mul3A_754 = vector.broadcast %mul3A_753 : i32 to vector<16xi32>
    %mul3A_755 = arith.muli %convert_element_type3A_737, %mul3A_754 : vector<16xi32>
    %add3A_756 = arith.addi %mul3A_752, %mul3A_755 : vector<16xi32>
    %add3A_757 = arith.addi %add3A_756, %convert_element_type3A_747 : vector<16xi32>
    %shift_right_arithmetic3A_758 = arith.constant 7 : i32
    %shift_right_arithmetic3A_759 = vector.broadcast %shift_right_arithmetic3A_758 : i32 to vector<16xi32>
    %shift_right_arithmetic3A_760 = arith.shrsi %add3A_716, %shift_right_arithmetic3A_759 : vector<16xi32>
    %and3A_761 = arith.constant 127 : i32
    %and3A_762 = vector.broadcast %and3A_761 : i32 to vector<16xi32>
    %and3A_763 = arith.andi %add3A_716, %and3A_762 : vector<16xi32>
    %shift_right_arithmetic3A_764 = arith.constant 7 : i32
    %shift_right_arithmetic3A_765 = vector.broadcast %shift_right_arithmetic3A_764 : i32 to vector<16xi32>
    %shift_right_arithmetic3A_766 = arith.shrsi %add3A_757, %shift_right_arithmetic3A_765 : vector<16xi32>
    tpu.vector_store_idx %arg6[%shift_right_arithmetic3A_760, %and3A_763], %shift_right_arithmetic3A_766 : memref<5x128xi32, #tpu.memory_space<vmem>>[vector<16xi32>, vector<16xi32>], vector<16xi32>,
    %and3A_767 = arith.constant 127 : i32
    %and3A_768 = vector.broadcast %and3A_767 : i32 to vector<16xi32>
    %and3A_769 = arith.andi %add3A_757, %and3A_768 : vector<16xi32>
    tpu.vector_store_idx %arg7[%add3A_716], %and3A_769 : memref<640xi32, #tpu.memory_space<vmem>>[vector<16xi32>], vector<16xi32>,
    %mul3A_770 = arith.constant 20 : i32
    %mul3A_771 = vector.broadcast %mul3A_770 : i32 to vector<16xi32>
    %mul3A_772 = arith.muli %add3A_7, %mul3A_771 : vector<16xi32>
    %add3A_773 = arith.constant 13 : i32
    %add3A_774 = vector.broadcast %add3A_773 : i32 to vector<16xi32>
    %add3A_775 = arith.addi %mul3A_772, %add3A_774 : vector<16xi32>
    %mul3A_776 = arith.constant 2 : i32
    %mul3A_777 = vector.broadcast %mul3A_776 : i32 to vector<16xi32>
    %mul3A_778 = arith.muli %add3A_775, %mul3A_777 : vector<16xi32>
    %gather3A_779 = tpu.vector_load_idx %arg5[%mul3A_778] : memref<1280xf32, #tpu.memory_space<vmem>>[vector<16xi32>], vector<16xf32>,
    %mul3A_780 = arith.constant 2 : i32
    %mul3A_781 = vector.broadcast %mul3A_780 : i32 to vector<16xi32>
    %mul3A_782 = arith.muli %add3A_775, %mul3A_781 : vector<16xi32>
    %add3A_783 = arith.constant 1 : i32
    %add3A_784 = vector.broadcast %add3A_783 : i32 to vector<16xi32>
    %add3A_785 = arith.addi %mul3A_782, %add3A_784 : vector<16xi32>
    %gather3A_786 = tpu.vector_load_idx %arg5[%add3A_785] : memref<1280xf32, #tpu.memory_space<vmem>>[vector<16xi32>], vector<16xf32>,
    %mul3A_787 = arith.constant 6.400000e+01 : f32
    %mul3A_788 = vector.broadcast %mul3A_787 : f32 to vector<16xf32>
    %mul3A_789 = arith.mulf %gather3A_779, %mul3A_788 : vector<16xf32>
    %add3A_790 = arith.constant 0x4B400000 : f32
    %add3A_791 = vector.broadcast %add3A_790 : f32 to vector<16xf32>
    %add3A_792 = arith.addf %mul3A_789, %add3A_791 : vector<16xf32>
    %sub3A_793 = arith.constant 0x4B400000 : f32
    %sub3A_794 = vector.broadcast %sub3A_793 : f32 to vector<16xf32>
    %sub3A_795 = arith.subf %add3A_792, %sub3A_794 : vector<16xf32>
    %convert_element_type3A_796 = arith.fptosi %sub3A_795 : vector<16xf32> to vector<16xi32>
    %mul3A_797 = arith.constant 6.400000e+01 : f32
    %mul3A_798 = vector.broadcast %mul3A_797 : f32 to vector<16xf32>
    %mul3A_799 = arith.mulf %gather3A_786, %mul3A_798 : vector<16xf32>
    %add3A_800 = arith.constant 0x4B400000 : f32
    %add3A_801 = vector.broadcast %add3A_800 : f32 to vector<16xf32>
    %add3A_802 = arith.addf %mul3A_799, %add3A_801 : vector<16xf32>
    %sub3A_803 = arith.constant 0x4B400000 : f32
    %sub3A_804 = vector.broadcast %sub3A_803 : f32 to vector<16xf32>
    %sub3A_805 = arith.subf %add3A_802, %sub3A_804 : vector<16xf32>
    %convert_element_type3A_806 = arith.fptosi %sub3A_805 : vector<16xf32> to vector<16xi32>
    %add3A_807 = vector.broadcast %mul3A_2 : i32 to vector<16xi32>
    %add3A_808 = arith.addi %add3A_807, %add3A_775 : vector<16xi32>
    %mul3A_809 = arith.constant 4096 : i32
    %mul3A_810 = vector.broadcast %mul3A_809 : i32 to vector<16xi32>
    %mul3A_811 = arith.muli %add3A_808, %mul3A_810 : vector<16xi32>
    %mul3A_812 = arith.constant 64 : i32
    %mul3A_813 = vector.broadcast %mul3A_812 : i32 to vector<16xi32>
    %mul3A_814 = arith.muli %convert_element_type3A_796, %mul3A_813 : vector<16xi32>
    %add3A_815 = arith.addi %mul3A_811, %mul3A_814 : vector<16xi32>
    %add3A_816 = arith.addi %add3A_815, %convert_element_type3A_806 : vector<16xi32>
    %shift_right_arithmetic3A_817 = arith.constant 7 : i32
    %shift_right_arithmetic3A_818 = vector.broadcast %shift_right_arithmetic3A_817 : i32 to vector<16xi32>
    %shift_right_arithmetic3A_819 = arith.shrsi %add3A_775, %shift_right_arithmetic3A_818 : vector<16xi32>
    %and3A_820 = arith.constant 127 : i32
    %and3A_821 = vector.broadcast %and3A_820 : i32 to vector<16xi32>
    %and3A_822 = arith.andi %add3A_775, %and3A_821 : vector<16xi32>
    %shift_right_arithmetic3A_823 = arith.constant 7 : i32
    %shift_right_arithmetic3A_824 = vector.broadcast %shift_right_arithmetic3A_823 : i32 to vector<16xi32>
    %shift_right_arithmetic3A_825 = arith.shrsi %add3A_816, %shift_right_arithmetic3A_824 : vector<16xi32>
    tpu.vector_store_idx %arg6[%shift_right_arithmetic3A_819, %and3A_822], %shift_right_arithmetic3A_825 : memref<5x128xi32, #tpu.memory_space<vmem>>[vector<16xi32>, vector<16xi32>], vector<16xi32>,
    %and3A_826 = arith.constant 127 : i32
    %and3A_827 = vector.broadcast %and3A_826 : i32 to vector<16xi32>
    %and3A_828 = arith.andi %add3A_816, %and3A_827 : vector<16xi32>
    tpu.vector_store_idx %arg7[%add3A_775], %and3A_828 : memref<640xi32, #tpu.memory_space<vmem>>[vector<16xi32>], vector<16xi32>,
    %mul3A_829 = arith.constant 20 : i32
    %mul3A_830 = vector.broadcast %mul3A_829 : i32 to vector<16xi32>
    %mul3A_831 = arith.muli %add3A_7, %mul3A_830 : vector<16xi32>
    %add3A_832 = arith.constant 14 : i32
    %add3A_833 = vector.broadcast %add3A_832 : i32 to vector<16xi32>
    %add3A_834 = arith.addi %mul3A_831, %add3A_833 : vector<16xi32>
    %mul3A_835 = arith.constant 2 : i32
    %mul3A_836 = vector.broadcast %mul3A_835 : i32 to vector<16xi32>
    %mul3A_837 = arith.muli %add3A_834, %mul3A_836 : vector<16xi32>
    %gather3A_838 = tpu.vector_load_idx %arg5[%mul3A_837] : memref<1280xf32, #tpu.memory_space<vmem>>[vector<16xi32>], vector<16xf32>,
    %mul3A_839 = arith.constant 2 : i32
    %mul3A_840 = vector.broadcast %mul3A_839 : i32 to vector<16xi32>
    %mul3A_841 = arith.muli %add3A_834, %mul3A_840 : vector<16xi32>
    %add3A_842 = arith.constant 1 : i32
    %add3A_843 = vector.broadcast %add3A_842 : i32 to vector<16xi32>
    %add3A_844 = arith.addi %mul3A_841, %add3A_843 : vector<16xi32>
    %gather3A_845 = tpu.vector_load_idx %arg5[%add3A_844] : memref<1280xf32, #tpu.memory_space<vmem>>[vector<16xi32>], vector<16xf32>,
    %mul3A_846 = arith.constant 6.400000e+01 : f32
    %mul3A_847 = vector.broadcast %mul3A_846 : f32 to vector<16xf32>
    %mul3A_848 = arith.mulf %gather3A_838, %mul3A_847 : vector<16xf32>
    %add3A_849 = arith.constant 0x4B400000 : f32
    %add3A_850 = vector.broadcast %add3A_849 : f32 to vector<16xf32>
    %add3A_851 = arith.addf %mul3A_848, %add3A_850 : vector<16xf32>
    %sub3A_852 = arith.constant 0x4B400000 : f32
    %sub3A_853 = vector.broadcast %sub3A_852 : f32 to vector<16xf32>
    %sub3A_854 = arith.subf %add3A_851, %sub3A_853 : vector<16xf32>
    %convert_element_type3A_855 = arith.fptosi %sub3A_854 : vector<16xf32> to vector<16xi32>
    %mul3A_856 = arith.constant 6.400000e+01 : f32
    %mul3A_857 = vector.broadcast %mul3A_856 : f32 to vector<16xf32>
    %mul3A_858 = arith.mulf %gather3A_845, %mul3A_857 : vector<16xf32>
    %add3A_859 = arith.constant 0x4B400000 : f32
    %add3A_860 = vector.broadcast %add3A_859 : f32 to vector<16xf32>
    %add3A_861 = arith.addf %mul3A_858, %add3A_860 : vector<16xf32>
    %sub3A_862 = arith.constant 0x4B400000 : f32
    %sub3A_863 = vector.broadcast %sub3A_862 : f32 to vector<16xf32>
    %sub3A_864 = arith.subf %add3A_861, %sub3A_863 : vector<16xf32>
    %convert_element_type3A_865 = arith.fptosi %sub3A_864 : vector<16xf32> to vector<16xi32>
    %add3A_866 = vector.broadcast %mul3A_2 : i32 to vector<16xi32>
    %add3A_867 = arith.addi %add3A_866, %add3A_834 : vector<16xi32>
    %mul3A_868 = arith.constant 4096 : i32
    %mul3A_869 = vector.broadcast %mul3A_868 : i32 to vector<16xi32>
    %mul3A_870 = arith.muli %add3A_867, %mul3A_869 : vector<16xi32>
    %mul3A_871 = arith.constant 64 : i32
    %mul3A_872 = vector.broadcast %mul3A_871 : i32 to vector<16xi32>
    %mul3A_873 = arith.muli %convert_element_type3A_855, %mul3A_872 : vector<16xi32>
    %add3A_874 = arith.addi %mul3A_870, %mul3A_873 : vector<16xi32>
    %add3A_875 = arith.addi %add3A_874, %convert_element_type3A_865 : vector<16xi32>
    %shift_right_arithmetic3A_876 = arith.constant 7 : i32
    %shift_right_arithmetic3A_877 = vector.broadcast %shift_right_arithmetic3A_876 : i32 to vector<16xi32>
    %shift_right_arithmetic3A_878 = arith.shrsi %add3A_834, %shift_right_arithmetic3A_877 : vector<16xi32>
    %and3A_879 = arith.constant 127 : i32
    %and3A_880 = vector.broadcast %and3A_879 : i32 to vector<16xi32>
    %and3A_881 = arith.andi %add3A_834, %and3A_880 : vector<16xi32>
    %shift_right_arithmetic3A_882 = arith.constant 7 : i32
    %shift_right_arithmetic3A_883 = vector.broadcast %shift_right_arithmetic3A_882 : i32 to vector<16xi32>
    %shift_right_arithmetic3A_884 = arith.shrsi %add3A_875, %shift_right_arithmetic3A_883 : vector<16xi32>
    tpu.vector_store_idx %arg6[%shift_right_arithmetic3A_878, %and3A_881], %shift_right_arithmetic3A_884 : memref<5x128xi32, #tpu.memory_space<vmem>>[vector<16xi32>, vector<16xi32>], vector<16xi32>,
    %and3A_885 = arith.constant 127 : i32
    %and3A_886 = vector.broadcast %and3A_885 : i32 to vector<16xi32>
    %and3A_887 = arith.andi %add3A_875, %and3A_886 : vector<16xi32>
    tpu.vector_store_idx %arg7[%add3A_834], %and3A_887 : memref<640xi32, #tpu.memory_space<vmem>>[vector<16xi32>], vector<16xi32>,
    %mul3A_888 = arith.constant 20 : i32
    %mul3A_889 = vector.broadcast %mul3A_888 : i32 to vector<16xi32>
    %mul3A_890 = arith.muli %add3A_7, %mul3A_889 : vector<16xi32>
    %add3A_891 = arith.constant 15 : i32
    %add3A_892 = vector.broadcast %add3A_891 : i32 to vector<16xi32>
    %add3A_893 = arith.addi %mul3A_890, %add3A_892 : vector<16xi32>
    %mul3A_894 = arith.constant 2 : i32
    %mul3A_895 = vector.broadcast %mul3A_894 : i32 to vector<16xi32>
    %mul3A_896 = arith.muli %add3A_893, %mul3A_895 : vector<16xi32>
    %gather3A_897 = tpu.vector_load_idx %arg5[%mul3A_896] : memref<1280xf32, #tpu.memory_space<vmem>>[vector<16xi32>], vector<16xf32>,
    %mul3A_898 = arith.constant 2 : i32
    %mul3A_899 = vector.broadcast %mul3A_898 : i32 to vector<16xi32>
    %mul3A_900 = arith.muli %add3A_893, %mul3A_899 : vector<16xi32>
    %add3A_901 = arith.constant 1 : i32
    %add3A_902 = vector.broadcast %add3A_901 : i32 to vector<16xi32>
    %add3A_903 = arith.addi %mul3A_900, %add3A_902 : vector<16xi32>
    %gather3A_904 = tpu.vector_load_idx %arg5[%add3A_903] : memref<1280xf32, #tpu.memory_space<vmem>>[vector<16xi32>], vector<16xf32>,
    %mul3A_905 = arith.constant 6.400000e+01 : f32
    %mul3A_906 = vector.broadcast %mul3A_905 : f32 to vector<16xf32>
    %mul3A_907 = arith.mulf %gather3A_897, %mul3A_906 : vector<16xf32>
    %add3A_908 = arith.constant 0x4B400000 : f32
    %add3A_909 = vector.broadcast %add3A_908 : f32 to vector<16xf32>
    %add3A_910 = arith.addf %mul3A_907, %add3A_909 : vector<16xf32>
    %sub3A_911 = arith.constant 0x4B400000 : f32
    %sub3A_912 = vector.broadcast %sub3A_911 : f32 to vector<16xf32>
    %sub3A_913 = arith.subf %add3A_910, %sub3A_912 : vector<16xf32>
    %convert_element_type3A_914 = arith.fptosi %sub3A_913 : vector<16xf32> to vector<16xi32>
    %mul3A_915 = arith.constant 6.400000e+01 : f32
    %mul3A_916 = vector.broadcast %mul3A_915 : f32 to vector<16xf32>
    %mul3A_917 = arith.mulf %gather3A_904, %mul3A_916 : vector<16xf32>
    %add3A_918 = arith.constant 0x4B400000 : f32
    %add3A_919 = vector.broadcast %add3A_918 : f32 to vector<16xf32>
    %add3A_920 = arith.addf %mul3A_917, %add3A_919 : vector<16xf32>
    %sub3A_921 = arith.constant 0x4B400000 : f32
    %sub3A_922 = vector.broadcast %sub3A_921 : f32 to vector<16xf32>
    %sub3A_923 = arith.subf %add3A_920, %sub3A_922 : vector<16xf32>
    %convert_element_type3A_924 = arith.fptosi %sub3A_923 : vector<16xf32> to vector<16xi32>
    %add3A_925 = vector.broadcast %mul3A_2 : i32 to vector<16xi32>
    %add3A_926 = arith.addi %add3A_925, %add3A_893 : vector<16xi32>
    %mul3A_927 = arith.constant 4096 : i32
    %mul3A_928 = vector.broadcast %mul3A_927 : i32 to vector<16xi32>
    %mul3A_929 = arith.muli %add3A_926, %mul3A_928 : vector<16xi32>
    %mul3A_930 = arith.constant 64 : i32
    %mul3A_931 = vector.broadcast %mul3A_930 : i32 to vector<16xi32>
    %mul3A_932 = arith.muli %convert_element_type3A_914, %mul3A_931 : vector<16xi32>
    %add3A_933 = arith.addi %mul3A_929, %mul3A_932 : vector<16xi32>
    %add3A_934 = arith.addi %add3A_933, %convert_element_type3A_924 : vector<16xi32>
    %shift_right_arithmetic3A_935 = arith.constant 7 : i32
    %shift_right_arithmetic3A_936 = vector.broadcast %shift_right_arithmetic3A_935 : i32 to vector<16xi32>
    %shift_right_arithmetic3A_937 = arith.shrsi %add3A_893, %shift_right_arithmetic3A_936 : vector<16xi32>
    %and3A_938 = arith.constant 127 : i32
    %and3A_939 = vector.broadcast %and3A_938 : i32 to vector<16xi32>
    %and3A_940 = arith.andi %add3A_893, %and3A_939 : vector<16xi32>
    %shift_right_arithmetic3A_941 = arith.constant 7 : i32
    %shift_right_arithmetic3A_942 = vector.broadcast %shift_right_arithmetic3A_941 : i32 to vector<16xi32>
    %shift_right_arithmetic3A_943 = arith.shrsi %add3A_934, %shift_right_arithmetic3A_942 : vector<16xi32>
    tpu.vector_store_idx %arg6[%shift_right_arithmetic3A_937, %and3A_940], %shift_right_arithmetic3A_943 : memref<5x128xi32, #tpu.memory_space<vmem>>[vector<16xi32>, vector<16xi32>], vector<16xi32>,
    %and3A_944 = arith.constant 127 : i32
    %and3A_945 = vector.broadcast %and3A_944 : i32 to vector<16xi32>
    %and3A_946 = arith.andi %add3A_934, %and3A_945 : vector<16xi32>
    tpu.vector_store_idx %arg7[%add3A_893], %and3A_946 : memref<640xi32, #tpu.memory_space<vmem>>[vector<16xi32>], vector<16xi32>,
    %mul3A_947 = arith.constant 20 : i32
    %mul3A_948 = vector.broadcast %mul3A_947 : i32 to vector<16xi32>
    %mul3A_949 = arith.muli %add3A_7, %mul3A_948 : vector<16xi32>
    %add3A_950 = arith.constant 16 : i32
    %add3A_951 = vector.broadcast %add3A_950 : i32 to vector<16xi32>
    %add3A_952 = arith.addi %mul3A_949, %add3A_951 : vector<16xi32>
    %mul3A_953 = arith.constant 2 : i32
    %mul3A_954 = vector.broadcast %mul3A_953 : i32 to vector<16xi32>
    %mul3A_955 = arith.muli %add3A_952, %mul3A_954 : vector<16xi32>
    %gather3A_956 = tpu.vector_load_idx %arg5[%mul3A_955] : memref<1280xf32, #tpu.memory_space<vmem>>[vector<16xi32>], vector<16xf32>,
    %mul3A_957 = arith.constant 2 : i32
    %mul3A_958 = vector.broadcast %mul3A_957 : i32 to vector<16xi32>
    %mul3A_959 = arith.muli %add3A_952, %mul3A_958 : vector<16xi32>
    %add3A_960 = arith.constant 1 : i32
    %add3A_961 = vector.broadcast %add3A_960 : i32 to vector<16xi32>
    %add3A_962 = arith.addi %mul3A_959, %add3A_961 : vector<16xi32>
    %gather3A_963 = tpu.vector_load_idx %arg5[%add3A_962] : memref<1280xf32, #tpu.memory_space<vmem>>[vector<16xi32>], vector<16xf32>,
    %mul3A_964 = arith.constant 6.400000e+01 : f32
    %mul3A_965 = vector.broadcast %mul3A_964 : f32 to vector<16xf32>
    %mul3A_966 = arith.mulf %gather3A_956, %mul3A_965 : vector<16xf32>
    %add3A_967 = arith.constant 0x4B400000 : f32
    %add3A_968 = vector.broadcast %add3A_967 : f32 to vector<16xf32>
    %add3A_969 = arith.addf %mul3A_966, %add3A_968 : vector<16xf32>
    %sub3A_970 = arith.constant 0x4B400000 : f32
    %sub3A_971 = vector.broadcast %sub3A_970 : f32 to vector<16xf32>
    %sub3A_972 = arith.subf %add3A_969, %sub3A_971 : vector<16xf32>
    %convert_element_type3A_973 = arith.fptosi %sub3A_972 : vector<16xf32> to vector<16xi32>
    %mul3A_974 = arith.constant 6.400000e+01 : f32
    %mul3A_975 = vector.broadcast %mul3A_974 : f32 to vector<16xf32>
    %mul3A_976 = arith.mulf %gather3A_963, %mul3A_975 : vector<16xf32>
    %add3A_977 = arith.constant 0x4B400000 : f32
    %add3A_978 = vector.broadcast %add3A_977 : f32 to vector<16xf32>
    %add3A_979 = arith.addf %mul3A_976, %add3A_978 : vector<16xf32>
    %sub3A_980 = arith.constant 0x4B400000 : f32
    %sub3A_981 = vector.broadcast %sub3A_980 : f32 to vector<16xf32>
    %sub3A_982 = arith.subf %add3A_979, %sub3A_981 : vector<16xf32>
    %convert_element_type3A_983 = arith.fptosi %sub3A_982 : vector<16xf32> to vector<16xi32>
    %add3A_984 = vector.broadcast %mul3A_2 : i32 to vector<16xi32>
    %add3A_985 = arith.addi %add3A_984, %add3A_952 : vector<16xi32>
    %mul3A_986 = arith.constant 4096 : i32
    %mul3A_987 = vector.broadcast %mul3A_986 : i32 to vector<16xi32>
    %mul3A_988 = arith.muli %add3A_985, %mul3A_987 : vector<16xi32>
    %mul3A_989 = arith.constant 64 : i32
    %mul3A_990 = vector.broadcast %mul3A_989 : i32 to vector<16xi32>
    %mul3A_991 = arith.muli %convert_element_type3A_973, %mul3A_990 : vector<16xi32>
    %add3A_992 = arith.addi %mul3A_988, %mul3A_991 : vector<16xi32>
    %add3A_993 = arith.addi %add3A_992, %convert_element_type3A_983 : vector<16xi32>
    %shift_right_arithmetic3A_994 = arith.constant 7 : i32
    %shift_right_arithmetic3A_995 = vector.broadcast %shift_right_arithmetic3A_994 : i32 to vector<16xi32>
    %shift_right_arithmetic3A_996 = arith.shrsi %add3A_952, %shift_right_arithmetic3A_995 : vector<16xi32>
    %and3A_997 = arith.constant 127 : i32
    %and3A_998 = vector.broadcast %and3A_997 : i32 to vector<16xi32>
    %and3A_999 = arith.andi %add3A_952, %and3A_998 : vector<16xi32>
    %shift_right_arithmetic3A_1000 = arith.constant 7 : i32
    %shift_right_arithmetic3A_1001 = vector.broadcast %shift_right_arithmetic3A_1000 : i32 to vector<16xi32>
    %shift_right_arithmetic3A_1002 = arith.shrsi %add3A_993, %shift_right_arithmetic3A_1001 : vector<16xi32>
    tpu.vector_store_idx %arg6[%shift_right_arithmetic3A_996, %and3A_999], %shift_right_arithmetic3A_1002 : memref<5x128xi32, #tpu.memory_space<vmem>>[vector<16xi32>, vector<16xi32>], vector<16xi32>,
    %and3A_1003 = arith.constant 127 : i32
    %and3A_1004 = vector.broadcast %and3A_1003 : i32 to vector<16xi32>
    %and3A_1005 = arith.andi %add3A_993, %and3A_1004 : vector<16xi32>
    tpu.vector_store_idx %arg7[%add3A_952], %and3A_1005 : memref<640xi32, #tpu.memory_space<vmem>>[vector<16xi32>], vector<16xi32>,
    %mul3A_1006 = arith.constant 20 : i32
    %mul3A_1007 = vector.broadcast %mul3A_1006 : i32 to vector<16xi32>
    %mul3A_1008 = arith.muli %add3A_7, %mul3A_1007 : vector<16xi32>
    %add3A_1009 = arith.constant 17 : i32
    %add3A_1010 = vector.broadcast %add3A_1009 : i32 to vector<16xi32>
    %add3A_1011 = arith.addi %mul3A_1008, %add3A_1010 : vector<16xi32>
    %mul3A_1012 = arith.constant 2 : i32
    %mul3A_1013 = vector.broadcast %mul3A_1012 : i32 to vector<16xi32>
    %mul3A_1014 = arith.muli %add3A_1011, %mul3A_1013 : vector<16xi32>
    %gather3A_1015 = tpu.vector_load_idx %arg5[%mul3A_1014] : memref<1280xf32, #tpu.memory_space<vmem>>[vector<16xi32>], vector<16xf32>,
    %mul3A_1016 = arith.constant 2 : i32
    %mul3A_1017 = vector.broadcast %mul3A_1016 : i32 to vector<16xi32>
    %mul3A_1018 = arith.muli %add3A_1011, %mul3A_1017 : vector<16xi32>
    %add3A_1019 = arith.constant 1 : i32
    %add3A_1020 = vector.broadcast %add3A_1019 : i32 to vector<16xi32>
    %add3A_1021 = arith.addi %mul3A_1018, %add3A_1020 : vector<16xi32>
    %gather3A_1022 = tpu.vector_load_idx %arg5[%add3A_1021] : memref<1280xf32, #tpu.memory_space<vmem>>[vector<16xi32>], vector<16xf32>,
    %mul3A_1023 = arith.constant 6.400000e+01 : f32
    %mul3A_1024 = vector.broadcast %mul3A_1023 : f32 to vector<16xf32>
    %mul3A_1025 = arith.mulf %gather3A_1015, %mul3A_1024 : vector<16xf32>
    %add3A_1026 = arith.constant 0x4B400000 : f32
    %add3A_1027 = vector.broadcast %add3A_1026 : f32 to vector<16xf32>
    %add3A_1028 = arith.addf %mul3A_1025, %add3A_1027 : vector<16xf32>
    %sub3A_1029 = arith.constant 0x4B400000 : f32
    %sub3A_1030 = vector.broadcast %sub3A_1029 : f32 to vector<16xf32>
    %sub3A_1031 = arith.subf %add3A_1028, %sub3A_1030 : vector<16xf32>
    %convert_element_type3A_1032 = arith.fptosi %sub3A_1031 : vector<16xf32> to vector<16xi32>
    %mul3A_1033 = arith.constant 6.400000e+01 : f32
    %mul3A_1034 = vector.broadcast %mul3A_1033 : f32 to vector<16xf32>
    %mul3A_1035 = arith.mulf %gather3A_1022, %mul3A_1034 : vector<16xf32>
    %add3A_1036 = arith.constant 0x4B400000 : f32
    %add3A_1037 = vector.broadcast %add3A_1036 : f32 to vector<16xf32>
    %add3A_1038 = arith.addf %mul3A_1035, %add3A_1037 : vector<16xf32>
    %sub3A_1039 = arith.constant 0x4B400000 : f32
    %sub3A_1040 = vector.broadcast %sub3A_1039 : f32 to vector<16xf32>
    %sub3A_1041 = arith.subf %add3A_1038, %sub3A_1040 : vector<16xf32>
    %convert_element_type3A_1042 = arith.fptosi %sub3A_1041 : vector<16xf32> to vector<16xi32>
    %add3A_1043 = vector.broadcast %mul3A_2 : i32 to vector<16xi32>
    %add3A_1044 = arith.addi %add3A_1043, %add3A_1011 : vector<16xi32>
    %mul3A_1045 = arith.constant 4096 : i32
    %mul3A_1046 = vector.broadcast %mul3A_1045 : i32 to vector<16xi32>
    %mul3A_1047 = arith.muli %add3A_1044, %mul3A_1046 : vector<16xi32>
    %mul3A_1048 = arith.constant 64 : i32
    %mul3A_1049 = vector.broadcast %mul3A_1048 : i32 to vector<16xi32>
    %mul3A_1050 = arith.muli %convert_element_type3A_1032, %mul3A_1049 : vector<16xi32>
    %add3A_1051 = arith.addi %mul3A_1047, %mul3A_1050 : vector<16xi32>
    %add3A_1052 = arith.addi %add3A_1051, %convert_element_type3A_1042 : vector<16xi32>
    %shift_right_arithmetic3A_1053 = arith.constant 7 : i32
    %shift_right_arithmetic3A_1054 = vector.broadcast %shift_right_arithmetic3A_1053 : i32 to vector<16xi32>
    %shift_right_arithmetic3A_1055 = arith.shrsi %add3A_1011, %shift_right_arithmetic3A_1054 : vector<16xi32>
    %and3A_1056 = arith.constant 127 : i32
    %and3A_1057 = vector.broadcast %and3A_1056 : i32 to vector<16xi32>
    %and3A_1058 = arith.andi %add3A_1011, %and3A_1057 : vector<16xi32>
    %shift_right_arithmetic3A_1059 = arith.constant 7 : i32
    %shift_right_arithmetic3A_1060 = vector.broadcast %shift_right_arithmetic3A_1059 : i32 to vector<16xi32>
    %shift_right_arithmetic3A_1061 = arith.shrsi %add3A_1052, %shift_right_arithmetic3A_1060 : vector<16xi32>
    tpu.vector_store_idx %arg6[%shift_right_arithmetic3A_1055, %and3A_1058], %shift_right_arithmetic3A_1061 : memref<5x128xi32, #tpu.memory_space<vmem>>[vector<16xi32>, vector<16xi32>], vector<16xi32>,
    %and3A_1062 = arith.constant 127 : i32
    %and3A_1063 = vector.broadcast %and3A_1062 : i32 to vector<16xi32>
    %and3A_1064 = arith.andi %add3A_1052, %and3A_1063 : vector<16xi32>
    tpu.vector_store_idx %arg7[%add3A_1011], %and3A_1064 : memref<640xi32, #tpu.memory_space<vmem>>[vector<16xi32>], vector<16xi32>,
    %mul3A_1065 = arith.constant 20 : i32
    %mul3A_1066 = vector.broadcast %mul3A_1065 : i32 to vector<16xi32>
    %mul3A_1067 = arith.muli %add3A_7, %mul3A_1066 : vector<16xi32>
    %add3A_1068 = arith.constant 18 : i32
    %add3A_1069 = vector.broadcast %add3A_1068 : i32 to vector<16xi32>
    %add3A_1070 = arith.addi %mul3A_1067, %add3A_1069 : vector<16xi32>
    %mul3A_1071 = arith.constant 2 : i32
    %mul3A_1072 = vector.broadcast %mul3A_1071 : i32 to vector<16xi32>
    %mul3A_1073 = arith.muli %add3A_1070, %mul3A_1072 : vector<16xi32>
    %gather3A_1074 = tpu.vector_load_idx %arg5[%mul3A_1073] : memref<1280xf32, #tpu.memory_space<vmem>>[vector<16xi32>], vector<16xf32>,
    %mul3A_1075 = arith.constant 2 : i32
    %mul3A_1076 = vector.broadcast %mul3A_1075 : i32 to vector<16xi32>
    %mul3A_1077 = arith.muli %add3A_1070, %mul3A_1076 : vector<16xi32>
    %add3A_1078 = arith.constant 1 : i32
    %add3A_1079 = vector.broadcast %add3A_1078 : i32 to vector<16xi32>
    %add3A_1080 = arith.addi %mul3A_1077, %add3A_1079 : vector<16xi32>
    %gather3A_1081 = tpu.vector_load_idx %arg5[%add3A_1080] : memref<1280xf32, #tpu.memory_space<vmem>>[vector<16xi32>], vector<16xf32>,
    %mul3A_1082 = arith.constant 6.400000e+01 : f32
    %mul3A_1083 = vector.broadcast %mul3A_1082 : f32 to vector<16xf32>
    %mul3A_1084 = arith.mulf %gather3A_1074, %mul3A_1083 : vector<16xf32>
    %add3A_1085 = arith.constant 0x4B400000 : f32
    %add3A_1086 = vector.broadcast %add3A_1085 : f32 to vector<16xf32>
    %add3A_1087 = arith.addf %mul3A_1084, %add3A_1086 : vector<16xf32>
    %sub3A_1088 = arith.constant 0x4B400000 : f32
    %sub3A_1089 = vector.broadcast %sub3A_1088 : f32 to vector<16xf32>
    %sub3A_1090 = arith.subf %add3A_1087, %sub3A_1089 : vector<16xf32>
    %convert_element_type3A_1091 = arith.fptosi %sub3A_1090 : vector<16xf32> to vector<16xi32>
    %mul3A_1092 = arith.constant 6.400000e+01 : f32
    %mul3A_1093 = vector.broadcast %mul3A_1092 : f32 to vector<16xf32>
    %mul3A_1094 = arith.mulf %gather3A_1081, %mul3A_1093 : vector<16xf32>
    %add3A_1095 = arith.constant 0x4B400000 : f32
    %add3A_1096 = vector.broadcast %add3A_1095 : f32 to vector<16xf32>
    %add3A_1097 = arith.addf %mul3A_1094, %add3A_1096 : vector<16xf32>
    %sub3A_1098 = arith.constant 0x4B400000 : f32
    %sub3A_1099 = vector.broadcast %sub3A_1098 : f32 to vector<16xf32>
    %sub3A_1100 = arith.subf %add3A_1097, %sub3A_1099 : vector<16xf32>
    %convert_element_type3A_1101 = arith.fptosi %sub3A_1100 : vector<16xf32> to vector<16xi32>
    %add3A_1102 = vector.broadcast %mul3A_2 : i32 to vector<16xi32>
    %add3A_1103 = arith.addi %add3A_1102, %add3A_1070 : vector<16xi32>
    %mul3A_1104 = arith.constant 4096 : i32
    %mul3A_1105 = vector.broadcast %mul3A_1104 : i32 to vector<16xi32>
    %mul3A_1106 = arith.muli %add3A_1103, %mul3A_1105 : vector<16xi32>
    %mul3A_1107 = arith.constant 64 : i32
    %mul3A_1108 = vector.broadcast %mul3A_1107 : i32 to vector<16xi32>
    %mul3A_1109 = arith.muli %convert_element_type3A_1091, %mul3A_1108 : vector<16xi32>
    %add3A_1110 = arith.addi %mul3A_1106, %mul3A_1109 : vector<16xi32>
    %add3A_1111 = arith.addi %add3A_1110, %convert_element_type3A_1101 : vector<16xi32>
    %shift_right_arithmetic3A_1112 = arith.constant 7 : i32
    %shift_right_arithmetic3A_1113 = vector.broadcast %shift_right_arithmetic3A_1112 : i32 to vector<16xi32>
    %shift_right_arithmetic3A_1114 = arith.shrsi %add3A_1070, %shift_right_arithmetic3A_1113 : vector<16xi32>
    %and3A_1115 = arith.constant 127 : i32
    %and3A_1116 = vector.broadcast %and3A_1115 : i32 to vector<16xi32>
    %and3A_1117 = arith.andi %add3A_1070, %and3A_1116 : vector<16xi32>
    %shift_right_arithmetic3A_1118 = arith.constant 7 : i32
    %shift_right_arithmetic3A_1119 = vector.broadcast %shift_right_arithmetic3A_1118 : i32 to vector<16xi32>
    %shift_right_arithmetic3A_1120 = arith.shrsi %add3A_1111, %shift_right_arithmetic3A_1119 : vector<16xi32>
    tpu.vector_store_idx %arg6[%shift_right_arithmetic3A_1114, %and3A_1117], %shift_right_arithmetic3A_1120 : memref<5x128xi32, #tpu.memory_space<vmem>>[vector<16xi32>, vector<16xi32>], vector<16xi32>,
    %and3A_1121 = arith.constant 127 : i32
    %and3A_1122 = vector.broadcast %and3A_1121 : i32 to vector<16xi32>
    %and3A_1123 = arith.andi %add3A_1111, %and3A_1122 : vector<16xi32>
    tpu.vector_store_idx %arg7[%add3A_1070], %and3A_1123 : memref<640xi32, #tpu.memory_space<vmem>>[vector<16xi32>], vector<16xi32>,
    %mul3A_1124 = arith.constant 20 : i32
    %mul3A_1125 = vector.broadcast %mul3A_1124 : i32 to vector<16xi32>
    %mul3A_1126 = arith.muli %add3A_7, %mul3A_1125 : vector<16xi32>
    %add3A_1127 = arith.constant 19 : i32
    %add3A_1128 = vector.broadcast %add3A_1127 : i32 to vector<16xi32>
    %add3A_1129 = arith.addi %mul3A_1126, %add3A_1128 : vector<16xi32>
    %mul3A_1130 = arith.constant 2 : i32
    %mul3A_1131 = vector.broadcast %mul3A_1130 : i32 to vector<16xi32>
    %mul3A_1132 = arith.muli %add3A_1129, %mul3A_1131 : vector<16xi32>
    %gather3A_1133 = tpu.vector_load_idx %arg5[%mul3A_1132] : memref<1280xf32, #tpu.memory_space<vmem>>[vector<16xi32>], vector<16xf32>,
    %mul3A_1134 = arith.constant 2 : i32
    %mul3A_1135 = vector.broadcast %mul3A_1134 : i32 to vector<16xi32>
    %mul3A_1136 = arith.muli %add3A_1129, %mul3A_1135 : vector<16xi32>
    %add3A_1137 = arith.constant 1 : i32
    %add3A_1138 = vector.broadcast %add3A_1137 : i32 to vector<16xi32>
    %add3A_1139 = arith.addi %mul3A_1136, %add3A_1138 : vector<16xi32>
    %gather3A_1140 = tpu.vector_load_idx %arg5[%add3A_1139] : memref<1280xf32, #tpu.memory_space<vmem>>[vector<16xi32>], vector<16xf32>,
    %mul3A_1141 = arith.constant 6.400000e+01 : f32
    %mul3A_1142 = vector.broadcast %mul3A_1141 : f32 to vector<16xf32>
    %mul3A_1143 = arith.mulf %gather3A_1133, %mul3A_1142 : vector<16xf32>
    %add3A_1144 = arith.constant 0x4B400000 : f32
    %add3A_1145 = vector.broadcast %add3A_1144 : f32 to vector<16xf32>
    %add3A_1146 = arith.addf %mul3A_1143, %add3A_1145 : vector<16xf32>
    %sub3A_1147 = arith.constant 0x4B400000 : f32
    %sub3A_1148 = vector.broadcast %sub3A_1147 : f32 to vector<16xf32>
    %sub3A_1149 = arith.subf %add3A_1146, %sub3A_1148 : vector<16xf32>
    %convert_element_type3A_1150 = arith.fptosi %sub3A_1149 : vector<16xf32> to vector<16xi32>
    %mul3A_1151 = arith.constant 6.400000e+01 : f32
    %mul3A_1152 = vector.broadcast %mul3A_1151 : f32 to vector<16xf32>
    %mul3A_1153 = arith.mulf %gather3A_1140, %mul3A_1152 : vector<16xf32>
    %add3A_1154 = arith.constant 0x4B400000 : f32
    %add3A_1155 = vector.broadcast %add3A_1154 : f32 to vector<16xf32>
    %add3A_1156 = arith.addf %mul3A_1153, %add3A_1155 : vector<16xf32>
    %sub3A_1157 = arith.constant 0x4B400000 : f32
    %sub3A_1158 = vector.broadcast %sub3A_1157 : f32 to vector<16xf32>
    %sub3A_1159 = arith.subf %add3A_1156, %sub3A_1158 : vector<16xf32>
    %convert_element_type3A_1160 = arith.fptosi %sub3A_1159 : vector<16xf32> to vector<16xi32>
    %add3A_1161 = vector.broadcast %mul3A_2 : i32 to vector<16xi32>
    %add3A_1162 = arith.addi %add3A_1161, %add3A_1129 : vector<16xi32>
    %mul3A_1163 = arith.constant 4096 : i32
    %mul3A_1164 = vector.broadcast %mul3A_1163 : i32 to vector<16xi32>
    %mul3A_1165 = arith.muli %add3A_1162, %mul3A_1164 : vector<16xi32>
    %mul3A_1166 = arith.constant 64 : i32
    %mul3A_1167 = vector.broadcast %mul3A_1166 : i32 to vector<16xi32>
    %mul3A_1168 = arith.muli %convert_element_type3A_1150, %mul3A_1167 : vector<16xi32>
    %add3A_1169 = arith.addi %mul3A_1165, %mul3A_1168 : vector<16xi32>
    %add3A_1170 = arith.addi %add3A_1169, %convert_element_type3A_1160 : vector<16xi32>
    %shift_right_arithmetic3A_1171 = arith.constant 7 : i32
    %shift_right_arithmetic3A_1172 = vector.broadcast %shift_right_arithmetic3A_1171 : i32 to vector<16xi32>
    %shift_right_arithmetic3A_1173 = arith.shrsi %add3A_1129, %shift_right_arithmetic3A_1172 : vector<16xi32>
    %and3A_1174 = arith.constant 127 : i32
    %and3A_1175 = vector.broadcast %and3A_1174 : i32 to vector<16xi32>
    %and3A_1176 = arith.andi %add3A_1129, %and3A_1175 : vector<16xi32>
    %shift_right_arithmetic3A_1177 = arith.constant 7 : i32
    %shift_right_arithmetic3A_1178 = vector.broadcast %shift_right_arithmetic3A_1177 : i32 to vector<16xi32>
    %shift_right_arithmetic3A_1179 = arith.shrsi %add3A_1170, %shift_right_arithmetic3A_1178 : vector<16xi32>
    tpu.vector_store_idx %arg6[%shift_right_arithmetic3A_1173, %and3A_1176], %shift_right_arithmetic3A_1179 : memref<5x128xi32, #tpu.memory_space<vmem>>[vector<16xi32>, vector<16xi32>], vector<16xi32>,
    %and3A_1180 = arith.constant 127 : i32
    %and3A_1181 = vector.broadcast %and3A_1180 : i32 to vector<16xi32>
    %and3A_1182 = arith.andi %add3A_1170, %and3A_1181 : vector<16xi32>
    tpu.vector_store_idx %arg7[%add3A_1129], %and3A_1182 : memref<640xi32, #tpu.memory_space<vmem>>[vector<16xi32>], vector<16xi32>,
    %add3A_1183 = arith.constant 16 : i32
    %add3A_1184 = vector.broadcast %add3A_1183 : i32 to vector<16xi32>
    %add3A_1185 = arith.addi %add3A_1184, %iota3A : vector<16xi32>
    %mul3A_1186 = arith.constant 20 : i32
    %mul3A_1187 = vector.broadcast %mul3A_1186 : i32 to vector<16xi32>
    %mul3A_1188 = arith.muli %add3A_1185, %mul3A_1187 : vector<16xi32>
    %add3A_1189 = arith.constant 0 : i32
    %add3A_1190 = vector.broadcast %add3A_1189 : i32 to vector<16xi32>
    %add3A_1191 = arith.addi %mul3A_1188, %add3A_1190 : vector<16xi32>
    %mul3A_1192 = arith.constant 2 : i32
    %mul3A_1193 = vector.broadcast %mul3A_1192 : i32 to vector<16xi32>
    %mul3A_1194 = arith.muli %add3A_1191, %mul3A_1193 : vector<16xi32>
    %gather3A_1195 = tpu.vector_load_idx %arg5[%mul3A_1194] : memref<1280xf32, #tpu.memory_space<vmem>>[vector<16xi32>], vector<16xf32>,
    %mul3A_1196 = arith.constant 2 : i32
    %mul3A_1197 = vector.broadcast %mul3A_1196 : i32 to vector<16xi32>
    %mul3A_1198 = arith.muli %add3A_1191, %mul3A_1197 : vector<16xi32>
    %add3A_1199 = arith.constant 1 : i32
    %add3A_1200 = vector.broadcast %add3A_1199 : i32 to vector<16xi32>
    %add3A_1201 = arith.addi %mul3A_1198, %add3A_1200 : vector<16xi32>
    %gather3A_1202 = tpu.vector_load_idx %arg5[%add3A_1201] : memref<1280xf32, #tpu.memory_space<vmem>>[vector<16xi32>], vector<16xf32>,
    %mul3A_1203 = arith.constant 6.400000e+01 : f32
    %mul3A_1204 = vector.broadcast %mul3A_1203 : f32 to vector<16xf32>
    %mul3A_1205 = arith.mulf %gather3A_1195, %mul3A_1204 : vector<16xf32>
    %add3A_1206 = arith.constant 0x4B400000 : f32
    %add3A_1207 = vector.broadcast %add3A_1206 : f32 to vector<16xf32>
    %add3A_1208 = arith.addf %mul3A_1205, %add3A_1207 : vector<16xf32>
    %sub3A_1209 = arith.constant 0x4B400000 : f32
    %sub3A_1210 = vector.broadcast %sub3A_1209 : f32 to vector<16xf32>
    %sub3A_1211 = arith.subf %add3A_1208, %sub3A_1210 : vector<16xf32>
    %convert_element_type3A_1212 = arith.fptosi %sub3A_1211 : vector<16xf32> to vector<16xi32>
    %mul3A_1213 = arith.constant 6.400000e+01 : f32
    %mul3A_1214 = vector.broadcast %mul3A_1213 : f32 to vector<16xf32>
    %mul3A_1215 = arith.mulf %gather3A_1202, %mul3A_1214 : vector<16xf32>
    %add3A_1216 = arith.constant 0x4B400000 : f32
    %add3A_1217 = vector.broadcast %add3A_1216 : f32 to vector<16xf32>
    %add3A_1218 = arith.addf %mul3A_1215, %add3A_1217 : vector<16xf32>
    %sub3A_1219 = arith.constant 0x4B400000 : f32
    %sub3A_1220 = vector.broadcast %sub3A_1219 : f32 to vector<16xf32>
    %sub3A_1221 = arith.subf %add3A_1218, %sub3A_1220 : vector<16xf32>
    %convert_element_type3A_1222 = arith.fptosi %sub3A_1221 : vector<16xf32> to vector<16xi32>
    %add3A_1223 = vector.broadcast %mul3A_2 : i32 to vector<16xi32>
    %add3A_1224 = arith.addi %add3A_1223, %add3A_1191 : vector<16xi32>
    %mul3A_1225 = arith.constant 4096 : i32
    %mul3A_1226 = vector.broadcast %mul3A_1225 : i32 to vector<16xi32>
    %mul3A_1227 = arith.muli %add3A_1224, %mul3A_1226 : vector<16xi32>
    %mul3A_1228 = arith.constant 64 : i32
    %mul3A_1229 = vector.broadcast %mul3A_1228 : i32 to vector<16xi32>
    %mul3A_1230 = arith.muli %convert_element_type3A_1212, %mul3A_1229 : vector<16xi32>
    %add3A_1231 = arith.addi %mul3A_1227, %mul3A_1230 : vector<16xi32>
    %add3A_1232 = arith.addi %add3A_1231, %convert_element_type3A_1222 : vector<16xi32>
    %shift_right_arithmetic3A_1233 = arith.constant 7 : i32
    %shift_right_arithmetic3A_1234 = vector.broadcast %shift_right_arithmetic3A_1233 : i32 to vector<16xi32>
    %shift_right_arithmetic3A_1235 = arith.shrsi %add3A_1191, %shift_right_arithmetic3A_1234 : vector<16xi32>
    %and3A_1236 = arith.constant 127 : i32
    %and3A_1237 = vector.broadcast %and3A_1236 : i32 to vector<16xi32>
    %and3A_1238 = arith.andi %add3A_1191, %and3A_1237 : vector<16xi32>
    %shift_right_arithmetic3A_1239 = arith.constant 7 : i32
    %shift_right_arithmetic3A_1240 = vector.broadcast %shift_right_arithmetic3A_1239 : i32 to vector<16xi32>
    %shift_right_arithmetic3A_1241 = arith.shrsi %add3A_1232, %shift_right_arithmetic3A_1240 : vector<16xi32>
    tpu.vector_store_idx %arg6[%shift_right_arithmetic3A_1235, %and3A_1238], %shift_right_arithmetic3A_1241 : memref<5x128xi32, #tpu.memory_space<vmem>>[vector<16xi32>, vector<16xi32>], vector<16xi32>,
    %and3A_1242 = arith.constant 127 : i32
    %and3A_1243 = vector.broadcast %and3A_1242 : i32 to vector<16xi32>
    %and3A_1244 = arith.andi %add3A_1232, %and3A_1243 : vector<16xi32>
    tpu.vector_store_idx %arg7[%add3A_1191], %and3A_1244 : memref<640xi32, #tpu.memory_space<vmem>>[vector<16xi32>], vector<16xi32>,
    %mul3A_1245 = arith.constant 20 : i32
    %mul3A_1246 = vector.broadcast %mul3A_1245 : i32 to vector<16xi32>
    %mul3A_1247 = arith.muli %add3A_1185, %mul3A_1246 : vector<16xi32>
    %add3A_1248 = arith.constant 1 : i32
    %add3A_1249 = vector.broadcast %add3A_1248 : i32 to vector<16xi32>
    %add3A_1250 = arith.addi %mul3A_1247, %add3A_1249 : vector<16xi32>
    %mul3A_1251 = arith.constant 2 : i32
    %mul3A_1252 = vector.broadcast %mul3A_1251 : i32 to vector<16xi32>
    %mul3A_1253 = arith.muli %add3A_1250, %mul3A_1252 : vector<16xi32>
    %gather3A_1254 = tpu.vector_load_idx %arg5[%mul3A_1253] : memref<1280xf32, #tpu.memory_space<vmem>>[vector<16xi32>], vector<16xf32>,
    %mul3A_1255 = arith.constant 2 : i32
    %mul3A_1256 = vector.broadcast %mul3A_1255 : i32 to vector<16xi32>
    %mul3A_1257 = arith.muli %add3A_1250, %mul3A_1256 : vector<16xi32>
    %add3A_1258 = arith.constant 1 : i32
    %add3A_1259 = vector.broadcast %add3A_1258 : i32 to vector<16xi32>
    %add3A_1260 = arith.addi %mul3A_1257, %add3A_1259 : vector<16xi32>
    %gather3A_1261 = tpu.vector_load_idx %arg5[%add3A_1260] : memref<1280xf32, #tpu.memory_space<vmem>>[vector<16xi32>], vector<16xf32>,
    %mul3A_1262 = arith.constant 6.400000e+01 : f32
    %mul3A_1263 = vector.broadcast %mul3A_1262 : f32 to vector<16xf32>
    %mul3A_1264 = arith.mulf %gather3A_1254, %mul3A_1263 : vector<16xf32>
    %add3A_1265 = arith.constant 0x4B400000 : f32
    %add3A_1266 = vector.broadcast %add3A_1265 : f32 to vector<16xf32>
    %add3A_1267 = arith.addf %mul3A_1264, %add3A_1266 : vector<16xf32>
    %sub3A_1268 = arith.constant 0x4B400000 : f32
    %sub3A_1269 = vector.broadcast %sub3A_1268 : f32 to vector<16xf32>
    %sub3A_1270 = arith.subf %add3A_1267, %sub3A_1269 : vector<16xf32>
    %convert_element_type3A_1271 = arith.fptosi %sub3A_1270 : vector<16xf32> to vector<16xi32>
    %mul3A_1272 = arith.constant 6.400000e+01 : f32
    %mul3A_1273 = vector.broadcast %mul3A_1272 : f32 to vector<16xf32>
    %mul3A_1274 = arith.mulf %gather3A_1261, %mul3A_1273 : vector<16xf32>
    %add3A_1275 = arith.constant 0x4B400000 : f32
    %add3A_1276 = vector.broadcast %add3A_1275 : f32 to vector<16xf32>
    %add3A_1277 = arith.addf %mul3A_1274, %add3A_1276 : vector<16xf32>
    %sub3A_1278 = arith.constant 0x4B400000 : f32
    %sub3A_1279 = vector.broadcast %sub3A_1278 : f32 to vector<16xf32>
    %sub3A_1280 = arith.subf %add3A_1277, %sub3A_1279 : vector<16xf32>
    %convert_element_type3A_1281 = arith.fptosi %sub3A_1280 : vector<16xf32> to vector<16xi32>
    %add3A_1282 = vector.broadcast %mul3A_2 : i32 to vector<16xi32>
    %add3A_1283 = arith.addi %add3A_1282, %add3A_1250 : vector<16xi32>
    %mul3A_1284 = arith.constant 4096 : i32
    %mul3A_1285 = vector.broadcast %mul3A_1284 : i32 to vector<16xi32>
    %mul3A_1286 = arith.muli %add3A_1283, %mul3A_1285 : vector<16xi32>
    %mul3A_1287 = arith.constant 64 : i32
    %mul3A_1288 = vector.broadcast %mul3A_1287 : i32 to vector<16xi32>
    %mul3A_1289 = arith.muli %convert_element_type3A_1271, %mul3A_1288 : vector<16xi32>
    %add3A_1290 = arith.addi %mul3A_1286, %mul3A_1289 : vector<16xi32>
    %add3A_1291 = arith.addi %add3A_1290, %convert_element_type3A_1281 : vector<16xi32>
    %shift_right_arithmetic3A_1292 = arith.constant 7 : i32
    %shift_right_arithmetic3A_1293 = vector.broadcast %shift_right_arithmetic3A_1292 : i32 to vector<16xi32>
    %shift_right_arithmetic3A_1294 = arith.shrsi %add3A_1250, %shift_right_arithmetic3A_1293 : vector<16xi32>
    %and3A_1295 = arith.constant 127 : i32
    %and3A_1296 = vector.broadcast %and3A_1295 : i32 to vector<16xi32>
    %and3A_1297 = arith.andi %add3A_1250, %and3A_1296 : vector<16xi32>
    %shift_right_arithmetic3A_1298 = arith.constant 7 : i32
    %shift_right_arithmetic3A_1299 = vector.broadcast %shift_right_arithmetic3A_1298 : i32 to vector<16xi32>
    %shift_right_arithmetic3A_1300 = arith.shrsi %add3A_1291, %shift_right_arithmetic3A_1299 : vector<16xi32>
    tpu.vector_store_idx %arg6[%shift_right_arithmetic3A_1294, %and3A_1297], %shift_right_arithmetic3A_1300 : memref<5x128xi32, #tpu.memory_space<vmem>>[vector<16xi32>, vector<16xi32>], vector<16xi32>,
    %and3A_1301 = arith.constant 127 : i32
    %and3A_1302 = vector.broadcast %and3A_1301 : i32 to vector<16xi32>
    %and3A_1303 = arith.andi %add3A_1291, %and3A_1302 : vector<16xi32>
    tpu.vector_store_idx %arg7[%add3A_1250], %and3A_1303 : memref<640xi32, #tpu.memory_space<vmem>>[vector<16xi32>], vector<16xi32>,
    %mul3A_1304 = arith.constant 20 : i32
    %mul3A_1305 = vector.broadcast %mul3A_1304 : i32 to vector<16xi32>
    %mul3A_1306 = arith.muli %add3A_1185, %mul3A_1305 : vector<16xi32>
    %add3A_1307 = arith.constant 2 : i32
    %add3A_1308 = vector.broadcast %add3A_1307 : i32 to vector<16xi32>
    %add3A_1309 = arith.addi %mul3A_1306, %add3A_1308 : vector<16xi32>
    %mul3A_1310 = arith.constant 2 : i32
    %mul3A_1311 = vector.broadcast %mul3A_1310 : i32 to vector<16xi32>
    %mul3A_1312 = arith.muli %add3A_1309, %mul3A_1311 : vector<16xi32>
    %gather3A_1313 = tpu.vector_load_idx %arg5[%mul3A_1312] : memref<1280xf32, #tpu.memory_space<vmem>>[vector<16xi32>], vector<16xf32>,
    %mul3A_1314 = arith.constant 2 : i32
    %mul3A_1315 = vector.broadcast %mul3A_1314 : i32 to vector<16xi32>
    %mul3A_1316 = arith.muli %add3A_1309, %mul3A_1315 : vector<16xi32>
    %add3A_1317 = arith.constant 1 : i32
    %add3A_1318 = vector.broadcast %add3A_1317 : i32 to vector<16xi32>
    %add3A_1319 = arith.addi %mul3A_1316, %add3A_1318 : vector<16xi32>
    %gather3A_1320 = tpu.vector_load_idx %arg5[%add3A_1319] : memref<1280xf32, #tpu.memory_space<vmem>>[vector<16xi32>], vector<16xf32>,
    %mul3A_1321 = arith.constant 6.400000e+01 : f32
    %mul3A_1322 = vector.broadcast %mul3A_1321 : f32 to vector<16xf32>
    %mul3A_1323 = arith.mulf %gather3A_1313, %mul3A_1322 : vector<16xf32>
    %add3A_1324 = arith.constant 0x4B400000 : f32
    %add3A_1325 = vector.broadcast %add3A_1324 : f32 to vector<16xf32>
    %add3A_1326 = arith.addf %mul3A_1323, %add3A_1325 : vector<16xf32>
    %sub3A_1327 = arith.constant 0x4B400000 : f32
    %sub3A_1328 = vector.broadcast %sub3A_1327 : f32 to vector<16xf32>
    %sub3A_1329 = arith.subf %add3A_1326, %sub3A_1328 : vector<16xf32>
    %convert_element_type3A_1330 = arith.fptosi %sub3A_1329 : vector<16xf32> to vector<16xi32>
    %mul3A_1331 = arith.constant 6.400000e+01 : f32
    %mul3A_1332 = vector.broadcast %mul3A_1331 : f32 to vector<16xf32>
    %mul3A_1333 = arith.mulf %gather3A_1320, %mul3A_1332 : vector<16xf32>
    %add3A_1334 = arith.constant 0x4B400000 : f32
    %add3A_1335 = vector.broadcast %add3A_1334 : f32 to vector<16xf32>
    %add3A_1336 = arith.addf %mul3A_1333, %add3A_1335 : vector<16xf32>
    %sub3A_1337 = arith.constant 0x4B400000 : f32
    %sub3A_1338 = vector.broadcast %sub3A_1337 : f32 to vector<16xf32>
    %sub3A_1339 = arith.subf %add3A_1336, %sub3A_1338 : vector<16xf32>
    %convert_element_type3A_1340 = arith.fptosi %sub3A_1339 : vector<16xf32> to vector<16xi32>
    %add3A_1341 = vector.broadcast %mul3A_2 : i32 to vector<16xi32>
    %add3A_1342 = arith.addi %add3A_1341, %add3A_1309 : vector<16xi32>
    %mul3A_1343 = arith.constant 4096 : i32
    %mul3A_1344 = vector.broadcast %mul3A_1343 : i32 to vector<16xi32>
    %mul3A_1345 = arith.muli %add3A_1342, %mul3A_1344 : vector<16xi32>
    %mul3A_1346 = arith.constant 64 : i32
    %mul3A_1347 = vector.broadcast %mul3A_1346 : i32 to vector<16xi32>
    %mul3A_1348 = arith.muli %convert_element_type3A_1330, %mul3A_1347 : vector<16xi32>
    %add3A_1349 = arith.addi %mul3A_1345, %mul3A_1348 : vector<16xi32>
    %add3A_1350 = arith.addi %add3A_1349, %convert_element_type3A_1340 : vector<16xi32>
    %shift_right_arithmetic3A_1351 = arith.constant 7 : i32
    %shift_right_arithmetic3A_1352 = vector.broadcast %shift_right_arithmetic3A_1351 : i32 to vector<16xi32>
    %shift_right_arithmetic3A_1353 = arith.shrsi %add3A_1309, %shift_right_arithmetic3A_1352 : vector<16xi32>
    %and3A_1354 = arith.constant 127 : i32
    %and3A_1355 = vector.broadcast %and3A_1354 : i32 to vector<16xi32>
    %and3A_1356 = arith.andi %add3A_1309, %and3A_1355 : vector<16xi32>
    %shift_right_arithmetic3A_1357 = arith.constant 7 : i32
    %shift_right_arithmetic3A_1358 = vector.broadcast %shift_right_arithmetic3A_1357 : i32 to vector<16xi32>
    %shift_right_arithmetic3A_1359 = arith.shrsi %add3A_1350, %shift_right_arithmetic3A_1358 : vector<16xi32>
    tpu.vector_store_idx %arg6[%shift_right_arithmetic3A_1353, %and3A_1356], %shift_right_arithmetic3A_1359 : memref<5x128xi32, #tpu.memory_space<vmem>>[vector<16xi32>, vector<16xi32>], vector<16xi32>,
    %and3A_1360 = arith.constant 127 : i32
    %and3A_1361 = vector.broadcast %and3A_1360 : i32 to vector<16xi32>
    %and3A_1362 = arith.andi %add3A_1350, %and3A_1361 : vector<16xi32>
    tpu.vector_store_idx %arg7[%add3A_1309], %and3A_1362 : memref<640xi32, #tpu.memory_space<vmem>>[vector<16xi32>], vector<16xi32>,
    %mul3A_1363 = arith.constant 20 : i32
    %mul3A_1364 = vector.broadcast %mul3A_1363 : i32 to vector<16xi32>
    %mul3A_1365 = arith.muli %add3A_1185, %mul3A_1364 : vector<16xi32>
    %add3A_1366 = arith.constant 3 : i32
    %add3A_1367 = vector.broadcast %add3A_1366 : i32 to vector<16xi32>
    %add3A_1368 = arith.addi %mul3A_1365, %add3A_1367 : vector<16xi32>
    %mul3A_1369 = arith.constant 2 : i32
    %mul3A_1370 = vector.broadcast %mul3A_1369 : i32 to vector<16xi32>
    %mul3A_1371 = arith.muli %add3A_1368, %mul3A_1370 : vector<16xi32>
    %gather3A_1372 = tpu.vector_load_idx %arg5[%mul3A_1371] : memref<1280xf32, #tpu.memory_space<vmem>>[vector<16xi32>], vector<16xf32>,
    %mul3A_1373 = arith.constant 2 : i32
    %mul3A_1374 = vector.broadcast %mul3A_1373 : i32 to vector<16xi32>
    %mul3A_1375 = arith.muli %add3A_1368, %mul3A_1374 : vector<16xi32>
    %add3A_1376 = arith.constant 1 : i32
    %add3A_1377 = vector.broadcast %add3A_1376 : i32 to vector<16xi32>
    %add3A_1378 = arith.addi %mul3A_1375, %add3A_1377 : vector<16xi32>
    %gather3A_1379 = tpu.vector_load_idx %arg5[%add3A_1378] : memref<1280xf32, #tpu.memory_space<vmem>>[vector<16xi32>], vector<16xf32>,
    %mul3A_1380 = arith.constant 6.400000e+01 : f32
    %mul3A_1381 = vector.broadcast %mul3A_1380 : f32 to vector<16xf32>
    %mul3A_1382 = arith.mulf %gather3A_1372, %mul3A_1381 : vector<16xf32>
    %add3A_1383 = arith.constant 0x4B400000 : f32
    %add3A_1384 = vector.broadcast %add3A_1383 : f32 to vector<16xf32>
    %add3A_1385 = arith.addf %mul3A_1382, %add3A_1384 : vector<16xf32>
    %sub3A_1386 = arith.constant 0x4B400000 : f32
    %sub3A_1387 = vector.broadcast %sub3A_1386 : f32 to vector<16xf32>
    %sub3A_1388 = arith.subf %add3A_1385, %sub3A_1387 : vector<16xf32>
    %convert_element_type3A_1389 = arith.fptosi %sub3A_1388 : vector<16xf32> to vector<16xi32>
    %mul3A_1390 = arith.constant 6.400000e+01 : f32
    %mul3A_1391 = vector.broadcast %mul3A_1390 : f32 to vector<16xf32>
    %mul3A_1392 = arith.mulf %gather3A_1379, %mul3A_1391 : vector<16xf32>
    %add3A_1393 = arith.constant 0x4B400000 : f32
    %add3A_1394 = vector.broadcast %add3A_1393 : f32 to vector<16xf32>
    %add3A_1395 = arith.addf %mul3A_1392, %add3A_1394 : vector<16xf32>
    %sub3A_1396 = arith.constant 0x4B400000 : f32
    %sub3A_1397 = vector.broadcast %sub3A_1396 : f32 to vector<16xf32>
    %sub3A_1398 = arith.subf %add3A_1395, %sub3A_1397 : vector<16xf32>
    %convert_element_type3A_1399 = arith.fptosi %sub3A_1398 : vector<16xf32> to vector<16xi32>
    %add3A_1400 = vector.broadcast %mul3A_2 : i32 to vector<16xi32>
    %add3A_1401 = arith.addi %add3A_1400, %add3A_1368 : vector<16xi32>
    %mul3A_1402 = arith.constant 4096 : i32
    %mul3A_1403 = vector.broadcast %mul3A_1402 : i32 to vector<16xi32>
    %mul3A_1404 = arith.muli %add3A_1401, %mul3A_1403 : vector<16xi32>
    %mul3A_1405 = arith.constant 64 : i32
    %mul3A_1406 = vector.broadcast %mul3A_1405 : i32 to vector<16xi32>
    %mul3A_1407 = arith.muli %convert_element_type3A_1389, %mul3A_1406 : vector<16xi32>
    %add3A_1408 = arith.addi %mul3A_1404, %mul3A_1407 : vector<16xi32>
    %add3A_1409 = arith.addi %add3A_1408, %convert_element_type3A_1399 : vector<16xi32>
    %shift_right_arithmetic3A_1410 = arith.constant 7 : i32
    %shift_right_arithmetic3A_1411 = vector.broadcast %shift_right_arithmetic3A_1410 : i32 to vector<16xi32>
    %shift_right_arithmetic3A_1412 = arith.shrsi %add3A_1368, %shift_right_arithmetic3A_1411 : vector<16xi32>
    %and3A_1413 = arith.constant 127 : i32
    %and3A_1414 = vector.broadcast %and3A_1413 : i32 to vector<16xi32>
    %and3A_1415 = arith.andi %add3A_1368, %and3A_1414 : vector<16xi32>
    %shift_right_arithmetic3A_1416 = arith.constant 7 : i32
    %shift_right_arithmetic3A_1417 = vector.broadcast %shift_right_arithmetic3A_1416 : i32 to vector<16xi32>
    %shift_right_arithmetic3A_1418 = arith.shrsi %add3A_1409, %shift_right_arithmetic3A_1417 : vector<16xi32>
    tpu.vector_store_idx %arg6[%shift_right_arithmetic3A_1412, %and3A_1415], %shift_right_arithmetic3A_1418 : memref<5x128xi32, #tpu.memory_space<vmem>>[vector<16xi32>, vector<16xi32>], vector<16xi32>,
    %and3A_1419 = arith.constant 127 : i32
    %and3A_1420 = vector.broadcast %and3A_1419 : i32 to vector<16xi32>
    %and3A_1421 = arith.andi %add3A_1409, %and3A_1420 : vector<16xi32>
    tpu.vector_store_idx %arg7[%add3A_1368], %and3A_1421 : memref<640xi32, #tpu.memory_space<vmem>>[vector<16xi32>], vector<16xi32>,
    %mul3A_1422 = arith.constant 20 : i32
    %mul3A_1423 = vector.broadcast %mul3A_1422 : i32 to vector<16xi32>
    %mul3A_1424 = arith.muli %add3A_1185, %mul3A_1423 : vector<16xi32>
    %add3A_1425 = arith.constant 4 : i32
    %add3A_1426 = vector.broadcast %add3A_1425 : i32 to vector<16xi32>
    %add3A_1427 = arith.addi %mul3A_1424, %add3A_1426 : vector<16xi32>
    %mul3A_1428 = arith.constant 2 : i32
    %mul3A_1429 = vector.broadcast %mul3A_1428 : i32 to vector<16xi32>
    %mul3A_1430 = arith.muli %add3A_1427, %mul3A_1429 : vector<16xi32>
    %gather3A_1431 = tpu.vector_load_idx %arg5[%mul3A_1430] : memref<1280xf32, #tpu.memory_space<vmem>>[vector<16xi32>], vector<16xf32>,
    %mul3A_1432 = arith.constant 2 : i32
    %mul3A_1433 = vector.broadcast %mul3A_1432 : i32 to vector<16xi32>
    %mul3A_1434 = arith.muli %add3A_1427, %mul3A_1433 : vector<16xi32>
    %add3A_1435 = arith.constant 1 : i32
    %add3A_1436 = vector.broadcast %add3A_1435 : i32 to vector<16xi32>
    %add3A_1437 = arith.addi %mul3A_1434, %add3A_1436 : vector<16xi32>
    %gather3A_1438 = tpu.vector_load_idx %arg5[%add3A_1437] : memref<1280xf32, #tpu.memory_space<vmem>>[vector<16xi32>], vector<16xf32>,
    %mul3A_1439 = arith.constant 6.400000e+01 : f32
    %mul3A_1440 = vector.broadcast %mul3A_1439 : f32 to vector<16xf32>
    %mul3A_1441 = arith.mulf %gather3A_1431, %mul3A_1440 : vector<16xf32>
    %add3A_1442 = arith.constant 0x4B400000 : f32
    %add3A_1443 = vector.broadcast %add3A_1442 : f32 to vector<16xf32>
    %add3A_1444 = arith.addf %mul3A_1441, %add3A_1443 : vector<16xf32>
    %sub3A_1445 = arith.constant 0x4B400000 : f32
    %sub3A_1446 = vector.broadcast %sub3A_1445 : f32 to vector<16xf32>
    %sub3A_1447 = arith.subf %add3A_1444, %sub3A_1446 : vector<16xf32>
    %convert_element_type3A_1448 = arith.fptosi %sub3A_1447 : vector<16xf32> to vector<16xi32>
    %mul3A_1449 = arith.constant 6.400000e+01 : f32
    %mul3A_1450 = vector.broadcast %mul3A_1449 : f32 to vector<16xf32>
    %mul3A_1451 = arith.mulf %gather3A_1438, %mul3A_1450 : vector<16xf32>
    %add3A_1452 = arith.constant 0x4B400000 : f32
    %add3A_1453 = vector.broadcast %add3A_1452 : f32 to vector<16xf32>
    %add3A_1454 = arith.addf %mul3A_1451, %add3A_1453 : vector<16xf32>
    %sub3A_1455 = arith.constant 0x4B400000 : f32
    %sub3A_1456 = vector.broadcast %sub3A_1455 : f32 to vector<16xf32>
    %sub3A_1457 = arith.subf %add3A_1454, %sub3A_1456 : vector<16xf32>
    %convert_element_type3A_1458 = arith.fptosi %sub3A_1457 : vector<16xf32> to vector<16xi32>
    %add3A_1459 = vector.broadcast %mul3A_2 : i32 to vector<16xi32>
    %add3A_1460 = arith.addi %add3A_1459, %add3A_1427 : vector<16xi32>
    %mul3A_1461 = arith.constant 4096 : i32
    %mul3A_1462 = vector.broadcast %mul3A_1461 : i32 to vector<16xi32>
    %mul3A_1463 = arith.muli %add3A_1460, %mul3A_1462 : vector<16xi32>
    %mul3A_1464 = arith.constant 64 : i32
    %mul3A_1465 = vector.broadcast %mul3A_1464 : i32 to vector<16xi32>
    %mul3A_1466 = arith.muli %convert_element_type3A_1448, %mul3A_1465 : vector<16xi32>
    %add3A_1467 = arith.addi %mul3A_1463, %mul3A_1466 : vector<16xi32>
    %add3A_1468 = arith.addi %add3A_1467, %convert_element_type3A_1458 : vector<16xi32>
    %shift_right_arithmetic3A_1469 = arith.constant 7 : i32
    %shift_right_arithmetic3A_1470 = vector.broadcast %shift_right_arithmetic3A_1469 : i32 to vector<16xi32>
    %shift_right_arithmetic3A_1471 = arith.shrsi %add3A_1427, %shift_right_arithmetic3A_1470 : vector<16xi32>
    %and3A_1472 = arith.constant 127 : i32
    %and3A_1473 = vector.broadcast %and3A_1472 : i32 to vector<16xi32>
    %and3A_1474 = arith.andi %add3A_1427, %and3A_1473 : vector<16xi32>
    %shift_right_arithmetic3A_1475 = arith.constant 7 : i32
    %shift_right_arithmetic3A_1476 = vector.broadcast %shift_right_arithmetic3A_1475 : i32 to vector<16xi32>
    %shift_right_arithmetic3A_1477 = arith.shrsi %add3A_1468, %shift_right_arithmetic3A_1476 : vector<16xi32>
    tpu.vector_store_idx %arg6[%shift_right_arithmetic3A_1471, %and3A_1474], %shift_right_arithmetic3A_1477 : memref<5x128xi32, #tpu.memory_space<vmem>>[vector<16xi32>, vector<16xi32>], vector<16xi32>,
    %and3A_1478 = arith.constant 127 : i32
    %and3A_1479 = vector.broadcast %and3A_1478 : i32 to vector<16xi32>
    %and3A_1480 = arith.andi %add3A_1468, %and3A_1479 : vector<16xi32>
    tpu.vector_store_idx %arg7[%add3A_1427], %and3A_1480 : memref<640xi32, #tpu.memory_space<vmem>>[vector<16xi32>], vector<16xi32>,
    %mul3A_1481 = arith.constant 20 : i32
    %mul3A_1482 = vector.broadcast %mul3A_1481 : i32 to vector<16xi32>
    %mul3A_1483 = arith.muli %add3A_1185, %mul3A_1482 : vector<16xi32>
    %add3A_1484 = arith.constant 5 : i32
    %add3A_1485 = vector.broadcast %add3A_1484 : i32 to vector<16xi32>
    %add3A_1486 = arith.addi %mul3A_1483, %add3A_1485 : vector<16xi32>
    %mul3A_1487 = arith.constant 2 : i32
    %mul3A_1488 = vector.broadcast %mul3A_1487 : i32 to vector<16xi32>
    %mul3A_1489 = arith.muli %add3A_1486, %mul3A_1488 : vector<16xi32>
    %gather3A_1490 = tpu.vector_load_idx %arg5[%mul3A_1489] : memref<1280xf32, #tpu.memory_space<vmem>>[vector<16xi32>], vector<16xf32>,
    %mul3A_1491 = arith.constant 2 : i32
    %mul3A_1492 = vector.broadcast %mul3A_1491 : i32 to vector<16xi32>
    %mul3A_1493 = arith.muli %add3A_1486, %mul3A_1492 : vector<16xi32>
    %add3A_1494 = arith.constant 1 : i32
    %add3A_1495 = vector.broadcast %add3A_1494 : i32 to vector<16xi32>
    %add3A_1496 = arith.addi %mul3A_1493, %add3A_1495 : vector<16xi32>
    %gather3A_1497 = tpu.vector_load_idx %arg5[%add3A_1496] : memref<1280xf32, #tpu.memory_space<vmem>>[vector<16xi32>], vector<16xf32>,
    %mul3A_1498 = arith.constant 6.400000e+01 : f32
    %mul3A_1499 = vector.broadcast %mul3A_1498 : f32 to vector<16xf32>
    %mul3A_1500 = arith.mulf %gather3A_1490, %mul3A_1499 : vector<16xf32>
    %add3A_1501 = arith.constant 0x4B400000 : f32
    %add3A_1502 = vector.broadcast %add3A_1501 : f32 to vector<16xf32>
    %add3A_1503 = arith.addf %mul3A_1500, %add3A_1502 : vector<16xf32>
    %sub3A_1504 = arith.constant 0x4B400000 : f32
    %sub3A_1505 = vector.broadcast %sub3A_1504 : f32 to vector<16xf32>
    %sub3A_1506 = arith.subf %add3A_1503, %sub3A_1505 : vector<16xf32>
    %convert_element_type3A_1507 = arith.fptosi %sub3A_1506 : vector<16xf32> to vector<16xi32>
    %mul3A_1508 = arith.constant 6.400000e+01 : f32
    %mul3A_1509 = vector.broadcast %mul3A_1508 : f32 to vector<16xf32>
    %mul3A_1510 = arith.mulf %gather3A_1497, %mul3A_1509 : vector<16xf32>
    %add3A_1511 = arith.constant 0x4B400000 : f32
    %add3A_1512 = vector.broadcast %add3A_1511 : f32 to vector<16xf32>
    %add3A_1513 = arith.addf %mul3A_1510, %add3A_1512 : vector<16xf32>
    %sub3A_1514 = arith.constant 0x4B400000 : f32
    %sub3A_1515 = vector.broadcast %sub3A_1514 : f32 to vector<16xf32>
    %sub3A_1516 = arith.subf %add3A_1513, %sub3A_1515 : vector<16xf32>
    %convert_element_type3A_1517 = arith.fptosi %sub3A_1516 : vector<16xf32> to vector<16xi32>
    %add3A_1518 = vector.broadcast %mul3A_2 : i32 to vector<16xi32>
    %add3A_1519 = arith.addi %add3A_1518, %add3A_1486 : vector<16xi32>
    %mul3A_1520 = arith.constant 4096 : i32
    %mul3A_1521 = vector.broadcast %mul3A_1520 : i32 to vector<16xi32>
    %mul3A_1522 = arith.muli %add3A_1519, %mul3A_1521 : vector<16xi32>
    %mul3A_1523 = arith.constant 64 : i32
    %mul3A_1524 = vector.broadcast %mul3A_1523 : i32 to vector<16xi32>
    %mul3A_1525 = arith.muli %convert_element_type3A_1507, %mul3A_1524 : vector<16xi32>
    %add3A_1526 = arith.addi %mul3A_1522, %mul3A_1525 : vector<16xi32>
    %add3A_1527 = arith.addi %add3A_1526, %convert_element_type3A_1517 : vector<16xi32>
    %shift_right_arithmetic3A_1528 = arith.constant 7 : i32
    %shift_right_arithmetic3A_1529 = vector.broadcast %shift_right_arithmetic3A_1528 : i32 to vector<16xi32>
    %shift_right_arithmetic3A_1530 = arith.shrsi %add3A_1486, %shift_right_arithmetic3A_1529 : vector<16xi32>
    %and3A_1531 = arith.constant 127 : i32
    %and3A_1532 = vector.broadcast %and3A_1531 : i32 to vector<16xi32>
    %and3A_1533 = arith.andi %add3A_1486, %and3A_1532 : vector<16xi32>
    %shift_right_arithmetic3A_1534 = arith.constant 7 : i32
    %shift_right_arithmetic3A_1535 = vector.broadcast %shift_right_arithmetic3A_1534 : i32 to vector<16xi32>
    %shift_right_arithmetic3A_1536 = arith.shrsi %add3A_1527, %shift_right_arithmetic3A_1535 : vector<16xi32>
    tpu.vector_store_idx %arg6[%shift_right_arithmetic3A_1530, %and3A_1533], %shift_right_arithmetic3A_1536 : memref<5x128xi32, #tpu.memory_space<vmem>>[vector<16xi32>, vector<16xi32>], vector<16xi32>,
    %and3A_1537 = arith.constant 127 : i32
    %and3A_1538 = vector.broadcast %and3A_1537 : i32 to vector<16xi32>
    %and3A_1539 = arith.andi %add3A_1527, %and3A_1538 : vector<16xi32>
    tpu.vector_store_idx %arg7[%add3A_1486], %and3A_1539 : memref<640xi32, #tpu.memory_space<vmem>>[vector<16xi32>], vector<16xi32>,
    %mul3A_1540 = arith.constant 20 : i32
    %mul3A_1541 = vector.broadcast %mul3A_1540 : i32 to vector<16xi32>
    %mul3A_1542 = arith.muli %add3A_1185, %mul3A_1541 : vector<16xi32>
    %add3A_1543 = arith.constant 6 : i32
    %add3A_1544 = vector.broadcast %add3A_1543 : i32 to vector<16xi32>
    %add3A_1545 = arith.addi %mul3A_1542, %add3A_1544 : vector<16xi32>
    %mul3A_1546 = arith.constant 2 : i32
    %mul3A_1547 = vector.broadcast %mul3A_1546 : i32 to vector<16xi32>
    %mul3A_1548 = arith.muli %add3A_1545, %mul3A_1547 : vector<16xi32>
    %gather3A_1549 = tpu.vector_load_idx %arg5[%mul3A_1548] : memref<1280xf32, #tpu.memory_space<vmem>>[vector<16xi32>], vector<16xf32>,
    %mul3A_1550 = arith.constant 2 : i32
    %mul3A_1551 = vector.broadcast %mul3A_1550 : i32 to vector<16xi32>
    %mul3A_1552 = arith.muli %add3A_1545, %mul3A_1551 : vector<16xi32>
    %add3A_1553 = arith.constant 1 : i32
    %add3A_1554 = vector.broadcast %add3A_1553 : i32 to vector<16xi32>
    %add3A_1555 = arith.addi %mul3A_1552, %add3A_1554 : vector<16xi32>
    %gather3A_1556 = tpu.vector_load_idx %arg5[%add3A_1555] : memref<1280xf32, #tpu.memory_space<vmem>>[vector<16xi32>], vector<16xf32>,
    %mul3A_1557 = arith.constant 6.400000e+01 : f32
    %mul3A_1558 = vector.broadcast %mul3A_1557 : f32 to vector<16xf32>
    %mul3A_1559 = arith.mulf %gather3A_1549, %mul3A_1558 : vector<16xf32>
    %add3A_1560 = arith.constant 0x4B400000 : f32
    %add3A_1561 = vector.broadcast %add3A_1560 : f32 to vector<16xf32>
    %add3A_1562 = arith.addf %mul3A_1559, %add3A_1561 : vector<16xf32>
    %sub3A_1563 = arith.constant 0x4B400000 : f32
    %sub3A_1564 = vector.broadcast %sub3A_1563 : f32 to vector<16xf32>
    %sub3A_1565 = arith.subf %add3A_1562, %sub3A_1564 : vector<16xf32>
    %convert_element_type3A_1566 = arith.fptosi %sub3A_1565 : vector<16xf32> to vector<16xi32>
    %mul3A_1567 = arith.constant 6.400000e+01 : f32
    %mul3A_1568 = vector.broadcast %mul3A_1567 : f32 to vector<16xf32>
    %mul3A_1569 = arith.mulf %gather3A_1556, %mul3A_1568 : vector<16xf32>
    %add3A_1570 = arith.constant 0x4B400000 : f32
    %add3A_1571 = vector.broadcast %add3A_1570 : f32 to vector<16xf32>
    %add3A_1572 = arith.addf %mul3A_1569, %add3A_1571 : vector<16xf32>
    %sub3A_1573 = arith.constant 0x4B400000 : f32
    %sub3A_1574 = vector.broadcast %sub3A_1573 : f32 to vector<16xf32>
    %sub3A_1575 = arith.subf %add3A_1572, %sub3A_1574 : vector<16xf32>
    %convert_element_type3A_1576 = arith.fptosi %sub3A_1575 : vector<16xf32> to vector<16xi32>
    %add3A_1577 = vector.broadcast %mul3A_2 : i32 to vector<16xi32>
    %add3A_1578 = arith.addi %add3A_1577, %add3A_1545 : vector<16xi32>
    %mul3A_1579 = arith.constant 4096 : i32
    %mul3A_1580 = vector.broadcast %mul3A_1579 : i32 to vector<16xi32>
    %mul3A_1581 = arith.muli %add3A_1578, %mul3A_1580 : vector<16xi32>
    %mul3A_1582 = arith.constant 64 : i32
    %mul3A_1583 = vector.broadcast %mul3A_1582 : i32 to vector<16xi32>
    %mul3A_1584 = arith.muli %convert_element_type3A_1566, %mul3A_1583 : vector<16xi32>
    %add3A_1585 = arith.addi %mul3A_1581, %mul3A_1584 : vector<16xi32>
    %add3A_1586 = arith.addi %add3A_1585, %convert_element_type3A_1576 : vector<16xi32>
    %shift_right_arithmetic3A_1587 = arith.constant 7 : i32
    %shift_right_arithmetic3A_1588 = vector.broadcast %shift_right_arithmetic3A_1587 : i32 to vector<16xi32>
    %shift_right_arithmetic3A_1589 = arith.shrsi %add3A_1545, %shift_right_arithmetic3A_1588 : vector<16xi32>
    %and3A_1590 = arith.constant 127 : i32
    %and3A_1591 = vector.broadcast %and3A_1590 : i32 to vector<16xi32>
    %and3A_1592 = arith.andi %add3A_1545, %and3A_1591 : vector<16xi32>
    %shift_right_arithmetic3A_1593 = arith.constant 7 : i32
    %shift_right_arithmetic3A_1594 = vector.broadcast %shift_right_arithmetic3A_1593 : i32 to vector<16xi32>
    %shift_right_arithmetic3A_1595 = arith.shrsi %add3A_1586, %shift_right_arithmetic3A_1594 : vector<16xi32>
    tpu.vector_store_idx %arg6[%shift_right_arithmetic3A_1589, %and3A_1592], %shift_right_arithmetic3A_1595 : memref<5x128xi32, #tpu.memory_space<vmem>>[vector<16xi32>, vector<16xi32>], vector<16xi32>,
    %and3A_1596 = arith.constant 127 : i32
    %and3A_1597 = vector.broadcast %and3A_1596 : i32 to vector<16xi32>
    %and3A_1598 = arith.andi %add3A_1586, %and3A_1597 : vector<16xi32>
    tpu.vector_store_idx %arg7[%add3A_1545], %and3A_1598 : memref<640xi32, #tpu.memory_space<vmem>>[vector<16xi32>], vector<16xi32>,
    %mul3A_1599 = arith.constant 20 : i32
    %mul3A_1600 = vector.broadcast %mul3A_1599 : i32 to vector<16xi32>
    %mul3A_1601 = arith.muli %add3A_1185, %mul3A_1600 : vector<16xi32>
    %add3A_1602 = arith.constant 7 : i32
    %add3A_1603 = vector.broadcast %add3A_1602 : i32 to vector<16xi32>
    %add3A_1604 = arith.addi %mul3A_1601, %add3A_1603 : vector<16xi32>
    %mul3A_1605 = arith.constant 2 : i32
    %mul3A_1606 = vector.broadcast %mul3A_1605 : i32 to vector<16xi32>
    %mul3A_1607 = arith.muli %add3A_1604, %mul3A_1606 : vector<16xi32>
    %gather3A_1608 = tpu.vector_load_idx %arg5[%mul3A_1607] : memref<1280xf32, #tpu.memory_space<vmem>>[vector<16xi32>], vector<16xf32>,
    %mul3A_1609 = arith.constant 2 : i32
    %mul3A_1610 = vector.broadcast %mul3A_1609 : i32 to vector<16xi32>
    %mul3A_1611 = arith.muli %add3A_1604, %mul3A_1610 : vector<16xi32>
    %add3A_1612 = arith.constant 1 : i32
    %add3A_1613 = vector.broadcast %add3A_1612 : i32 to vector<16xi32>
    %add3A_1614 = arith.addi %mul3A_1611, %add3A_1613 : vector<16xi32>
    %gather3A_1615 = tpu.vector_load_idx %arg5[%add3A_1614] : memref<1280xf32, #tpu.memory_space<vmem>>[vector<16xi32>], vector<16xf32>,
    %mul3A_1616 = arith.constant 6.400000e+01 : f32
    %mul3A_1617 = vector.broadcast %mul3A_1616 : f32 to vector<16xf32>
    %mul3A_1618 = arith.mulf %gather3A_1608, %mul3A_1617 : vector<16xf32>
    %add3A_1619 = arith.constant 0x4B400000 : f32
    %add3A_1620 = vector.broadcast %add3A_1619 : f32 to vector<16xf32>
    %add3A_1621 = arith.addf %mul3A_1618, %add3A_1620 : vector<16xf32>
    %sub3A_1622 = arith.constant 0x4B400000 : f32
    %sub3A_1623 = vector.broadcast %sub3A_1622 : f32 to vector<16xf32>
    %sub3A_1624 = arith.subf %add3A_1621, %sub3A_1623 : vector<16xf32>
    %convert_element_type3A_1625 = arith.fptosi %sub3A_1624 : vector<16xf32> to vector<16xi32>
    %mul3A_1626 = arith.constant 6.400000e+01 : f32
    %mul3A_1627 = vector.broadcast %mul3A_1626 : f32 to vector<16xf32>
    %mul3A_1628 = arith.mulf %gather3A_1615, %mul3A_1627 : vector<16xf32>
    %add3A_1629 = arith.constant 0x4B400000 : f32
    %add3A_1630 = vector.broadcast %add3A_1629 : f32 to vector<16xf32>
    %add3A_1631 = arith.addf %mul3A_1628, %add3A_1630 : vector<16xf32>
    %sub3A_1632 = arith.constant 0x4B400000 : f32
    %sub3A_1633 = vector.broadcast %sub3A_1632 : f32 to vector<16xf32>
    %sub3A_1634 = arith.subf %add3A_1631, %sub3A_1633 : vector<16xf32>
    %convert_element_type3A_1635 = arith.fptosi %sub3A_1634 : vector<16xf32> to vector<16xi32>
    %add3A_1636 = vector.broadcast %mul3A_2 : i32 to vector<16xi32>
    %add3A_1637 = arith.addi %add3A_1636, %add3A_1604 : vector<16xi32>
    %mul3A_1638 = arith.constant 4096 : i32
    %mul3A_1639 = vector.broadcast %mul3A_1638 : i32 to vector<16xi32>
    %mul3A_1640 = arith.muli %add3A_1637, %mul3A_1639 : vector<16xi32>
    %mul3A_1641 = arith.constant 64 : i32
    %mul3A_1642 = vector.broadcast %mul3A_1641 : i32 to vector<16xi32>
    %mul3A_1643 = arith.muli %convert_element_type3A_1625, %mul3A_1642 : vector<16xi32>
    %add3A_1644 = arith.addi %mul3A_1640, %mul3A_1643 : vector<16xi32>
    %add3A_1645 = arith.addi %add3A_1644, %convert_element_type3A_1635 : vector<16xi32>
    %shift_right_arithmetic3A_1646 = arith.constant 7 : i32
    %shift_right_arithmetic3A_1647 = vector.broadcast %shift_right_arithmetic3A_1646 : i32 to vector<16xi32>
    %shift_right_arithmetic3A_1648 = arith.shrsi %add3A_1604, %shift_right_arithmetic3A_1647 : vector<16xi32>
    %and3A_1649 = arith.constant 127 : i32
    %and3A_1650 = vector.broadcast %and3A_1649 : i32 to vector<16xi32>
    %and3A_1651 = arith.andi %add3A_1604, %and3A_1650 : vector<16xi32>
    %shift_right_arithmetic3A_1652 = arith.constant 7 : i32
    %shift_right_arithmetic3A_1653 = vector.broadcast %shift_right_arithmetic3A_1652 : i32 to vector<16xi32>
    %shift_right_arithmetic3A_1654 = arith.shrsi %add3A_1645, %shift_right_arithmetic3A_1653 : vector<16xi32>
    tpu.vector_store_idx %arg6[%shift_right_arithmetic3A_1648, %and3A_1651], %shift_right_arithmetic3A_1654 : memref<5x128xi32, #tpu.memory_space<vmem>>[vector<16xi32>, vector<16xi32>], vector<16xi32>,
    %and3A_1655 = arith.constant 127 : i32
    %and3A_1656 = vector.broadcast %and3A_1655 : i32 to vector<16xi32>
    %and3A_1657 = arith.andi %add3A_1645, %and3A_1656 : vector<16xi32>
    tpu.vector_store_idx %arg7[%add3A_1604], %and3A_1657 : memref<640xi32, #tpu.memory_space<vmem>>[vector<16xi32>], vector<16xi32>,
    %mul3A_1658 = arith.constant 20 : i32
    %mul3A_1659 = vector.broadcast %mul3A_1658 : i32 to vector<16xi32>
    %mul3A_1660 = arith.muli %add3A_1185, %mul3A_1659 : vector<16xi32>
    %add3A_1661 = arith.constant 8 : i32
    %add3A_1662 = vector.broadcast %add3A_1661 : i32 to vector<16xi32>
    %add3A_1663 = arith.addi %mul3A_1660, %add3A_1662 : vector<16xi32>
    %mul3A_1664 = arith.constant 2 : i32
    %mul3A_1665 = vector.broadcast %mul3A_1664 : i32 to vector<16xi32>
    %mul3A_1666 = arith.muli %add3A_1663, %mul3A_1665 : vector<16xi32>
    %gather3A_1667 = tpu.vector_load_idx %arg5[%mul3A_1666] : memref<1280xf32, #tpu.memory_space<vmem>>[vector<16xi32>], vector<16xf32>,
    %mul3A_1668 = arith.constant 2 : i32
    %mul3A_1669 = vector.broadcast %mul3A_1668 : i32 to vector<16xi32>
    %mul3A_1670 = arith.muli %add3A_1663, %mul3A_1669 : vector<16xi32>
    %add3A_1671 = arith.constant 1 : i32
    %add3A_1672 = vector.broadcast %add3A_1671 : i32 to vector<16xi32>
    %add3A_1673 = arith.addi %mul3A_1670, %add3A_1672 : vector<16xi32>
    %gather3A_1674 = tpu.vector_load_idx %arg5[%add3A_1673] : memref<1280xf32, #tpu.memory_space<vmem>>[vector<16xi32>], vector<16xf32>,
    %mul3A_1675 = arith.constant 6.400000e+01 : f32
    %mul3A_1676 = vector.broadcast %mul3A_1675 : f32 to vector<16xf32>
    %mul3A_1677 = arith.mulf %gather3A_1667, %mul3A_1676 : vector<16xf32>
    %add3A_1678 = arith.constant 0x4B400000 : f32
    %add3A_1679 = vector.broadcast %add3A_1678 : f32 to vector<16xf32>
    %add3A_1680 = arith.addf %mul3A_1677, %add3A_1679 : vector<16xf32>
    %sub3A_1681 = arith.constant 0x4B400000 : f32
    %sub3A_1682 = vector.broadcast %sub3A_1681 : f32 to vector<16xf32>
    %sub3A_1683 = arith.subf %add3A_1680, %sub3A_1682 : vector<16xf32>
    %convert_element_type3A_1684 = arith.fptosi %sub3A_1683 : vector<16xf32> to vector<16xi32>
    %mul3A_1685 = arith.constant 6.400000e+01 : f32
    %mul3A_1686 = vector.broadcast %mul3A_1685 : f32 to vector<16xf32>
    %mul3A_1687 = arith.mulf %gather3A_1674, %mul3A_1686 : vector<16xf32>
    %add3A_1688 = arith.constant 0x4B400000 : f32
    %add3A_1689 = vector.broadcast %add3A_1688 : f32 to vector<16xf32>
    %add3A_1690 = arith.addf %mul3A_1687, %add3A_1689 : vector<16xf32>
    %sub3A_1691 = arith.constant 0x4B400000 : f32
    %sub3A_1692 = vector.broadcast %sub3A_1691 : f32 to vector<16xf32>
    %sub3A_1693 = arith.subf %add3A_1690, %sub3A_1692 : vector<16xf32>
    %convert_element_type3A_1694 = arith.fptosi %sub3A_1693 : vector<16xf32> to vector<16xi32>
    %add3A_1695 = vector.broadcast %mul3A_2 : i32 to vector<16xi32>
    %add3A_1696 = arith.addi %add3A_1695, %add3A_1663 : vector<16xi32>
    %mul3A_1697 = arith.constant 4096 : i32
    %mul3A_1698 = vector.broadcast %mul3A_1697 : i32 to vector<16xi32>
    %mul3A_1699 = arith.muli %add3A_1696, %mul3A_1698 : vector<16xi32>
    %mul3A_1700 = arith.constant 64 : i32
    %mul3A_1701 = vector.broadcast %mul3A_1700 : i32 to vector<16xi32>
    %mul3A_1702 = arith.muli %convert_element_type3A_1684, %mul3A_1701 : vector<16xi32>
    %add3A_1703 = arith.addi %mul3A_1699, %mul3A_1702 : vector<16xi32>
    %add3A_1704 = arith.addi %add3A_1703, %convert_element_type3A_1694 : vector<16xi32>
    %shift_right_arithmetic3A_1705 = arith.constant 7 : i32
    %shift_right_arithmetic3A_1706 = vector.broadcast %shift_right_arithmetic3A_1705 : i32 to vector<16xi32>
    %shift_right_arithmetic3A_1707 = arith.shrsi %add3A_1663, %shift_right_arithmetic3A_1706 : vector<16xi32>
    %and3A_1708 = arith.constant 127 : i32
    %and3A_1709 = vector.broadcast %and3A_1708 : i32 to vector<16xi32>
    %and3A_1710 = arith.andi %add3A_1663, %and3A_1709 : vector<16xi32>
    %shift_right_arithmetic3A_1711 = arith.constant 7 : i32
    %shift_right_arithmetic3A_1712 = vector.broadcast %shift_right_arithmetic3A_1711 : i32 to vector<16xi32>
    %shift_right_arithmetic3A_1713 = arith.shrsi %add3A_1704, %shift_right_arithmetic3A_1712 : vector<16xi32>
    tpu.vector_store_idx %arg6[%shift_right_arithmetic3A_1707, %and3A_1710], %shift_right_arithmetic3A_1713 : memref<5x128xi32, #tpu.memory_space<vmem>>[vector<16xi32>, vector<16xi32>], vector<16xi32>,
    %and3A_1714 = arith.constant 127 : i32
    %and3A_1715 = vector.broadcast %and3A_1714 : i32 to vector<16xi32>
    %and3A_1716 = arith.andi %add3A_1704, %and3A_1715 : vector<16xi32>
    tpu.vector_store_idx %arg7[%add3A_1663], %and3A_1716 : memref<640xi32, #tpu.memory_space<vmem>>[vector<16xi32>], vector<16xi32>,
    %mul3A_1717 = arith.constant 20 : i32
    %mul3A_1718 = vector.broadcast %mul3A_1717 : i32 to vector<16xi32>
    %mul3A_1719 = arith.muli %add3A_1185, %mul3A_1718 : vector<16xi32>
    %add3A_1720 = arith.constant 9 : i32
    %add3A_1721 = vector.broadcast %add3A_1720 : i32 to vector<16xi32>
    %add3A_1722 = arith.addi %mul3A_1719, %add3A_1721 : vector<16xi32>
    %mul3A_1723 = arith.constant 2 : i32
    %mul3A_1724 = vector.broadcast %mul3A_1723 : i32 to vector<16xi32>
    %mul3A_1725 = arith.muli %add3A_1722, %mul3A_1724 : vector<16xi32>
    %gather3A_1726 = tpu.vector_load_idx %arg5[%mul3A_1725] : memref<1280xf32, #tpu.memory_space<vmem>>[vector<16xi32>], vector<16xf32>,
    %mul3A_1727 = arith.constant 2 : i32
    %mul3A_1728 = vector.broadcast %mul3A_1727 : i32 to vector<16xi32>
    %mul3A_1729 = arith.muli %add3A_1722, %mul3A_1728 : vector<16xi32>
    %add3A_1730 = arith.constant 1 : i32
    %add3A_1731 = vector.broadcast %add3A_1730 : i32 to vector<16xi32>
    %add3A_1732 = arith.addi %mul3A_1729, %add3A_1731 : vector<16xi32>
    %gather3A_1733 = tpu.vector_load_idx %arg5[%add3A_1732] : memref<1280xf32, #tpu.memory_space<vmem>>[vector<16xi32>], vector<16xf32>,
    %mul3A_1734 = arith.constant 6.400000e+01 : f32
    %mul3A_1735 = vector.broadcast %mul3A_1734 : f32 to vector<16xf32>
    %mul3A_1736 = arith.mulf %gather3A_1726, %mul3A_1735 : vector<16xf32>
    %add3A_1737 = arith.constant 0x4B400000 : f32
    %add3A_1738 = vector.broadcast %add3A_1737 : f32 to vector<16xf32>
    %add3A_1739 = arith.addf %mul3A_1736, %add3A_1738 : vector<16xf32>
    %sub3A_1740 = arith.constant 0x4B400000 : f32
    %sub3A_1741 = vector.broadcast %sub3A_1740 : f32 to vector<16xf32>
    %sub3A_1742 = arith.subf %add3A_1739, %sub3A_1741 : vector<16xf32>
    %convert_element_type3A_1743 = arith.fptosi %sub3A_1742 : vector<16xf32> to vector<16xi32>
    %mul3A_1744 = arith.constant 6.400000e+01 : f32
    %mul3A_1745 = vector.broadcast %mul3A_1744 : f32 to vector<16xf32>
    %mul3A_1746 = arith.mulf %gather3A_1733, %mul3A_1745 : vector<16xf32>
    %add3A_1747 = arith.constant 0x4B400000 : f32
    %add3A_1748 = vector.broadcast %add3A_1747 : f32 to vector<16xf32>
    %add3A_1749 = arith.addf %mul3A_1746, %add3A_1748 : vector<16xf32>
    %sub3A_1750 = arith.constant 0x4B400000 : f32
    %sub3A_1751 = vector.broadcast %sub3A_1750 : f32 to vector<16xf32>
    %sub3A_1752 = arith.subf %add3A_1749, %sub3A_1751 : vector<16xf32>
    %convert_element_type3A_1753 = arith.fptosi %sub3A_1752 : vector<16xf32> to vector<16xi32>
    %add3A_1754 = vector.broadcast %mul3A_2 : i32 to vector<16xi32>
    %add3A_1755 = arith.addi %add3A_1754, %add3A_1722 : vector<16xi32>
    %mul3A_1756 = arith.constant 4096 : i32
    %mul3A_1757 = vector.broadcast %mul3A_1756 : i32 to vector<16xi32>
    %mul3A_1758 = arith.muli %add3A_1755, %mul3A_1757 : vector<16xi32>
    %mul3A_1759 = arith.constant 64 : i32
    %mul3A_1760 = vector.broadcast %mul3A_1759 : i32 to vector<16xi32>
    %mul3A_1761 = arith.muli %convert_element_type3A_1743, %mul3A_1760 : vector<16xi32>
    %add3A_1762 = arith.addi %mul3A_1758, %mul3A_1761 : vector<16xi32>
    %add3A_1763 = arith.addi %add3A_1762, %convert_element_type3A_1753 : vector<16xi32>
    %shift_right_arithmetic3A_1764 = arith.constant 7 : i32
    %shift_right_arithmetic3A_1765 = vector.broadcast %shift_right_arithmetic3A_1764 : i32 to vector<16xi32>
    %shift_right_arithmetic3A_1766 = arith.shrsi %add3A_1722, %shift_right_arithmetic3A_1765 : vector<16xi32>
    %and3A_1767 = arith.constant 127 : i32
    %and3A_1768 = vector.broadcast %and3A_1767 : i32 to vector<16xi32>
    %and3A_1769 = arith.andi %add3A_1722, %and3A_1768 : vector<16xi32>
    %shift_right_arithmetic3A_1770 = arith.constant 7 : i32
    %shift_right_arithmetic3A_1771 = vector.broadcast %shift_right_arithmetic3A_1770 : i32 to vector<16xi32>
    %shift_right_arithmetic3A_1772 = arith.shrsi %add3A_1763, %shift_right_arithmetic3A_1771 : vector<16xi32>
    tpu.vector_store_idx %arg6[%shift_right_arithmetic3A_1766, %and3A_1769], %shift_right_arithmetic3A_1772 : memref<5x128xi32, #tpu.memory_space<vmem>>[vector<16xi32>, vector<16xi32>], vector<16xi32>,
    %and3A_1773 = arith.constant 127 : i32
    %and3A_1774 = vector.broadcast %and3A_1773 : i32 to vector<16xi32>
    %and3A_1775 = arith.andi %add3A_1763, %and3A_1774 : vector<16xi32>
    tpu.vector_store_idx %arg7[%add3A_1722], %and3A_1775 : memref<640xi32, #tpu.memory_space<vmem>>[vector<16xi32>], vector<16xi32>,
    %mul3A_1776 = arith.constant 20 : i32
    %mul3A_1777 = vector.broadcast %mul3A_1776 : i32 to vector<16xi32>
    %mul3A_1778 = arith.muli %add3A_1185, %mul3A_1777 : vector<16xi32>
    %add3A_1779 = arith.constant 10 : i32
    %add3A_1780 = vector.broadcast %add3A_1779 : i32 to vector<16xi32>
    %add3A_1781 = arith.addi %mul3A_1778, %add3A_1780 : vector<16xi32>
    %mul3A_1782 = arith.constant 2 : i32
    %mul3A_1783 = vector.broadcast %mul3A_1782 : i32 to vector<16xi32>
    %mul3A_1784 = arith.muli %add3A_1781, %mul3A_1783 : vector<16xi32>
    %gather3A_1785 = tpu.vector_load_idx %arg5[%mul3A_1784] : memref<1280xf32, #tpu.memory_space<vmem>>[vector<16xi32>], vector<16xf32>,
    %mul3A_1786 = arith.constant 2 : i32
    %mul3A_1787 = vector.broadcast %mul3A_1786 : i32 to vector<16xi32>
    %mul3A_1788 = arith.muli %add3A_1781, %mul3A_1787 : vector<16xi32>
    %add3A_1789 = arith.constant 1 : i32
    %add3A_1790 = vector.broadcast %add3A_1789 : i32 to vector<16xi32>
    %add3A_1791 = arith.addi %mul3A_1788, %add3A_1790 : vector<16xi32>
    %gather3A_1792 = tpu.vector_load_idx %arg5[%add3A_1791] : memref<1280xf32, #tpu.memory_space<vmem>>[vector<16xi32>], vector<16xf32>,
    %mul3A_1793 = arith.constant 6.400000e+01 : f32
    %mul3A_1794 = vector.broadcast %mul3A_1793 : f32 to vector<16xf32>
    %mul3A_1795 = arith.mulf %gather3A_1785, %mul3A_1794 : vector<16xf32>
    %add3A_1796 = arith.constant 0x4B400000 : f32
    %add3A_1797 = vector.broadcast %add3A_1796 : f32 to vector<16xf32>
    %add3A_1798 = arith.addf %mul3A_1795, %add3A_1797 : vector<16xf32>
    %sub3A_1799 = arith.constant 0x4B400000 : f32
    %sub3A_1800 = vector.broadcast %sub3A_1799 : f32 to vector<16xf32>
    %sub3A_1801 = arith.subf %add3A_1798, %sub3A_1800 : vector<16xf32>
    %convert_element_type3A_1802 = arith.fptosi %sub3A_1801 : vector<16xf32> to vector<16xi32>
    %mul3A_1803 = arith.constant 6.400000e+01 : f32
    %mul3A_1804 = vector.broadcast %mul3A_1803 : f32 to vector<16xf32>
    %mul3A_1805 = arith.mulf %gather3A_1792, %mul3A_1804 : vector<16xf32>
    %add3A_1806 = arith.constant 0x4B400000 : f32
    %add3A_1807 = vector.broadcast %add3A_1806 : f32 to vector<16xf32>
    %add3A_1808 = arith.addf %mul3A_1805, %add3A_1807 : vector<16xf32>
    %sub3A_1809 = arith.constant 0x4B400000 : f32
    %sub3A_1810 = vector.broadcast %sub3A_1809 : f32 to vector<16xf32>
    %sub3A_1811 = arith.subf %add3A_1808, %sub3A_1810 : vector<16xf32>
    %convert_element_type3A_1812 = arith.fptosi %sub3A_1811 : vector<16xf32> to vector<16xi32>
    %add3A_1813 = vector.broadcast %mul3A_2 : i32 to vector<16xi32>
    %add3A_1814 = arith.addi %add3A_1813, %add3A_1781 : vector<16xi32>
    %mul3A_1815 = arith.constant 4096 : i32
    %mul3A_1816 = vector.broadcast %mul3A_1815 : i32 to vector<16xi32>
    %mul3A_1817 = arith.muli %add3A_1814, %mul3A_1816 : vector<16xi32>
    %mul3A_1818 = arith.constant 64 : i32
    %mul3A_1819 = vector.broadcast %mul3A_1818 : i32 to vector<16xi32>
    %mul3A_1820 = arith.muli %convert_element_type3A_1802, %mul3A_1819 : vector<16xi32>
    %add3A_1821 = arith.addi %mul3A_1817, %mul3A_1820 : vector<16xi32>
    %add3A_1822 = arith.addi %add3A_1821, %convert_element_type3A_1812 : vector<16xi32>
    %shift_right_arithmetic3A_1823 = arith.constant 7 : i32
    %shift_right_arithmetic3A_1824 = vector.broadcast %shift_right_arithmetic3A_1823 : i32 to vector<16xi32>
    %shift_right_arithmetic3A_1825 = arith.shrsi %add3A_1781, %shift_right_arithmetic3A_1824 : vector<16xi32>
    %and3A_1826 = arith.constant 127 : i32
    %and3A_1827 = vector.broadcast %and3A_1826 : i32 to vector<16xi32>
    %and3A_1828 = arith.andi %add3A_1781, %and3A_1827 : vector<16xi32>
    %shift_right_arithmetic3A_1829 = arith.constant 7 : i32
    %shift_right_arithmetic3A_1830 = vector.broadcast %shift_right_arithmetic3A_1829 : i32 to vector<16xi32>
    %shift_right_arithmetic3A_1831 = arith.shrsi %add3A_1822, %shift_right_arithmetic3A_1830 : vector<16xi32>
    tpu.vector_store_idx %arg6[%shift_right_arithmetic3A_1825, %and3A_1828], %shift_right_arithmetic3A_1831 : memref<5x128xi32, #tpu.memory_space<vmem>>[vector<16xi32>, vector<16xi32>], vector<16xi32>,
    %and3A_1832 = arith.constant 127 : i32
    %and3A_1833 = vector.broadcast %and3A_1832 : i32 to vector<16xi32>
    %and3A_1834 = arith.andi %add3A_1822, %and3A_1833 : vector<16xi32>
    tpu.vector_store_idx %arg7[%add3A_1781], %and3A_1834 : memref<640xi32, #tpu.memory_space<vmem>>[vector<16xi32>], vector<16xi32>,
    %mul3A_1835 = arith.constant 20 : i32
    %mul3A_1836 = vector.broadcast %mul3A_1835 : i32 to vector<16xi32>
    %mul3A_1837 = arith.muli %add3A_1185, %mul3A_1836 : vector<16xi32>
    %add3A_1838 = arith.constant 11 : i32
    %add3A_1839 = vector.broadcast %add3A_1838 : i32 to vector<16xi32>
    %add3A_1840 = arith.addi %mul3A_1837, %add3A_1839 : vector<16xi32>
    %mul3A_1841 = arith.constant 2 : i32
    %mul3A_1842 = vector.broadcast %mul3A_1841 : i32 to vector<16xi32>
    %mul3A_1843 = arith.muli %add3A_1840, %mul3A_1842 : vector<16xi32>
    %gather3A_1844 = tpu.vector_load_idx %arg5[%mul3A_1843] : memref<1280xf32, #tpu.memory_space<vmem>>[vector<16xi32>], vector<16xf32>,
    %mul3A_1845 = arith.constant 2 : i32
    %mul3A_1846 = vector.broadcast %mul3A_1845 : i32 to vector<16xi32>
    %mul3A_1847 = arith.muli %add3A_1840, %mul3A_1846 : vector<16xi32>
    %add3A_1848 = arith.constant 1 : i32
    %add3A_1849 = vector.broadcast %add3A_1848 : i32 to vector<16xi32>
    %add3A_1850 = arith.addi %mul3A_1847, %add3A_1849 : vector<16xi32>
    %gather3A_1851 = tpu.vector_load_idx %arg5[%add3A_1850] : memref<1280xf32, #tpu.memory_space<vmem>>[vector<16xi32>], vector<16xf32>,
    %mul3A_1852 = arith.constant 6.400000e+01 : f32
    %mul3A_1853 = vector.broadcast %mul3A_1852 : f32 to vector<16xf32>
    %mul3A_1854 = arith.mulf %gather3A_1844, %mul3A_1853 : vector<16xf32>
    %add3A_1855 = arith.constant 0x4B400000 : f32
    %add3A_1856 = vector.broadcast %add3A_1855 : f32 to vector<16xf32>
    %add3A_1857 = arith.addf %mul3A_1854, %add3A_1856 : vector<16xf32>
    %sub3A_1858 = arith.constant 0x4B400000 : f32
    %sub3A_1859 = vector.broadcast %sub3A_1858 : f32 to vector<16xf32>
    %sub3A_1860 = arith.subf %add3A_1857, %sub3A_1859 : vector<16xf32>
    %convert_element_type3A_1861 = arith.fptosi %sub3A_1860 : vector<16xf32> to vector<16xi32>
    %mul3A_1862 = arith.constant 6.400000e+01 : f32
    %mul3A_1863 = vector.broadcast %mul3A_1862 : f32 to vector<16xf32>
    %mul3A_1864 = arith.mulf %gather3A_1851, %mul3A_1863 : vector<16xf32>
    %add3A_1865 = arith.constant 0x4B400000 : f32
    %add3A_1866 = vector.broadcast %add3A_1865 : f32 to vector<16xf32>
    %add3A_1867 = arith.addf %mul3A_1864, %add3A_1866 : vector<16xf32>
    %sub3A_1868 = arith.constant 0x4B400000 : f32
    %sub3A_1869 = vector.broadcast %sub3A_1868 : f32 to vector<16xf32>
    %sub3A_1870 = arith.subf %add3A_1867, %sub3A_1869 : vector<16xf32>
    %convert_element_type3A_1871 = arith.fptosi %sub3A_1870 : vector<16xf32> to vector<16xi32>
    %add3A_1872 = vector.broadcast %mul3A_2 : i32 to vector<16xi32>
    %add3A_1873 = arith.addi %add3A_1872, %add3A_1840 : vector<16xi32>
    %mul3A_1874 = arith.constant 4096 : i32
    %mul3A_1875 = vector.broadcast %mul3A_1874 : i32 to vector<16xi32>
    %mul3A_1876 = arith.muli %add3A_1873, %mul3A_1875 : vector<16xi32>
    %mul3A_1877 = arith.constant 64 : i32
    %mul3A_1878 = vector.broadcast %mul3A_1877 : i32 to vector<16xi32>
    %mul3A_1879 = arith.muli %convert_element_type3A_1861, %mul3A_1878 : vector<16xi32>
    %add3A_1880 = arith.addi %mul3A_1876, %mul3A_1879 : vector<16xi32>
    %add3A_1881 = arith.addi %add3A_1880, %convert_element_type3A_1871 : vector<16xi32>
    %shift_right_arithmetic3A_1882 = arith.constant 7 : i32
    %shift_right_arithmetic3A_1883 = vector.broadcast %shift_right_arithmetic3A_1882 : i32 to vector<16xi32>
    %shift_right_arithmetic3A_1884 = arith.shrsi %add3A_1840, %shift_right_arithmetic3A_1883 : vector<16xi32>
    %and3A_1885 = arith.constant 127 : i32
    %and3A_1886 = vector.broadcast %and3A_1885 : i32 to vector<16xi32>
    %and3A_1887 = arith.andi %add3A_1840, %and3A_1886 : vector<16xi32>
    %shift_right_arithmetic3A_1888 = arith.constant 7 : i32
    %shift_right_arithmetic3A_1889 = vector.broadcast %shift_right_arithmetic3A_1888 : i32 to vector<16xi32>
    %shift_right_arithmetic3A_1890 = arith.shrsi %add3A_1881, %shift_right_arithmetic3A_1889 : vector<16xi32>
    tpu.vector_store_idx %arg6[%shift_right_arithmetic3A_1884, %and3A_1887], %shift_right_arithmetic3A_1890 : memref<5x128xi32, #tpu.memory_space<vmem>>[vector<16xi32>, vector<16xi32>], vector<16xi32>,
    %and3A_1891 = arith.constant 127 : i32
    %and3A_1892 = vector.broadcast %and3A_1891 : i32 to vector<16xi32>
    %and3A_1893 = arith.andi %add3A_1881, %and3A_1892 : vector<16xi32>
    tpu.vector_store_idx %arg7[%add3A_1840], %and3A_1893 : memref<640xi32, #tpu.memory_space<vmem>>[vector<16xi32>], vector<16xi32>,
    %mul3A_1894 = arith.constant 20 : i32
    %mul3A_1895 = vector.broadcast %mul3A_1894 : i32 to vector<16xi32>
    %mul3A_1896 = arith.muli %add3A_1185, %mul3A_1895 : vector<16xi32>
    %add3A_1897 = arith.constant 12 : i32
    %add3A_1898 = vector.broadcast %add3A_1897 : i32 to vector<16xi32>
    %add3A_1899 = arith.addi %mul3A_1896, %add3A_1898 : vector<16xi32>
    %mul3A_1900 = arith.constant 2 : i32
    %mul3A_1901 = vector.broadcast %mul3A_1900 : i32 to vector<16xi32>
    %mul3A_1902 = arith.muli %add3A_1899, %mul3A_1901 : vector<16xi32>
    %gather3A_1903 = tpu.vector_load_idx %arg5[%mul3A_1902] : memref<1280xf32, #tpu.memory_space<vmem>>[vector<16xi32>], vector<16xf32>,
    %mul3A_1904 = arith.constant 2 : i32
    %mul3A_1905 = vector.broadcast %mul3A_1904 : i32 to vector<16xi32>
    %mul3A_1906 = arith.muli %add3A_1899, %mul3A_1905 : vector<16xi32>
    %add3A_1907 = arith.constant 1 : i32
    %add3A_1908 = vector.broadcast %add3A_1907 : i32 to vector<16xi32>
    %add3A_1909 = arith.addi %mul3A_1906, %add3A_1908 : vector<16xi32>
    %gather3A_1910 = tpu.vector_load_idx %arg5[%add3A_1909] : memref<1280xf32, #tpu.memory_space<vmem>>[vector<16xi32>], vector<16xf32>,
    %mul3A_1911 = arith.constant 6.400000e+01 : f32
    %mul3A_1912 = vector.broadcast %mul3A_1911 : f32 to vector<16xf32>
    %mul3A_1913 = arith.mulf %gather3A_1903, %mul3A_1912 : vector<16xf32>
    %add3A_1914 = arith.constant 0x4B400000 : f32
    %add3A_1915 = vector.broadcast %add3A_1914 : f32 to vector<16xf32>
    %add3A_1916 = arith.addf %mul3A_1913, %add3A_1915 : vector<16xf32>
    %sub3A_1917 = arith.constant 0x4B400000 : f32
    %sub3A_1918 = vector.broadcast %sub3A_1917 : f32 to vector<16xf32>
    %sub3A_1919 = arith.subf %add3A_1916, %sub3A_1918 : vector<16xf32>
    %convert_element_type3A_1920 = arith.fptosi %sub3A_1919 : vector<16xf32> to vector<16xi32>
    %mul3A_1921 = arith.constant 6.400000e+01 : f32
    %mul3A_1922 = vector.broadcast %mul3A_1921 : f32 to vector<16xf32>
    %mul3A_1923 = arith.mulf %gather3A_1910, %mul3A_1922 : vector<16xf32>
    %add3A_1924 = arith.constant 0x4B400000 : f32
    %add3A_1925 = vector.broadcast %add3A_1924 : f32 to vector<16xf32>
    %add3A_1926 = arith.addf %mul3A_1923, %add3A_1925 : vector<16xf32>
    %sub3A_1927 = arith.constant 0x4B400000 : f32
    %sub3A_1928 = vector.broadcast %sub3A_1927 : f32 to vector<16xf32>
    %sub3A_1929 = arith.subf %add3A_1926, %sub3A_1928 : vector<16xf32>
    %convert_element_type3A_1930 = arith.fptosi %sub3A_1929 : vector<16xf32> to vector<16xi32>
    %add3A_1931 = vector.broadcast %mul3A_2 : i32 to vector<16xi32>
    %add3A_1932 = arith.addi %add3A_1931, %add3A_1899 : vector<16xi32>
    %mul3A_1933 = arith.constant 4096 : i32
    %mul3A_1934 = vector.broadcast %mul3A_1933 : i32 to vector<16xi32>
    %mul3A_1935 = arith.muli %add3A_1932, %mul3A_1934 : vector<16xi32>
    %mul3A_1936 = arith.constant 64 : i32
    %mul3A_1937 = vector.broadcast %mul3A_1936 : i32 to vector<16xi32>
    %mul3A_1938 = arith.muli %convert_element_type3A_1920, %mul3A_1937 : vector<16xi32>
    %add3A_1939 = arith.addi %mul3A_1935, %mul3A_1938 : vector<16xi32>
    %add3A_1940 = arith.addi %add3A_1939, %convert_element_type3A_1930 : vector<16xi32>
    %shift_right_arithmetic3A_1941 = arith.constant 7 : i32
    %shift_right_arithmetic3A_1942 = vector.broadcast %shift_right_arithmetic3A_1941 : i32 to vector<16xi32>
    %shift_right_arithmetic3A_1943 = arith.shrsi %add3A_1899, %shift_right_arithmetic3A_1942 : vector<16xi32>
    %and3A_1944 = arith.constant 127 : i32
    %and3A_1945 = vector.broadcast %and3A_1944 : i32 to vector<16xi32>
    %and3A_1946 = arith.andi %add3A_1899, %and3A_1945 : vector<16xi32>
    %shift_right_arithmetic3A_1947 = arith.constant 7 : i32
    %shift_right_arithmetic3A_1948 = vector.broadcast %shift_right_arithmetic3A_1947 : i32 to vector<16xi32>
    %shift_right_arithmetic3A_1949 = arith.shrsi %add3A_1940, %shift_right_arithmetic3A_1948 : vector<16xi32>
    tpu.vector_store_idx %arg6[%shift_right_arithmetic3A_1943, %and3A_1946], %shift_right_arithmetic3A_1949 : memref<5x128xi32, #tpu.memory_space<vmem>>[vector<16xi32>, vector<16xi32>], vector<16xi32>,
    %and3A_1950 = arith.constant 127 : i32
    %and3A_1951 = vector.broadcast %and3A_1950 : i32 to vector<16xi32>
    %and3A_1952 = arith.andi %add3A_1940, %and3A_1951 : vector<16xi32>
    tpu.vector_store_idx %arg7[%add3A_1899], %and3A_1952 : memref<640xi32, #tpu.memory_space<vmem>>[vector<16xi32>], vector<16xi32>,
    %mul3A_1953 = arith.constant 20 : i32
    %mul3A_1954 = vector.broadcast %mul3A_1953 : i32 to vector<16xi32>
    %mul3A_1955 = arith.muli %add3A_1185, %mul3A_1954 : vector<16xi32>
    %add3A_1956 = arith.constant 13 : i32
    %add3A_1957 = vector.broadcast %add3A_1956 : i32 to vector<16xi32>
    %add3A_1958 = arith.addi %mul3A_1955, %add3A_1957 : vector<16xi32>
    %mul3A_1959 = arith.constant 2 : i32
    %mul3A_1960 = vector.broadcast %mul3A_1959 : i32 to vector<16xi32>
    %mul3A_1961 = arith.muli %add3A_1958, %mul3A_1960 : vector<16xi32>
    %gather3A_1962 = tpu.vector_load_idx %arg5[%mul3A_1961] : memref<1280xf32, #tpu.memory_space<vmem>>[vector<16xi32>], vector<16xf32>,
    %mul3A_1963 = arith.constant 2 : i32
    %mul3A_1964 = vector.broadcast %mul3A_1963 : i32 to vector<16xi32>
    %mul3A_1965 = arith.muli %add3A_1958, %mul3A_1964 : vector<16xi32>
    %add3A_1966 = arith.constant 1 : i32
    %add3A_1967 = vector.broadcast %add3A_1966 : i32 to vector<16xi32>
    %add3A_1968 = arith.addi %mul3A_1965, %add3A_1967 : vector<16xi32>
    %gather3A_1969 = tpu.vector_load_idx %arg5[%add3A_1968] : memref<1280xf32, #tpu.memory_space<vmem>>[vector<16xi32>], vector<16xf32>,
    %mul3A_1970 = arith.constant 6.400000e+01 : f32
    %mul3A_1971 = vector.broadcast %mul3A_1970 : f32 to vector<16xf32>
    %mul3A_1972 = arith.mulf %gather3A_1962, %mul3A_1971 : vector<16xf32>
    %add3A_1973 = arith.constant 0x4B400000 : f32
    %add3A_1974 = vector.broadcast %add3A_1973 : f32 to vector<16xf32>
    %add3A_1975 = arith.addf %mul3A_1972, %add3A_1974 : vector<16xf32>
    %sub3A_1976 = arith.constant 0x4B400000 : f32
    %sub3A_1977 = vector.broadcast %sub3A_1976 : f32 to vector<16xf32>
    %sub3A_1978 = arith.subf %add3A_1975, %sub3A_1977 : vector<16xf32>
    %convert_element_type3A_1979 = arith.fptosi %sub3A_1978 : vector<16xf32> to vector<16xi32>
    %mul3A_1980 = arith.constant 6.400000e+01 : f32
    %mul3A_1981 = vector.broadcast %mul3A_1980 : f32 to vector<16xf32>
    %mul3A_1982 = arith.mulf %gather3A_1969, %mul3A_1981 : vector<16xf32>
    %add3A_1983 = arith.constant 0x4B400000 : f32
    %add3A_1984 = vector.broadcast %add3A_1983 : f32 to vector<16xf32>
    %add3A_1985 = arith.addf %mul3A_1982, %add3A_1984 : vector<16xf32>
    %sub3A_1986 = arith.constant 0x4B400000 : f32
    %sub3A_1987 = vector.broadcast %sub3A_1986 : f32 to vector<16xf32>
    %sub3A_1988 = arith.subf %add3A_1985, %sub3A_1987 : vector<16xf32>
    %convert_element_type3A_1989 = arith.fptosi %sub3A_1988 : vector<16xf32> to vector<16xi32>
    %add3A_1990 = vector.broadcast %mul3A_2 : i32 to vector<16xi32>
    %add3A_1991 = arith.addi %add3A_1990, %add3A_1958 : vector<16xi32>
    %mul3A_1992 = arith.constant 4096 : i32
    %mul3A_1993 = vector.broadcast %mul3A_1992 : i32 to vector<16xi32>
    %mul3A_1994 = arith.muli %add3A_1991, %mul3A_1993 : vector<16xi32>
    %mul3A_1995 = arith.constant 64 : i32
    %mul3A_1996 = vector.broadcast %mul3A_1995 : i32 to vector<16xi32>
    %mul3A_1997 = arith.muli %convert_element_type3A_1979, %mul3A_1996 : vector<16xi32>
    %add3A_1998 = arith.addi %mul3A_1994, %mul3A_1997 : vector<16xi32>
    %add3A_1999 = arith.addi %add3A_1998, %convert_element_type3A_1989 : vector<16xi32>
    %shift_right_arithmetic3A_2000 = arith.constant 7 : i32
    %shift_right_arithmetic3A_2001 = vector.broadcast %shift_right_arithmetic3A_2000 : i32 to vector<16xi32>
    %shift_right_arithmetic3A_2002 = arith.shrsi %add3A_1958, %shift_right_arithmetic3A_2001 : vector<16xi32>
    %and3A_2003 = arith.constant 127 : i32
    %and3A_2004 = vector.broadcast %and3A_2003 : i32 to vector<16xi32>
    %and3A_2005 = arith.andi %add3A_1958, %and3A_2004 : vector<16xi32>
    %shift_right_arithmetic3A_2006 = arith.constant 7 : i32
    %shift_right_arithmetic3A_2007 = vector.broadcast %shift_right_arithmetic3A_2006 : i32 to vector<16xi32>
    %shift_right_arithmetic3A_2008 = arith.shrsi %add3A_1999, %shift_right_arithmetic3A_2007 : vector<16xi32>
    tpu.vector_store_idx %arg6[%shift_right_arithmetic3A_2002, %and3A_2005], %shift_right_arithmetic3A_2008 : memref<5x128xi32, #tpu.memory_space<vmem>>[vector<16xi32>, vector<16xi32>], vector<16xi32>,
    %and3A_2009 = arith.constant 127 : i32
    %and3A_2010 = vector.broadcast %and3A_2009 : i32 to vector<16xi32>
    %and3A_2011 = arith.andi %add3A_1999, %and3A_2010 : vector<16xi32>
    tpu.vector_store_idx %arg7[%add3A_1958], %and3A_2011 : memref<640xi32, #tpu.memory_space<vmem>>[vector<16xi32>], vector<16xi32>,
    %mul3A_2012 = arith.constant 20 : i32
    %mul3A_2013 = vector.broadcast %mul3A_2012 : i32 to vector<16xi32>
    %mul3A_2014 = arith.muli %add3A_1185, %mul3A_2013 : vector<16xi32>
    %add3A_2015 = arith.constant 14 : i32
    %add3A_2016 = vector.broadcast %add3A_2015 : i32 to vector<16xi32>
    %add3A_2017 = arith.addi %mul3A_2014, %add3A_2016 : vector<16xi32>
    %mul3A_2018 = arith.constant 2 : i32
    %mul3A_2019 = vector.broadcast %mul3A_2018 : i32 to vector<16xi32>
    %mul3A_2020 = arith.muli %add3A_2017, %mul3A_2019 : vector<16xi32>
    %gather3A_2021 = tpu.vector_load_idx %arg5[%mul3A_2020] : memref<1280xf32, #tpu.memory_space<vmem>>[vector<16xi32>], vector<16xf32>,
    %mul3A_2022 = arith.constant 2 : i32
    %mul3A_2023 = vector.broadcast %mul3A_2022 : i32 to vector<16xi32>
    %mul3A_2024 = arith.muli %add3A_2017, %mul3A_2023 : vector<16xi32>
    %add3A_2025 = arith.constant 1 : i32
    %add3A_2026 = vector.broadcast %add3A_2025 : i32 to vector<16xi32>
    %add3A_2027 = arith.addi %mul3A_2024, %add3A_2026 : vector<16xi32>
    %gather3A_2028 = tpu.vector_load_idx %arg5[%add3A_2027] : memref<1280xf32, #tpu.memory_space<vmem>>[vector<16xi32>], vector<16xf32>,
    %mul3A_2029 = arith.constant 6.400000e+01 : f32
    %mul3A_2030 = vector.broadcast %mul3A_2029 : f32 to vector<16xf32>
    %mul3A_2031 = arith.mulf %gather3A_2021, %mul3A_2030 : vector<16xf32>
    %add3A_2032 = arith.constant 0x4B400000 : f32
    %add3A_2033 = vector.broadcast %add3A_2032 : f32 to vector<16xf32>
    %add3A_2034 = arith.addf %mul3A_2031, %add3A_2033 : vector<16xf32>
    %sub3A_2035 = arith.constant 0x4B400000 : f32
    %sub3A_2036 = vector.broadcast %sub3A_2035 : f32 to vector<16xf32>
    %sub3A_2037 = arith.subf %add3A_2034, %sub3A_2036 : vector<16xf32>
    %convert_element_type3A_2038 = arith.fptosi %sub3A_2037 : vector<16xf32> to vector<16xi32>
    %mul3A_2039 = arith.constant 6.400000e+01 : f32
    %mul3A_2040 = vector.broadcast %mul3A_2039 : f32 to vector<16xf32>
    %mul3A_2041 = arith.mulf %gather3A_2028, %mul3A_2040 : vector<16xf32>
    %add3A_2042 = arith.constant 0x4B400000 : f32
    %add3A_2043 = vector.broadcast %add3A_2042 : f32 to vector<16xf32>
    %add3A_2044 = arith.addf %mul3A_2041, %add3A_2043 : vector<16xf32>
    %sub3A_2045 = arith.constant 0x4B400000 : f32
    %sub3A_2046 = vector.broadcast %sub3A_2045 : f32 to vector<16xf32>
    %sub3A_2047 = arith.subf %add3A_2044, %sub3A_2046 : vector<16xf32>
    %convert_element_type3A_2048 = arith.fptosi %sub3A_2047 : vector<16xf32> to vector<16xi32>
    %add3A_2049 = vector.broadcast %mul3A_2 : i32 to vector<16xi32>
    %add3A_2050 = arith.addi %add3A_2049, %add3A_2017 : vector<16xi32>
    %mul3A_2051 = arith.constant 4096 : i32
    %mul3A_2052 = vector.broadcast %mul3A_2051 : i32 to vector<16xi32>
    %mul3A_2053 = arith.muli %add3A_2050, %mul3A_2052 : vector<16xi32>
    %mul3A_2054 = arith.constant 64 : i32
    %mul3A_2055 = vector.broadcast %mul3A_2054 : i32 to vector<16xi32>
    %mul3A_2056 = arith.muli %convert_element_type3A_2038, %mul3A_2055 : vector<16xi32>
    %add3A_2057 = arith.addi %mul3A_2053, %mul3A_2056 : vector<16xi32>
    %add3A_2058 = arith.addi %add3A_2057, %convert_element_type3A_2048 : vector<16xi32>
    %shift_right_arithmetic3A_2059 = arith.constant 7 : i32
    %shift_right_arithmetic3A_2060 = vector.broadcast %shift_right_arithmetic3A_2059 : i32 to vector<16xi32>
    %shift_right_arithmetic3A_2061 = arith.shrsi %add3A_2017, %shift_right_arithmetic3A_2060 : vector<16xi32>
    %and3A_2062 = arith.constant 127 : i32
    %and3A_2063 = vector.broadcast %and3A_2062 : i32 to vector<16xi32>
    %and3A_2064 = arith.andi %add3A_2017, %and3A_2063 : vector<16xi32>
    %shift_right_arithmetic3A_2065 = arith.constant 7 : i32
    %shift_right_arithmetic3A_2066 = vector.broadcast %shift_right_arithmetic3A_2065 : i32 to vector<16xi32>
    %shift_right_arithmetic3A_2067 = arith.shrsi %add3A_2058, %shift_right_arithmetic3A_2066 : vector<16xi32>
    tpu.vector_store_idx %arg6[%shift_right_arithmetic3A_2061, %and3A_2064], %shift_right_arithmetic3A_2067 : memref<5x128xi32, #tpu.memory_space<vmem>>[vector<16xi32>, vector<16xi32>], vector<16xi32>,
    %and3A_2068 = arith.constant 127 : i32
    %and3A_2069 = vector.broadcast %and3A_2068 : i32 to vector<16xi32>
    %and3A_2070 = arith.andi %add3A_2058, %and3A_2069 : vector<16xi32>
    tpu.vector_store_idx %arg7[%add3A_2017], %and3A_2070 : memref<640xi32, #tpu.memory_space<vmem>>[vector<16xi32>], vector<16xi32>,
    %mul3A_2071 = arith.constant 20 : i32
    %mul3A_2072 = vector.broadcast %mul3A_2071 : i32 to vector<16xi32>
    %mul3A_2073 = arith.muli %add3A_1185, %mul3A_2072 : vector<16xi32>
    %add3A_2074 = arith.constant 15 : i32
    %add3A_2075 = vector.broadcast %add3A_2074 : i32 to vector<16xi32>
    %add3A_2076 = arith.addi %mul3A_2073, %add3A_2075 : vector<16xi32>
    %mul3A_2077 = arith.constant 2 : i32
    %mul3A_2078 = vector.broadcast %mul3A_2077 : i32 to vector<16xi32>
    %mul3A_2079 = arith.muli %add3A_2076, %mul3A_2078 : vector<16xi32>
    %gather3A_2080 = tpu.vector_load_idx %arg5[%mul3A_2079] : memref<1280xf32, #tpu.memory_space<vmem>>[vector<16xi32>], vector<16xf32>,
    %mul3A_2081 = arith.constant 2 : i32
    %mul3A_2082 = vector.broadcast %mul3A_2081 : i32 to vector<16xi32>
    %mul3A_2083 = arith.muli %add3A_2076, %mul3A_2082 : vector<16xi32>
    %add3A_2084 = arith.constant 1 : i32
    %add3A_2085 = vector.broadcast %add3A_2084 : i32 to vector<16xi32>
    %add3A_2086 = arith.addi %mul3A_2083, %add3A_2085 : vector<16xi32>
    %gather3A_2087 = tpu.vector_load_idx %arg5[%add3A_2086] : memref<1280xf32, #tpu.memory_space<vmem>>[vector<16xi32>], vector<16xf32>,
    %mul3A_2088 = arith.constant 6.400000e+01 : f32
    %mul3A_2089 = vector.broadcast %mul3A_2088 : f32 to vector<16xf32>
    %mul3A_2090 = arith.mulf %gather3A_2080, %mul3A_2089 : vector<16xf32>
    %add3A_2091 = arith.constant 0x4B400000 : f32
    %add3A_2092 = vector.broadcast %add3A_2091 : f32 to vector<16xf32>
    %add3A_2093 = arith.addf %mul3A_2090, %add3A_2092 : vector<16xf32>
    %sub3A_2094 = arith.constant 0x4B400000 : f32
    %sub3A_2095 = vector.broadcast %sub3A_2094 : f32 to vector<16xf32>
    %sub3A_2096 = arith.subf %add3A_2093, %sub3A_2095 : vector<16xf32>
    %convert_element_type3A_2097 = arith.fptosi %sub3A_2096 : vector<16xf32> to vector<16xi32>
    %mul3A_2098 = arith.constant 6.400000e+01 : f32
    %mul3A_2099 = vector.broadcast %mul3A_2098 : f32 to vector<16xf32>
    %mul3A_2100 = arith.mulf %gather3A_2087, %mul3A_2099 : vector<16xf32>
    %add3A_2101 = arith.constant 0x4B400000 : f32
    %add3A_2102 = vector.broadcast %add3A_2101 : f32 to vector<16xf32>
    %add3A_2103 = arith.addf %mul3A_2100, %add3A_2102 : vector<16xf32>
    %sub3A_2104 = arith.constant 0x4B400000 : f32
    %sub3A_2105 = vector.broadcast %sub3A_2104 : f32 to vector<16xf32>
    %sub3A_2106 = arith.subf %add3A_2103, %sub3A_2105 : vector<16xf32>
    %convert_element_type3A_2107 = arith.fptosi %sub3A_2106 : vector<16xf32> to vector<16xi32>
    %add3A_2108 = vector.broadcast %mul3A_2 : i32 to vector<16xi32>
    %add3A_2109 = arith.addi %add3A_2108, %add3A_2076 : vector<16xi32>
    %mul3A_2110 = arith.constant 4096 : i32
    %mul3A_2111 = vector.broadcast %mul3A_2110 : i32 to vector<16xi32>
    %mul3A_2112 = arith.muli %add3A_2109, %mul3A_2111 : vector<16xi32>
    %mul3A_2113 = arith.constant 64 : i32
    %mul3A_2114 = vector.broadcast %mul3A_2113 : i32 to vector<16xi32>
    %mul3A_2115 = arith.muli %convert_element_type3A_2097, %mul3A_2114 : vector<16xi32>
    %add3A_2116 = arith.addi %mul3A_2112, %mul3A_2115 : vector<16xi32>
    %add3A_2117 = arith.addi %add3A_2116, %convert_element_type3A_2107 : vector<16xi32>
    %shift_right_arithmetic3A_2118 = arith.constant 7 : i32
    %shift_right_arithmetic3A_2119 = vector.broadcast %shift_right_arithmetic3A_2118 : i32 to vector<16xi32>
    %shift_right_arithmetic3A_2120 = arith.shrsi %add3A_2076, %shift_right_arithmetic3A_2119 : vector<16xi32>
    %and3A_2121 = arith.constant 127 : i32
    %and3A_2122 = vector.broadcast %and3A_2121 : i32 to vector<16xi32>
    %and3A_2123 = arith.andi %add3A_2076, %and3A_2122 : vector<16xi32>
    %shift_right_arithmetic3A_2124 = arith.constant 7 : i32
    %shift_right_arithmetic3A_2125 = vector.broadcast %shift_right_arithmetic3A_2124 : i32 to vector<16xi32>
    %shift_right_arithmetic3A_2126 = arith.shrsi %add3A_2117, %shift_right_arithmetic3A_2125 : vector<16xi32>
    tpu.vector_store_idx %arg6[%shift_right_arithmetic3A_2120, %and3A_2123], %shift_right_arithmetic3A_2126 : memref<5x128xi32, #tpu.memory_space<vmem>>[vector<16xi32>, vector<16xi32>], vector<16xi32>,
    %and3A_2127 = arith.constant 127 : i32
    %and3A_2128 = vector.broadcast %and3A_2127 : i32 to vector<16xi32>
    %and3A_2129 = arith.andi %add3A_2117, %and3A_2128 : vector<16xi32>
    tpu.vector_store_idx %arg7[%add3A_2076], %and3A_2129 : memref<640xi32, #tpu.memory_space<vmem>>[vector<16xi32>], vector<16xi32>,
    %mul3A_2130 = arith.constant 20 : i32
    %mul3A_2131 = vector.broadcast %mul3A_2130 : i32 to vector<16xi32>
    %mul3A_2132 = arith.muli %add3A_1185, %mul3A_2131 : vector<16xi32>
    %add3A_2133 = arith.constant 16 : i32
    %add3A_2134 = vector.broadcast %add3A_2133 : i32 to vector<16xi32>
    %add3A_2135 = arith.addi %mul3A_2132, %add3A_2134 : vector<16xi32>
    %mul3A_2136 = arith.constant 2 : i32
    %mul3A_2137 = vector.broadcast %mul3A_2136 : i32 to vector<16xi32>
    %mul3A_2138 = arith.muli %add3A_2135, %mul3A_2137 : vector<16xi32>
    %gather3A_2139 = tpu.vector_load_idx %arg5[%mul3A_2138] : memref<1280xf32, #tpu.memory_space<vmem>>[vector<16xi32>], vector<16xf32>,
    %mul3A_2140 = arith.constant 2 : i32
    %mul3A_2141 = vector.broadcast %mul3A_2140 : i32 to vector<16xi32>
    %mul3A_2142 = arith.muli %add3A_2135, %mul3A_2141 : vector<16xi32>
    %add3A_2143 = arith.constant 1 : i32
    %add3A_2144 = vector.broadcast %add3A_2143 : i32 to vector<16xi32>
    %add3A_2145 = arith.addi %mul3A_2142, %add3A_2144 : vector<16xi32>
    %gather3A_2146 = tpu.vector_load_idx %arg5[%add3A_2145] : memref<1280xf32, #tpu.memory_space<vmem>>[vector<16xi32>], vector<16xf32>,
    %mul3A_2147 = arith.constant 6.400000e+01 : f32
    %mul3A_2148 = vector.broadcast %mul3A_2147 : f32 to vector<16xf32>
    %mul3A_2149 = arith.mulf %gather3A_2139, %mul3A_2148 : vector<16xf32>
    %add3A_2150 = arith.constant 0x4B400000 : f32
    %add3A_2151 = vector.broadcast %add3A_2150 : f32 to vector<16xf32>
    %add3A_2152 = arith.addf %mul3A_2149, %add3A_2151 : vector<16xf32>
    %sub3A_2153 = arith.constant 0x4B400000 : f32
    %sub3A_2154 = vector.broadcast %sub3A_2153 : f32 to vector<16xf32>
    %sub3A_2155 = arith.subf %add3A_2152, %sub3A_2154 : vector<16xf32>
    %convert_element_type3A_2156 = arith.fptosi %sub3A_2155 : vector<16xf32> to vector<16xi32>
    %mul3A_2157 = arith.constant 6.400000e+01 : f32
    %mul3A_2158 = vector.broadcast %mul3A_2157 : f32 to vector<16xf32>
    %mul3A_2159 = arith.mulf %gather3A_2146, %mul3A_2158 : vector<16xf32>
    %add3A_2160 = arith.constant 0x4B400000 : f32
    %add3A_2161 = vector.broadcast %add3A_2160 : f32 to vector<16xf32>
    %add3A_2162 = arith.addf %mul3A_2159, %add3A_2161 : vector<16xf32>
    %sub3A_2163 = arith.constant 0x4B400000 : f32
    %sub3A_2164 = vector.broadcast %sub3A_2163 : f32 to vector<16xf32>
    %sub3A_2165 = arith.subf %add3A_2162, %sub3A_2164 : vector<16xf32>
    %convert_element_type3A_2166 = arith.fptosi %sub3A_2165 : vector<16xf32> to vector<16xi32>
    %add3A_2167 = vector.broadcast %mul3A_2 : i32 to vector<16xi32>
    %add3A_2168 = arith.addi %add3A_2167, %add3A_2135 : vector<16xi32>
    %mul3A_2169 = arith.constant 4096 : i32
    %mul3A_2170 = vector.broadcast %mul3A_2169 : i32 to vector<16xi32>
    %mul3A_2171 = arith.muli %add3A_2168, %mul3A_2170 : vector<16xi32>
    %mul3A_2172 = arith.constant 64 : i32
    %mul3A_2173 = vector.broadcast %mul3A_2172 : i32 to vector<16xi32>
    %mul3A_2174 = arith.muli %convert_element_type3A_2156, %mul3A_2173 : vector<16xi32>
    %add3A_2175 = arith.addi %mul3A_2171, %mul3A_2174 : vector<16xi32>
    %add3A_2176 = arith.addi %add3A_2175, %convert_element_type3A_2166 : vector<16xi32>
    %shift_right_arithmetic3A_2177 = arith.constant 7 : i32
    %shift_right_arithmetic3A_2178 = vector.broadcast %shift_right_arithmetic3A_2177 : i32 to vector<16xi32>
    %shift_right_arithmetic3A_2179 = arith.shrsi %add3A_2135, %shift_right_arithmetic3A_2178 : vector<16xi32>
    %and3A_2180 = arith.constant 127 : i32
    %and3A_2181 = vector.broadcast %and3A_2180 : i32 to vector<16xi32>
    %and3A_2182 = arith.andi %add3A_2135, %and3A_2181 : vector<16xi32>
    %shift_right_arithmetic3A_2183 = arith.constant 7 : i32
    %shift_right_arithmetic3A_2184 = vector.broadcast %shift_right_arithmetic3A_2183 : i32 to vector<16xi32>
    %shift_right_arithmetic3A_2185 = arith.shrsi %add3A_2176, %shift_right_arithmetic3A_2184 : vector<16xi32>
    tpu.vector_store_idx %arg6[%shift_right_arithmetic3A_2179, %and3A_2182], %shift_right_arithmetic3A_2185 : memref<5x128xi32, #tpu.memory_space<vmem>>[vector<16xi32>, vector<16xi32>], vector<16xi32>,
    %and3A_2186 = arith.constant 127 : i32
    %and3A_2187 = vector.broadcast %and3A_2186 : i32 to vector<16xi32>
    %and3A_2188 = arith.andi %add3A_2176, %and3A_2187 : vector<16xi32>
    tpu.vector_store_idx %arg7[%add3A_2135], %and3A_2188 : memref<640xi32, #tpu.memory_space<vmem>>[vector<16xi32>], vector<16xi32>,
    %mul3A_2189 = arith.constant 20 : i32
    %mul3A_2190 = vector.broadcast %mul3A_2189 : i32 to vector<16xi32>
    %mul3A_2191 = arith.muli %add3A_1185, %mul3A_2190 : vector<16xi32>
    %add3A_2192 = arith.constant 17 : i32
    %add3A_2193 = vector.broadcast %add3A_2192 : i32 to vector<16xi32>
    %add3A_2194 = arith.addi %mul3A_2191, %add3A_2193 : vector<16xi32>
    %mul3A_2195 = arith.constant 2 : i32
    %mul3A_2196 = vector.broadcast %mul3A_2195 : i32 to vector<16xi32>
    %mul3A_2197 = arith.muli %add3A_2194, %mul3A_2196 : vector<16xi32>
    %gather3A_2198 = tpu.vector_load_idx %arg5[%mul3A_2197] : memref<1280xf32, #tpu.memory_space<vmem>>[vector<16xi32>], vector<16xf32>,
    %mul3A_2199 = arith.constant 2 : i32
    %mul3A_2200 = vector.broadcast %mul3A_2199 : i32 to vector<16xi32>
    %mul3A_2201 = arith.muli %add3A_2194, %mul3A_2200 : vector<16xi32>
    %add3A_2202 = arith.constant 1 : i32
    %add3A_2203 = vector.broadcast %add3A_2202 : i32 to vector<16xi32>
    %add3A_2204 = arith.addi %mul3A_2201, %add3A_2203 : vector<16xi32>
    %gather3A_2205 = tpu.vector_load_idx %arg5[%add3A_2204] : memref<1280xf32, #tpu.memory_space<vmem>>[vector<16xi32>], vector<16xf32>,
    %mul3A_2206 = arith.constant 6.400000e+01 : f32
    %mul3A_2207 = vector.broadcast %mul3A_2206 : f32 to vector<16xf32>
    %mul3A_2208 = arith.mulf %gather3A_2198, %mul3A_2207 : vector<16xf32>
    %add3A_2209 = arith.constant 0x4B400000 : f32
    %add3A_2210 = vector.broadcast %add3A_2209 : f32 to vector<16xf32>
    %add3A_2211 = arith.addf %mul3A_2208, %add3A_2210 : vector<16xf32>
    %sub3A_2212 = arith.constant 0x4B400000 : f32
    %sub3A_2213 = vector.broadcast %sub3A_2212 : f32 to vector<16xf32>
    %sub3A_2214 = arith.subf %add3A_2211, %sub3A_2213 : vector<16xf32>
    %convert_element_type3A_2215 = arith.fptosi %sub3A_2214 : vector<16xf32> to vector<16xi32>
    %mul3A_2216 = arith.constant 6.400000e+01 : f32
    %mul3A_2217 = vector.broadcast %mul3A_2216 : f32 to vector<16xf32>
    %mul3A_2218 = arith.mulf %gather3A_2205, %mul3A_2217 : vector<16xf32>
    %add3A_2219 = arith.constant 0x4B400000 : f32
    %add3A_2220 = vector.broadcast %add3A_2219 : f32 to vector<16xf32>
    %add3A_2221 = arith.addf %mul3A_2218, %add3A_2220 : vector<16xf32>
    %sub3A_2222 = arith.constant 0x4B400000 : f32
    %sub3A_2223 = vector.broadcast %sub3A_2222 : f32 to vector<16xf32>
    %sub3A_2224 = arith.subf %add3A_2221, %sub3A_2223 : vector<16xf32>
    %convert_element_type3A_2225 = arith.fptosi %sub3A_2224 : vector<16xf32> to vector<16xi32>
    %add3A_2226 = vector.broadcast %mul3A_2 : i32 to vector<16xi32>
    %add3A_2227 = arith.addi %add3A_2226, %add3A_2194 : vector<16xi32>
    %mul3A_2228 = arith.constant 4096 : i32
    %mul3A_2229 = vector.broadcast %mul3A_2228 : i32 to vector<16xi32>
    %mul3A_2230 = arith.muli %add3A_2227, %mul3A_2229 : vector<16xi32>
    %mul3A_2231 = arith.constant 64 : i32
    %mul3A_2232 = vector.broadcast %mul3A_2231 : i32 to vector<16xi32>
    %mul3A_2233 = arith.muli %convert_element_type3A_2215, %mul3A_2232 : vector<16xi32>
    %add3A_2234 = arith.addi %mul3A_2230, %mul3A_2233 : vector<16xi32>
    %add3A_2235 = arith.addi %add3A_2234, %convert_element_type3A_2225 : vector<16xi32>
    %shift_right_arithmetic3A_2236 = arith.constant 7 : i32
    %shift_right_arithmetic3A_2237 = vector.broadcast %shift_right_arithmetic3A_2236 : i32 to vector<16xi32>
    %shift_right_arithmetic3A_2238 = arith.shrsi %add3A_2194, %shift_right_arithmetic3A_2237 : vector<16xi32>
    %and3A_2239 = arith.constant 127 : i32
    %and3A_2240 = vector.broadcast %and3A_2239 : i32 to vector<16xi32>
    %and3A_2241 = arith.andi %add3A_2194, %and3A_2240 : vector<16xi32>
    %shift_right_arithmetic3A_2242 = arith.constant 7 : i32
    %shift_right_arithmetic3A_2243 = vector.broadcast %shift_right_arithmetic3A_2242 : i32 to vector<16xi32>
    %shift_right_arithmetic3A_2244 = arith.shrsi %add3A_2235, %shift_right_arithmetic3A_2243 : vector<16xi32>
    tpu.vector_store_idx %arg6[%shift_right_arithmetic3A_2238, %and3A_2241], %shift_right_arithmetic3A_2244 : memref<5x128xi32, #tpu.memory_space<vmem>>[vector<16xi32>, vector<16xi32>], vector<16xi32>,
    %and3A_2245 = arith.constant 127 : i32
    %and3A_2246 = vector.broadcast %and3A_2245 : i32 to vector<16xi32>
    %and3A_2247 = arith.andi %add3A_2235, %and3A_2246 : vector<16xi32>
    tpu.vector_store_idx %arg7[%add3A_2194], %and3A_2247 : memref<640xi32, #tpu.memory_space<vmem>>[vector<16xi32>], vector<16xi32>,
    %mul3A_2248 = arith.constant 20 : i32
    %mul3A_2249 = vector.broadcast %mul3A_2248 : i32 to vector<16xi32>
    %mul3A_2250 = arith.muli %add3A_1185, %mul3A_2249 : vector<16xi32>
    %add3A_2251 = arith.constant 18 : i32
    %add3A_2252 = vector.broadcast %add3A_2251 : i32 to vector<16xi32>
    %add3A_2253 = arith.addi %mul3A_2250, %add3A_2252 : vector<16xi32>
    %mul3A_2254 = arith.constant 2 : i32
    %mul3A_2255 = vector.broadcast %mul3A_2254 : i32 to vector<16xi32>
    %mul3A_2256 = arith.muli %add3A_2253, %mul3A_2255 : vector<16xi32>
    %gather3A_2257 = tpu.vector_load_idx %arg5[%mul3A_2256] : memref<1280xf32, #tpu.memory_space<vmem>>[vector<16xi32>], vector<16xf32>,
    %mul3A_2258 = arith.constant 2 : i32
    %mul3A_2259 = vector.broadcast %mul3A_2258 : i32 to vector<16xi32>
    %mul3A_2260 = arith.muli %add3A_2253, %mul3A_2259 : vector<16xi32>
    %add3A_2261 = arith.constant 1 : i32
    %add3A_2262 = vector.broadcast %add3A_2261 : i32 to vector<16xi32>
    %add3A_2263 = arith.addi %mul3A_2260, %add3A_2262 : vector<16xi32>
    %gather3A_2264 = tpu.vector_load_idx %arg5[%add3A_2263] : memref<1280xf32, #tpu.memory_space<vmem>>[vector<16xi32>], vector<16xf32>,
    %mul3A_2265 = arith.constant 6.400000e+01 : f32
    %mul3A_2266 = vector.broadcast %mul3A_2265 : f32 to vector<16xf32>
    %mul3A_2267 = arith.mulf %gather3A_2257, %mul3A_2266 : vector<16xf32>
    %add3A_2268 = arith.constant 0x4B400000 : f32
    %add3A_2269 = vector.broadcast %add3A_2268 : f32 to vector<16xf32>
    %add3A_2270 = arith.addf %mul3A_2267, %add3A_2269 : vector<16xf32>
    %sub3A_2271 = arith.constant 0x4B400000 : f32
    %sub3A_2272 = vector.broadcast %sub3A_2271 : f32 to vector<16xf32>
    %sub3A_2273 = arith.subf %add3A_2270, %sub3A_2272 : vector<16xf32>
    %convert_element_type3A_2274 = arith.fptosi %sub3A_2273 : vector<16xf32> to vector<16xi32>
    %mul3A_2275 = arith.constant 6.400000e+01 : f32
    %mul3A_2276 = vector.broadcast %mul3A_2275 : f32 to vector<16xf32>
    %mul3A_2277 = arith.mulf %gather3A_2264, %mul3A_2276 : vector<16xf32>
    %add3A_2278 = arith.constant 0x4B400000 : f32
    %add3A_2279 = vector.broadcast %add3A_2278 : f32 to vector<16xf32>
    %add3A_2280 = arith.addf %mul3A_2277, %add3A_2279 : vector<16xf32>
    %sub3A_2281 = arith.constant 0x4B400000 : f32
    %sub3A_2282 = vector.broadcast %sub3A_2281 : f32 to vector<16xf32>
    %sub3A_2283 = arith.subf %add3A_2280, %sub3A_2282 : vector<16xf32>
    %convert_element_type3A_2284 = arith.fptosi %sub3A_2283 : vector<16xf32> to vector<16xi32>
    %add3A_2285 = vector.broadcast %mul3A_2 : i32 to vector<16xi32>
    %add3A_2286 = arith.addi %add3A_2285, %add3A_2253 : vector<16xi32>
    %mul3A_2287 = arith.constant 4096 : i32
    %mul3A_2288 = vector.broadcast %mul3A_2287 : i32 to vector<16xi32>
    %mul3A_2289 = arith.muli %add3A_2286, %mul3A_2288 : vector<16xi32>
    %mul3A_2290 = arith.constant 64 : i32
    %mul3A_2291 = vector.broadcast %mul3A_2290 : i32 to vector<16xi32>
    %mul3A_2292 = arith.muli %convert_element_type3A_2274, %mul3A_2291 : vector<16xi32>
    %add3A_2293 = arith.addi %mul3A_2289, %mul3A_2292 : vector<16xi32>
    %add3A_2294 = arith.addi %add3A_2293, %convert_element_type3A_2284 : vector<16xi32>
    %shift_right_arithmetic3A_2295 = arith.constant 7 : i32
    %shift_right_arithmetic3A_2296 = vector.broadcast %shift_right_arithmetic3A_2295 : i32 to vector<16xi32>
    %shift_right_arithmetic3A_2297 = arith.shrsi %add3A_2253, %shift_right_arithmetic3A_2296 : vector<16xi32>
    %and3A_2298 = arith.constant 127 : i32
    %and3A_2299 = vector.broadcast %and3A_2298 : i32 to vector<16xi32>
    %and3A_2300 = arith.andi %add3A_2253, %and3A_2299 : vector<16xi32>
    %shift_right_arithmetic3A_2301 = arith.constant 7 : i32
    %shift_right_arithmetic3A_2302 = vector.broadcast %shift_right_arithmetic3A_2301 : i32 to vector<16xi32>
    %shift_right_arithmetic3A_2303 = arith.shrsi %add3A_2294, %shift_right_arithmetic3A_2302 : vector<16xi32>
    tpu.vector_store_idx %arg6[%shift_right_arithmetic3A_2297, %and3A_2300], %shift_right_arithmetic3A_2303 : memref<5x128xi32, #tpu.memory_space<vmem>>[vector<16xi32>, vector<16xi32>], vector<16xi32>,
    %and3A_2304 = arith.constant 127 : i32
    %and3A_2305 = vector.broadcast %and3A_2304 : i32 to vector<16xi32>
    %and3A_2306 = arith.andi %add3A_2294, %and3A_2305 : vector<16xi32>
    tpu.vector_store_idx %arg7[%add3A_2253], %and3A_2306 : memref<640xi32, #tpu.memory_space<vmem>>[vector<16xi32>], vector<16xi32>,
    %mul3A_2307 = arith.constant 20 : i32
    %mul3A_2308 = vector.broadcast %mul3A_2307 : i32 to vector<16xi32>
    %mul3A_2309 = arith.muli %add3A_1185, %mul3A_2308 : vector<16xi32>
    %add3A_2310 = arith.constant 19 : i32
    %add3A_2311 = vector.broadcast %add3A_2310 : i32 to vector<16xi32>
    %add3A_2312 = arith.addi %mul3A_2309, %add3A_2311 : vector<16xi32>
    %mul3A_2313 = arith.constant 2 : i32
    %mul3A_2314 = vector.broadcast %mul3A_2313 : i32 to vector<16xi32>
    %mul3A_2315 = arith.muli %add3A_2312, %mul3A_2314 : vector<16xi32>
    %gather3A_2316 = tpu.vector_load_idx %arg5[%mul3A_2315] : memref<1280xf32, #tpu.memory_space<vmem>>[vector<16xi32>], vector<16xf32>,
    %mul3A_2317 = arith.constant 2 : i32
    %mul3A_2318 = vector.broadcast %mul3A_2317 : i32 to vector<16xi32>
    %mul3A_2319 = arith.muli %add3A_2312, %mul3A_2318 : vector<16xi32>
    %add3A_2320 = arith.constant 1 : i32
    %add3A_2321 = vector.broadcast %add3A_2320 : i32 to vector<16xi32>
    %add3A_2322 = arith.addi %mul3A_2319, %add3A_2321 : vector<16xi32>
    %gather3A_2323 = tpu.vector_load_idx %arg5[%add3A_2322] : memref<1280xf32, #tpu.memory_space<vmem>>[vector<16xi32>], vector<16xf32>,
    %mul3A_2324 = arith.constant 6.400000e+01 : f32
    %mul3A_2325 = vector.broadcast %mul3A_2324 : f32 to vector<16xf32>
    %mul3A_2326 = arith.mulf %gather3A_2316, %mul3A_2325 : vector<16xf32>
    %add3A_2327 = arith.constant 0x4B400000 : f32
    %add3A_2328 = vector.broadcast %add3A_2327 : f32 to vector<16xf32>
    %add3A_2329 = arith.addf %mul3A_2326, %add3A_2328 : vector<16xf32>
    %sub3A_2330 = arith.constant 0x4B400000 : f32
    %sub3A_2331 = vector.broadcast %sub3A_2330 : f32 to vector<16xf32>
    %sub3A_2332 = arith.subf %add3A_2329, %sub3A_2331 : vector<16xf32>
    %convert_element_type3A_2333 = arith.fptosi %sub3A_2332 : vector<16xf32> to vector<16xi32>
    %mul3A_2334 = arith.constant 6.400000e+01 : f32
    %mul3A_2335 = vector.broadcast %mul3A_2334 : f32 to vector<16xf32>
    %mul3A_2336 = arith.mulf %gather3A_2323, %mul3A_2335 : vector<16xf32>
    %add3A_2337 = arith.constant 0x4B400000 : f32
    %add3A_2338 = vector.broadcast %add3A_2337 : f32 to vector<16xf32>
    %add3A_2339 = arith.addf %mul3A_2336, %add3A_2338 : vector<16xf32>
    %sub3A_2340 = arith.constant 0x4B400000 : f32
    %sub3A_2341 = vector.broadcast %sub3A_2340 : f32 to vector<16xf32>
    %sub3A_2342 = arith.subf %add3A_2339, %sub3A_2341 : vector<16xf32>
    %convert_element_type3A_2343 = arith.fptosi %sub3A_2342 : vector<16xf32> to vector<16xi32>
    %add3A_2344 = vector.broadcast %mul3A_2 : i32 to vector<16xi32>
    %add3A_2345 = arith.addi %add3A_2344, %add3A_2312 : vector<16xi32>
    %mul3A_2346 = arith.constant 4096 : i32
    %mul3A_2347 = vector.broadcast %mul3A_2346 : i32 to vector<16xi32>
    %mul3A_2348 = arith.muli %add3A_2345, %mul3A_2347 : vector<16xi32>
    %mul3A_2349 = arith.constant 64 : i32
    %mul3A_2350 = vector.broadcast %mul3A_2349 : i32 to vector<16xi32>
    %mul3A_2351 = arith.muli %convert_element_type3A_2333, %mul3A_2350 : vector<16xi32>
    %add3A_2352 = arith.addi %mul3A_2348, %mul3A_2351 : vector<16xi32>
    %add3A_2353 = arith.addi %add3A_2352, %convert_element_type3A_2343 : vector<16xi32>
    %shift_right_arithmetic3A_2354 = arith.constant 7 : i32
    %shift_right_arithmetic3A_2355 = vector.broadcast %shift_right_arithmetic3A_2354 : i32 to vector<16xi32>
    %shift_right_arithmetic3A_2356 = arith.shrsi %add3A_2312, %shift_right_arithmetic3A_2355 : vector<16xi32>
    %and3A_2357 = arith.constant 127 : i32
    %and3A_2358 = vector.broadcast %and3A_2357 : i32 to vector<16xi32>
    %and3A_2359 = arith.andi %add3A_2312, %and3A_2358 : vector<16xi32>
    %shift_right_arithmetic3A_2360 = arith.constant 7 : i32
    %shift_right_arithmetic3A_2361 = vector.broadcast %shift_right_arithmetic3A_2360 : i32 to vector<16xi32>
    %shift_right_arithmetic3A_2362 = arith.shrsi %add3A_2353, %shift_right_arithmetic3A_2361 : vector<16xi32>
    tpu.vector_store_idx %arg6[%shift_right_arithmetic3A_2356, %and3A_2359], %shift_right_arithmetic3A_2362 : memref<5x128xi32, #tpu.memory_space<vmem>>[vector<16xi32>, vector<16xi32>], vector<16xi32>,
    %and3A_2363 = arith.constant 127 : i32
    %and3A_2364 = vector.broadcast %and3A_2363 : i32 to vector<16xi32>
    %and3A_2365 = arith.andi %add3A_2353, %and3A_2364 : vector<16xi32>
    tpu.vector_store_idx %arg7[%add3A_2312], %and3A_2365 : memref<640xi32, #tpu.memory_space<vmem>>[vector<16xi32>], vector<16xi32>,
    %dma_start3A = arith.constant 0 : i32
    %dma_start3A_2366 = arith.constant 0 : i32
    %dma_start3A_2367 = arith.constant 0 : i32
    %dma_start3A_2368 = tpu.memref_slice %arg8[%dma_start3A_2366, %dma_start3A_2367] : memref<640x128xf32, #tpu.memory_space<vmem>> -> memref<128x128xf32, #tpu.memory_space<vmem>>
    %dma_start3A_2369 = arith.constant 0 : i32
    %dma_start3A_2370 = tpu.memref_slice %arg6[%dma_start3A, %dma_start3A_2369] : memref<5x128xi32, #tpu.memory_space<vmem>> -> memref<1x128xi32, #tpu.memory_space<vmem>>
    %dma_start3A_2371 = tpu.memref_squeeze %dma_start3A_2370 : memref<1x128xi32, #tpu.memory_space<vmem>> -> memref<128xi32, #tpu.memory_space<vmem>>
    %dma_start3A_2372 = arith.constant 0 : i32
    %dma_start3A_2373 = arith.constant 0 : i32
    %dma_start3A_2374 = tpu.memref_slice %arg3[%dma_start3A_2372, %dma_start3A_2373] : memref<655360x128xf32, #tpu.memory_space<hbm>> -> memref<655360x128xf32, #tpu.memory_space<hbm>>
    tpu.enqueue_indirect_dma source(%dma_start3A_2374 : memref<655360x128xf32, #tpu.memory_space<hbm>>) target(%dma_start3A_2368 : memref<128x128xf32, #tpu.memory_space<vmem>>) offsets(%dma_start3A_2371 : memref<128xi32, #tpu.memory_space<vmem>>) semaphore(%arg10 : memref<!tpu.dma_semaphore, #tpu.memory_space<semaphore_mem>>)
    %dma_start3A_2375 = arith.constant 1 : i32
    %dma_start3A_2376 = arith.constant 128 : i32
    %dma_start3A_2377 = arith.constant 0 : i32
    %dma_start3A_2378 = tpu.memref_slice %arg8[%dma_start3A_2376, %dma_start3A_2377] : memref<640x128xf32, #tpu.memory_space<vmem>> -> memref<128x128xf32, #tpu.memory_space<vmem>>
    %dma_start3A_2379 = arith.constant 0 : i32
    %dma_start3A_2380 = tpu.memref_slice %arg6[%dma_start3A_2375, %dma_start3A_2379] : memref<5x128xi32, #tpu.memory_space<vmem>> -> memref<1x128xi32, #tpu.memory_space<vmem>>
    %dma_start3A_2381 = tpu.memref_squeeze %dma_start3A_2380 : memref<1x128xi32, #tpu.memory_space<vmem>> -> memref<128xi32, #tpu.memory_space<vmem>>
    %dma_start3A_2382 = arith.constant 0 : i32
    %dma_start3A_2383 = arith.constant 0 : i32
    %dma_start3A_2384 = tpu.memref_slice %arg3[%dma_start3A_2382, %dma_start3A_2383] : memref<655360x128xf32, #tpu.memory_space<hbm>> -> memref<655360x128xf32, #tpu.memory_space<hbm>>
    tpu.enqueue_indirect_dma source(%dma_start3A_2384 : memref<655360x128xf32, #tpu.memory_space<hbm>>) target(%dma_start3A_2378 : memref<128x128xf32, #tpu.memory_space<vmem>>) offsets(%dma_start3A_2381 : memref<128xi32, #tpu.memory_space<vmem>>) semaphore(%arg10 : memref<!tpu.dma_semaphore, #tpu.memory_space<semaphore_mem>>)
    %dma_start3A_2385 = arith.constant 2 : i32
    %dma_start3A_2386 = arith.constant 256 : i32
    %dma_start3A_2387 = arith.constant 0 : i32
    %dma_start3A_2388 = tpu.memref_slice %arg8[%dma_start3A_2386, %dma_start3A_2387] : memref<640x128xf32, #tpu.memory_space<vmem>> -> memref<128x128xf32, #tpu.memory_space<vmem>>
    %dma_start3A_2389 = arith.constant 0 : i32
    %dma_start3A_2390 = tpu.memref_slice %arg6[%dma_start3A_2385, %dma_start3A_2389] : memref<5x128xi32, #tpu.memory_space<vmem>> -> memref<1x128xi32, #tpu.memory_space<vmem>>
    %dma_start3A_2391 = tpu.memref_squeeze %dma_start3A_2390 : memref<1x128xi32, #tpu.memory_space<vmem>> -> memref<128xi32, #tpu.memory_space<vmem>>
    %dma_start3A_2392 = arith.constant 0 : i32
    %dma_start3A_2393 = arith.constant 0 : i32
    %dma_start3A_2394 = tpu.memref_slice %arg3[%dma_start3A_2392, %dma_start3A_2393] : memref<655360x128xf32, #tpu.memory_space<hbm>> -> memref<655360x128xf32, #tpu.memory_space<hbm>>
    tpu.enqueue_indirect_dma source(%dma_start3A_2394 : memref<655360x128xf32, #tpu.memory_space<hbm>>) target(%dma_start3A_2388 : memref<128x128xf32, #tpu.memory_space<vmem>>) offsets(%dma_start3A_2391 : memref<128xi32, #tpu.memory_space<vmem>>) semaphore(%arg10 : memref<!tpu.dma_semaphore, #tpu.memory_space<semaphore_mem>>)
    %dma_start3A_2395 = arith.constant 3 : i32
    %dma_start3A_2396 = arith.constant 384 : i32
    %dma_start3A_2397 = arith.constant 0 : i32
    %dma_start3A_2398 = tpu.memref_slice %arg8[%dma_start3A_2396, %dma_start3A_2397] : memref<640x128xf32, #tpu.memory_space<vmem>> -> memref<128x128xf32, #tpu.memory_space<vmem>>
    %dma_start3A_2399 = arith.constant 0 : i32
    %dma_start3A_2400 = tpu.memref_slice %arg6[%dma_start3A_2395, %dma_start3A_2399] : memref<5x128xi32, #tpu.memory_space<vmem>> -> memref<1x128xi32, #tpu.memory_space<vmem>>
    %dma_start3A_2401 = tpu.memref_squeeze %dma_start3A_2400 : memref<1x128xi32, #tpu.memory_space<vmem>> -> memref<128xi32, #tpu.memory_space<vmem>>
    %dma_start3A_2402 = arith.constant 0 : i32
    %dma_start3A_2403 = arith.constant 0 : i32
    %dma_start3A_2404 = tpu.memref_slice %arg3[%dma_start3A_2402, %dma_start3A_2403] : memref<655360x128xf32, #tpu.memory_space<hbm>> -> memref<655360x128xf32, #tpu.memory_space<hbm>>
    tpu.enqueue_indirect_dma source(%dma_start3A_2404 : memref<655360x128xf32, #tpu.memory_space<hbm>>) target(%dma_start3A_2398 : memref<128x128xf32, #tpu.memory_space<vmem>>) offsets(%dma_start3A_2401 : memref<128xi32, #tpu.memory_space<vmem>>) semaphore(%arg10 : memref<!tpu.dma_semaphore, #tpu.memory_space<semaphore_mem>>)
    %dma_start3A_2405 = arith.constant 4 : i32
    %dma_start3A_2406 = arith.constant 512 : i32
    %dma_start3A_2407 = arith.constant 0 : i32
    %dma_start3A_2408 = tpu.memref_slice %arg8[%dma_start3A_2406, %dma_start3A_2407] : memref<640x128xf32, #tpu.memory_space<vmem>> -> memref<128x128xf32, #tpu.memory_space<vmem>>
    %dma_start3A_2409 = arith.constant 0 : i32
    %dma_start3A_2410 = tpu.memref_slice %arg6[%dma_start3A_2405, %dma_start3A_2409] : memref<5x128xi32, #tpu.memory_space<vmem>> -> memref<1x128xi32, #tpu.memory_space<vmem>>
    %dma_start3A_2411 = tpu.memref_squeeze %dma_start3A_2410 : memref<1x128xi32, #tpu.memory_space<vmem>> -> memref<128xi32, #tpu.memory_space<vmem>>
    %dma_start3A_2412 = arith.constant 0 : i32
    %dma_start3A_2413 = arith.constant 0 : i32
    %dma_start3A_2414 = tpu.memref_slice %arg3[%dma_start3A_2412, %dma_start3A_2413] : memref<655360x128xf32, #tpu.memory_space<hbm>> -> memref<655360x128xf32, #tpu.memory_space<hbm>>
    tpu.enqueue_indirect_dma source(%dma_start3A_2414 : memref<655360x128xf32, #tpu.memory_space<hbm>>) target(%dma_start3A_2408 : memref<128x128xf32, #tpu.memory_space<vmem>>) offsets(%dma_start3A_2411 : memref<128xi32, #tpu.memory_space<vmem>>) semaphore(%arg10 : memref<!tpu.dma_semaphore, #tpu.memory_space<semaphore_mem>>)
    %dma_wait3A = arith.constant 0 : i32
    %dma_wait3A_2415 = arith.constant 0 : i32
    %dma_wait3A_2416 = arith.constant 0 : i32
    %dma_wait3A_2417 = tpu.memref_slice %arg8[%dma_wait3A_2415, %dma_wait3A_2416] : memref<640x128xf32, #tpu.memory_space<vmem>> -> memref<128x128xf32, #tpu.memory_space<vmem>>
    %dma_wait3A_2418 = arith.constant 0 : i32
    %dma_wait3A_2419 = tpu.memref_slice %arg6[%dma_wait3A, %dma_wait3A_2418] : memref<5x128xi32, #tpu.memory_space<vmem>> -> memref<1x128xi32, #tpu.memory_space<vmem>>
    %dma_wait3A_2420 = tpu.memref_squeeze %dma_wait3A_2419 : memref<1x128xi32, #tpu.memory_space<vmem>> -> memref<128xi32, #tpu.memory_space<vmem>>
    %dma_wait3A_2421 = arith.constant 0 : i32
    %dma_wait3A_2422 = arith.constant 0 : i32
    %dma_wait3A_2423 = tpu.memref_slice %arg3[%dma_wait3A_2421, %dma_wait3A_2422] : memref<655360x128xf32, #tpu.memory_space<hbm>> -> memref<655360x128xf32, #tpu.memory_space<hbm>>
    tpu.wait_indirect_dma semaphore(%arg10 : memref<!tpu.dma_semaphore, #tpu.memory_space<semaphore_mem>>) src(%dma_wait3A_2423 : memref<655360x128xf32, #tpu.memory_space<hbm>>) dst(%dma_wait3A_2417 : memref<128x128xf32, #tpu.memory_space<vmem>>)
    %dma_wait3A_2424 = arith.constant 1 : i32
    %dma_wait3A_2425 = arith.constant 128 : i32
    %dma_wait3A_2426 = arith.constant 0 : i32
    %dma_wait3A_2427 = tpu.memref_slice %arg8[%dma_wait3A_2425, %dma_wait3A_2426] : memref<640x128xf32, #tpu.memory_space<vmem>> -> memref<128x128xf32, #tpu.memory_space<vmem>>
    %dma_wait3A_2428 = arith.constant 0 : i32
    %dma_wait3A_2429 = tpu.memref_slice %arg6[%dma_wait3A_2424, %dma_wait3A_2428] : memref<5x128xi32, #tpu.memory_space<vmem>> -> memref<1x128xi32, #tpu.memory_space<vmem>>
    %dma_wait3A_2430 = tpu.memref_squeeze %dma_wait3A_2429 : memref<1x128xi32, #tpu.memory_space<vmem>> -> memref<128xi32, #tpu.memory_space<vmem>>
    %dma_wait3A_2431 = arith.constant 0 : i32
    %dma_wait3A_2432 = arith.constant 0 : i32
    %dma_wait3A_2433 = tpu.memref_slice %arg3[%dma_wait3A_2431, %dma_wait3A_2432] : memref<655360x128xf32, #tpu.memory_space<hbm>> -> memref<655360x128xf32, #tpu.memory_space<hbm>>
    tpu.wait_indirect_dma semaphore(%arg10 : memref<!tpu.dma_semaphore, #tpu.memory_space<semaphore_mem>>) src(%dma_wait3A_2433 : memref<655360x128xf32, #tpu.memory_space<hbm>>) dst(%dma_wait3A_2427 : memref<128x128xf32, #tpu.memory_space<vmem>>)
    %dma_wait3A_2434 = arith.constant 2 : i32
    %dma_wait3A_2435 = arith.constant 256 : i32
    %dma_wait3A_2436 = arith.constant 0 : i32
    %dma_wait3A_2437 = tpu.memref_slice %arg8[%dma_wait3A_2435, %dma_wait3A_2436] : memref<640x128xf32, #tpu.memory_space<vmem>> -> memref<128x128xf32, #tpu.memory_space<vmem>>
    %dma_wait3A_2438 = arith.constant 0 : i32
    %dma_wait3A_2439 = tpu.memref_slice %arg6[%dma_wait3A_2434, %dma_wait3A_2438] : memref<5x128xi32, #tpu.memory_space<vmem>> -> memref<1x128xi32, #tpu.memory_space<vmem>>
    %dma_wait3A_2440 = tpu.memref_squeeze %dma_wait3A_2439 : memref<1x128xi32, #tpu.memory_space<vmem>> -> memref<128xi32, #tpu.memory_space<vmem>>
    %dma_wait3A_2441 = arith.constant 0 : i32
    %dma_wait3A_2442 = arith.constant 0 : i32
    %dma_wait3A_2443 = tpu.memref_slice %arg3[%dma_wait3A_2441, %dma_wait3A_2442] : memref<655360x128xf32, #tpu.memory_space<hbm>> -> memref<655360x128xf32, #tpu.memory_space<hbm>>
    tpu.wait_indirect_dma semaphore(%arg10 : memref<!tpu.dma_semaphore, #tpu.memory_space<semaphore_mem>>) src(%dma_wait3A_2443 : memref<655360x128xf32, #tpu.memory_space<hbm>>) dst(%dma_wait3A_2437 : memref<128x128xf32, #tpu.memory_space<vmem>>)
    %dma_wait3A_2444 = arith.constant 3 : i32
    %dma_wait3A_2445 = arith.constant 384 : i32
    %dma_wait3A_2446 = arith.constant 0 : i32
    %dma_wait3A_2447 = tpu.memref_slice %arg8[%dma_wait3A_2445, %dma_wait3A_2446] : memref<640x128xf32, #tpu.memory_space<vmem>> -> memref<128x128xf32, #tpu.memory_space<vmem>>
    %dma_wait3A_2448 = arith.constant 0 : i32
    %dma_wait3A_2449 = tpu.memref_slice %arg6[%dma_wait3A_2444, %dma_wait3A_2448] : memref<5x128xi32, #tpu.memory_space<vmem>> -> memref<1x128xi32, #tpu.memory_space<vmem>>
    %dma_wait3A_2450 = tpu.memref_squeeze %dma_wait3A_2449 : memref<1x128xi32, #tpu.memory_space<vmem>> -> memref<128xi32, #tpu.memory_space<vmem>>
    %dma_wait3A_2451 = arith.constant 0 : i32
    %dma_wait3A_2452 = arith.constant 0 : i32
    %dma_wait3A_2453 = tpu.memref_slice %arg3[%dma_wait3A_2451, %dma_wait3A_2452] : memref<655360x128xf32, #tpu.memory_space<hbm>> -> memref<655360x128xf32, #tpu.memory_space<hbm>>
    tpu.wait_indirect_dma semaphore(%arg10 : memref<!tpu.dma_semaphore, #tpu.memory_space<semaphore_mem>>) src(%dma_wait3A_2453 : memref<655360x128xf32, #tpu.memory_space<hbm>>) dst(%dma_wait3A_2447 : memref<128x128xf32, #tpu.memory_space<vmem>>)
    %dma_wait3A_2454 = arith.constant 4 : i32
    %dma_wait3A_2455 = arith.constant 512 : i32
    %dma_wait3A_2456 = arith.constant 0 : i32
    %dma_wait3A_2457 = tpu.memref_slice %arg8[%dma_wait3A_2455, %dma_wait3A_2456] : memref<640x128xf32, #tpu.memory_space<vmem>> -> memref<128x128xf32, #tpu.memory_space<vmem>>
    %dma_wait3A_2458 = arith.constant 0 : i32
    %dma_wait3A_2459 = tpu.memref_slice %arg6[%dma_wait3A_2454, %dma_wait3A_2458] : memref<5x128xi32, #tpu.memory_space<vmem>> -> memref<1x128xi32, #tpu.memory_space<vmem>>
    %dma_wait3A_2460 = tpu.memref_squeeze %dma_wait3A_2459 : memref<1x128xi32, #tpu.memory_space<vmem>> -> memref<128xi32, #tpu.memory_space<vmem>>
    %dma_wait3A_2461 = arith.constant 0 : i32
    %dma_wait3A_2462 = arith.constant 0 : i32
    %dma_wait3A_2463 = tpu.memref_slice %arg3[%dma_wait3A_2461, %dma_wait3A_2462] : memref<655360x128xf32, #tpu.memory_space<hbm>> -> memref<655360x128xf32, #tpu.memory_space<hbm>>
    tpu.wait_indirect_dma semaphore(%arg10 : memref<!tpu.dma_semaphore, #tpu.memory_space<semaphore_mem>>) src(%dma_wait3A_2463 : memref<655360x128xf32, #tpu.memory_space<hbm>>) dst(%dma_wait3A_2457 : memref<128x128xf32, #tpu.memory_space<vmem>>)
    %add3A_2464 = arith.constant 0 : i32
    %add3A_2465 = vector.broadcast %add3A_2464 : i32 to vector<16xi32>
    %add3A_2466 = arith.addi %add3A_2465, %iota3A : vector<16xi32>
    %broadcast_in_dim3A = arith.constant 0.000000e+00 : f32
    %broadcast_in_dim3A_2467 = vector.broadcast %broadcast_in_dim3A : f32 to vector<16xf32>
    %mul3A_2468 = arith.constant 20 : i32
    %mul3A_2469 = vector.broadcast %mul3A_2468 : i32 to vector<16xi32>
    %mul3A_2470 = arith.muli %add3A_2466, %mul3A_2469 : vector<16xi32>
    %add3A_2471 = arith.constant 0 : i32
    %add3A_2472 = vector.broadcast %add3A_2471 : i32 to vector<16xi32>
    %add3A_2473 = arith.addi %mul3A_2470, %add3A_2472 : vector<16xi32>
    %gather3A_2474 = tpu.vector_load_idx %arg7[%add3A_2473] : memref<640xi32, #tpu.memory_space<vmem>>[vector<16xi32>], vector<16xi32>,
    %gather3A_2475 = tpu.vector_load_idx %arg8[%add3A_2473, %gather3A_2474] : memref<640x128xf32, #tpu.memory_space<vmem>>[vector<16xi32>, vector<16xi32>], vector<16xf32>,
    %gt3A = arith.constant 0.000000e+00 : f32
    %gt3A_2476 = vector.broadcast %gt3A : f32 to vector<16xf32>
    %gt3A_2477 = arith.cmpf ogt, %gather3A_2475, %gt3A_2476 : vector<16xf32>
    %jit3A = arith.constant 1.000000e+00 : f32
    %jit3A_2478 = arith.constant 0.000000e+00 : f32
    %broadcast_in_dim3A_2479 = vector.broadcast %jit3A : f32 to vector<16xf32>
    %broadcast_in_dim3A_2480 = vector.broadcast %jit3A_2478 : f32 to vector<16xf32>
    %select_n3A = arith.select %gt3A_2477, %broadcast_in_dim3A_2479, %broadcast_in_dim3A_2480 : vector<16xi1>, vector<16xf32>
    %add3A_2481 = arith.addf %broadcast_in_dim3A_2467, %select_n3A : vector<16xf32>
    %mul3A_2482 = arith.constant 20 : i32
    %mul3A_2483 = vector.broadcast %mul3A_2482 : i32 to vector<16xi32>
    %mul3A_2484 = arith.muli %add3A_2466, %mul3A_2483 : vector<16xi32>
    %add3A_2485 = arith.constant 1 : i32
    %add3A_2486 = vector.broadcast %add3A_2485 : i32 to vector<16xi32>
    %add3A_2487 = arith.addi %mul3A_2484, %add3A_2486 : vector<16xi32>
    %gather3A_2488 = tpu.vector_load_idx %arg7[%add3A_2487] : memref<640xi32, #tpu.memory_space<vmem>>[vector<16xi32>], vector<16xi32>,
    %gather3A_2489 = tpu.vector_load_idx %arg8[%add3A_2487, %gather3A_2488] : memref<640x128xf32, #tpu.memory_space<vmem>>[vector<16xi32>, vector<16xi32>], vector<16xf32>,
    %gt3A_2490 = arith.constant 0.000000e+00 : f32
    %gt3A_2491 = vector.broadcast %gt3A_2490 : f32 to vector<16xf32>
    %gt3A_2492 = arith.cmpf ogt, %gather3A_2489, %gt3A_2491 : vector<16xf32>
    %jit3A_2493 = arith.constant 1.000000e+00 : f32
    %jit3A_2494 = arith.constant 0.000000e+00 : f32
    %broadcast_in_dim3A_2495 = vector.broadcast %jit3A_2493 : f32 to vector<16xf32>
    %broadcast_in_dim3A_2496 = vector.broadcast %jit3A_2494 : f32 to vector<16xf32>
    %select_n3A_2497 = arith.select %gt3A_2492, %broadcast_in_dim3A_2495, %broadcast_in_dim3A_2496 : vector<16xi1>, vector<16xf32>
    %add3A_2498 = arith.addf %add3A_2481, %select_n3A_2497 : vector<16xf32>
    %mul3A_2499 = arith.constant 20 : i32
    %mul3A_2500 = vector.broadcast %mul3A_2499 : i32 to vector<16xi32>
    %mul3A_2501 = arith.muli %add3A_2466, %mul3A_2500 : vector<16xi32>
    %add3A_2502 = arith.constant 2 : i32
    %add3A_2503 = vector.broadcast %add3A_2502 : i32 to vector<16xi32>
    %add3A_2504 = arith.addi %mul3A_2501, %add3A_2503 : vector<16xi32>
    %gather3A_2505 = tpu.vector_load_idx %arg7[%add3A_2504] : memref<640xi32, #tpu.memory_space<vmem>>[vector<16xi32>], vector<16xi32>,
    %gather3A_2506 = tpu.vector_load_idx %arg8[%add3A_2504, %gather3A_2505] : memref<640x128xf32, #tpu.memory_space<vmem>>[vector<16xi32>, vector<16xi32>], vector<16xf32>,
    %gt3A_2507 = arith.constant 0.000000e+00 : f32
    %gt3A_2508 = vector.broadcast %gt3A_2507 : f32 to vector<16xf32>
    %gt3A_2509 = arith.cmpf ogt, %gather3A_2506, %gt3A_2508 : vector<16xf32>
    %jit3A_2510 = arith.constant 1.000000e+00 : f32
    %jit3A_2511 = arith.constant 0.000000e+00 : f32
    %broadcast_in_dim3A_2512 = vector.broadcast %jit3A_2510 : f32 to vector<16xf32>
    %broadcast_in_dim3A_2513 = vector.broadcast %jit3A_2511 : f32 to vector<16xf32>
    %select_n3A_2514 = arith.select %gt3A_2509, %broadcast_in_dim3A_2512, %broadcast_in_dim3A_2513 : vector<16xi1>, vector<16xf32>
    %add3A_2515 = arith.addf %add3A_2498, %select_n3A_2514 : vector<16xf32>
    %mul3A_2516 = arith.constant 20 : i32
    %mul3A_2517 = vector.broadcast %mul3A_2516 : i32 to vector<16xi32>
    %mul3A_2518 = arith.muli %add3A_2466, %mul3A_2517 : vector<16xi32>
    %add3A_2519 = arith.constant 3 : i32
    %add3A_2520 = vector.broadcast %add3A_2519 : i32 to vector<16xi32>
    %add3A_2521 = arith.addi %mul3A_2518, %add3A_2520 : vector<16xi32>
    %gather3A_2522 = tpu.vector_load_idx %arg7[%add3A_2521] : memref<640xi32, #tpu.memory_space<vmem>>[vector<16xi32>], vector<16xi32>,
    %gather3A_2523 = tpu.vector_load_idx %arg8[%add3A_2521, %gather3A_2522] : memref<640x128xf32, #tpu.memory_space<vmem>>[vector<16xi32>, vector<16xi32>], vector<16xf32>,
    %gt3A_2524 = arith.constant 0.000000e+00 : f32
    %gt3A_2525 = vector.broadcast %gt3A_2524 : f32 to vector<16xf32>
    %gt3A_2526 = arith.cmpf ogt, %gather3A_2523, %gt3A_2525 : vector<16xf32>
    %jit3A_2527 = arith.constant 1.000000e+00 : f32
    %jit3A_2528 = arith.constant 0.000000e+00 : f32
    %broadcast_in_dim3A_2529 = vector.broadcast %jit3A_2527 : f32 to vector<16xf32>
    %broadcast_in_dim3A_2530 = vector.broadcast %jit3A_2528 : f32 to vector<16xf32>
    %select_n3A_2531 = arith.select %gt3A_2526, %broadcast_in_dim3A_2529, %broadcast_in_dim3A_2530 : vector<16xi1>, vector<16xf32>
    %add3A_2532 = arith.addf %add3A_2515, %select_n3A_2531 : vector<16xf32>
    %mul3A_2533 = arith.constant 20 : i32
    %mul3A_2534 = vector.broadcast %mul3A_2533 : i32 to vector<16xi32>
    %mul3A_2535 = arith.muli %add3A_2466, %mul3A_2534 : vector<16xi32>
    %add3A_2536 = arith.constant 4 : i32
    %add3A_2537 = vector.broadcast %add3A_2536 : i32 to vector<16xi32>
    %add3A_2538 = arith.addi %mul3A_2535, %add3A_2537 : vector<16xi32>
    %gather3A_2539 = tpu.vector_load_idx %arg7[%add3A_2538] : memref<640xi32, #tpu.memory_space<vmem>>[vector<16xi32>], vector<16xi32>,
    %gather3A_2540 = tpu.vector_load_idx %arg8[%add3A_2538, %gather3A_2539] : memref<640x128xf32, #tpu.memory_space<vmem>>[vector<16xi32>, vector<16xi32>], vector<16xf32>,
    %gt3A_2541 = arith.constant 0.000000e+00 : f32
    %gt3A_2542 = vector.broadcast %gt3A_2541 : f32 to vector<16xf32>
    %gt3A_2543 = arith.cmpf ogt, %gather3A_2540, %gt3A_2542 : vector<16xf32>
    %jit3A_2544 = arith.constant 1.000000e+00 : f32
    %jit3A_2545 = arith.constant 0.000000e+00 : f32
    %broadcast_in_dim3A_2546 = vector.broadcast %jit3A_2544 : f32 to vector<16xf32>
    %broadcast_in_dim3A_2547 = vector.broadcast %jit3A_2545 : f32 to vector<16xf32>
    %select_n3A_2548 = arith.select %gt3A_2543, %broadcast_in_dim3A_2546, %broadcast_in_dim3A_2547 : vector<16xi1>, vector<16xf32>
    %add3A_2549 = arith.addf %add3A_2532, %select_n3A_2548 : vector<16xf32>
    %mul3A_2550 = arith.constant 20 : i32
    %mul3A_2551 = vector.broadcast %mul3A_2550 : i32 to vector<16xi32>
    %mul3A_2552 = arith.muli %add3A_2466, %mul3A_2551 : vector<16xi32>
    %add3A_2553 = arith.constant 5 : i32
    %add3A_2554 = vector.broadcast %add3A_2553 : i32 to vector<16xi32>
    %add3A_2555 = arith.addi %mul3A_2552, %add3A_2554 : vector<16xi32>
    %gather3A_2556 = tpu.vector_load_idx %arg7[%add3A_2555] : memref<640xi32, #tpu.memory_space<vmem>>[vector<16xi32>], vector<16xi32>,
    %gather3A_2557 = tpu.vector_load_idx %arg8[%add3A_2555, %gather3A_2556] : memref<640x128xf32, #tpu.memory_space<vmem>>[vector<16xi32>, vector<16xi32>], vector<16xf32>,
    %gt3A_2558 = arith.constant 0.000000e+00 : f32
    %gt3A_2559 = vector.broadcast %gt3A_2558 : f32 to vector<16xf32>
    %gt3A_2560 = arith.cmpf ogt, %gather3A_2557, %gt3A_2559 : vector<16xf32>
    %jit3A_2561 = arith.constant 1.000000e+00 : f32
    %jit3A_2562 = arith.constant 0.000000e+00 : f32
    %broadcast_in_dim3A_2563 = vector.broadcast %jit3A_2561 : f32 to vector<16xf32>
    %broadcast_in_dim3A_2564 = vector.broadcast %jit3A_2562 : f32 to vector<16xf32>
    %select_n3A_2565 = arith.select %gt3A_2560, %broadcast_in_dim3A_2563, %broadcast_in_dim3A_2564 : vector<16xi1>, vector<16xf32>
    %add3A_2566 = arith.addf %add3A_2549, %select_n3A_2565 : vector<16xf32>
    %mul3A_2567 = arith.constant 20 : i32
    %mul3A_2568 = vector.broadcast %mul3A_2567 : i32 to vector<16xi32>
    %mul3A_2569 = arith.muli %add3A_2466, %mul3A_2568 : vector<16xi32>
    %add3A_2570 = arith.constant 6 : i32
    %add3A_2571 = vector.broadcast %add3A_2570 : i32 to vector<16xi32>
    %add3A_2572 = arith.addi %mul3A_2569, %add3A_2571 : vector<16xi32>
    %gather3A_2573 = tpu.vector_load_idx %arg7[%add3A_2572] : memref<640xi32, #tpu.memory_space<vmem>>[vector<16xi32>], vector<16xi32>,
    %gather3A_2574 = tpu.vector_load_idx %arg8[%add3A_2572, %gather3A_2573] : memref<640x128xf32, #tpu.memory_space<vmem>>[vector<16xi32>, vector<16xi32>], vector<16xf32>,
    %gt3A_2575 = arith.constant 0.000000e+00 : f32
    %gt3A_2576 = vector.broadcast %gt3A_2575 : f32 to vector<16xf32>
    %gt3A_2577 = arith.cmpf ogt, %gather3A_2574, %gt3A_2576 : vector<16xf32>
    %jit3A_2578 = arith.constant 1.000000e+00 : f32
    %jit3A_2579 = arith.constant 0.000000e+00 : f32
    %broadcast_in_dim3A_2580 = vector.broadcast %jit3A_2578 : f32 to vector<16xf32>
    %broadcast_in_dim3A_2581 = vector.broadcast %jit3A_2579 : f32 to vector<16xf32>
    %select_n3A_2582 = arith.select %gt3A_2577, %broadcast_in_dim3A_2580, %broadcast_in_dim3A_2581 : vector<16xi1>, vector<16xf32>
    %add3A_2583 = arith.addf %add3A_2566, %select_n3A_2582 : vector<16xf32>
    %mul3A_2584 = arith.constant 20 : i32
    %mul3A_2585 = vector.broadcast %mul3A_2584 : i32 to vector<16xi32>
    %mul3A_2586 = arith.muli %add3A_2466, %mul3A_2585 : vector<16xi32>
    %add3A_2587 = arith.constant 7 : i32
    %add3A_2588 = vector.broadcast %add3A_2587 : i32 to vector<16xi32>
    %add3A_2589 = arith.addi %mul3A_2586, %add3A_2588 : vector<16xi32>
    %gather3A_2590 = tpu.vector_load_idx %arg7[%add3A_2589] : memref<640xi32, #tpu.memory_space<vmem>>[vector<16xi32>], vector<16xi32>,
    %gather3A_2591 = tpu.vector_load_idx %arg8[%add3A_2589, %gather3A_2590] : memref<640x128xf32, #tpu.memory_space<vmem>>[vector<16xi32>, vector<16xi32>], vector<16xf32>,
    %gt3A_2592 = arith.constant 0.000000e+00 : f32
    %gt3A_2593 = vector.broadcast %gt3A_2592 : f32 to vector<16xf32>
    %gt3A_2594 = arith.cmpf ogt, %gather3A_2591, %gt3A_2593 : vector<16xf32>
    %jit3A_2595 = arith.constant 1.000000e+00 : f32
    %jit3A_2596 = arith.constant 0.000000e+00 : f32
    %broadcast_in_dim3A_2597 = vector.broadcast %jit3A_2595 : f32 to vector<16xf32>
    %broadcast_in_dim3A_2598 = vector.broadcast %jit3A_2596 : f32 to vector<16xf32>
    %select_n3A_2599 = arith.select %gt3A_2594, %broadcast_in_dim3A_2597, %broadcast_in_dim3A_2598 : vector<16xi1>, vector<16xf32>
    %add3A_2600 = arith.addf %add3A_2583, %select_n3A_2599 : vector<16xf32>
    %mul3A_2601 = arith.constant 20 : i32
    %mul3A_2602 = vector.broadcast %mul3A_2601 : i32 to vector<16xi32>
    %mul3A_2603 = arith.muli %add3A_2466, %mul3A_2602 : vector<16xi32>
    %add3A_2604 = arith.constant 8 : i32
    %add3A_2605 = vector.broadcast %add3A_2604 : i32 to vector<16xi32>
    %add3A_2606 = arith.addi %mul3A_2603, %add3A_2605 : vector<16xi32>
    %gather3A_2607 = tpu.vector_load_idx %arg7[%add3A_2606] : memref<640xi32, #tpu.memory_space<vmem>>[vector<16xi32>], vector<16xi32>,
    %gather3A_2608 = tpu.vector_load_idx %arg8[%add3A_2606, %gather3A_2607] : memref<640x128xf32, #tpu.memory_space<vmem>>[vector<16xi32>, vector<16xi32>], vector<16xf32>,
    %gt3A_2609 = arith.constant 0.000000e+00 : f32
    %gt3A_2610 = vector.broadcast %gt3A_2609 : f32 to vector<16xf32>
    %gt3A_2611 = arith.cmpf ogt, %gather3A_2608, %gt3A_2610 : vector<16xf32>
    %jit3A_2612 = arith.constant 1.000000e+00 : f32
    %jit3A_2613 = arith.constant 0.000000e+00 : f32
    %broadcast_in_dim3A_2614 = vector.broadcast %jit3A_2612 : f32 to vector<16xf32>
    %broadcast_in_dim3A_2615 = vector.broadcast %jit3A_2613 : f32 to vector<16xf32>
    %select_n3A_2616 = arith.select %gt3A_2611, %broadcast_in_dim3A_2614, %broadcast_in_dim3A_2615 : vector<16xi1>, vector<16xf32>
    %add3A_2617 = arith.addf %add3A_2600, %select_n3A_2616 : vector<16xf32>
    %mul3A_2618 = arith.constant 20 : i32
    %mul3A_2619 = vector.broadcast %mul3A_2618 : i32 to vector<16xi32>
    %mul3A_2620 = arith.muli %add3A_2466, %mul3A_2619 : vector<16xi32>
    %add3A_2621 = arith.constant 9 : i32
    %add3A_2622 = vector.broadcast %add3A_2621 : i32 to vector<16xi32>
    %add3A_2623 = arith.addi %mul3A_2620, %add3A_2622 : vector<16xi32>
    %gather3A_2624 = tpu.vector_load_idx %arg7[%add3A_2623] : memref<640xi32, #tpu.memory_space<vmem>>[vector<16xi32>], vector<16xi32>,
    %gather3A_2625 = tpu.vector_load_idx %arg8[%add3A_2623, %gather3A_2624] : memref<640x128xf32, #tpu.memory_space<vmem>>[vector<16xi32>, vector<16xi32>], vector<16xf32>,
    %gt3A_2626 = arith.constant 0.000000e+00 : f32
    %gt3A_2627 = vector.broadcast %gt3A_2626 : f32 to vector<16xf32>
    %gt3A_2628 = arith.cmpf ogt, %gather3A_2625, %gt3A_2627 : vector<16xf32>
    %jit3A_2629 = arith.constant 1.000000e+00 : f32
    %jit3A_2630 = arith.constant 0.000000e+00 : f32
    %broadcast_in_dim3A_2631 = vector.broadcast %jit3A_2629 : f32 to vector<16xf32>
    %broadcast_in_dim3A_2632 = vector.broadcast %jit3A_2630 : f32 to vector<16xf32>
    %select_n3A_2633 = arith.select %gt3A_2628, %broadcast_in_dim3A_2631, %broadcast_in_dim3A_2632 : vector<16xi1>, vector<16xf32>
    %add3A_2634 = arith.addf %add3A_2617, %select_n3A_2633 : vector<16xf32>
    %mul3A_2635 = arith.constant 20 : i32
    %mul3A_2636 = vector.broadcast %mul3A_2635 : i32 to vector<16xi32>
    %mul3A_2637 = arith.muli %add3A_2466, %mul3A_2636 : vector<16xi32>
    %add3A_2638 = arith.constant 10 : i32
    %add3A_2639 = vector.broadcast %add3A_2638 : i32 to vector<16xi32>
    %add3A_2640 = arith.addi %mul3A_2637, %add3A_2639 : vector<16xi32>
    %gather3A_2641 = tpu.vector_load_idx %arg7[%add3A_2640] : memref<640xi32, #tpu.memory_space<vmem>>[vector<16xi32>], vector<16xi32>,
    %gather3A_2642 = tpu.vector_load_idx %arg8[%add3A_2640, %gather3A_2641] : memref<640x128xf32, #tpu.memory_space<vmem>>[vector<16xi32>, vector<16xi32>], vector<16xf32>,
    %gt3A_2643 = arith.constant 0.000000e+00 : f32
    %gt3A_2644 = vector.broadcast %gt3A_2643 : f32 to vector<16xf32>
    %gt3A_2645 = arith.cmpf ogt, %gather3A_2642, %gt3A_2644 : vector<16xf32>
    %jit3A_2646 = arith.constant 1.000000e+00 : f32
    %jit3A_2647 = arith.constant 0.000000e+00 : f32
    %broadcast_in_dim3A_2648 = vector.broadcast %jit3A_2646 : f32 to vector<16xf32>
    %broadcast_in_dim3A_2649 = vector.broadcast %jit3A_2647 : f32 to vector<16xf32>
    %select_n3A_2650 = arith.select %gt3A_2645, %broadcast_in_dim3A_2648, %broadcast_in_dim3A_2649 : vector<16xi1>, vector<16xf32>
    %add3A_2651 = arith.addf %add3A_2634, %select_n3A_2650 : vector<16xf32>
    %mul3A_2652 = arith.constant 20 : i32
    %mul3A_2653 = vector.broadcast %mul3A_2652 : i32 to vector<16xi32>
    %mul3A_2654 = arith.muli %add3A_2466, %mul3A_2653 : vector<16xi32>
    %add3A_2655 = arith.constant 11 : i32
    %add3A_2656 = vector.broadcast %add3A_2655 : i32 to vector<16xi32>
    %add3A_2657 = arith.addi %mul3A_2654, %add3A_2656 : vector<16xi32>
    %gather3A_2658 = tpu.vector_load_idx %arg7[%add3A_2657] : memref<640xi32, #tpu.memory_space<vmem>>[vector<16xi32>], vector<16xi32>,
    %gather3A_2659 = tpu.vector_load_idx %arg8[%add3A_2657, %gather3A_2658] : memref<640x128xf32, #tpu.memory_space<vmem>>[vector<16xi32>, vector<16xi32>], vector<16xf32>,
    %gt3A_2660 = arith.constant 0.000000e+00 : f32
    %gt3A_2661 = vector.broadcast %gt3A_2660 : f32 to vector<16xf32>
    %gt3A_2662 = arith.cmpf ogt, %gather3A_2659, %gt3A_2661 : vector<16xf32>
    %jit3A_2663 = arith.constant 1.000000e+00 : f32
    %jit3A_2664 = arith.constant 0.000000e+00 : f32
    %broadcast_in_dim3A_2665 = vector.broadcast %jit3A_2663 : f32 to vector<16xf32>
    %broadcast_in_dim3A_2666 = vector.broadcast %jit3A_2664 : f32 to vector<16xf32>
    %select_n3A_2667 = arith.select %gt3A_2662, %broadcast_in_dim3A_2665, %broadcast_in_dim3A_2666 : vector<16xi1>, vector<16xf32>
    %add3A_2668 = arith.addf %add3A_2651, %select_n3A_2667 : vector<16xf32>
    %mul3A_2669 = arith.constant 20 : i32
    %mul3A_2670 = vector.broadcast %mul3A_2669 : i32 to vector<16xi32>
    %mul3A_2671 = arith.muli %add3A_2466, %mul3A_2670 : vector<16xi32>
    %add3A_2672 = arith.constant 12 : i32
    %add3A_2673 = vector.broadcast %add3A_2672 : i32 to vector<16xi32>
    %add3A_2674 = arith.addi %mul3A_2671, %add3A_2673 : vector<16xi32>
    %gather3A_2675 = tpu.vector_load_idx %arg7[%add3A_2674] : memref<640xi32, #tpu.memory_space<vmem>>[vector<16xi32>], vector<16xi32>,
    %gather3A_2676 = tpu.vector_load_idx %arg8[%add3A_2674, %gather3A_2675] : memref<640x128xf32, #tpu.memory_space<vmem>>[vector<16xi32>, vector<16xi32>], vector<16xf32>,
    %gt3A_2677 = arith.constant 0.000000e+00 : f32
    %gt3A_2678 = vector.broadcast %gt3A_2677 : f32 to vector<16xf32>
    %gt3A_2679 = arith.cmpf ogt, %gather3A_2676, %gt3A_2678 : vector<16xf32>
    %jit3A_2680 = arith.constant 1.000000e+00 : f32
    %jit3A_2681 = arith.constant 0.000000e+00 : f32
    %broadcast_in_dim3A_2682 = vector.broadcast %jit3A_2680 : f32 to vector<16xf32>
    %broadcast_in_dim3A_2683 = vector.broadcast %jit3A_2681 : f32 to vector<16xf32>
    %select_n3A_2684 = arith.select %gt3A_2679, %broadcast_in_dim3A_2682, %broadcast_in_dim3A_2683 : vector<16xi1>, vector<16xf32>
    %add3A_2685 = arith.addf %add3A_2668, %select_n3A_2684 : vector<16xf32>
    %mul3A_2686 = arith.constant 20 : i32
    %mul3A_2687 = vector.broadcast %mul3A_2686 : i32 to vector<16xi32>
    %mul3A_2688 = arith.muli %add3A_2466, %mul3A_2687 : vector<16xi32>
    %add3A_2689 = arith.constant 13 : i32
    %add3A_2690 = vector.broadcast %add3A_2689 : i32 to vector<16xi32>
    %add3A_2691 = arith.addi %mul3A_2688, %add3A_2690 : vector<16xi32>
    %gather3A_2692 = tpu.vector_load_idx %arg7[%add3A_2691] : memref<640xi32, #tpu.memory_space<vmem>>[vector<16xi32>], vector<16xi32>,
    %gather3A_2693 = tpu.vector_load_idx %arg8[%add3A_2691, %gather3A_2692] : memref<640x128xf32, #tpu.memory_space<vmem>>[vector<16xi32>, vector<16xi32>], vector<16xf32>,
    %gt3A_2694 = arith.constant 0.000000e+00 : f32
    %gt3A_2695 = vector.broadcast %gt3A_2694 : f32 to vector<16xf32>
    %gt3A_2696 = arith.cmpf ogt, %gather3A_2693, %gt3A_2695 : vector<16xf32>
    %jit3A_2697 = arith.constant 1.000000e+00 : f32
    %jit3A_2698 = arith.constant 0.000000e+00 : f32
    %broadcast_in_dim3A_2699 = vector.broadcast %jit3A_2697 : f32 to vector<16xf32>
    %broadcast_in_dim3A_2700 = vector.broadcast %jit3A_2698 : f32 to vector<16xf32>
    %select_n3A_2701 = arith.select %gt3A_2696, %broadcast_in_dim3A_2699, %broadcast_in_dim3A_2700 : vector<16xi1>, vector<16xf32>
    %add3A_2702 = arith.addf %add3A_2685, %select_n3A_2701 : vector<16xf32>
    %mul3A_2703 = arith.constant 20 : i32
    %mul3A_2704 = vector.broadcast %mul3A_2703 : i32 to vector<16xi32>
    %mul3A_2705 = arith.muli %add3A_2466, %mul3A_2704 : vector<16xi32>
    %add3A_2706 = arith.constant 14 : i32
    %add3A_2707 = vector.broadcast %add3A_2706 : i32 to vector<16xi32>
    %add3A_2708 = arith.addi %mul3A_2705, %add3A_2707 : vector<16xi32>
    %gather3A_2709 = tpu.vector_load_idx %arg7[%add3A_2708] : memref<640xi32, #tpu.memory_space<vmem>>[vector<16xi32>], vector<16xi32>,
    %gather3A_2710 = tpu.vector_load_idx %arg8[%add3A_2708, %gather3A_2709] : memref<640x128xf32, #tpu.memory_space<vmem>>[vector<16xi32>, vector<16xi32>], vector<16xf32>,
    %gt3A_2711 = arith.constant 0.000000e+00 : f32
    %gt3A_2712 = vector.broadcast %gt3A_2711 : f32 to vector<16xf32>
    %gt3A_2713 = arith.cmpf ogt, %gather3A_2710, %gt3A_2712 : vector<16xf32>
    %jit3A_2714 = arith.constant 1.000000e+00 : f32
    %jit3A_2715 = arith.constant 0.000000e+00 : f32
    %broadcast_in_dim3A_2716 = vector.broadcast %jit3A_2714 : f32 to vector<16xf32>
    %broadcast_in_dim3A_2717 = vector.broadcast %jit3A_2715 : f32 to vector<16xf32>
    %select_n3A_2718 = arith.select %gt3A_2713, %broadcast_in_dim3A_2716, %broadcast_in_dim3A_2717 : vector<16xi1>, vector<16xf32>
    %add3A_2719 = arith.addf %add3A_2702, %select_n3A_2718 : vector<16xf32>
    %mul3A_2720 = arith.constant 20 : i32
    %mul3A_2721 = vector.broadcast %mul3A_2720 : i32 to vector<16xi32>
    %mul3A_2722 = arith.muli %add3A_2466, %mul3A_2721 : vector<16xi32>
    %add3A_2723 = arith.constant 15 : i32
    %add3A_2724 = vector.broadcast %add3A_2723 : i32 to vector<16xi32>
    %add3A_2725 = arith.addi %mul3A_2722, %add3A_2724 : vector<16xi32>
    %gather3A_2726 = tpu.vector_load_idx %arg7[%add3A_2725] : memref<640xi32, #tpu.memory_space<vmem>>[vector<16xi32>], vector<16xi32>,
    %gather3A_2727 = tpu.vector_load_idx %arg8[%add3A_2725, %gather3A_2726] : memref<640x128xf32, #tpu.memory_space<vmem>>[vector<16xi32>, vector<16xi32>], vector<16xf32>,
    %gt3A_2728 = arith.constant 0.000000e+00 : f32
    %gt3A_2729 = vector.broadcast %gt3A_2728 : f32 to vector<16xf32>
    %gt3A_2730 = arith.cmpf ogt, %gather3A_2727, %gt3A_2729 : vector<16xf32>
    %jit3A_2731 = arith.constant 1.000000e+00 : f32
    %jit3A_2732 = arith.constant 0.000000e+00 : f32
    %broadcast_in_dim3A_2733 = vector.broadcast %jit3A_2731 : f32 to vector<16xf32>
    %broadcast_in_dim3A_2734 = vector.broadcast %jit3A_2732 : f32 to vector<16xf32>
    %select_n3A_2735 = arith.select %gt3A_2730, %broadcast_in_dim3A_2733, %broadcast_in_dim3A_2734 : vector<16xi1>, vector<16xf32>
    %add3A_2736 = arith.addf %add3A_2719, %select_n3A_2735 : vector<16xf32>
    %mul3A_2737 = arith.constant 20 : i32
    %mul3A_2738 = vector.broadcast %mul3A_2737 : i32 to vector<16xi32>
    %mul3A_2739 = arith.muli %add3A_2466, %mul3A_2738 : vector<16xi32>
    %add3A_2740 = arith.constant 16 : i32
    %add3A_2741 = vector.broadcast %add3A_2740 : i32 to vector<16xi32>
    %add3A_2742 = arith.addi %mul3A_2739, %add3A_2741 : vector<16xi32>
    %gather3A_2743 = tpu.vector_load_idx %arg7[%add3A_2742] : memref<640xi32, #tpu.memory_space<vmem>>[vector<16xi32>], vector<16xi32>,
    %gather3A_2744 = tpu.vector_load_idx %arg8[%add3A_2742, %gather3A_2743] : memref<640x128xf32, #tpu.memory_space<vmem>>[vector<16xi32>, vector<16xi32>], vector<16xf32>,
    %gt3A_2745 = arith.constant 0.000000e+00 : f32
    %gt3A_2746 = vector.broadcast %gt3A_2745 : f32 to vector<16xf32>
    %gt3A_2747 = arith.cmpf ogt, %gather3A_2744, %gt3A_2746 : vector<16xf32>
    %jit3A_2748 = arith.constant 1.000000e+00 : f32
    %jit3A_2749 = arith.constant 0.000000e+00 : f32
    %broadcast_in_dim3A_2750 = vector.broadcast %jit3A_2748 : f32 to vector<16xf32>
    %broadcast_in_dim3A_2751 = vector.broadcast %jit3A_2749 : f32 to vector<16xf32>
    %select_n3A_2752 = arith.select %gt3A_2747, %broadcast_in_dim3A_2750, %broadcast_in_dim3A_2751 : vector<16xi1>, vector<16xf32>
    %add3A_2753 = arith.addf %add3A_2736, %select_n3A_2752 : vector<16xf32>
    %mul3A_2754 = arith.constant 20 : i32
    %mul3A_2755 = vector.broadcast %mul3A_2754 : i32 to vector<16xi32>
    %mul3A_2756 = arith.muli %add3A_2466, %mul3A_2755 : vector<16xi32>
    %add3A_2757 = arith.constant 17 : i32
    %add3A_2758 = vector.broadcast %add3A_2757 : i32 to vector<16xi32>
    %add3A_2759 = arith.addi %mul3A_2756, %add3A_2758 : vector<16xi32>
    %gather3A_2760 = tpu.vector_load_idx %arg7[%add3A_2759] : memref<640xi32, #tpu.memory_space<vmem>>[vector<16xi32>], vector<16xi32>,
    %gather3A_2761 = tpu.vector_load_idx %arg8[%add3A_2759, %gather3A_2760] : memref<640x128xf32, #tpu.memory_space<vmem>>[vector<16xi32>, vector<16xi32>], vector<16xf32>,
    %gt3A_2762 = arith.constant 0.000000e+00 : f32
    %gt3A_2763 = vector.broadcast %gt3A_2762 : f32 to vector<16xf32>
    %gt3A_2764 = arith.cmpf ogt, %gather3A_2761, %gt3A_2763 : vector<16xf32>
    %jit3A_2765 = arith.constant 1.000000e+00 : f32
    %jit3A_2766 = arith.constant 0.000000e+00 : f32
    %broadcast_in_dim3A_2767 = vector.broadcast %jit3A_2765 : f32 to vector<16xf32>
    %broadcast_in_dim3A_2768 = vector.broadcast %jit3A_2766 : f32 to vector<16xf32>
    %select_n3A_2769 = arith.select %gt3A_2764, %broadcast_in_dim3A_2767, %broadcast_in_dim3A_2768 : vector<16xi1>, vector<16xf32>
    %add3A_2770 = arith.addf %add3A_2753, %select_n3A_2769 : vector<16xf32>
    %mul3A_2771 = arith.constant 20 : i32
    %mul3A_2772 = vector.broadcast %mul3A_2771 : i32 to vector<16xi32>
    %mul3A_2773 = arith.muli %add3A_2466, %mul3A_2772 : vector<16xi32>
    %add3A_2774 = arith.constant 18 : i32
    %add3A_2775 = vector.broadcast %add3A_2774 : i32 to vector<16xi32>
    %add3A_2776 = arith.addi %mul3A_2773, %add3A_2775 : vector<16xi32>
    %gather3A_2777 = tpu.vector_load_idx %arg7[%add3A_2776] : memref<640xi32, #tpu.memory_space<vmem>>[vector<16xi32>], vector<16xi32>,
    %gather3A_2778 = tpu.vector_load_idx %arg8[%add3A_2776, %gather3A_2777] : memref<640x128xf32, #tpu.memory_space<vmem>>[vector<16xi32>, vector<16xi32>], vector<16xf32>,
    %gt3A_2779 = arith.constant 0.000000e+00 : f32
    %gt3A_2780 = vector.broadcast %gt3A_2779 : f32 to vector<16xf32>
    %gt3A_2781 = arith.cmpf ogt, %gather3A_2778, %gt3A_2780 : vector<16xf32>
    %jit3A_2782 = arith.constant 1.000000e+00 : f32
    %jit3A_2783 = arith.constant 0.000000e+00 : f32
    %broadcast_in_dim3A_2784 = vector.broadcast %jit3A_2782 : f32 to vector<16xf32>
    %broadcast_in_dim3A_2785 = vector.broadcast %jit3A_2783 : f32 to vector<16xf32>
    %select_n3A_2786 = arith.select %gt3A_2781, %broadcast_in_dim3A_2784, %broadcast_in_dim3A_2785 : vector<16xi1>, vector<16xf32>
    %add3A_2787 = arith.addf %add3A_2770, %select_n3A_2786 : vector<16xf32>
    %mul3A_2788 = arith.constant 20 : i32
    %mul3A_2789 = vector.broadcast %mul3A_2788 : i32 to vector<16xi32>
    %mul3A_2790 = arith.muli %add3A_2466, %mul3A_2789 : vector<16xi32>
    %add3A_2791 = arith.constant 19 : i32
    %add3A_2792 = vector.broadcast %add3A_2791 : i32 to vector<16xi32>
    %add3A_2793 = arith.addi %mul3A_2790, %add3A_2792 : vector<16xi32>
    %gather3A_2794 = tpu.vector_load_idx %arg7[%add3A_2793] : memref<640xi32, #tpu.memory_space<vmem>>[vector<16xi32>], vector<16xi32>,
    %gather3A_2795 = tpu.vector_load_idx %arg8[%add3A_2793, %gather3A_2794] : memref<640x128xf32, #tpu.memory_space<vmem>>[vector<16xi32>, vector<16xi32>], vector<16xf32>,
    %gt3A_2796 = arith.constant 0.000000e+00 : f32
    %gt3A_2797 = vector.broadcast %gt3A_2796 : f32 to vector<16xf32>
    %gt3A_2798 = arith.cmpf ogt, %gather3A_2795, %gt3A_2797 : vector<16xf32>
    %jit3A_2799 = arith.constant 1.000000e+00 : f32
    %jit3A_2800 = arith.constant 0.000000e+00 : f32
    %broadcast_in_dim3A_2801 = vector.broadcast %jit3A_2799 : f32 to vector<16xf32>
    %broadcast_in_dim3A_2802 = vector.broadcast %jit3A_2800 : f32 to vector<16xf32>
    %select_n3A_2803 = arith.select %gt3A_2798, %broadcast_in_dim3A_2801, %broadcast_in_dim3A_2802 : vector<16xi1>, vector<16xf32>
    %add3A_2804 = arith.addf %add3A_2787, %select_n3A_2803 : vector<16xf32>
    %swap3A = arith.constant 0 : index
    %swap3A_2805 = tpu.vector_load %arg9[%swap3A] {strides = array<i32>} : memref<32xf32, #tpu.memory_space<vmem>>, vector<16xf32>,
    tpu.vector_store %arg9[%swap3A], %add3A_2804 {strides = array<i32>} : memref<32xf32, #tpu.memory_space<vmem>>, vector<16xf32>,
    %add3A_2806 = arith.constant 16 : i32
    %add3A_2807 = vector.broadcast %add3A_2806 : i32 to vector<16xi32>
    %add3A_2808 = arith.addi %add3A_2807, %iota3A : vector<16xi32>
    %broadcast_in_dim3A_2809 = arith.constant 0.000000e+00 : f32
    %broadcast_in_dim3A_2810 = vector.broadcast %broadcast_in_dim3A_2809 : f32 to vector<16xf32>
    %mul3A_2811 = arith.constant 20 : i32
    %mul3A_2812 = vector.broadcast %mul3A_2811 : i32 to vector<16xi32>
    %mul3A_2813 = arith.muli %add3A_2808, %mul3A_2812 : vector<16xi32>
    %add3A_2814 = arith.constant 0 : i32
    %add3A_2815 = vector.broadcast %add3A_2814 : i32 to vector<16xi32>
    %add3A_2816 = arith.addi %mul3A_2813, %add3A_2815 : vector<16xi32>
    %gather3A_2817 = tpu.vector_load_idx %arg7[%add3A_2816] : memref<640xi32, #tpu.memory_space<vmem>>[vector<16xi32>], vector<16xi32>,
    %gather3A_2818 = tpu.vector_load_idx %arg8[%add3A_2816, %gather3A_2817] : memref<640x128xf32, #tpu.memory_space<vmem>>[vector<16xi32>, vector<16xi32>], vector<16xf32>,
    %gt3A_2819 = arith.constant 0.000000e+00 : f32
    %gt3A_2820 = vector.broadcast %gt3A_2819 : f32 to vector<16xf32>
    %gt3A_2821 = arith.cmpf ogt, %gather3A_2818, %gt3A_2820 : vector<16xf32>
    %jit3A_2822 = arith.constant 1.000000e+00 : f32
    %jit3A_2823 = arith.constant 0.000000e+00 : f32
    %broadcast_in_dim3A_2824 = vector.broadcast %jit3A_2822 : f32 to vector<16xf32>
    %broadcast_in_dim3A_2825 = vector.broadcast %jit3A_2823 : f32 to vector<16xf32>
    %select_n3A_2826 = arith.select %gt3A_2821, %broadcast_in_dim3A_2824, %broadcast_in_dim3A_2825 : vector<16xi1>, vector<16xf32>
    %add3A_2827 = arith.addf %broadcast_in_dim3A_2810, %select_n3A_2826 : vector<16xf32>
    %mul3A_2828 = arith.constant 20 : i32
    %mul3A_2829 = vector.broadcast %mul3A_2828 : i32 to vector<16xi32>
    %mul3A_2830 = arith.muli %add3A_2808, %mul3A_2829 : vector<16xi32>
    %add3A_2831 = arith.constant 1 : i32
    %add3A_2832 = vector.broadcast %add3A_2831 : i32 to vector<16xi32>
    %add3A_2833 = arith.addi %mul3A_2830, %add3A_2832 : vector<16xi32>
    %gather3A_2834 = tpu.vector_load_idx %arg7[%add3A_2833] : memref<640xi32, #tpu.memory_space<vmem>>[vector<16xi32>], vector<16xi32>,
    %gather3A_2835 = tpu.vector_load_idx %arg8[%add3A_2833, %gather3A_2834] : memref<640x128xf32, #tpu.memory_space<vmem>>[vector<16xi32>, vector<16xi32>], vector<16xf32>,
    %gt3A_2836 = arith.constant 0.000000e+00 : f32
    %gt3A_2837 = vector.broadcast %gt3A_2836 : f32 to vector<16xf32>
    %gt3A_2838 = arith.cmpf ogt, %gather3A_2835, %gt3A_2837 : vector<16xf32>
    %jit3A_2839 = arith.constant 1.000000e+00 : f32
    %jit3A_2840 = arith.constant 0.000000e+00 : f32
    %broadcast_in_dim3A_2841 = vector.broadcast %jit3A_2839 : f32 to vector<16xf32>
    %broadcast_in_dim3A_2842 = vector.broadcast %jit3A_2840 : f32 to vector<16xf32>
    %select_n3A_2843 = arith.select %gt3A_2838, %broadcast_in_dim3A_2841, %broadcast_in_dim3A_2842 : vector<16xi1>, vector<16xf32>
    %add3A_2844 = arith.addf %add3A_2827, %select_n3A_2843 : vector<16xf32>
    %mul3A_2845 = arith.constant 20 : i32
    %mul3A_2846 = vector.broadcast %mul3A_2845 : i32 to vector<16xi32>
    %mul3A_2847 = arith.muli %add3A_2808, %mul3A_2846 : vector<16xi32>
    %add3A_2848 = arith.constant 2 : i32
    %add3A_2849 = vector.broadcast %add3A_2848 : i32 to vector<16xi32>
    %add3A_2850 = arith.addi %mul3A_2847, %add3A_2849 : vector<16xi32>
    %gather3A_2851 = tpu.vector_load_idx %arg7[%add3A_2850] : memref<640xi32, #tpu.memory_space<vmem>>[vector<16xi32>], vector<16xi32>,
    %gather3A_2852 = tpu.vector_load_idx %arg8[%add3A_2850, %gather3A_2851] : memref<640x128xf32, #tpu.memory_space<vmem>>[vector<16xi32>, vector<16xi32>], vector<16xf32>,
    %gt3A_2853 = arith.constant 0.000000e+00 : f32
    %gt3A_2854 = vector.broadcast %gt3A_2853 : f32 to vector<16xf32>
    %gt3A_2855 = arith.cmpf ogt, %gather3A_2852, %gt3A_2854 : vector<16xf32>
    %jit3A_2856 = arith.constant 1.000000e+00 : f32
    %jit3A_2857 = arith.constant 0.000000e+00 : f32
    %broadcast_in_dim3A_2858 = vector.broadcast %jit3A_2856 : f32 to vector<16xf32>
    %broadcast_in_dim3A_2859 = vector.broadcast %jit3A_2857 : f32 to vector<16xf32>
    %select_n3A_2860 = arith.select %gt3A_2855, %broadcast_in_dim3A_2858, %broadcast_in_dim3A_2859 : vector<16xi1>, vector<16xf32>
    %add3A_2861 = arith.addf %add3A_2844, %select_n3A_2860 : vector<16xf32>
    %mul3A_2862 = arith.constant 20 : i32
    %mul3A_2863 = vector.broadcast %mul3A_2862 : i32 to vector<16xi32>
    %mul3A_2864 = arith.muli %add3A_2808, %mul3A_2863 : vector<16xi32>
    %add3A_2865 = arith.constant 3 : i32
    %add3A_2866 = vector.broadcast %add3A_2865 : i32 to vector<16xi32>
    %add3A_2867 = arith.addi %mul3A_2864, %add3A_2866 : vector<16xi32>
    %gather3A_2868 = tpu.vector_load_idx %arg7[%add3A_2867] : memref<640xi32, #tpu.memory_space<vmem>>[vector<16xi32>], vector<16xi32>,
    %gather3A_2869 = tpu.vector_load_idx %arg8[%add3A_2867, %gather3A_2868] : memref<640x128xf32, #tpu.memory_space<vmem>>[vector<16xi32>, vector<16xi32>], vector<16xf32>,
    %gt3A_2870 = arith.constant 0.000000e+00 : f32
    %gt3A_2871 = vector.broadcast %gt3A_2870 : f32 to vector<16xf32>
    %gt3A_2872 = arith.cmpf ogt, %gather3A_2869, %gt3A_2871 : vector<16xf32>
    %jit3A_2873 = arith.constant 1.000000e+00 : f32
    %jit3A_2874 = arith.constant 0.000000e+00 : f32
    %broadcast_in_dim3A_2875 = vector.broadcast %jit3A_2873 : f32 to vector<16xf32>
    %broadcast_in_dim3A_2876 = vector.broadcast %jit3A_2874 : f32 to vector<16xf32>
    %select_n3A_2877 = arith.select %gt3A_2872, %broadcast_in_dim3A_2875, %broadcast_in_dim3A_2876 : vector<16xi1>, vector<16xf32>
    %add3A_2878 = arith.addf %add3A_2861, %select_n3A_2877 : vector<16xf32>
    %mul3A_2879 = arith.constant 20 : i32
    %mul3A_2880 = vector.broadcast %mul3A_2879 : i32 to vector<16xi32>
    %mul3A_2881 = arith.muli %add3A_2808, %mul3A_2880 : vector<16xi32>
    %add3A_2882 = arith.constant 4 : i32
    %add3A_2883 = vector.broadcast %add3A_2882 : i32 to vector<16xi32>
    %add3A_2884 = arith.addi %mul3A_2881, %add3A_2883 : vector<16xi32>
    %gather3A_2885 = tpu.vector_load_idx %arg7[%add3A_2884] : memref<640xi32, #tpu.memory_space<vmem>>[vector<16xi32>], vector<16xi32>,
    %gather3A_2886 = tpu.vector_load_idx %arg8[%add3A_2884, %gather3A_2885] : memref<640x128xf32, #tpu.memory_space<vmem>>[vector<16xi32>, vector<16xi32>], vector<16xf32>,
    %gt3A_2887 = arith.constant 0.000000e+00 : f32
    %gt3A_2888 = vector.broadcast %gt3A_2887 : f32 to vector<16xf32>
    %gt3A_2889 = arith.cmpf ogt, %gather3A_2886, %gt3A_2888 : vector<16xf32>
    %jit3A_2890 = arith.constant 1.000000e+00 : f32
    %jit3A_2891 = arith.constant 0.000000e+00 : f32
    %broadcast_in_dim3A_2892 = vector.broadcast %jit3A_2890 : f32 to vector<16xf32>
    %broadcast_in_dim3A_2893 = vector.broadcast %jit3A_2891 : f32 to vector<16xf32>
    %select_n3A_2894 = arith.select %gt3A_2889, %broadcast_in_dim3A_2892, %broadcast_in_dim3A_2893 : vector<16xi1>, vector<16xf32>
    %add3A_2895 = arith.addf %add3A_2878, %select_n3A_2894 : vector<16xf32>
    %mul3A_2896 = arith.constant 20 : i32
    %mul3A_2897 = vector.broadcast %mul3A_2896 : i32 to vector<16xi32>
    %mul3A_2898 = arith.muli %add3A_2808, %mul3A_2897 : vector<16xi32>
    %add3A_2899 = arith.constant 5 : i32
    %add3A_2900 = vector.broadcast %add3A_2899 : i32 to vector<16xi32>
    %add3A_2901 = arith.addi %mul3A_2898, %add3A_2900 : vector<16xi32>
    %gather3A_2902 = tpu.vector_load_idx %arg7[%add3A_2901] : memref<640xi32, #tpu.memory_space<vmem>>[vector<16xi32>], vector<16xi32>,
    %gather3A_2903 = tpu.vector_load_idx %arg8[%add3A_2901, %gather3A_2902] : memref<640x128xf32, #tpu.memory_space<vmem>>[vector<16xi32>, vector<16xi32>], vector<16xf32>,
    %gt3A_2904 = arith.constant 0.000000e+00 : f32
    %gt3A_2905 = vector.broadcast %gt3A_2904 : f32 to vector<16xf32>
    %gt3A_2906 = arith.cmpf ogt, %gather3A_2903, %gt3A_2905 : vector<16xf32>
    %jit3A_2907 = arith.constant 1.000000e+00 : f32
    %jit3A_2908 = arith.constant 0.000000e+00 : f32
    %broadcast_in_dim3A_2909 = vector.broadcast %jit3A_2907 : f32 to vector<16xf32>
    %broadcast_in_dim3A_2910 = vector.broadcast %jit3A_2908 : f32 to vector<16xf32>
    %select_n3A_2911 = arith.select %gt3A_2906, %broadcast_in_dim3A_2909, %broadcast_in_dim3A_2910 : vector<16xi1>, vector<16xf32>
    %add3A_2912 = arith.addf %add3A_2895, %select_n3A_2911 : vector<16xf32>
    %mul3A_2913 = arith.constant 20 : i32
    %mul3A_2914 = vector.broadcast %mul3A_2913 : i32 to vector<16xi32>
    %mul3A_2915 = arith.muli %add3A_2808, %mul3A_2914 : vector<16xi32>
    %add3A_2916 = arith.constant 6 : i32
    %add3A_2917 = vector.broadcast %add3A_2916 : i32 to vector<16xi32>
    %add3A_2918 = arith.addi %mul3A_2915, %add3A_2917 : vector<16xi32>
    %gather3A_2919 = tpu.vector_load_idx %arg7[%add3A_2918] : memref<640xi32, #tpu.memory_space<vmem>>[vector<16xi32>], vector<16xi32>,
    %gather3A_2920 = tpu.vector_load_idx %arg8[%add3A_2918, %gather3A_2919] : memref<640x128xf32, #tpu.memory_space<vmem>>[vector<16xi32>, vector<16xi32>], vector<16xf32>,
    %gt3A_2921 = arith.constant 0.000000e+00 : f32
    %gt3A_2922 = vector.broadcast %gt3A_2921 : f32 to vector<16xf32>
    %gt3A_2923 = arith.cmpf ogt, %gather3A_2920, %gt3A_2922 : vector<16xf32>
    %jit3A_2924 = arith.constant 1.000000e+00 : f32
    %jit3A_2925 = arith.constant 0.000000e+00 : f32
    %broadcast_in_dim3A_2926 = vector.broadcast %jit3A_2924 : f32 to vector<16xf32>
    %broadcast_in_dim3A_2927 = vector.broadcast %jit3A_2925 : f32 to vector<16xf32>
    %select_n3A_2928 = arith.select %gt3A_2923, %broadcast_in_dim3A_2926, %broadcast_in_dim3A_2927 : vector<16xi1>, vector<16xf32>
    %add3A_2929 = arith.addf %add3A_2912, %select_n3A_2928 : vector<16xf32>
    %mul3A_2930 = arith.constant 20 : i32
    %mul3A_2931 = vector.broadcast %mul3A_2930 : i32 to vector<16xi32>
    %mul3A_2932 = arith.muli %add3A_2808, %mul3A_2931 : vector<16xi32>
    %add3A_2933 = arith.constant 7 : i32
    %add3A_2934 = vector.broadcast %add3A_2933 : i32 to vector<16xi32>
    %add3A_2935 = arith.addi %mul3A_2932, %add3A_2934 : vector<16xi32>
    %gather3A_2936 = tpu.vector_load_idx %arg7[%add3A_2935] : memref<640xi32, #tpu.memory_space<vmem>>[vector<16xi32>], vector<16xi32>,
    %gather3A_2937 = tpu.vector_load_idx %arg8[%add3A_2935, %gather3A_2936] : memref<640x128xf32, #tpu.memory_space<vmem>>[vector<16xi32>, vector<16xi32>], vector<16xf32>,
    %gt3A_2938 = arith.constant 0.000000e+00 : f32
    %gt3A_2939 = vector.broadcast %gt3A_2938 : f32 to vector<16xf32>
    %gt3A_2940 = arith.cmpf ogt, %gather3A_2937, %gt3A_2939 : vector<16xf32>
    %jit3A_2941 = arith.constant 1.000000e+00 : f32
    %jit3A_2942 = arith.constant 0.000000e+00 : f32
    %broadcast_in_dim3A_2943 = vector.broadcast %jit3A_2941 : f32 to vector<16xf32>
    %broadcast_in_dim3A_2944 = vector.broadcast %jit3A_2942 : f32 to vector<16xf32>
    %select_n3A_2945 = arith.select %gt3A_2940, %broadcast_in_dim3A_2943, %broadcast_in_dim3A_2944 : vector<16xi1>, vector<16xf32>
    %add3A_2946 = arith.addf %add3A_2929, %select_n3A_2945 : vector<16xf32>
    %mul3A_2947 = arith.constant 20 : i32
    %mul3A_2948 = vector.broadcast %mul3A_2947 : i32 to vector<16xi32>
    %mul3A_2949 = arith.muli %add3A_2808, %mul3A_2948 : vector<16xi32>
    %add3A_2950 = arith.constant 8 : i32
    %add3A_2951 = vector.broadcast %add3A_2950 : i32 to vector<16xi32>
    %add3A_2952 = arith.addi %mul3A_2949, %add3A_2951 : vector<16xi32>
    %gather3A_2953 = tpu.vector_load_idx %arg7[%add3A_2952] : memref<640xi32, #tpu.memory_space<vmem>>[vector<16xi32>], vector<16xi32>,
    %gather3A_2954 = tpu.vector_load_idx %arg8[%add3A_2952, %gather3A_2953] : memref<640x128xf32, #tpu.memory_space<vmem>>[vector<16xi32>, vector<16xi32>], vector<16xf32>,
    %gt3A_2955 = arith.constant 0.000000e+00 : f32
    %gt3A_2956 = vector.broadcast %gt3A_2955 : f32 to vector<16xf32>
    %gt3A_2957 = arith.cmpf ogt, %gather3A_2954, %gt3A_2956 : vector<16xf32>
    %jit3A_2958 = arith.constant 1.000000e+00 : f32
    %jit3A_2959 = arith.constant 0.000000e+00 : f32
    %broadcast_in_dim3A_2960 = vector.broadcast %jit3A_2958 : f32 to vector<16xf32>
    %broadcast_in_dim3A_2961 = vector.broadcast %jit3A_2959 : f32 to vector<16xf32>
    %select_n3A_2962 = arith.select %gt3A_2957, %broadcast_in_dim3A_2960, %broadcast_in_dim3A_2961 : vector<16xi1>, vector<16xf32>
    %add3A_2963 = arith.addf %add3A_2946, %select_n3A_2962 : vector<16xf32>
    %mul3A_2964 = arith.constant 20 : i32
    %mul3A_2965 = vector.broadcast %mul3A_2964 : i32 to vector<16xi32>
    %mul3A_2966 = arith.muli %add3A_2808, %mul3A_2965 : vector<16xi32>
    %add3A_2967 = arith.constant 9 : i32
    %add3A_2968 = vector.broadcast %add3A_2967 : i32 to vector<16xi32>
    %add3A_2969 = arith.addi %mul3A_2966, %add3A_2968 : vector<16xi32>
    %gather3A_2970 = tpu.vector_load_idx %arg7[%add3A_2969] : memref<640xi32, #tpu.memory_space<vmem>>[vector<16xi32>], vector<16xi32>,
    %gather3A_2971 = tpu.vector_load_idx %arg8[%add3A_2969, %gather3A_2970] : memref<640x128xf32, #tpu.memory_space<vmem>>[vector<16xi32>, vector<16xi32>], vector<16xf32>,
    %gt3A_2972 = arith.constant 0.000000e+00 : f32
    %gt3A_2973 = vector.broadcast %gt3A_2972 : f32 to vector<16xf32>
    %gt3A_2974 = arith.cmpf ogt, %gather3A_2971, %gt3A_2973 : vector<16xf32>
    %jit3A_2975 = arith.constant 1.000000e+00 : f32
    %jit3A_2976 = arith.constant 0.000000e+00 : f32
    %broadcast_in_dim3A_2977 = vector.broadcast %jit3A_2975 : f32 to vector<16xf32>
    %broadcast_in_dim3A_2978 = vector.broadcast %jit3A_2976 : f32 to vector<16xf32>
    %select_n3A_2979 = arith.select %gt3A_2974, %broadcast_in_dim3A_2977, %broadcast_in_dim3A_2978 : vector<16xi1>, vector<16xf32>
    %add3A_2980 = arith.addf %add3A_2963, %select_n3A_2979 : vector<16xf32>
    %mul3A_2981 = arith.constant 20 : i32
    %mul3A_2982 = vector.broadcast %mul3A_2981 : i32 to vector<16xi32>
    %mul3A_2983 = arith.muli %add3A_2808, %mul3A_2982 : vector<16xi32>
    %add3A_2984 = arith.constant 10 : i32
    %add3A_2985 = vector.broadcast %add3A_2984 : i32 to vector<16xi32>
    %add3A_2986 = arith.addi %mul3A_2983, %add3A_2985 : vector<16xi32>
    %gather3A_2987 = tpu.vector_load_idx %arg7[%add3A_2986] : memref<640xi32, #tpu.memory_space<vmem>>[vector<16xi32>], vector<16xi32>,
    %gather3A_2988 = tpu.vector_load_idx %arg8[%add3A_2986, %gather3A_2987] : memref<640x128xf32, #tpu.memory_space<vmem>>[vector<16xi32>, vector<16xi32>], vector<16xf32>,
    %gt3A_2989 = arith.constant 0.000000e+00 : f32
    %gt3A_2990 = vector.broadcast %gt3A_2989 : f32 to vector<16xf32>
    %gt3A_2991 = arith.cmpf ogt, %gather3A_2988, %gt3A_2990 : vector<16xf32>
    %jit3A_2992 = arith.constant 1.000000e+00 : f32
    %jit3A_2993 = arith.constant 0.000000e+00 : f32
    %broadcast_in_dim3A_2994 = vector.broadcast %jit3A_2992 : f32 to vector<16xf32>
    %broadcast_in_dim3A_2995 = vector.broadcast %jit3A_2993 : f32 to vector<16xf32>
    %select_n3A_2996 = arith.select %gt3A_2991, %broadcast_in_dim3A_2994, %broadcast_in_dim3A_2995 : vector<16xi1>, vector<16xf32>
    %add3A_2997 = arith.addf %add3A_2980, %select_n3A_2996 : vector<16xf32>
    %mul3A_2998 = arith.constant 20 : i32
    %mul3A_2999 = vector.broadcast %mul3A_2998 : i32 to vector<16xi32>
    %mul3A_3000 = arith.muli %add3A_2808, %mul3A_2999 : vector<16xi32>
    %add3A_3001 = arith.constant 11 : i32
    %add3A_3002 = vector.broadcast %add3A_3001 : i32 to vector<16xi32>
    %add3A_3003 = arith.addi %mul3A_3000, %add3A_3002 : vector<16xi32>
    %gather3A_3004 = tpu.vector_load_idx %arg7[%add3A_3003] : memref<640xi32, #tpu.memory_space<vmem>>[vector<16xi32>], vector<16xi32>,
    %gather3A_3005 = tpu.vector_load_idx %arg8[%add3A_3003, %gather3A_3004] : memref<640x128xf32, #tpu.memory_space<vmem>>[vector<16xi32>, vector<16xi32>], vector<16xf32>,
    %gt3A_3006 = arith.constant 0.000000e+00 : f32
    %gt3A_3007 = vector.broadcast %gt3A_3006 : f32 to vector<16xf32>
    %gt3A_3008 = arith.cmpf ogt, %gather3A_3005, %gt3A_3007 : vector<16xf32>
    %jit3A_3009 = arith.constant 1.000000e+00 : f32
    %jit3A_3010 = arith.constant 0.000000e+00 : f32
    %broadcast_in_dim3A_3011 = vector.broadcast %jit3A_3009 : f32 to vector<16xf32>
    %broadcast_in_dim3A_3012 = vector.broadcast %jit3A_3010 : f32 to vector<16xf32>
    %select_n3A_3013 = arith.select %gt3A_3008, %broadcast_in_dim3A_3011, %broadcast_in_dim3A_3012 : vector<16xi1>, vector<16xf32>
    %add3A_3014 = arith.addf %add3A_2997, %select_n3A_3013 : vector<16xf32>
    %mul3A_3015 = arith.constant 20 : i32
    %mul3A_3016 = vector.broadcast %mul3A_3015 : i32 to vector<16xi32>
    %mul3A_3017 = arith.muli %add3A_2808, %mul3A_3016 : vector<16xi32>
    %add3A_3018 = arith.constant 12 : i32
    %add3A_3019 = vector.broadcast %add3A_3018 : i32 to vector<16xi32>
    %add3A_3020 = arith.addi %mul3A_3017, %add3A_3019 : vector<16xi32>
    %gather3A_3021 = tpu.vector_load_idx %arg7[%add3A_3020] : memref<640xi32, #tpu.memory_space<vmem>>[vector<16xi32>], vector<16xi32>,
    %gather3A_3022 = tpu.vector_load_idx %arg8[%add3A_3020, %gather3A_3021] : memref<640x128xf32, #tpu.memory_space<vmem>>[vector<16xi32>, vector<16xi32>], vector<16xf32>,
    %gt3A_3023 = arith.constant 0.000000e+00 : f32
    %gt3A_3024 = vector.broadcast %gt3A_3023 : f32 to vector<16xf32>
    %gt3A_3025 = arith.cmpf ogt, %gather3A_3022, %gt3A_3024 : vector<16xf32>
    %jit3A_3026 = arith.constant 1.000000e+00 : f32
    %jit3A_3027 = arith.constant 0.000000e+00 : f32
    %broadcast_in_dim3A_3028 = vector.broadcast %jit3A_3026 : f32 to vector<16xf32>
    %broadcast_in_dim3A_3029 = vector.broadcast %jit3A_3027 : f32 to vector<16xf32>
    %select_n3A_3030 = arith.select %gt3A_3025, %broadcast_in_dim3A_3028, %broadcast_in_dim3A_3029 : vector<16xi1>, vector<16xf32>
    %add3A_3031 = arith.addf %add3A_3014, %select_n3A_3030 : vector<16xf32>
    %mul3A_3032 = arith.constant 20 : i32
    %mul3A_3033 = vector.broadcast %mul3A_3032 : i32 to vector<16xi32>
    %mul3A_3034 = arith.muli %add3A_2808, %mul3A_3033 : vector<16xi32>
    %add3A_3035 = arith.constant 13 : i32
    %add3A_3036 = vector.broadcast %add3A_3035 : i32 to vector<16xi32>
    %add3A_3037 = arith.addi %mul3A_3034, %add3A_3036 : vector<16xi32>
    %gather3A_3038 = tpu.vector_load_idx %arg7[%add3A_3037] : memref<640xi32, #tpu.memory_space<vmem>>[vector<16xi32>], vector<16xi32>,
    %gather3A_3039 = tpu.vector_load_idx %arg8[%add3A_3037, %gather3A_3038] : memref<640x128xf32, #tpu.memory_space<vmem>>[vector<16xi32>, vector<16xi32>], vector<16xf32>,
    %gt3A_3040 = arith.constant 0.000000e+00 : f32
    %gt3A_3041 = vector.broadcast %gt3A_3040 : f32 to vector<16xf32>
    %gt3A_3042 = arith.cmpf ogt, %gather3A_3039, %gt3A_3041 : vector<16xf32>
    %jit3A_3043 = arith.constant 1.000000e+00 : f32
    %jit3A_3044 = arith.constant 0.000000e+00 : f32
    %broadcast_in_dim3A_3045 = vector.broadcast %jit3A_3043 : f32 to vector<16xf32>
    %broadcast_in_dim3A_3046 = vector.broadcast %jit3A_3044 : f32 to vector<16xf32>
    %select_n3A_3047 = arith.select %gt3A_3042, %broadcast_in_dim3A_3045, %broadcast_in_dim3A_3046 : vector<16xi1>, vector<16xf32>
    %add3A_3048 = arith.addf %add3A_3031, %select_n3A_3047 : vector<16xf32>
    %mul3A_3049 = arith.constant 20 : i32
    %mul3A_3050 = vector.broadcast %mul3A_3049 : i32 to vector<16xi32>
    %mul3A_3051 = arith.muli %add3A_2808, %mul3A_3050 : vector<16xi32>
    %add3A_3052 = arith.constant 14 : i32
    %add3A_3053 = vector.broadcast %add3A_3052 : i32 to vector<16xi32>
    %add3A_3054 = arith.addi %mul3A_3051, %add3A_3053 : vector<16xi32>
    %gather3A_3055 = tpu.vector_load_idx %arg7[%add3A_3054] : memref<640xi32, #tpu.memory_space<vmem>>[vector<16xi32>], vector<16xi32>,
    %gather3A_3056 = tpu.vector_load_idx %arg8[%add3A_3054, %gather3A_3055] : memref<640x128xf32, #tpu.memory_space<vmem>>[vector<16xi32>, vector<16xi32>], vector<16xf32>,
    %gt3A_3057 = arith.constant 0.000000e+00 : f32
    %gt3A_3058 = vector.broadcast %gt3A_3057 : f32 to vector<16xf32>
    %gt3A_3059 = arith.cmpf ogt, %gather3A_3056, %gt3A_3058 : vector<16xf32>
    %jit3A_3060 = arith.constant 1.000000e+00 : f32
    %jit3A_3061 = arith.constant 0.000000e+00 : f32
    %broadcast_in_dim3A_3062 = vector.broadcast %jit3A_3060 : f32 to vector<16xf32>
    %broadcast_in_dim3A_3063 = vector.broadcast %jit3A_3061 : f32 to vector<16xf32>
    %select_n3A_3064 = arith.select %gt3A_3059, %broadcast_in_dim3A_3062, %broadcast_in_dim3A_3063 : vector<16xi1>, vector<16xf32>
    %add3A_3065 = arith.addf %add3A_3048, %select_n3A_3064 : vector<16xf32>
    %mul3A_3066 = arith.constant 20 : i32
    %mul3A_3067 = vector.broadcast %mul3A_3066 : i32 to vector<16xi32>
    %mul3A_3068 = arith.muli %add3A_2808, %mul3A_3067 : vector<16xi32>
    %add3A_3069 = arith.constant 15 : i32
    %add3A_3070 = vector.broadcast %add3A_3069 : i32 to vector<16xi32>
    %add3A_3071 = arith.addi %mul3A_3068, %add3A_3070 : vector<16xi32>
    %gather3A_3072 = tpu.vector_load_idx %arg7[%add3A_3071] : memref<640xi32, #tpu.memory_space<vmem>>[vector<16xi32>], vector<16xi32>,
    %gather3A_3073 = tpu.vector_load_idx %arg8[%add3A_3071, %gather3A_3072] : memref<640x128xf32, #tpu.memory_space<vmem>>[vector<16xi32>, vector<16xi32>], vector<16xf32>,
    %gt3A_3074 = arith.constant 0.000000e+00 : f32
    %gt3A_3075 = vector.broadcast %gt3A_3074 : f32 to vector<16xf32>
    %gt3A_3076 = arith.cmpf ogt, %gather3A_3073, %gt3A_3075 : vector<16xf32>
    %jit3A_3077 = arith.constant 1.000000e+00 : f32
    %jit3A_3078 = arith.constant 0.000000e+00 : f32
    %broadcast_in_dim3A_3079 = vector.broadcast %jit3A_3077 : f32 to vector<16xf32>
    %broadcast_in_dim3A_3080 = vector.broadcast %jit3A_3078 : f32 to vector<16xf32>
    %select_n3A_3081 = arith.select %gt3A_3076, %broadcast_in_dim3A_3079, %broadcast_in_dim3A_3080 : vector<16xi1>, vector<16xf32>
    %add3A_3082 = arith.addf %add3A_3065, %select_n3A_3081 : vector<16xf32>
    %mul3A_3083 = arith.constant 20 : i32
    %mul3A_3084 = vector.broadcast %mul3A_3083 : i32 to vector<16xi32>
    %mul3A_3085 = arith.muli %add3A_2808, %mul3A_3084 : vector<16xi32>
    %add3A_3086 = arith.constant 16 : i32
    %add3A_3087 = vector.broadcast %add3A_3086 : i32 to vector<16xi32>
    %add3A_3088 = arith.addi %mul3A_3085, %add3A_3087 : vector<16xi32>
    %gather3A_3089 = tpu.vector_load_idx %arg7[%add3A_3088] : memref<640xi32, #tpu.memory_space<vmem>>[vector<16xi32>], vector<16xi32>,
    %gather3A_3090 = tpu.vector_load_idx %arg8[%add3A_3088, %gather3A_3089] : memref<640x128xf32, #tpu.memory_space<vmem>>[vector<16xi32>, vector<16xi32>], vector<16xf32>,
    %gt3A_3091 = arith.constant 0.000000e+00 : f32
    %gt3A_3092 = vector.broadcast %gt3A_3091 : f32 to vector<16xf32>
    %gt3A_3093 = arith.cmpf ogt, %gather3A_3090, %gt3A_3092 : vector<16xf32>
    %jit3A_3094 = arith.constant 1.000000e+00 : f32
    %jit3A_3095 = arith.constant 0.000000e+00 : f32
    %broadcast_in_dim3A_3096 = vector.broadcast %jit3A_3094 : f32 to vector<16xf32>
    %broadcast_in_dim3A_3097 = vector.broadcast %jit3A_3095 : f32 to vector<16xf32>
    %select_n3A_3098 = arith.select %gt3A_3093, %broadcast_in_dim3A_3096, %broadcast_in_dim3A_3097 : vector<16xi1>, vector<16xf32>
    %add3A_3099 = arith.addf %add3A_3082, %select_n3A_3098 : vector<16xf32>
    %mul3A_3100 = arith.constant 20 : i32
    %mul3A_3101 = vector.broadcast %mul3A_3100 : i32 to vector<16xi32>
    %mul3A_3102 = arith.muli %add3A_2808, %mul3A_3101 : vector<16xi32>
    %add3A_3103 = arith.constant 17 : i32
    %add3A_3104 = vector.broadcast %add3A_3103 : i32 to vector<16xi32>
    %add3A_3105 = arith.addi %mul3A_3102, %add3A_3104 : vector<16xi32>
    %gather3A_3106 = tpu.vector_load_idx %arg7[%add3A_3105] : memref<640xi32, #tpu.memory_space<vmem>>[vector<16xi32>], vector<16xi32>,
    %gather3A_3107 = tpu.vector_load_idx %arg8[%add3A_3105, %gather3A_3106] : memref<640x128xf32, #tpu.memory_space<vmem>>[vector<16xi32>, vector<16xi32>], vector<16xf32>,
    %gt3A_3108 = arith.constant 0.000000e+00 : f32
    %gt3A_3109 = vector.broadcast %gt3A_3108 : f32 to vector<16xf32>
    %gt3A_3110 = arith.cmpf ogt, %gather3A_3107, %gt3A_3109 : vector<16xf32>
    %jit3A_3111 = arith.constant 1.000000e+00 : f32
    %jit3A_3112 = arith.constant 0.000000e+00 : f32
    %broadcast_in_dim3A_3113 = vector.broadcast %jit3A_3111 : f32 to vector<16xf32>
    %broadcast_in_dim3A_3114 = vector.broadcast %jit3A_3112 : f32 to vector<16xf32>
    %select_n3A_3115 = arith.select %gt3A_3110, %broadcast_in_dim3A_3113, %broadcast_in_dim3A_3114 : vector<16xi1>, vector<16xf32>
    %add3A_3116 = arith.addf %add3A_3099, %select_n3A_3115 : vector<16xf32>
    %mul3A_3117 = arith.constant 20 : i32
    %mul3A_3118 = vector.broadcast %mul3A_3117 : i32 to vector<16xi32>
    %mul3A_3119 = arith.muli %add3A_2808, %mul3A_3118 : vector<16xi32>
    %add3A_3120 = arith.constant 18 : i32
    %add3A_3121 = vector.broadcast %add3A_3120 : i32 to vector<16xi32>
    %add3A_3122 = arith.addi %mul3A_3119, %add3A_3121 : vector<16xi32>
    %gather3A_3123 = tpu.vector_load_idx %arg7[%add3A_3122] : memref<640xi32, #tpu.memory_space<vmem>>[vector<16xi32>], vector<16xi32>,
    %gather3A_3124 = tpu.vector_load_idx %arg8[%add3A_3122, %gather3A_3123] : memref<640x128xf32, #tpu.memory_space<vmem>>[vector<16xi32>, vector<16xi32>], vector<16xf32>,
    %gt3A_3125 = arith.constant 0.000000e+00 : f32
    %gt3A_3126 = vector.broadcast %gt3A_3125 : f32 to vector<16xf32>
    %gt3A_3127 = arith.cmpf ogt, %gather3A_3124, %gt3A_3126 : vector<16xf32>
    %jit3A_3128 = arith.constant 1.000000e+00 : f32
    %jit3A_3129 = arith.constant 0.000000e+00 : f32
    %broadcast_in_dim3A_3130 = vector.broadcast %jit3A_3128 : f32 to vector<16xf32>
    %broadcast_in_dim3A_3131 = vector.broadcast %jit3A_3129 : f32 to vector<16xf32>
    %select_n3A_3132 = arith.select %gt3A_3127, %broadcast_in_dim3A_3130, %broadcast_in_dim3A_3131 : vector<16xi1>, vector<16xf32>
    %add3A_3133 = arith.addf %add3A_3116, %select_n3A_3132 : vector<16xf32>
    %mul3A_3134 = arith.constant 20 : i32
    %mul3A_3135 = vector.broadcast %mul3A_3134 : i32 to vector<16xi32>
    %mul3A_3136 = arith.muli %add3A_2808, %mul3A_3135 : vector<16xi32>
    %add3A_3137 = arith.constant 19 : i32
    %add3A_3138 = vector.broadcast %add3A_3137 : i32 to vector<16xi32>
    %add3A_3139 = arith.addi %mul3A_3136, %add3A_3138 : vector<16xi32>
    %gather3A_3140 = tpu.vector_load_idx %arg7[%add3A_3139] : memref<640xi32, #tpu.memory_space<vmem>>[vector<16xi32>], vector<16xi32>,
    %gather3A_3141 = tpu.vector_load_idx %arg8[%add3A_3139, %gather3A_3140] : memref<640x128xf32, #tpu.memory_space<vmem>>[vector<16xi32>, vector<16xi32>], vector<16xf32>,
    %gt3A_3142 = arith.constant 0.000000e+00 : f32
    %gt3A_3143 = vector.broadcast %gt3A_3142 : f32 to vector<16xf32>
    %gt3A_3144 = arith.cmpf ogt, %gather3A_3141, %gt3A_3143 : vector<16xf32>
    %jit3A_3145 = arith.constant 1.000000e+00 : f32
    %jit3A_3146 = arith.constant 0.000000e+00 : f32
    %broadcast_in_dim3A_3147 = vector.broadcast %jit3A_3145 : f32 to vector<16xf32>
    %broadcast_in_dim3A_3148 = vector.broadcast %jit3A_3146 : f32 to vector<16xf32>
    %select_n3A_3149 = arith.select %gt3A_3144, %broadcast_in_dim3A_3147, %broadcast_in_dim3A_3148 : vector<16xi1>, vector<16xf32>
    %add3A_3150 = arith.addf %add3A_3133, %select_n3A_3149 : vector<16xf32>
    %swap3A_3151 = arith.constant 16 : index
    %swap3A_3152 = tpu.vector_load %arg9[%swap3A_3151] {strides = array<i32>} : memref<32xf32, #tpu.memory_space<vmem>>, vector<16xf32>,
    tpu.vector_store %arg9[%swap3A_3151], %add3A_3150 {strides = array<i32>} : memref<32xf32, #tpu.memory_space<vmem>>, vector<16xf32>,
    %mul3A_3153 = arith.constant 32 : i32
    %mul3A_3154 = arith.muli %add3A, %mul3A_3153 : i32
    "tpu.region"() ({
      %run_scoped3A = tpu.sem_alloc : memref<!tpu.dma_semaphore, #tpu.memory_space<semaphore_mem>>
      %dma_start3A_3155 = tpu.memref_slice %arg4[%mul3A_3154] : memref<1024xf32, #tpu.memory_space<hbm>> -> memref<32xf32, #tpu.memory_space<hbm>>
      %dma_start3A_3156 = tpu.memref_slice %arg4[%mul3A_3154] : memref<1024xf32, #tpu.memory_space<hbm>> -> memref<32xf32, #tpu.memory_space<hbm>>
      tpu.enqueue_dma source(%arg9 : memref<32xf32, #tpu.memory_space<vmem>>) target(%dma_start3A_3156 : memref<32xf32, #tpu.memory_space<hbm>>) target_semaphore(%run_scoped3A : memref<!tpu.dma_semaphore, #tpu.memory_space<semaphore_mem>>)
      %dma_wait3A_3157 = tpu.memref_slice %arg4[%mul3A_3154] : memref<1024xf32, #tpu.memory_space<hbm>> -> memref<32xf32, #tpu.memory_space<hbm>>
      %dma_wait3A_3158 = tpu.memref_slice %arg4[%mul3A_3154] : memref<1024xf32, #tpu.memory_space<hbm>> -> memref<32xf32, #tpu.memory_space<hbm>>
      tpu.wait_dma2 semaphore(%run_scoped3A : memref<!tpu.dma_semaphore, #tpu.memory_space<semaphore_mem>>) src(%arg9 : memref<32xf32, #tpu.memory_space<vmem>>) dst(%dma_wait3A_3158 : memref<32xf32, #tpu.memory_space<hbm>>)
      tpu.yield
    }) : () -> ()
    return
  }
}

module attributes {stable_mosaic.version = 14 : i64} {
  func.func @_count_body(%arg0: i32, %arg1: memref<10240x128xf32, #tpu.memory_space<vmem>>, %arg2: memref<1x1x16xf32, #tpu.memory_space<vmem>>) attributes {dimension_semantics = [#tpu.dimension_semantics<arbitrary>], iteration_bounds = array<i64: 64>, scalar_prefetch = 0 : i64, scratch_operands = 0 : i64, tpu.core_type = #tpu.core_type<tc>, window_params = [{transform_indices = @transform_0, window_bounds = array<i64: 10240, 128>}, {transform_indices = @transform_1, window_bounds = array<i64: 1, 1, 16>}]} {
    %get3A = arith.constant 0 : index
    %get3A_0 = arith.constant 0 : index
    %get3A_1 = vector.load %arg1[%get3A, %get3A_0] : memref<10240x128xf32, #tpu.memory_space<vmem>>, vector<10240x128xf32>
    %gt3A = arith.constant 0.000000e+00 : f32
    %gt3A_2 = vector.broadcast %gt3A : f32 to vector<10240x128xf32>
    %gt3A_3 = arith.cmpf ogt, %get3A_1, %gt3A_2 : vector<10240x128xf32>
    %convert_element_type3A = arith.extui %gt3A_3 : vector<10240x128xi1> to vector<10240x128xi32>
    %convert_element_type3A_4 = arith.sitofp %convert_element_type3A : vector<10240x128xi32> to vector<10240x128xf32>
    %reshape3A = vector.shape_cast %convert_element_type3A_4 : vector<10240x128xf32> to vector<16x640x128xf32>
    %reduce_sum3A = arith.constant dense<0.000000e+00> : vector<16xf32>
    %reduce_sum3A_5 = vector.multi_reduction <add>, %reshape3A, %reduce_sum3A [1, 2] : vector<16x640x128xf32> to vector<16xf32>
    %swap3A = arith.constant 0 : index
    %swap3A_6 = arith.constant 0 : index
    %swap3A_7 = arith.constant 0 : index
    %swap3A_8 = vector.load %arg2[%swap3A, %swap3A_6, %swap3A_7] : memref<1x1x16xf32, #tpu.memory_space<vmem>>, vector<1x1x16xf32>
    %swap3A_9 = vector.shape_cast %swap3A_8 : vector<1x1x16xf32> to vector<16xf32>
    %swap3A_10 = vector.shape_cast %reduce_sum3A_5 : vector<16xf32> to vector<1x1x16xf32>
    tpu.vector_store %arg2[%swap3A, %swap3A_6, %swap3A_7], %swap3A_10 {strides = array<i32>} : memref<1x1x16xf32, #tpu.memory_space<vmem>>, vector<1x1x16xf32>,
    return
  }
  func.func @transform_0(%arg0: i32) -> (i32, i32) {
    %c0_i32 = arith.constant 0 : i32
    %c0_i32_0 = arith.constant 0 : i32
    return %arg0, %c0_i32 : i32, i32
  }
  func.func @transform_1(%arg0: i32) -> (i32, i32, i32) {
    %c0_i32 = arith.constant 0 : i32
    %c0_i32_0 = arith.constant 0 : i32
    %c0_i32_1 = arith.constant 0 : i32
    return %arg0, %c0_i32, %c0_i32_0 : i32, i32, i32
  }
}

module attributes {stable_mosaic.version = 14 : i64} {
  func.func @_combine_body(%arg0: memref<8x128xf32, #tpu.memory_space<vmem>>, %arg1: memref<8x128xf32, #tpu.memory_space<vmem>>, %arg2: memref<1x1xf32, #tpu.memory_space<smem>>) attributes {dimension_semantics = [], scalar_prefetch = 0 : i64, scratch_operands = 0 : i64, tpu.core_type = #tpu.core_type<tc>} {
    %get3A = arith.constant 0 : index
    %get3A_0 = arith.constant 0 : index
    %get3A_1 = vector.load %arg0[%get3A, %get3A_0] : memref<8x128xf32, #tpu.memory_space<vmem>>, vector<8x128xf32>
    %get3A_2 = arith.constant 0 : index
    %get3A_3 = arith.constant 0 : index
    %get3A_4 = vector.load %arg1[%get3A_2, %get3A_3] : memref<8x128xf32, #tpu.memory_space<vmem>>, vector<8x128xf32>
    %add3A = arith.constant 1.000000e-07 : f32
    %add3A_5 = vector.broadcast %add3A : f32 to vector<8x128xf32>
    %add3A_6 = arith.addf %get3A_4, %add3A_5 : vector<8x128xf32>
    %div3A = arith.divf %get3A_1, %add3A_6 : vector<8x128xf32>
    %reduce_sum3A = vector.shape_cast %div3A : vector<8x128xf32> to vector<1x8x128xf32>
    %reduce_sum3A_7 = arith.constant dense<0.000000e+00> : vector<1xf32>
    %reduce_sum3A_8 = vector.multi_reduction <add>, %reduce_sum3A, %reduce_sum3A_7 [1, 2] : vector<1x8x128xf32> to vector<1xf32>
    %reduce_sum3A_9 = vector.shape_cast %reduce_sum3A_8 : vector<1xf32> to vector<1x1x1xf32>
    %reduce_sum3A_10 = vector.extract %reduce_sum3A_9[0, 0, 0] : f32 from vector<1x1x1xf32>
    %mul3A = arith.constant 9.765625E-4 : f32
    %mul3A_11 = arith.mulf %reduce_sum3A_10, %mul3A : f32
    %sub3A = arith.constant 1.000000e+00 : f32
    %sub3A_12 = arith.subf %sub3A, %mul3A_11 : f32
    %swap3A = arith.constant 0 : index
    %swap3A_13 = arith.constant 0 : index
    %swap3A_14 = memref.load %arg2[%swap3A, %swap3A_13] : memref<1x1xf32, #tpu.memory_space<smem>>
    memref.store %sub3A_12, %arg2[%swap3A, %swap3A_13] : memref<1x1xf32, #tpu.memory_space<smem>>
    return
  }
}

</mosaic_0001>

<sc_bundles>
// kernel: kernel.5.cloned.1.call-start
scs
__scs_entry_jumppad:
0x0: {  	(pc) =	sbr.rel $0x88, $3  }
0x1: {  	(tag) =	ssettag $0x0;
	lr =	simm.s32 $0x1  }
0x2: {  	[smem:$0x3F9F] =	sst lr;
	_ =	strace $0xD0000000  }
0x3: {  	_ = 	snop  }
0x4: {  	_ = 	snop  }
0x5: {  	_ = 	snop  }
0x6: {  	_ = 	snop  }
0x7: {  	_ = 	snop  }
__scs_overlays_trampoline_lowered:
0x8: {  	[smem:$0x3FAE] =	sst s0  }
0x9: {  	[smem:$0x3FAF] =	sst s1  }
0xa: {  	[smem:$0x3FB0] =	sst s2  }
0xb: {  	[smem:$0x3FB1] =	sst s3  }
0xc: {  	[smem:$0x3FB2] =	sst s4  }
0xd: {  	[smem:$0x3FB3] =	sst s5  }
0xe: {  	[smem:$0x3FB4] =	sst s6  }
0xf: {  	[smem:$0x3FB5] =	sst s7  }
0x10: {  	[smem:$0x3FB6] =	sst s8  }
0x11: {  	[smem:$0x3FB7] =	sst s9;
	s0 =	simm.s32 @!p0 $0x0  }
0x12: {  	s1 =	sld [smem:$0x3F9D];
	s0 =	simm.s32 @p0 $0x1  }
0x13: {  	[smem:$0x3FB8] =	sst s0;
	s0 =	simm.s32 @!p1 $0x0  }
0x14: {  	s2 =	sld [smem:$0x3F9C];
	s0 =	simm.s32 @p1 $0x1  }
0x15: {  	[smem:$0x3FB9] =	sst s0;
	s0 =	simm.s32 @!p2 $0x0  }
0x16: {  	s3 =	sld [smem:$0x3FDB];
	s0 =	simm.s32 @p2 $0x1  }
0x17: {  	s4 =	simm.s32 $0x1BF5;
	[smem:$0x3FBB] =	sst s0  }
0x18: {  	s0 =	sld [smem:$0x3F9E];
	_ =	swait.ge [sflag:s4], $0x0  }
0x19: {  	s7 =	sld [smem:$0x3F9F]  }
0x1a: {  	s8 =	sadd.s32 $0xFFFFE003, lr  }
0x1b: {  	s9 =	sadd.s32 $0xFFFFFEF7, lr;
	s5 =	simm.s32 $0xFFFFFFFF;
	p2 =	slt.u32 s8, $0xFFFFF086  }
0x1c: {  	p1 =	slt.u32 s9, $0xF7A;
	s5 =	simm.s32 @!p2 $0x0  }
0x1d: {  	s5 =	simm.s32 @p1 $0x1;
	p0 =	seq.s32 s7, s2  }
0x1e: {  	s7 =	smul.u32 @!p0 $0xF7A, s2;
	p2 =	seq.s32 @!p0 s5, $0x0  }
0x1f: {  	s9 =	smul.u32 $0xF7A, s1;
	s8 =	simm.s32 @!p0 $0x1BF5;
	p2 =	por !p2, p0  }
0x20: {  	[sflag:s8] =	ssyncset.s32 @!p0 $0xFFFFF086;
	s6 =	sadd.s32 @!p0 s3, s7;
	s7 =	simm.s32 @!p0 $0x108  }
0x21: {  	s3 =	sadd.s32 s3, s9;
	s6 =	sadd.s32 @!p0 $0x88, s6;
	s7 =	simm.s32 @p2 $0x1082  }
0x22: {  	[simem:s7], [sflag:s8] =	dma.local @!p0 [hbm:s6], $0xF7A  }
0x23: {  	s9 =	sor.u32 $0xD0000000, s2;
	s6 =	simm.s32 $0x108;
	_ =	swait.ge @!p0 [sflag:s8], $0x0  }
0x24: {  	s3 =	sadd.s32 $0x88, s3;
	s6 =	simm.s32 @!p1 $0x1082;
	[sflag:s4] =	ssyncset.s32 $0xFFFFF086  }
0x25: {  	[simem:s6], [sflag:s4] =	dma.local [hbm:s3], $0xF7A  }
0x26: {  	[smem:$0x3F9F] =	sst s1;
	(tag) =	ssettag s2;
	_ =	strace s9  }
0x27: {  	s1 =	sld [smem:$0x3FAF]  }
0x28: {  	s2 =	sld [smem:$0x3FB0]  }
0x29: {  	s4 =	sld [smem:$0x3FB2]  }
0x2a: {  	p0 =	seq.s32 s5, $0x0;
	s5 =	sld [smem:$0x3FB3]  }
0x2b: {  	s6 =	sld [smem:$0x3FB4]  }
0x2c: {  	s7 =	sld [smem:$0x3FB5]  }
0x2d: {  	s3 =	simm.s32 $0x108;
	s8 =	sld [smem:$0x3FB6]  }
0x2e: {  	s3 =	simm.s32 @!p0 $0x1082;
	s9 =	sld [smem:$0x3FB7]  }
0x2f: {  	lr =	sadd.s32 s0, s3;
	s0 =	sld [smem:$0x3FAE]  }
0x30: {  	s3 =	sld [smem:$0x3FB1]  }
0x31: {  	[smem:$0x3FBA] =	sst s10  }
0x32: {  	s10 =	sld [smem:$0x3FB8];
	_ =	sdelay $0x3  }
0x33: {  	p0 =	seq.s32 s10, $0x1;
	s10 =	sld [smem:$0x3FBA];
	_ =	sdelay $0x3  }
0x34: {  	[smem:$0x3FBA] =	sst s10  }
0x35: {  	s10 =	sld [smem:$0x3FB9];
	_ =	sdelay $0x3  }
0x36: {  	p1 =	seq.s32 s10, $0x1;
	s10 =	sld [smem:$0x3FBA];
	_ =	sdelay $0x3  }
0x37: {  	[smem:$0x3FBA] =	sst s10  }
0x38: {  	s10 =	sld [smem:$0x3FBB]  }
0x39: {  	_ = 	snop;
	(pc) =	sbr.ind lr, $3  }
0x3a: {  	_ = 	snop  }
0x3b: {  	_ = 	snop  }
0x3c: {  	p2 =	seq.s32 s10, $0x1;
	s10 =	sld [smem:$0x3FBA]  }
0x3d: {  	_ =	shalt  }
0x3e: {  	_ =	shalt  }
0x3f: {  	_ =	shalt  }
0x40: {  	_ =	shalt  }
0x41: {  	_ =	shalt  }
0x42: {  	_ =	shalt  }
0x43: {  	_ =	shalt  }
0x44: {  	_ =	shalt  }
0x45: {  	_ =	shalt  }
0x46: {  	_ =	shalt  }
0x47: {  	_ =	shalt  }
0x48: {  	_ =	shalt  }
0x49: {  	_ =	shalt  }
0x4a: {  	_ =	shalt  }
0x4b: {  	_ =	shalt  }
0x4c: {  	_ =	shalt  }
0x4d: {  	_ =	shalt  }
0x4e: {  	_ =	shalt  }
0x4f: {  	_ =	shalt  }
0x50: {  	_ =	shalt  }
0x51: {  	_ =	shalt  }
0x52: {  	_ =	shalt  }
0x53: {  	_ =	shalt  }
0x54: {  	_ =	shalt  }
0x55: {  	_ =	shalt  }
0x56: {  	_ =	shalt  }
0x57: {  	_ =	shalt  }
0x58: {  	_ =	shalt  }
0x59: {  	_ =	shalt  }
0x5a: {  	_ =	shalt  }
0x5b: {  	_ =	shalt  }
0x5c: {  	_ =	shalt  }
0x5d: {  	_ =	shalt  }
0x5e: {  	_ =	shalt  }
0x5f: {  	_ =	shalt  }
0x60: {  	_ =	shalt  }
0x61: {  	_ =	shalt  }
0x62: {  	_ =	shalt  }
0x63: {  	_ =	shalt  }
0x64: {  	_ =	shalt  }
0x65: {  	_ =	shalt  }
0x66: {  	_ =	shalt  }
0x67: {  	_ =	shalt  }
0x68: {  	_ =	shalt  }
0x69: {  	_ =	shalt  }
0x6a: {  	_ =	shalt  }
0x6b: {  	_ =	shalt  }
0x6c: {  	_ =	shalt  }
0x6d: {  	_ =	shalt  }
0x6e: {  	_ =	shalt  }
0x6f: {  	_ =	shalt  }
0x70: {  	_ =	shalt  }
0x71: {  	_ =	shalt  }
0x72: {  	_ =	shalt  }
0x73: {  	_ =	shalt  }
0x74: {  	_ =	shalt  }
0x75: {  	_ =	shalt  }
0x76: {  	_ =	shalt  }
0x77: {  	_ =	shalt  }
0x78: {  	_ =	shalt  }
0x79: {  	_ =	shalt  }
0x7a: {  	_ =	shalt  }
0x7b: {  	_ =	shalt  }
0x7c: {  	_ =	shalt  }
0x7d: {  	_ =	shalt  }
0x7e: {  	_ =	shalt  }
0x7f: {  	_ =	shalt  }
0x80: {  	_ =	shalt  }
0x81: {  	_ =	shalt  }
0x82: {  	_ =	shalt  }
0x83: {  	_ =	shalt  }
0x84: {  	_ =	shalt  }
0x85: {  	_ =	shalt  }
0x86: {  	_ =	shalt  }
0x87: {  	_ =	shalt  }
.Lfunc_end0:
.L_simem_size_0:
called_computation_lowered:
.L_overlay_start_0:
0x88: {  	s2 =	sld [smem:$0x3FD9]  }
0x89: {  	s3 =	sld [smem:$0x3FFE];
	_ =	sdelay $0x1  }
0x8a: {  	s1 =	srdreg.scid  }
0x8b: {  	s0 =	sand.u32 $0x1, s1  }
0x8c: {  	s16 =	sshll.u32 s0, $0xA;
	s2 =	sadd.s32 s3, s2  }
0x8d: {  	s2 =	sadd.s32 s2, s16  }
0x8e: {  	[smem:$0x3FC6] =	sst s2  }
0x8f: {  	_ = 	snop  }
0x90: {  	(tm) =	ssettm $0x1  }
0x91: {  	s17 =	sld [smem:$0x3FFB];
	_ =	sdelay $0x3  }
0x92: {  	_ =	strace s17  }
0x93: {  	s2 =	sld [smem:$0x3FFC];
	_ =	sdelay $0x3  }
0x94: {  	_ =	strace s2  }
0x95: {  	s2 =	sld [smem:$0x3FFD];
	_ =	sdelay $0x3  }
0x96: {  	_ =	strace s2  }
0x97: {  	_ =	strace $0x8FFFFFFF  }
0x98: {  	s18 =	sld [smem:$0x3FDB];
	_ =	sdelay $0x1  }
0x99: {  	s19 =	simm.s32 $_scs_section_size  }
0x9a: {  	s4 =	simm.s32 $_size__tile_overlayer_lowered;
	s5 =	simm.s32 $_tile_overlayer_lowered  }
0x9b: {  	s22 =	simm.s32 $0x1BFF;
	s21 =	sshll.u32 s5, $0x1;
	s2 =	sadd.s32 s19, s18  }
0x9c: {  	s6 =	simm.s32 $0x0;
	s20 =	sshll.u32 s4, $0x1;
	s4 =	sadd.s32 s21, s2  }
0x9d: {  	[timem:s6], [sflag:s22] =	dma.local [hbm:s4], s20  }
0x9e: {  	_ =	swait.ge [sflag:s22], s20  }
0x9f: {  	s3 =	ssub.s32 $0x0, s20;
	[sflag:s22] =	ssyncset.done $0x0  }
0xa0: {  	[sflag:s22] =	ssyncadd.s32 s3;
	_ =	sdelay $0x1  }
0xa1: {  	s23 =	simm.s32 $0x1B8B  }
0xa2: {  	_ =	swait.ge [sflag:s23], $0x1  }
0xa3: {  	[sflag:s23] =	ssyncset.done $0x0  }
0xa4: {  	s25 =	simm.s32 $0x1B8E;
	s24 =	sld [smem:$0x3FFE];
	[sflag:s23] =	ssyncadd.s32 $0xFFFFFFFF  }
0xa5: {  	s26 =	simm.s32 $execute0_lowered;
	[smem:$0x3FD2] =	sst s25  }
0xa6: {  	s4 =	sshll.u32 s26, $0x1;
	_ =	strace $0x80000046;
	[dreg:$0x1] =	wrdreg $0xFFFFFFFF  }
0xa7: {  	s28 =	simm.s32 $_size_execute0_lowered;
	s2 =	sadd.s32 s2, s4;
	[dreg:$0x0] =	wrdreg $0x0  }
0xa8: {  	s4 =	sshll.u32 s28, $0x1;
	[dreg:$0x2] =	wrdreg s2  }
0xa9: {  	[dreg:$0x3] =	wrdreg s4  }
0xaa: {  	[dreg:$0x4] =	wrdreg $0xC0  }
0xab: {  	_ =	task [dreg:s6], $0x5FFFF  }
0xac: {  	[dreg:$0x1] =	wrdreg $0xFFFFFFFF  }
0xad: {  	[dreg:$0x0] =	wrdreg $0x60  }
0xae: {  	[dreg:$0x2] =	wrdreg s24  }
0xaf: {  	[dreg:$0x3] =	wrdreg $0x9  }
0xb0: {  	_ =	task.clear_ibuf [dreg:s6], $0x4FFFF;
	_ =	strace $0x90000046  }
0xb1: {  	s29 =	simm.s32 $0x9;
	_ =	strace $0x80000048  }
0xb2: {  	_ =	swait.ge [sflag:s29], $0x1  }
0xb3: {  	[sflag:s29] =	ssyncadd.s32 $0xFFFFFFFF  }
0xb4: {  	_ =	strace $0x90000048  }
0xb5: {  	_ =	sfence  }
0xb6: {  	s30 =	sld [smem:$0x0];
	_ =	sdelay $0x2  }
0xb7: {  	s31 =	sshll.u32 s1, $0xD;
	s1 =	sshrl.u32 s1, $0x2  }
0xb8: {  	s3 =	sand.u32 $0x4000, s31;
	s1 =	sadd.s32 s1, s30  }
0xb9: {  	s0 =	sor.u32 s3, s0;
	s1 =	sshll.u32 s1, $0x11  }
0xba: {  	s0 =	sor.u32 s1, s0  }
0xbb: {  	s0 =	sadd.s32 $0x8F2B, s0  }
0xbc: {  	[sflag:s0] =	ssyncadd.remote.s32 $0x1  }
0xbd: {  	_ =	sfence.sel $0xFFFF  }
0xbe: {  	[dreg:$0x0] =	wrdreg $0xFFFFFFFF;
	(pc) =	sbr.abs _section_cstart, $3  }
0xbf: {  	[dreg:$0x1] =	wrdreg $0xFFFFFFFF  }
0xc0: {  	_ =	task.clear_ibuf [dreg:s6], $0x2FFFF;
	_ =	strace $0x9FFFFFFF  }
0xc1: {  	(tm) =	ssettm $0x7FFFFFFF  }
tec
execute0_lowered:
.L_overlay_start_1:
0x0: {  	(tag) =	ssettag $0x1  }
0x1: {  	s1 =	srdreg.scid;
	s0 =	stileid.u32  }
0x2: {  	s4 =	sand.u32 $0x1, s1;
	s30 =	sshll.u32 s0, $0x1  }
0x3: {  	s3 =	sor.u32 s4, s30  }
0x4: {  	s1 =	smul.u32 $0x280, s3  }
0x5: {  	v40 =	vlaneseq.u32  }
0x6: {  	v1 =	vmul.u32 $0x14000, v40;
	v0 =	vmov s1  }
0x7: {  	v0 =	vshll.u32 v0, $0xC  }
0x8: {  	v39 =	vor.u32 $0x1000, v1;
	v2 =	vadd.s32 v1, v0  }
0x9: {  	v38 =	vor.u32 $0x2000, v1;
	v39 =	vadd.s32 v39, v0;
	[tilespmem:$0x1FD70] =	vst v2  }
0xa: {  	v37 =	vadd.s32 $0x4000, v1;
	v38 =	vadd.s32 v38, v0;
	[tilespmem:$0x1FD80] =	vst v39  }
0xb: {  	v36 =	vadd.s32 $0x5000, v1;
	v59 =	vadd.s32 v37, v0;
	[tilespmem:$0x1FD90] =	vst v38  }
0xc: {  	v35 =	vadd.s32 $0x6000, v1;
	v60 =	vadd.s32 v36, v0;
	[tilespmem:$0x1FDB0] =	vst v59  }
0xd: {  	v34 =	vadd.s32 $0x7000, v1;
	v61 =	vadd.s32 v35, v0;
	[tilespmem:$0x1FDC0] =	vst v60  }
0xe: {  	v33 =	vadd.s32 $0x8000, v1;
	v62 =	vadd.s32 v34, v0;
	[tilespmem:$0x1FDD0] =	vst v61  }
0xf: {  	v32 =	vadd.s32 $0x9000, v1;
	v63 =	vadd.s32 v33, v0;
	[tilespmem:$0x1FDE0] =	vst v62  }
0x10: {  	v31 =	vadd.s32 $0xA000, v1;
	v32 =	vadd.s32 v32, v0;
	[tilespmem:$0x1FDF0] =	vst v63  }
0x11: {  	v30 =	vadd.s32 $0xB000, v1;
	v33 =	vadd.s32 v31, v0;
	[tilespmem:$0x1FE00] =	vst v32  }
0x12: {  	v29 =	vadd.s32 $0xC000, v1;
	v34 =	vadd.s32 v30, v0;
	[tilespmem:$0x1FE10] =	vst v33  }
0x13: {  	v28 =	vadd.s32 $0xD000, v1;
	v35 =	vadd.s32 v29, v0;
	[tilespmem:$0x1FE20] =	vst v34  }
0x14: {  	v27 =	vadd.s32 $0xE000, v1;
	v36 =	vadd.s32 v28, v0;
	[tilespmem:$0x1FE30] =	vst v35  }
0x15: {  	v24 =	vadd.s32 $0x11000, v1;
	v37 =	vadd.s32 v27, v0;
	[tilespmem:$0x1FE40] =	vst v36  }
0x16: {  	v23 =	vadd.s32 $0x12000, v1;
	v41 =	vadd.s32 v24, v0;
	[tilespmem:$0x1FE50] =	vst v37  }
0x17: {  	v22 =	vadd.s32 $0x13000, v1;
	v42 =	vadd.s32 v23, v0;
	[tilespmem:$0x1FE80] =	vst v41  }
0x18: {  	v21 =	vadd.s32 $0x140000, v1;
	v43 =	vadd.s32 v22, v0;
	[tilespmem:$0x1FE90] =	vst v42  }
0x19: {  	v20 =	vadd.s32 $0x141000, v1;
	v44 =	vadd.s32 v21, v0;
	[tilespmem:$0x1FEA0] =	vst v43  }
0x1a: {  	v19 =	vadd.s32 $0x142000, v1;
	v45 =	vadd.s32 v20, v0;
	[tilespmem:$0x1FEB0] =	vst v44  }
0x1b: {  	v18 =	vadd.s32 $0x143000, v1;
	v46 =	vadd.s32 v19, v0;
	[tilespmem:$0x1FEC0] =	vst v45  }
0x1c: {  	v17 =	vadd.s32 $0x144000, v1;
	v47 =	vadd.s32 v18, v0;
	[tilespmem:$0x1FED0] =	vst v46  }
0x1d: {  	v16 =	vadd.s32 $0x145000, v1;
	v48 =	vadd.s32 v17, v0;
	[tilespmem:$0x1FEE0] =	vst v47  }
0x1e: {  	v15 =	vadd.s32 $0x146000, v1;
	v49 =	vadd.s32 v16, v0;
	[tilespmem:$0x1FEF0] =	vst v48  }
0x1f: {  	v14 =	vadd.s32 $0x147000, v1;
	v50 =	vadd.s32 v15, v0;
	[tilespmem:$0x1FF00] =	vst v49  }
0x20: {  	v3 =	vadd.s32 $0x152000, v1;
	v13 =	vadd.s32 $0x148000, v1;
	v51 =	vadd.s32 v14, v0;
	[tilespmem:$0x1FF10] =	vst v50  }
0x21: {  	v4 =	vadd.s32 $0x151000, v1;
	v12 =	vadd.s32 $0x149000, v1;
	v52 =	vadd.s32 v13, v0;
	[tilespmem:$0x1FF20] =	vst v51  }
0x22: {  	v5 =	vadd.s32 $0x150000, v1;
	v11 =	vadd.s32 $0x14A000, v1;
	v53 =	vadd.s32 v12, v0;
	[tilespmem:$0x1FF30] =	vst v52  }
0x23: {  	v6 =	vadd.s32 $0x14F000, v1;
	v10 =	vadd.s32 $0x14B000, v1;
	v54 =	vadd.s32 v11, v0;
	[tilespmem:$0x1FF40] =	vst v53  }
0x24: {  	v7 =	vadd.s32 $0x14E000, v1;
	v9 =	vadd.s32 $0x14C000, v1;
	v55 =	vadd.s32 v10, v0;
	[tilespmem:$0x1FF50] =	vst v54  }
0x25: {  	v8 =	vadd.s32 $0x14D000, v1;
	v25 =	vadd.s32 $0x10000, v1;
	v56 =	vadd.s32 v9, v0;
	[tilespmem:$0x1FF60] =	vst v55  }
0x26: {  	v26 =	vadd.s32 $0xF000, v1;
	v57 =	vadd.s32 v8, v0;
	v58 =	vadd.s32 v7, v0;
	[tilespmem:$0x1FF70] =	vst v56  }
0x27: {  	s5 =	rddreg [dreg:$0x0];
	v2 =	vadd.s32 $0x153000, v1;
	v1 =	vor.u32 $0x3000, v1;
	v38 =	vadd.s32 v26, v0;
	[tilespmem:$0x1FF80] =	vst v57  }
0x28: {  	s2 =	simm.s32 $0x0;
	s9 =	simm.s32 $0x900;
	s10 =	simm.s32 $0x80;
	v39 =	vadd.s32 v25, v0;
	[tilespmem:$0x1FF90] =	vst v58;
	v59 =	vadd.s32 v6, v0;
	v60 =	vadd.s32 v5, v0  }
0x29: {  	s11 =	simm.s32 $0xB80;
	s12 =	simm.s32 $0x580;
	s13 =	simm.s32 $0x4B80;
	v61 =	vadd.s32 v4, v0;
	v62 =	vadd.s32 v3, v0;
	v42 =	vmul.u32 $0x14, v40;
	[tilespmem:$0x1FE60] =	vst v38  }
0x2a: {  	s14 =	simm.s32 $0x600;
	s15 =	simm.s32 $0x8B80;
	s16 =	simm.s32 $0x680;
	v1 =	vadd.s32 v1, v0;
	[tilespmem:$0x1FE70] =	vst v39;
	v39 =	vmul.u32 $0x28, v40;
	v0 =	vadd.s32 v2, v0  }
0x2b: {  	s17 =	simm.s32 $0xCB80;
	s18 =	simm.s32 $0x700;
	s19 =	simm.s32 $0x10B80;
	[tilespmem:$0x1FFA0] =	vst v59;
	v46 =	vor.u32 $0x1, v42;
	v49 =	vor.u32 $0x2, v42;
	v52 =	vor.u32 $0x3, v42  }
0x2c: {  	s20 =	simm.s32 $0x1;
	s21 =	simm.s32 $0x14B80;
	[smem:$0x7FF] =	sst s2;
	[tilespmem:$0x1FDA0] =	vst v1;
	v55 =	vadd.s32 $0x4, v42;
	v58 =	vadd.s32 $0x5, v42;
	v63 =	vor.u32 $0x1, v39  }
0x2d: {  	s4 =	ssub.s32 $0x2, s4;
	s1 =	rddreg [dreg:$0x1];
	_ =	strace $0x80000047;
	[tilespmem:$0x1FFB0] =	vst v60;
	v44 =	vor.u32 $0x2, v39;
	v45 =	vor.u32 $0x3, v39;
	v47 =	vor.u32 $0x4, v39  }
0x2e: {  	s6 =	smul.u32 $0xA0, s3;
	s7 =	sshll.u32 s3, $0x2;
	s8 =	sshrl.u32 s4, $0x1;
	[tilespmem:$0x1FFC0] =	vst v61;
	v48 =	vor.u32 $0x5, v39;
	v50 =	vor.u32 $0x6, v39;
	v51 =	vor.u32 $0x7, v39  }
0x2f: {  	s3 =	sadd.s32 $0x1400400, s5;
	s31 =	ssub.s32 s4, s8;
	s8 =	simm.s32 $0x500;
	[tilespmem:$0x1FFD0] =	vst v62;
	v53 =	vadd.s32 $0x8, v39;
	v54 =	vadd.s32 $0x9, v39;
	v56 =	vadd.s32 $0xA, v39  }
0x30: {  	s6 =	sadd.s32 s6, s5;
	s5 =	sadd.s32 s7, s5;
	s7 =	simm.s32 $0x2;
	[tilespmem:$0x1FFE0] =	vst v0;
	v57 =	vadd.s32 $0xB, v39;
	v59 =	vadd.s32 $0xC, v39;
	v60 =	vadd.s32 $0xD, v39  }
0x31: {  	s4 =	sadd.s32 $0x400, s6;
	s5 =	sadd.s32 $0x1800, s5;
	s6 =	smax.u32 s31, $0x1;
	v61 =	vadd.s32 $0x6, v42;
	v62 =	vadd.s32 $0xE, v39;
	[tilespmem:$0x1FFF0] =	vst v63;
	v63 =	vimm.f32 $0.0e+00  }
.LBB2_1:
0x32: {  	[tilespmem:s2], [sflag:$0x2] =	stream.linear.gather [hbm4b:s4+s2], $0x500, $0x38;
	[tilespmem:$0x14C00] =	vst v63  }
0x33: {  	_ =	swait.ge [sflag:s7], $0x500  }
0x34: {  	v1 =	vld [tilespmem:$0x1FFF0];
	_ =	sdelay $0x3  }
0x35: {  	[sflag:s7] =	ssyncset.done $0x0  }
0x36: {  	[sflag:s7] =	ssyncadd.s32 $0xFFFFFB00  }
0x37: {  	v0 =	vld.idx.msk [tilespmem:v39+s2+$0x0], $0xffff;
	_ =	sdelay $0x1  }
0x38: {  	v1 =	vld.idx.msk [tilespmem:v1+s2+$0x0], $0xffff;
	_ =	sdelay $0x2  }
0x39: {  	v0 =	vmul.f32 $6.400000000e+01, v0;
	_ =	sdelay $0x1  }
0x3a: {  	v0 =	vadd.f32 $1.258291200e+07, v0;
	v1 =	vmul.f32 $6.400000000e+01, v1;
	_ =	sdelay $0x1  }
0x3b: {  	v0 =	vadd.f32 $-1.258291200e+07, v0;
	v1 =	vadd.f32 $1.258291200e+07, v1  }
0x3c: {  	v2 =	vld [tilespmem:$0x1FD70]  }
0x3d: {  	v0 =	vtrunc.f32 v0;
	v1 =	vadd.f32 $-1.258291200e+07, v1  }
0x3e: {  	v0 =	vcvt.f32.s32 v0  }
0x3f: {  	v1 =	vtrunc.f32 v1  }
0x40: {  	v0 =	vshll.u32 v0, $0x6;
	v1 =	vcvt.f32.s32 v1  }
0x41: {  	v0 =	vadd.s32 v2, v0  }
0x42: {  	v0 =	vadd.s32 v1, v0  }
0x43: {  	v1 =	vshra.s32 v0, $0x7  }
0x44: {  	v0 =	vand.u32 $0x7F, v0;
	[tilespmem:v42+s8+$0x0] =	vst.idx.msk $0xffff, v1  }
0x45: {  	[tilespmem:v42+s9+$0x0] =	vst.idx.msk $0xffff, v0  }
0x46: {  	v0 =	vld.idx.msk [tilespmem:v44+s2+$0x0], $0xffff;
	_ =	sdelay $0x1  }
0x47: {  	v1 =	vld.idx.msk [tilespmem:v45+s2+$0x0], $0xffff;
	_ =	sdelay $0x2  }
0x48: {  	v0 =	vmul.f32 $6.400000000e+01, v0;
	_ =	sdelay $0x1  }
0x49: {  	v1 =	vmul.f32 $6.400000000e+01, v1;
	v0 =	vadd.f32 $1.258291200e+07, v0;
	_ =	sdelay $0x1  }
0x4a: {  	v1 =	vadd.f32 $1.258291200e+07, v1;
	v0 =	vadd.f32 $-1.258291200e+07, v0  }
0x4b: {  	v29 =	vld [tilespmem:$0x1FD80]  }
0x4c: {  	v1 =	vadd.f32 $-1.258291200e+07, v1;
	v0 =	vtrunc.f32 v0  }
0x4d: {  	v0 =	vcvt.f32.s32 v0  }
0x4e: {  	v1 =	vtrunc.f32 v1  }
0x4f: {  	v1 =	vcvt.f32.s32 v1;
	v0 =	vshll.u32 v0, $0x6  }
0x50: {  	v0 =	vadd.s32 v29, v0  }
0x51: {  	v0 =	vadd.s32 v1, v0  }
0x52: {  	v1 =	vshra.s32 v0, $0x7  }
0x53: {  	v0 =	vand.u32 $0x7F, v0;
	[tilespmem:v46+s8+$0x0] =	vst.idx.msk $0xffff, v1  }
0x54: {  	[tilespmem:v46+s9+$0x0] =	vst.idx.msk $0xffff, v0  }
0x55: {  	v0 =	vld.idx.msk [tilespmem:v47+s2+$0x0], $0xffff;
	_ =	sdelay $0x1  }
0x56: {  	v1 =	vld.idx.msk [tilespmem:v48+s2+$0x0], $0xffff;
	_ =	sdelay $0x2  }
0x57: {  	v0 =	vmul.f32 $6.400000000e+01, v0;
	_ =	sdelay $0x1  }
0x58: {  	v1 =	vmul.f32 $6.400000000e+01, v1;
	v0 =	vadd.f32 $1.258291200e+07, v0;
	_ =	sdelay $0x1  }
0x59: {  	v1 =	vadd.f32 $1.258291200e+07, v1;
	v0 =	vadd.f32 $-1.258291200e+07, v0  }
0x5a: {  	v30 =	vld [tilespmem:$0x1FD90]  }
0x5b: {  	v1 =	vadd.f32 $-1.258291200e+07, v1;
	v0 =	vtrunc.f32 v0  }
0x5c: {  	v0 =	vcvt.f32.s32 v0  }
0x5d: {  	v1 =	vtrunc.f32 v1  }
0x5e: {  	v1 =	vcvt.f32.s32 v1;
	v0 =	vshll.u32 v0, $0x6  }
0x5f: {  	v0 =	vadd.s32 v30, v0  }
0x60: {  	v0 =	vadd.s32 v1, v0  }
0x61: {  	v1 =	vshra.s32 v0, $0x7  }
0x62: {  	v0 =	vand.u32 $0x7F, v0;
	[tilespmem:v49+s8+$0x0] =	vst.idx.msk $0xffff, v1  }
0x63: {  	[tilespmem:v49+s9+$0x0] =	vst.idx.msk $0xffff, v0  }
0x64: {  	v0 =	vld.idx.msk [tilespmem:v50+s2+$0x0], $0xffff;
	_ =	sdelay $0x1  }
0x65: {  	v1 =	vld.idx.msk [tilespmem:v51+s2+$0x0], $0xffff;
	_ =	sdelay $0x2  }
0x66: {  	v0 =	vmul.f32 $6.400000000e+01, v0;
	_ =	sdelay $0x1  }
0x67: {  	v1 =	vmul.f32 $6.400000000e+01, v1;
	v0 =	vadd.f32 $1.258291200e+07, v0;
	_ =	sdelay $0x1  }
0x68: {  	v1 =	vadd.f32 $1.258291200e+07, v1;
	v0 =	vadd.f32 $-1.258291200e+07, v0  }
0x69: {  	v31 =	vld [tilespmem:$0x1FDA0]  }
0x6a: {  	v1 =	vadd.f32 $-1.258291200e+07, v1;
	v0 =	vtrunc.f32 v0  }
0x6b: {  	v0 =	vcvt.f32.s32 v0  }
0x6c: {  	v1 =	vtrunc.f32 v1  }
0x6d: {  	v1 =	vcvt.f32.s32 v1;
	v0 =	vshll.u32 v0, $0x6  }
0x6e: {  	v0 =	vadd.s32 v31, v0  }
0x6f: {  	v0 =	vadd.s32 v1, v0  }
0x70: {  	v1 =	vshra.s32 v0, $0x7  }
0x71: {  	v0 =	vand.u32 $0x7F, v0;
	[tilespmem:v52+s8+$0x0] =	vst.idx.msk $0xffff, v1  }
0x72: {  	[tilespmem:v52+s9+$0x0] =	vst.idx.msk $0xffff, v0  }
0x73: {  	v0 =	vld.idx.msk [tilespmem:v53+s2+$0x0], $0xffff;
	_ =	sdelay $0x1  }
0x74: {  	v1 =	vld.idx.msk [tilespmem:v54+s2+$0x0], $0xffff;
	_ =	sdelay $0x2  }
0x75: {  	v0 =	vmul.f32 $6.400000000e+01, v0;
	_ =	sdelay $0x1  }
0x76: {  	v1 =	vmul.f32 $6.400000000e+01, v1;
	v0 =	vadd.f32 $1.258291200e+07, v0;
	_ =	sdelay $0x1  }
0x77: {  	v1 =	vadd.f32 $1.258291200e+07, v1;
	v0 =	vadd.f32 $-1.258291200e+07, v0  }
0x78: {  	v32 =	vld [tilespmem:$0x1FDB0]  }
0x79: {  	v1 =	vadd.f32 $-1.258291200e+07, v1;
	v0 =	vtrunc.f32 v0  }
0x7a: {  	v0 =	vcvt.f32.s32 v0  }
0x7b: {  	v1 =	vtrunc.f32 v1  }
0x7c: {  	v1 =	vcvt.f32.s32 v1;
	v0 =	vshll.u32 v0, $0x6  }
0x7d: {  	v0 =	vadd.s32 v32, v0  }
0x7e: {  	v0 =	vadd.s32 v1, v0  }
0x7f: {  	v1 =	vshra.s32 v0, $0x7  }
0x80: {  	v0 =	vand.u32 $0x7F, v0;
	[tilespmem:v55+s8+$0x0] =	vst.idx.msk $0xffff, v1  }
0x81: {  	[tilespmem:v55+s9+$0x0] =	vst.idx.msk $0xffff, v0  }
0x82: {  	v0 =	vld.idx.msk [tilespmem:v56+s2+$0x0], $0xffff;
	_ =	sdelay $0x1  }
0x83: {  	v1 =	vld.idx.msk [tilespmem:v57+s2+$0x0], $0xffff;
	_ =	sdelay $0x2  }
0x84: {  	v0 =	vmul.f32 $6.400000000e+01, v0;
	_ =	sdelay $0x1  }
0x85: {  	v1 =	vmul.f32 $6.400000000e+01, v1;
	v0 =	vadd.f32 $1.258291200e+07, v0;
	_ =	sdelay $0x1  }
0x86: {  	v1 =	vadd.f32 $1.258291200e+07, v1;
	v0 =	vadd.f32 $-1.258291200e+07, v0  }
0x87: {  	v33 =	vld [tilespmem:$0x1FDC0]  }
0x88: {  	v1 =	vadd.f32 $-1.258291200e+07, v1;
	v0 =	vtrunc.f32 v0  }
0x89: {  	v0 =	vcvt.f32.s32 v0  }
0x8a: {  	v1 =	vtrunc.f32 v1  }
0x8b: {  	v1 =	vcvt.f32.s32 v1;
	v0 =	vshll.u32 v0, $0x6  }
0x8c: {  	v0 =	vadd.s32 v33, v0  }
0x8d: {  	v0 =	vadd.s32 v1, v0  }
0x8e: {  	v1 =	vshra.s32 v0, $0x7  }
0x8f: {  	v0 =	vand.u32 $0x7F, v0;
	[tilespmem:v58+s8+$0x0] =	vst.idx.msk $0xffff, v1  }
0x90: {  	[tilespmem:v58+s9+$0x0] =	vst.idx.msk $0xffff, v0  }
0x91: {  	v0 =	vld.idx.msk [tilespmem:v59+s2+$0x0], $0xffff;
	_ =	sdelay $0x1  }
0x92: {  	v1 =	vld.idx.msk [tilespmem:v60+s2+$0x0], $0xffff;
	_ =	sdelay $0x2  }
0x93: {  	v0 =	vmul.f32 $6.400000000e+01, v0;
	_ =	sdelay $0x1  }
0x94: {  	v1 =	vmul.f32 $6.400000000e+01, v1;
	v0 =	vadd.f32 $1.258291200e+07, v0;
	_ =	sdelay $0x1  }
0x95: {  	v1 =	vadd.f32 $1.258291200e+07, v1;
	v0 =	vadd.f32 $-1.258291200e+07, v0  }
0x96: {  	v34 =	vld [tilespmem:$0x1FDD0]  }
0x97: {  	v1 =	vadd.f32 $-1.258291200e+07, v1;
	v0 =	vtrunc.f32 v0  }
0x98: {  	v0 =	vcvt.f32.s32 v0  }
0x99: {  	v1 =	vtrunc.f32 v1  }
0x9a: {  	v1 =	vcvt.f32.s32 v1;
	v0 =	vshll.u32 v0, $0x6  }
0x9b: {  	v0 =	vadd.s32 v34, v0  }
0x9c: {  	v0 =	vadd.s32 v1, v0  }
0x9d: {  	v35 =	vadd.s32 $0xF, v39;
	v1 =	vshra.s32 v0, $0x7  }
0x9e: {  	v0 =	vand.u32 $0x7F, v0;
	[tilespmem:v61+s8+$0x0] =	vst.idx.msk $0xffff, v1  }
0x9f: {  	[tilespmem:v61+s9+$0x0] =	vst.idx.msk $0xffff, v0  }
0xa0: {  	v0 =	vld.idx.msk [tilespmem:v62+s2+$0x0], $0xffff;
	_ =	sdelay $0x1  }
0xa1: {  	v1 =	vld.idx.msk [tilespmem:v35+s2+$0x0], $0xffff;
	_ =	sdelay $0x2  }
0xa2: {  	v0 =	vmul.f32 $6.400000000e+01, v0;
	_ =	sdelay $0x1  }
0xa3: {  	v1 =	vmul.f32 $6.400000000e+01, v1;
	v0 =	vadd.f32 $1.258291200e+07, v0;
	_ =	sdelay $0x1  }
0xa4: {  	v1 =	vadd.f32 $1.258291200e+07, v1;
	v0 =	vadd.f32 $-1.258291200e+07, v0  }
0xa5: {  	v3 =	vld [tilespmem:$0x1FDE0]  }
0xa6: {  	v1 =	vadd.f32 $-1.258291200e+07, v1;
	v0 =	vtrunc.f32 v0  }
0xa7: {  	v36 =	vcvt.f32.s32 v0  }
0xa8: {  	v1 =	vtrunc.f32 v1;
	v0 =	vadd.s32 $0x7, v42  }
0xa9: {  	v1 =	vcvt.f32.s32 v1;
	v2 =	vshll.u32 v36, $0x6  }
0xaa: {  	v37 =	vadd.s32 $0x10, v39;
	v2 =	vadd.s32 v3, v2  }
0xab: {  	v1 =	vadd.s32 v1, v2  }
0xac: {  	v4 =	vadd.s32 $0x11, v39;
	v2 =	vshra.s32 v1, $0x7  }
0xad: {  	v1 =	vand.u32 $0x7F, v1;
	[tilespmem:v0+s8+$0x0] =	vst.idx.msk $0xffff, v2  }
0xae: {  	[tilespmem:v0+s9+$0x0] =	vst.idx.msk $0xffff, v1  }
0xaf: {  	v1 =	vld.idx.msk [tilespmem:v37+s2+$0x0], $0xffff;
	_ =	sdelay $0x1  }
0xb0: {  	v2 =	vld.idx.msk [tilespmem:v4+s2+$0x0], $0xffff;
	_ =	sdelay $0x2  }
0xb1: {  	v1 =	vmul.f32 $6.400000000e+01, v1;
	_ =	sdelay $0x1  }
0xb2: {  	v2 =	vmul.f32 $6.400000000e+01, v2;
	v1 =	vadd.f32 $1.258291200e+07, v1;
	_ =	sdelay $0x1  }
0xb3: {  	v2 =	vadd.f32 $1.258291200e+07, v2;
	v1 =	vadd.f32 $-1.258291200e+07, v1  }
0xb4: {  	v40 =	vld [tilespmem:$0x1FDF0]  }
0xb5: {  	v2 =	vadd.f32 $-1.258291200e+07, v2;
	v1 =	vtrunc.f32 v1  }
0xb6: {  	v38 =	vcvt.f32.s32 v1  }
0xb7: {  	v2 =	vtrunc.f32 v2;
	v1 =	vadd.s32 $0x8, v42  }
0xb8: {  	v2 =	vcvt.f32.s32 v2;
	v3 =	vshll.u32 v38, $0x6  }
0xb9: {  	v41 =	vadd.s32 $0x12, v39;
	v3 =	vadd.s32 v40, v3  }
0xba: {  	v2 =	vadd.s32 v2, v3  }
0xbb: {  	v5 =	vadd.s32 $0x13, v39;
	v3 =	vshra.s32 v2, $0x7  }
0xbc: {  	v2 =	vand.u32 $0x7F, v2;
	[tilespmem:v1+s8+$0x0] =	vst.idx.msk $0xffff, v3  }
0xbd: {  	[tilespmem:v1+s9+$0x0] =	vst.idx.msk $0xffff, v2  }
0xbe: {  	v2 =	vld.idx.msk [tilespmem:v41+s2+$0x0], $0xffff;
	_ =	sdelay $0x1  }
0xbf: {  	v3 =	vld.idx.msk [tilespmem:v5+s2+$0x0], $0xffff;
	_ =	sdelay $0x2  }
0xc0: {  	v2 =	vmul.f32 $6.400000000e+01, v2;
	_ =	sdelay $0x1  }
0xc1: {  	v3 =	vmul.f32 $6.400000000e+01, v3;
	v2 =	vadd.f32 $1.258291200e+07, v2;
	_ =	sdelay $0x1  }
0xc2: {  	v3 =	vadd.f32 $1.258291200e+07, v3;
	v2 =	vadd.f32 $-1.258291200e+07, v2  }
0xc3: {  	v8 =	vld [tilespmem:$0x1FE00]  }
0xc4: {  	v3 =	vadd.f32 $-1.258291200e+07, v3;
	v2 =	vtrunc.f32 v2  }
0xc5: {  	v43 =	vcvt.f32.s32 v2  }
0xc6: {  	v3 =	vtrunc.f32 v3;
	v2 =	vadd.s32 $0x9, v42  }
0xc7: {  	v3 =	vcvt.f32.s32 v3;
	v4 =	vshll.u32 v43, $0x6  }
0xc8: {  	v9 =	vadd.s32 $0x14, v39;
	v4 =	vadd.s32 v8, v4  }
0xc9: {  	v3 =	vadd.s32 v3, v4  }
0xca: {  	v6 =	vadd.s32 $0x15, v39;
	v4 =	vshra.s32 v3, $0x7  }
0xcb: {  	v3 =	vand.u32 $0x7F, v3;
	[tilespmem:v2+s8+$0x0] =	vst.idx.msk $0xffff, v4  }
0xcc: {  	[tilespmem:v2+s9+$0x0] =	vst.idx.msk $0xffff, v3  }
0xcd: {  	v3 =	vld.idx.msk [tilespmem:v9+s2+$0x0], $0xffff;
	_ =	sdelay $0x1  }
0xce: {  	v4 =	vld.idx.msk [tilespmem:v6+s2+$0x0], $0xffff;
	_ =	sdelay $0x2  }
0xcf: {  	v3 =	vmul.f32 $6.400000000e+01, v3;
	_ =	sdelay $0x1  }
0xd0: {  	v4 =	vmul.f32 $6.400000000e+01, v4;
	v3 =	vadd.f32 $1.258291200e+07, v3;
	_ =	sdelay $0x1  }
0xd1: {  	v4 =	vadd.f32 $1.258291200e+07, v4;
	v3 =	vadd.f32 $-1.258291200e+07, v3  }
0xd2: {  	v11 =	vld [tilespmem:$0x1FE10]  }
0xd3: {  	v4 =	vadd.f32 $-1.258291200e+07, v4;
	v3 =	vtrunc.f32 v3  }
0xd4: {  	v10 =	vcvt.f32.s32 v3  }
0xd5: {  	v4 =	vtrunc.f32 v4;
	v3 =	vadd.s32 $0xA, v42  }
0xd6: {  	v4 =	vcvt.f32.s32 v4;
	v5 =	vshll.u32 v10, $0x6  }
0xd7: {  	v12 =	vadd.s32 $0x16, v39;
	v5 =	vadd.s32 v11, v5  }
0xd8: {  	v4 =	vadd.s32 v4, v5  }
0xd9: {  	v7 =	vadd.s32 $0x17, v39;
	v5 =	vshra.s32 v4, $0x7  }
0xda: {  	v4 =	vand.u32 $0x7F, v4;
	[tilespmem:v3+s8+$0x0] =	vst.idx.msk $0xffff, v5  }
0xdb: {  	[tilespmem:v3+s9+$0x0] =	vst.idx.msk $0xffff, v4  }
0xdc: {  	v4 =	vld.idx.msk [tilespmem:v12+s2+$0x0], $0xffff;
	_ =	sdelay $0x1  }
0xdd: {  	v5 =	vld.idx.msk [tilespmem:v7+s2+$0x0], $0xffff;
	_ =	sdelay $0x2  }
0xde: {  	v4 =	vmul.f32 $6.400000000e+01, v4;
	_ =	sdelay $0x1  }
0xdf: {  	v5 =	vmul.f32 $6.400000000e+01, v5;
	v4 =	vadd.f32 $1.258291200e+07, v4;
	_ =	sdelay $0x1  }
0xe0: {  	v5 =	vadd.f32 $1.258291200e+07, v5;
	v4 =	vadd.f32 $-1.258291200e+07, v4  }
0xe1: {  	v14 =	vld [tilespmem:$0x1FE20]  }
0xe2: {  	v5 =	vadd.f32 $-1.258291200e+07, v5;
	v4 =	vtrunc.f32 v4  }
0xe3: {  	v13 =	vcvt.f32.s32 v4  }
0xe4: {  	v5 =	vtrunc.f32 v5;
	v4 =	vadd.s32 $0xB, v42  }
0xe5: {  	v5 =	vcvt.f32.s32 v5;
	v6 =	vshll.u32 v13, $0x6  }
0xe6: {  	v15 =	vadd.s32 $0x18, v39;
	v6 =	vadd.s32 v14, v6  }
0xe7: {  	v5 =	vadd.s32 v5, v6  }
0xe8: {  	v8 =	vadd.s32 $0x19, v39;
	v6 =	vshra.s32 v5, $0x7  }
0xe9: {  	v5 =	vand.u32 $0x7F, v5;
	[tilespmem:v4+s8+$0x0] =	vst.idx.msk $0xffff, v6  }
0xea: {  	[tilespmem:v4+s9+$0x0] =	vst.idx.msk $0xffff, v5  }
0xeb: {  	v5 =	vld.idx.msk [tilespmem:v15+s2+$0x0], $0xffff;
	_ =	sdelay $0x1  }
0xec: {  	v6 =	vld.idx.msk [tilespmem:v8+s2+$0x0], $0xffff;
	_ =	sdelay $0x2  }
0xed: {  	v5 =	vmul.f32 $6.400000000e+01, v5;
	_ =	sdelay $0x1  }
0xee: {  	v6 =	vmul.f32 $6.400000000e+01, v6;
	v5 =	vadd.f32 $1.258291200e+07, v5;
	_ =	sdelay $0x1  }
0xef: {  	v6 =	vadd.f32 $1.258291200e+07, v6;
	v5 =	vadd.f32 $-1.258291200e+07, v5  }
0xf0: {  	v17 =	vld [tilespmem:$0x1FE30]  }
0xf1: {  	v6 =	vadd.f32 $-1.258291200e+07, v6;
	v5 =	vtrunc.f32 v5  }
0xf2: {  	v16 =	vcvt.f32.s32 v5  }
0xf3: {  	v6 =	vtrunc.f32 v6;
	v5 =	vadd.s32 $0xC, v42  }
0xf4: {  	v6 =	vcvt.f32.s32 v6;
	v7 =	vshll.u32 v16, $0x6  }
0xf5: {  	v18 =	vadd.s32 $0x1A, v39;
	v7 =	vadd.s32 v17, v7  }
0xf6: {  	v6 =	vadd.s32 v6, v7  }
0xf7: {  	v9 =	vadd.s32 $0x1B, v39;
	v7 =	vshra.s32 v6, $0x7  }
0xf8: {  	v6 =	vand.u32 $0x7F, v6;
	[tilespmem:v5+s8+$0x0] =	vst.idx.msk $0xffff, v7  }
0xf9: {  	[tilespmem:v5+s9+$0x0] =	vst.idx.msk $0xffff, v6  }
0xfa: {  	v6 =	vld.idx.msk [tilespmem:v18+s2+$0x0], $0xffff;
	_ =	sdelay $0x1  }
0xfb: {  	v7 =	vld.idx.msk [tilespmem:v9+s2+$0x0], $0xffff;
	_ =	sdelay $0x2  }
0xfc: {  	v6 =	vmul.f32 $6.400000000e+01, v6;
	_ =	sdelay $0x1  }
0xfd: {  	v7 =	vmul.f32 $6.400000000e+01, v7;
	v6 =	vadd.f32 $1.258291200e+07, v6;
	_ =	sdelay $0x1  }
0xfe: {  	v7 =	vadd.f32 $1.258291200e+07, v7;
	v6 =	vadd.f32 $-1.258291200e+07, v6  }
0xff: {  	v20 =	vld [tilespmem:$0x1FE40]  }
0x100: {  	v7 =	vadd.f32 $-1.258291200e+07, v7;
	v6 =	vtrunc.f32 v6  }
0x101: {  	v19 =	vcvt.f32.s32 v6  }
0x102: {  	v7 =	vtrunc.f32 v7;
	v6 =	vadd.s32 $0xD, v42  }
0x103: {  	v7 =	vcvt.f32.s32 v7;
	v8 =	vshll.u32 v19, $0x6  }
0x104: {  	v21 =	vadd.s32 $0x1C, v39;
	v8 =	vadd.s32 v20, v8  }
0x105: {  	v7 =	vadd.s32 v7, v8  }
0x106: {  	v10 =	vadd.s32 $0x1D, v39;
	v8 =	vshra.s32 v7, $0x7  }
0x107: {  	v7 =	vand.u32 $0x7F, v7;
	[tilespmem:v6+s8+$0x0] =	vst.idx.msk $0xffff, v8  }
0x108: {  	[tilespmem:v6+s9+$0x0] =	vst.idx.msk $0xffff, v7  }
0x109: {  	v7 =	vld.idx.msk [tilespmem:v21+s2+$0x0], $0xffff;
	_ =	sdelay $0x1  }
0x10a: {  	v8 =	vld.idx.msk [tilespmem:v10+s2+$0x0], $0xffff;
	_ =	sdelay $0x2  }
0x10b: {  	v7 =	vmul.f32 $6.400000000e+01, v7;
	_ =	sdelay $0x1  }
0x10c: {  	v8 =	vmul.f32 $6.400000000e+01, v8;
	v7 =	vadd.f32 $1.258291200e+07, v7;
	_ =	sdelay $0x1  }
0x10d: {  	v8 =	vadd.f32 $1.258291200e+07, v8;
	v7 =	vadd.f32 $-1.258291200e+07, v7  }
0x10e: {  	v23 =	vld [tilespmem:$0x1FE50]  }
0x10f: {  	v8 =	vadd.f32 $-1.258291200e+07, v8;
	v7 =	vtrunc.f32 v7  }
0x110: {  	v22 =	vcvt.f32.s32 v7  }
0x111: {  	v8 =	vtrunc.f32 v8;
	v7 =	vadd.s32 $0xE, v42  }
0x112: {  	v8 =	vcvt.f32.s32 v8;
	v9 =	vshll.u32 v22, $0x6  }
0x113: {  	v24 =	vadd.s32 $0x1E, v39;
	v9 =	vadd.s32 v23, v9  }
0x114: {  	v8 =	vadd.s32 v8, v9  }
0x115: {  	v11 =	vadd.s32 $0x1F, v39;
	v9 =	vshra.s32 v8, $0x7  }
0x116: {  	v8 =	vand.u32 $0x7F, v8;
	[tilespmem:v7+s8+$0x0] =	vst.idx.msk $0xffff, v9  }
0x117: {  	[tilespmem:v7+s9+$0x0] =	vst.idx.msk $0xffff, v8  }
0x118: {  	v8 =	vld.idx.msk [tilespmem:v24+s2+$0x0], $0xffff;
	_ =	sdelay $0x1  }
0x119: {  	v9 =	vld.idx.msk [tilespmem:v11+s2+$0x0], $0xffff;
	_ =	sdelay $0x2  }
0x11a: {  	v8 =	vmul.f32 $6.400000000e+01, v8;
	_ =	sdelay $0x1  }
0x11b: {  	v9 =	vmul.f32 $6.400000000e+01, v9;
	v8 =	vadd.f32 $1.258291200e+07, v8;
	_ =	sdelay $0x1  }
0x11c: {  	v9 =	vadd.f32 $1.258291200e+07, v9;
	v8 =	vadd.f32 $-1.258291200e+07, v8  }
0x11d: {  	v26 =	vld [tilespmem:$0x1FE60]  }
0x11e: {  	v9 =	vadd.f32 $-1.258291200e+07, v9;
	v8 =	vtrunc.f32 v8  }
0x11f: {  	v25 =	vcvt.f32.s32 v8  }
0x120: {  	v9 =	vtrunc.f32 v9;
	v8 =	vadd.s32 $0xF, v42  }
0x121: {  	v9 =	vcvt.f32.s32 v9;
	v10 =	vshll.u32 v25, $0x6  }
0x122: {  	v27 =	vadd.s32 $0x20, v39;
	v10 =	vadd.s32 v26, v10  }
0x123: {  	v9 =	vadd.s32 v9, v10  }
0x124: {  	v12 =	vadd.s32 $0x21, v39;
	v10 =	vshra.s32 v9, $0x7  }
0x125: {  	v9 =	vand.u32 $0x7F, v9;
	[tilespmem:v8+s8+$0x0] =	vst.idx.msk $0xffff, v10  }
0x126: {  	[tilespmem:v8+s9+$0x0] =	vst.idx.msk $0xffff, v9  }
0x127: {  	v9 =	vld.idx.msk [tilespmem:v27+s2+$0x0], $0xffff;
	_ =	sdelay $0x1  }
0x128: {  	v10 =	vld.idx.msk [tilespmem:v12+s2+$0x0], $0xffff;
	_ =	sdelay $0x2  }
0x129: {  	v9 =	vmul.f32 $6.400000000e+01, v9;
	_ =	sdelay $0x1  }
0x12a: {  	v10 =	vmul.f32 $6.400000000e+01, v10;
	v9 =	vadd.f32 $1.258291200e+07, v9;
	_ =	sdelay $0x1  }
0x12b: {  	v10 =	vadd.f32 $1.258291200e+07, v10;
	v9 =	vadd.f32 $-1.258291200e+07, v9  }
0x12c: {  	v29 =	vld [tilespmem:$0x1FE70]  }
0x12d: {  	v10 =	vadd.f32 $-1.258291200e+07, v10;
	v9 =	vtrunc.f32 v9  }
0x12e: {  	v28 =	vcvt.f32.s32 v9  }
0x12f: {  	v10 =	vtrunc.f32 v10;
	v9 =	vadd.s32 $0x10, v42  }
0x130: {  	v10 =	vcvt.f32.s32 v10;
	v11 =	vshll.u32 v28, $0x6  }
0x131: {  	v30 =	vadd.s32 $0x22, v39;
	v11 =	vadd.s32 v29, v11  }
0x132: {  	v10 =	vadd.s32 v10, v11  }
0x133: {  	v13 =	vadd.s32 $0x23, v39;
	v11 =	vshra.s32 v10, $0x7  }
0x134: {  	v10 =	vand.u32 $0x7F, v10;
	[tilespmem:v9+s8+$0x0] =	vst.idx.msk $0xffff, v11  }
0x135: {  	[tilespmem:v9+s9+$0x0] =	vst.idx.msk $0xffff, v10  }
0x136: {  	v10 =	vld.idx.msk [tilespmem:v30+s2+$0x0], $0xffff;
	_ =	sdelay $0x1  }
0x137: {  	v11 =	vld.idx.msk [tilespmem:v13+s2+$0x0], $0xffff;
	_ =	sdelay $0x2  }
0x138: {  	v10 =	vmul.f32 $6.400000000e+01, v10;
	_ =	sdelay $0x1  }
0x139: {  	v11 =	vmul.f32 $6.400000000e+01, v11;
	v10 =	vadd.f32 $1.258291200e+07, v10;
	_ =	sdelay $0x1  }
0x13a: {  	v11 =	vadd.f32 $1.258291200e+07, v11;
	v10 =	vadd.f32 $-1.258291200e+07, v10  }
0x13b: {  	v32 =	vld [tilespmem:$0x1FE80]  }
0x13c: {  	v11 =	vadd.f32 $-1.258291200e+07, v11;
	v10 =	vtrunc.f32 v10  }
0x13d: {  	v31 =	vcvt.f32.s32 v10  }
0x13e: {  	v11 =	vtrunc.f32 v11;
	v10 =	vadd.s32 $0x11, v42  }
0x13f: {  	v11 =	vcvt.f32.s32 v11;
	v12 =	vshll.u32 v31, $0x6  }
0x140: {  	v33 =	vadd.s32 $0x24, v39;
	v12 =	vadd.s32 v32, v12  }
0x141: {  	v11 =	vadd.s32 v11, v12  }
0x142: {  	v14 =	vadd.s32 $0x25, v39;
	v12 =	vshra.s32 v11, $0x7  }
0x143: {  	v11 =	vand.u32 $0x7F, v11;
	[tilespmem:v10+s8+$0x0] =	vst.idx.msk $0xffff, v12  }
0x144: {  	[tilespmem:v10+s9+$0x0] =	vst.idx.msk $0xffff, v11  }
0x145: {  	v11 =	vld.idx.msk [tilespmem:v33+s2+$0x0], $0xffff;
	_ =	sdelay $0x1  }
0x146: {  	v12 =	vld.idx.msk [tilespmem:v14+s2+$0x0], $0xffff;
	_ =	sdelay $0x2  }
0x147: {  	v11 =	vmul.f32 $6.400000000e+01, v11;
	_ =	sdelay $0x1  }
0x148: {  	v12 =	vmul.f32 $6.400000000e+01, v12;
	v11 =	vadd.f32 $1.258291200e+07, v11;
	_ =	sdelay $0x1  }
0x149: {  	v12 =	vadd.f32 $1.258291200e+07, v12;
	v11 =	vadd.f32 $-1.258291200e+07, v11  }
0x14a: {  	v35 =	vld [tilespmem:$0x1FE90]  }
0x14b: {  	v12 =	vadd.f32 $-1.258291200e+07, v12;
	v11 =	vtrunc.f32 v11  }
0x14c: {  	v34 =	vcvt.f32.s32 v11  }
0x14d: {  	v12 =	vtrunc.f32 v12;
	v11 =	vadd.s32 $0x12, v42  }
0x14e: {  	v12 =	vcvt.f32.s32 v12;
	v13 =	vshll.u32 v34, $0x6  }
0x14f: {  	v36 =	vadd.s32 $0x26, v39;
	v13 =	vadd.s32 v35, v13  }
0x150: {  	v12 =	vadd.s32 v12, v13  }
0x151: {  	v15 =	vadd.s32 $0x27, v39;
	v13 =	vshra.s32 v12, $0x7  }
0x152: {  	v12 =	vand.u32 $0x7F, v12;
	[tilespmem:v11+s8+$0x0] =	vst.idx.msk $0xffff, v13  }
0x153: {  	[tilespmem:v11+s9+$0x0] =	vst.idx.msk $0xffff, v12  }
0x154: {  	v12 =	vld.idx.msk [tilespmem:v36+s2+$0x0], $0xffff;
	_ =	sdelay $0x1  }
0x155: {  	v13 =	vld.idx.msk [tilespmem:v15+s2+$0x0], $0xffff;
	_ =	sdelay $0x2  }
0x156: {  	v12 =	vmul.f32 $6.400000000e+01, v12;
	_ =	sdelay $0x1  }
0x157: {  	v13 =	vmul.f32 $6.400000000e+01, v13;
	v12 =	vadd.f32 $1.258291200e+07, v12;
	_ =	sdelay $0x1  }
0x158: {  	v13 =	vadd.f32 $1.258291200e+07, v13;
	v12 =	vadd.f32 $-1.258291200e+07, v12  }
0x159: {  	v38 =	vld [tilespmem:$0x1FEA0]  }
0x15a: {  	v13 =	vadd.f32 $-1.258291200e+07, v13;
	v12 =	vtrunc.f32 v12  }
0x15b: {  	v12 =	vcvt.f32.s32 v12  }
0x15c: {  	v37 =	vtrunc.f32 v13;
	v13 =	vadd.s32 $0x13, v42  }
0x15d: {  	v14 =	vcvt.f32.s32 v37;
	v12 =	vshll.u32 v12, $0x6  }
0x15e: {  	v40 =	vadd.s32 $0x280, v39;
	v12 =	vadd.s32 v38, v12  }
0x15f: {  	v12 =	vadd.s32 v14, v12  }
0x160: {  	v16 =	vadd.s32 $0x281, v39;
	v14 =	vshra.s32 v12, $0x7  }
0x161: {  	v12 =	vand.u32 $0x7F, v12;
	[tilespmem:v13+s8+$0x0] =	vst.idx.msk $0xffff, v14  }
0x162: {  	[tilespmem:v13+s9+$0x0] =	vst.idx.msk $0xffff, v12  }
0x163: {  	v12 =	vld.idx.msk [tilespmem:v40+s2+$0x0], $0xffff;
	_ =	sdelay $0x1  }
0x164: {  	v14 =	vld.idx.msk [tilespmem:v16+s2+$0x0], $0xffff;
	_ =	sdelay $0x2  }
0x165: {  	v12 =	vmul.f32 $6.400000000e+01, v12;
	_ =	sdelay $0x1  }
0x166: {  	v14 =	vmul.f32 $6.400000000e+01, v14;
	v12 =	vadd.f32 $1.258291200e+07, v12;
	_ =	sdelay $0x1  }
0x167: {  	v14 =	vadd.f32 $1.258291200e+07, v14;
	v12 =	vadd.f32 $-1.258291200e+07, v12  }
0x168: {  	v43 =	vld [tilespmem:$0x1FEB0]  }
0x169: {  	v14 =	vadd.f32 $-1.258291200e+07, v14;
	v12 =	vtrunc.f32 v12  }
0x16a: {  	v41 =	vcvt.f32.s32 v12  }
0x16b: {  	v14 =	vtrunc.f32 v14;
	v12 =	vadd.s32 $0x140, v42  }
0x16c: {  	v14 =	vcvt.f32.s32 v14;
	v15 =	vshll.u32 v41, $0x6  }
0x16d: {  	v20 =	vadd.s32 $0x282, v39;
	v15 =	vadd.s32 v43, v15  }
0x16e: {  	v14 =	vadd.s32 v14, v15  }
0x16f: {  	v17 =	vadd.s32 $0x283, v39;
	v15 =	vshra.s32 v14, $0x7  }
0x170: {  	v14 =	vand.u32 $0x7F, v14;
	[tilespmem:v12+s8+$0x0] =	vst.idx.msk $0xffff, v15  }
0x171: {  	[tilespmem:v12+s9+$0x0] =	vst.idx.msk $0xffff, v14  }
0x172: {  	v14 =	vld.idx.msk [tilespmem:v20+s2+$0x0], $0xffff;
	_ =	sdelay $0x1  }
0x173: {  	v15 =	vld.idx.msk [tilespmem:v17+s2+$0x0], $0xffff;
	_ =	sdelay $0x2  }
0x174: {  	v14 =	vmul.f32 $6.400000000e+01, v14;
	_ =	sdelay $0x1  }
0x175: {  	v15 =	vmul.f32 $6.400000000e+01, v15;
	v14 =	vadd.f32 $1.258291200e+07, v14;
	_ =	sdelay $0x1  }
0x176: {  	v15 =	vadd.f32 $1.258291200e+07, v15;
	v14 =	vadd.f32 $-1.258291200e+07, v14  }
0x177: {  	v22 =	vld [tilespmem:$0x1FEC0]  }
0x178: {  	v15 =	vadd.f32 $-1.258291200e+07, v15;
	v14 =	vtrunc.f32 v14  }
0x179: {  	v21 =	vcvt.f32.s32 v14  }
0x17a: {  	v15 =	vtrunc.f32 v15;
	v14 =	vadd.s32 $0x141, v42  }
0x17b: {  	v15 =	vcvt.f32.s32 v15;
	v16 =	vshll.u32 v21, $0x6  }
0x17c: {  	v23 =	vadd.s32 $0x284, v39;
	v16 =	vadd.s32 v22, v16  }
0x17d: {  	v15 =	vadd.s32 v15, v16  }
0x17e: {  	v18 =	vadd.s32 $0x285, v39;
	v16 =	vshra.s32 v15, $0x7  }
0x17f: {  	v15 =	vand.u32 $0x7F, v15;
	[tilespmem:v14+s8+$0x0] =	vst.idx.msk $0xffff, v16  }
0x180: {  	[tilespmem:v14+s9+$0x0] =	vst.idx.msk $0xffff, v15  }
0x181: {  	v15 =	vld.idx.msk [tilespmem:v23+s2+$0x0], $0xffff;
	_ =	sdelay $0x1  }
0x182: {  	v16 =	vld.idx.msk [tilespmem:v18+s2+$0x0], $0xffff;
	_ =	sdelay $0x2  }
0x183: {  	v15 =	vmul.f32 $6.400000000e+01, v15;
	_ =	sdelay $0x1  }
0x184: {  	v16 =	vmul.f32 $6.400000000e+01, v16;
	v15 =	vadd.f32 $1.258291200e+07, v15;
	_ =	sdelay $0x1  }
0x185: {  	v16 =	vadd.f32 $1.258291200e+07, v16;
	v15 =	vadd.f32 $-1.258291200e+07, v15  }
0x186: {  	v25 =	vld [tilespmem:$0x1FED0]  }
0x187: {  	v16 =	vadd.f32 $-1.258291200e+07, v16;
	v15 =	vtrunc.f32 v15  }
0x188: {  	v24 =	vcvt.f32.s32 v15  }
0x189: {  	v16 =	vtrunc.f32 v16;
	v15 =	vadd.s32 $0x142, v42  }
0x18a: {  	v16 =	vcvt.f32.s32 v16;
	v17 =	vshll.u32 v24, $0x6  }
0x18b: {  	v26 =	vadd.s32 $0x286, v39;
	v17 =	vadd.s32 v25, v17  }
0x18c: {  	v16 =	vadd.s32 v16, v17  }
0x18d: {  	v19 =	vadd.s32 $0x287, v39;
	v17 =	vshra.s32 v16, $0x7  }
0x18e: {  	v16 =	vand.u32 $0x7F, v16;
	[tilespmem:v15+s8+$0x0] =	vst.idx.msk $0xffff, v17  }
0x18f: {  	[tilespmem:v15+s9+$0x0] =	vst.idx.msk $0xffff, v16  }
0x190: {  	v16 =	vld.idx.msk [tilespmem:v26+s2+$0x0], $0xffff;
	_ =	sdelay $0x1  }
0x191: {  	v17 =	vld.idx.msk [tilespmem:v19+s2+$0x0], $0xffff;
	_ =	sdelay $0x2  }
0x192: {  	v16 =	vmul.f32 $6.400000000e+01, v16;
	_ =	sdelay $0x1  }
0x193: {  	v17 =	vmul.f32 $6.400000000e+01, v17;
	v16 =	vadd.f32 $1.258291200e+07, v16;
	_ =	sdelay $0x1  }
0x194: {  	v17 =	vadd.f32 $1.258291200e+07, v17;
	v16 =	vadd.f32 $-1.258291200e+07, v16  }
0x195: {  	v28 =	vld [tilespmem:$0x1FEE0]  }
0x196: {  	v17 =	vadd.f32 $-1.258291200e+07, v17;
	v16 =	vtrunc.f32 v16  }
0x197: {  	v27 =	vcvt.f32.s32 v16  }
0x198: {  	v17 =	vtrunc.f32 v17;
	v16 =	vadd.s32 $0x143, v42  }
0x199: {  	v17 =	vcvt.f32.s32 v17;
	v18 =	vshll.u32 v27, $0x6  }
0x19a: {  	v29 =	vadd.s32 $0x288, v39;
	v18 =	vadd.s32 v28, v18  }
0x19b: {  	v17 =	vadd.s32 v17, v18  }
0x19c: {  	v20 =	vadd.s32 $0x289, v39;
	v18 =	vshra.s32 v17, $0x7  }
0x19d: {  	v17 =	vand.u32 $0x7F, v17;
	[tilespmem:v16+s8+$0x0] =	vst.idx.msk $0xffff, v18  }
0x19e: {  	[tilespmem:v16+s9+$0x0] =	vst.idx.msk $0xffff, v17  }
0x19f: {  	v17 =	vld.idx.msk [tilespmem:v29+s2+$0x0], $0xffff;
	_ =	sdelay $0x1  }
0x1a0: {  	v18 =	vld.idx.msk [tilespmem:v20+s2+$0x0], $0xffff;
	_ =	sdelay $0x2  }
0x1a1: {  	v17 =	vmul.f32 $6.400000000e+01, v17;
	_ =	sdelay $0x1  }
0x1a2: {  	v18 =	vmul.f32 $6.400000000e+01, v18;
	v17 =	vadd.f32 $1.258291200e+07, v17;
	_ =	sdelay $0x1  }
0x1a3: {  	v18 =	vadd.f32 $1.258291200e+07, v18;
	v17 =	vadd.f32 $-1.258291200e+07, v17  }
0x1a4: {  	v31 =	vld [tilespmem:$0x1FEF0]  }
0x1a5: {  	v18 =	vadd.f32 $-1.258291200e+07, v18;
	v17 =	vtrunc.f32 v17  }
0x1a6: {  	v30 =	vcvt.f32.s32 v17  }
0x1a7: {  	v18 =	vtrunc.f32 v18;
	v17 =	vadd.s32 $0x144, v42  }
0x1a8: {  	v18 =	vcvt.f32.s32 v18;
	v19 =	vshll.u32 v30, $0x6  }
0x1a9: {  	v32 =	vadd.s32 $0x28A, v39;
	v19 =	vadd.s32 v31, v19  }
0x1aa: {  	v18 =	vadd.s32 v18, v19  }
0x1ab: {  	v21 =	vadd.s32 $0x28B, v39;
	v19 =	vshra.s32 v18, $0x7  }
0x1ac: {  	v18 =	vand.u32 $0x7F, v18;
	[tilespmem:v17+s8+$0x0] =	vst.idx.msk $0xffff, v19  }
0x1ad: {  	[tilespmem:v17+s9+$0x0] =	vst.idx.msk $0xffff, v18  }
0x1ae: {  	v18 =	vld.idx.msk [tilespmem:v32+s2+$0x0], $0xffff;
	_ =	sdelay $0x1  }
0x1af: {  	v19 =	vld.idx.msk [tilespmem:v21+s2+$0x0], $0xffff;
	_ =	sdelay $0x2  }
0x1b0: {  	v18 =	vmul.f32 $6.400000000e+01, v18;
	_ =	sdelay $0x1  }
0x1b1: {  	v19 =	vmul.f32 $6.400000000e+01, v19;
	v18 =	vadd.f32 $1.258291200e+07, v18;
	_ =	sdelay $0x1  }
0x1b2: {  	v19 =	vadd.f32 $1.258291200e+07, v19;
	v18 =	vadd.f32 $-1.258291200e+07, v18  }
0x1b3: {  	v34 =	vld [tilespmem:$0x1FF00]  }
0x1b4: {  	v19 =	vadd.f32 $-1.258291200e+07, v19;
	v18 =	vtrunc.f32 v18  }
0x1b5: {  	v33 =	vcvt.f32.s32 v18  }
0x1b6: {  	v19 =	vtrunc.f32 v19;
	v18 =	vadd.s32 $0x145, v42  }
0x1b7: {  	v19 =	vcvt.f32.s32 v19;
	v20 =	vshll.u32 v33, $0x6  }
0x1b8: {  	v35 =	vadd.s32 $0x28C, v39;
	v20 =	vadd.s32 v34, v20  }
0x1b9: {  	v19 =	vadd.s32 v19, v20  }
0x1ba: {  	v22 =	vadd.s32 $0x28D, v39;
	v20 =	vshra.s32 v19, $0x7  }
0x1bb: {  	v19 =	vand.u32 $0x7F, v19;
	[tilespmem:v18+s8+$0x0] =	vst.idx.msk $0xffff, v20  }
0x1bc: {  	[tilespmem:v18+s9+$0x0] =	vst.idx.msk $0xffff, v19  }
0x1bd: {  	v19 =	vld.idx.msk [tilespmem:v35+s2+$0x0], $0xffff;
	_ =	sdelay $0x1  }
0x1be: {  	v20 =	vld.idx.msk [tilespmem:v22+s2+$0x0], $0xffff;
	_ =	sdelay $0x2  }
0x1bf: {  	v19 =	vmul.f32 $6.400000000e+01, v19;
	_ =	sdelay $0x1  }
0x1c0: {  	v20 =	vmul.f32 $6.400000000e+01, v20;
	v19 =	vadd.f32 $1.258291200e+07, v19;
	_ =	sdelay $0x1  }
0x1c1: {  	v20 =	vadd.f32 $1.258291200e+07, v20;
	v19 =	vadd.f32 $-1.258291200e+07, v19  }
0x1c2: {  	v37 =	vld [tilespmem:$0x1FF10]  }
0x1c3: {  	v20 =	vadd.f32 $-1.258291200e+07, v20;
	v19 =	vtrunc.f32 v19  }
0x1c4: {  	v36 =	vcvt.f32.s32 v19  }
0x1c5: {  	v20 =	vtrunc.f32 v20;
	v19 =	vadd.s32 $0x146, v42  }
0x1c6: {  	v20 =	vcvt.f32.s32 v20;
	v21 =	vshll.u32 v36, $0x6  }
0x1c7: {  	v38 =	vadd.s32 $0x28E, v39;
	v21 =	vadd.s32 v37, v21  }
0x1c8: {  	v20 =	vadd.s32 v20, v21  }
0x1c9: {  	v23 =	vadd.s32 $0x28F, v39;
	v21 =	vshra.s32 v20, $0x7  }
0x1ca: {  	v20 =	vand.u32 $0x7F, v20;
	[tilespmem:v19+s8+$0x0] =	vst.idx.msk $0xffff, v21  }
0x1cb: {  	[tilespmem:v19+s9+$0x0] =	vst.idx.msk $0xffff, v20  }
0x1cc: {  	v20 =	vld.idx.msk [tilespmem:v38+s2+$0x0], $0xffff;
	_ =	sdelay $0x1  }
0x1cd: {  	v21 =	vld.idx.msk [tilespmem:v23+s2+$0x0], $0xffff;
	_ =	sdelay $0x2  }
0x1ce: {  	v20 =	vmul.f32 $6.400000000e+01, v20;
	_ =	sdelay $0x1  }
0x1cf: {  	v21 =	vmul.f32 $6.400000000e+01, v21;
	v20 =	vadd.f32 $1.258291200e+07, v20;
	_ =	sdelay $0x1  }
0x1d0: {  	v21 =	vadd.f32 $1.258291200e+07, v21;
	v20 =	vadd.f32 $-1.258291200e+07, v20  }
0x1d1: {  	v41 =	vld [tilespmem:$0x1FF20]  }
0x1d2: {  	v21 =	vadd.f32 $-1.258291200e+07, v21;
	v20 =	vtrunc.f32 v20  }
0x1d3: {  	v40 =	vcvt.f32.s32 v20  }
0x1d4: {  	v21 =	vtrunc.f32 v21;
	v20 =	vadd.s32 $0x147, v42  }
0x1d5: {  	v21 =	vcvt.f32.s32 v21;
	v22 =	vshll.u32 v40, $0x6  }
0x1d6: {  	v43 =	vadd.s32 $0x290, v39;
	v22 =	vadd.s32 v41, v22  }
0x1d7: {  	v21 =	vadd.s32 v21, v22  }
0x1d8: {  	v24 =	vadd.s32 $0x291, v39;
	v22 =	vshra.s32 v21, $0x7  }
0x1d9: {  	v21 =	vand.u32 $0x7F, v21;
	[tilespmem:v20+s8+$0x0] =	vst.idx.msk $0xffff, v22  }
0x1da: {  	[tilespmem:v20+s9+$0x0] =	vst.idx.msk $0xffff, v21  }
0x1db: {  	v21 =	vld.idx.msk [tilespmem:v43+s2+$0x0], $0xffff;
	_ =	sdelay $0x1  }
0x1dc: {  	v22 =	vld.idx.msk [tilespmem:v24+s2+$0x0], $0xffff;
	_ =	sdelay $0x2  }
0x1dd: {  	v21 =	vmul.f32 $6.400000000e+01, v21;
	_ =	sdelay $0x1  }
0x1de: {  	v22 =	vmul.f32 $6.400000000e+01, v22;
	v21 =	vadd.f32 $1.258291200e+07, v21;
	_ =	sdelay $0x1  }
0x1df: {  	v22 =	vadd.f32 $1.258291200e+07, v22;
	v21 =	vadd.f32 $-1.258291200e+07, v21  }
0x1e0: {  	v29 =	vld [tilespmem:$0x1FF30]  }
0x1e1: {  	v22 =	vadd.f32 $-1.258291200e+07, v22;
	v21 =	vtrunc.f32 v21  }
0x1e2: {  	v28 =	vcvt.f32.s32 v21  }
0x1e3: {  	v22 =	vtrunc.f32 v22;
	v21 =	vadd.s32 $0x148, v42  }
0x1e4: {  	v22 =	vcvt.f32.s32 v22;
	v23 =	vshll.u32 v28, $0x6  }
0x1e5: {  	v30 =	vadd.s32 $0x292, v39;
	v23 =	vadd.s32 v29, v23  }
0x1e6: {  	v22 =	vadd.s32 v22, v23  }
0x1e7: {  	v25 =	vadd.s32 $0x293, v39;
	v23 =	vshra.s32 v22, $0x7  }
0x1e8: {  	v22 =	vand.u32 $0x7F, v22;
	[tilespmem:v21+s8+$0x0] =	vst.idx.msk $0xffff, v23  }
0x1e9: {  	[tilespmem:v21+s9+$0x0] =	vst.idx.msk $0xffff, v22  }
0x1ea: {  	v22 =	vld.idx.msk [tilespmem:v30+s2+$0x0], $0xffff;
	_ =	sdelay $0x1  }
0x1eb: {  	v23 =	vld.idx.msk [tilespmem:v25+s2+$0x0], $0xffff;
	_ =	sdelay $0x2  }
0x1ec: {  	v22 =	vmul.f32 $6.400000000e+01, v22;
	_ =	sdelay $0x1  }
0x1ed: {  	v23 =	vmul.f32 $6.400000000e+01, v23;
	v22 =	vadd.f32 $1.258291200e+07, v22;
	_ =	sdelay $0x1  }
0x1ee: {  	v23 =	vadd.f32 $1.258291200e+07, v23;
	v22 =	vadd.f32 $-1.258291200e+07, v22  }
0x1ef: {  	v32 =	vld [tilespmem:$0x1FF40]  }
0x1f0: {  	v23 =	vadd.f32 $-1.258291200e+07, v23;
	v22 =	vtrunc.f32 v22  }
0x1f1: {  	v31 =	vcvt.f32.s32 v22  }
0x1f2: {  	v23 =	vtrunc.f32 v23;
	v22 =	vadd.s32 $0x149, v42  }
0x1f3: {  	v23 =	vcvt.f32.s32 v23;
	v24 =	vshll.u32 v31, $0x6  }
0x1f4: {  	v33 =	vadd.s32 $0x294, v39;
	v24 =	vadd.s32 v32, v24  }
0x1f5: {  	v23 =	vadd.s32 v23, v24  }
0x1f6: {  	v26 =	vadd.s32 $0x295, v39;
	v24 =	vshra.s32 v23, $0x7  }
0x1f7: {  	v23 =	vand.u32 $0x7F, v23;
	[tilespmem:v22+s8+$0x0] =	vst.idx.msk $0xffff, v24  }
0x1f8: {  	[tilespmem:v22+s9+$0x0] =	vst.idx.msk $0xffff, v23  }
0x1f9: {  	v23 =	vld.idx.msk [tilespmem:v33+s2+$0x0], $0xffff;
	_ =	sdelay $0x1  }
0x1fa: {  	v24 =	vld.idx.msk [tilespmem:v26+s2+$0x0], $0xffff;
	_ =	sdelay $0x2  }
0x1fb: {  	v23 =	vmul.f32 $6.400000000e+01, v23;
	_ =	sdelay $0x1  }
0x1fc: {  	v24 =	vmul.f32 $6.400000000e+01, v24;
	v23 =	vadd.f32 $1.258291200e+07, v23;
	_ =	sdelay $0x1  }
0x1fd: {  	v24 =	vadd.f32 $1.258291200e+07, v24;
	v23 =	vadd.f32 $-1.258291200e+07, v23  }
0x1fe: {  	v35 =	vld [tilespmem:$0x1FF50]  }
0x1ff: {  	v24 =	vadd.f32 $-1.258291200e+07, v24;
	v23 =	vtrunc.f32 v23  }
0x200: {  	v34 =	vcvt.f32.s32 v23  }
0x201: {  	v24 =	vtrunc.f32 v24;
	v23 =	vadd.s32 $0x14A, v42  }
0x202: {  	v24 =	vcvt.f32.s32 v24;
	v25 =	vshll.u32 v34, $0x6  }
0x203: {  	v36 =	vadd.s32 $0x296, v39;
	v25 =	vadd.s32 v35, v25  }
0x204: {  	v24 =	vadd.s32 v24, v25  }
0x205: {  	v27 =	vadd.s32 $0x297, v39;
	v25 =	vshra.s32 v24, $0x7  }
0x206: {  	v24 =	vand.u32 $0x7F, v24;
	[tilespmem:v23+s8+$0x0] =	vst.idx.msk $0xffff, v25  }
0x207: {  	[tilespmem:v23+s9+$0x0] =	vst.idx.msk $0xffff, v24  }
0x208: {  	v24 =	vld.idx.msk [tilespmem:v36+s2+$0x0], $0xffff;
	_ =	sdelay $0x1  }
0x209: {  	v25 =	vld.idx.msk [tilespmem:v27+s2+$0x0], $0xffff;
	_ =	sdelay $0x2  }
0x20a: {  	v24 =	vmul.f32 $6.400000000e+01, v24;
	_ =	sdelay $0x1  }
0x20b: {  	v25 =	vmul.f32 $6.400000000e+01, v25;
	v24 =	vadd.f32 $1.258291200e+07, v24;
	_ =	sdelay $0x1  }
0x20c: {  	v25 =	vadd.f32 $1.258291200e+07, v25;
	v24 =	vadd.f32 $-1.258291200e+07, v24  }
0x20d: {  	v38 =	vld [tilespmem:$0x1FF60]  }
0x20e: {  	v25 =	vadd.f32 $-1.258291200e+07, v25;
	v24 =	vtrunc.f32 v24  }
0x20f: {  	v37 =	vcvt.f32.s32 v24  }
0x210: {  	v25 =	vtrunc.f32 v25;
	v24 =	vadd.s32 $0x14B, v42  }
0x211: {  	v25 =	vcvt.f32.s32 v25;
	v26 =	vshll.u32 v37, $0x6  }
0x212: {  	v40 =	vadd.s32 $0x298, v39;
	v26 =	vadd.s32 v38, v26  }
0x213: {  	v25 =	vadd.s32 v25, v26  }
0x214: {  	v28 =	vadd.s32 $0x299, v39;
	v26 =	vshra.s32 v25, $0x7  }
0x215: {  	v25 =	vand.u32 $0x7F, v25;
	[tilespmem:v24+s8+$0x0] =	vst.idx.msk $0xffff, v26  }
0x216: {  	[tilespmem:v24+s9+$0x0] =	vst.idx.msk $0xffff, v25  }
0x217: {  	v25 =	vld.idx.msk [tilespmem:v40+s2+$0x0], $0xffff;
	_ =	sdelay $0x1  }
0x218: {  	v26 =	vld.idx.msk [tilespmem:v28+s2+$0x0], $0xffff;
	_ =	sdelay $0x2  }
0x219: {  	v25 =	vmul.f32 $6.400000000e+01, v25;
	_ =	sdelay $0x1  }
0x21a: {  	v26 =	vmul.f32 $6.400000000e+01, v26;
	v25 =	vadd.f32 $1.258291200e+07, v25;
	_ =	sdelay $0x1  }
0x21b: {  	v26 =	vadd.f32 $1.258291200e+07, v26;
	v25 =	vadd.f32 $-1.258291200e+07, v25  }
0x21c: {  	v43 =	vld [tilespmem:$0x1FF70]  }
0x21d: {  	v26 =	vadd.f32 $-1.258291200e+07, v26;
	v25 =	vtrunc.f32 v25  }
0x21e: {  	v41 =	vcvt.f32.s32 v25  }
0x21f: {  	v26 =	vtrunc.f32 v26;
	v25 =	vadd.s32 $0x14C, v42  }
0x220: {  	v26 =	vcvt.f32.s32 v26;
	v27 =	vshll.u32 v41, $0x6  }
0x221: {  	v32 =	vadd.s32 $0x29A, v39;
	v27 =	vadd.s32 v43, v27  }
0x222: {  	v26 =	vadd.s32 v26, v27  }
0x223: {  	v29 =	vadd.s32 $0x29B, v39;
	v27 =	vshra.s32 v26, $0x7  }
0x224: {  	v26 =	vand.u32 $0x7F, v26;
	[tilespmem:v25+s8+$0x0] =	vst.idx.msk $0xffff, v27  }
0x225: {  	[tilespmem:v25+s9+$0x0] =	vst.idx.msk $0xffff, v26  }
0x226: {  	v26 =	vld.idx.msk [tilespmem:v32+s2+$0x0], $0xffff;
	_ =	sdelay $0x1  }
0x227: {  	v27 =	vld.idx.msk [tilespmem:v29+s2+$0x0], $0xffff;
	_ =	sdelay $0x2  }
0x228: {  	v26 =	vmul.f32 $6.400000000e+01, v26;
	_ =	sdelay $0x1  }
0x229: {  	v27 =	vmul.f32 $6.400000000e+01, v27;
	v26 =	vadd.f32 $1.258291200e+07, v26;
	_ =	sdelay $0x1  }
0x22a: {  	v27 =	vadd.f32 $1.258291200e+07, v27;
	v26 =	vadd.f32 $-1.258291200e+07, v26  }
0x22b: {  	v34 =	vld [tilespmem:$0x1FF80]  }
0x22c: {  	v27 =	vadd.f32 $-1.258291200e+07, v27;
	v26 =	vtrunc.f32 v26  }
0x22d: {  	v33 =	vcvt.f32.s32 v26  }
0x22e: {  	v27 =	vtrunc.f32 v27;
	v26 =	vadd.s32 $0x14D, v42  }
0x22f: {  	v27 =	vcvt.f32.s32 v27;
	v28 =	vshll.u32 v33, $0x6  }
0x230: {  	v35 =	vadd.s32 $0x29C, v39;
	v28 =	vadd.s32 v34, v28  }
0x231: {  	v27 =	vadd.s32 v27, v28  }
0x232: {  	v30 =	vadd.s32 $0x29D, v39;
	v28 =	vshra.s32 v27, $0x7  }
0x233: {  	v27 =	vand.u32 $0x7F, v27;
	[tilespmem:v26+s8+$0x0] =	vst.idx.msk $0xffff, v28  }
0x234: {  	[tilespmem:v26+s9+$0x0] =	vst.idx.msk $0xffff, v27  }
0x235: {  	v27 =	vld.idx.msk [tilespmem:v35+s2+$0x0], $0xffff;
	_ =	sdelay $0x1  }
0x236: {  	v28 =	vld.idx.msk [tilespmem:v30+s2+$0x0], $0xffff;
	_ =	sdelay $0x2  }
0x237: {  	v27 =	vmul.f32 $6.400000000e+01, v27;
	_ =	sdelay $0x1  }
0x238: {  	v28 =	vmul.f32 $6.400000000e+01, v28;
	v27 =	vadd.f32 $1.258291200e+07, v27;
	_ =	sdelay $0x1  }
0x239: {  	v28 =	vadd.f32 $1.258291200e+07, v28;
	v27 =	vadd.f32 $-1.258291200e+07, v27  }
0x23a: {  	v37 =	vld [tilespmem:$0x1FF90]  }
0x23b: {  	v28 =	vadd.f32 $-1.258291200e+07, v28;
	v27 =	vtrunc.f32 v27  }
0x23c: {  	v36 =	vcvt.f32.s32 v27  }
0x23d: {  	v28 =	vtrunc.f32 v28;
	v27 =	vadd.s32 $0x14E, v42  }
0x23e: {  	v28 =	vcvt.f32.s32 v28;
	v29 =	vshll.u32 v36, $0x6  }
0x23f: {  	v38 =	vadd.s32 $0x29E, v39;
	v29 =	vadd.s32 v37, v29  }
0x240: {  	v28 =	vadd.s32 v28, v29  }
0x241: {  	v31 =	vadd.s32 $0x29F, v39;
	v29 =	vshra.s32 v28, $0x7  }
0x242: {  	v28 =	vand.u32 $0x7F, v28;
	[tilespmem:v27+s8+$0x0] =	vst.idx.msk $0xffff, v29  }
0x243: {  	[tilespmem:v27+s9+$0x0] =	vst.idx.msk $0xffff, v28  }
0x244: {  	v28 =	vld.idx.msk [tilespmem:v38+s2+$0x0], $0xffff;
	_ =	sdelay $0x1  }
0x245: {  	v29 =	vld.idx.msk [tilespmem:v31+s2+$0x0], $0xffff;
	_ =	sdelay $0x2  }
0x246: {  	v28 =	vmul.f32 $6.400000000e+01, v28;
	_ =	sdelay $0x1  }
0x247: {  	v29 =	vmul.f32 $6.400000000e+01, v29;
	v28 =	vadd.f32 $1.258291200e+07, v28;
	_ =	sdelay $0x1  }
0x248: {  	v29 =	vadd.f32 $1.258291200e+07, v29;
	v28 =	vadd.f32 $-1.258291200e+07, v28  }
0x249: {  	v41 =	vld [tilespmem:$0x1FFA0]  }
0x24a: {  	v29 =	vadd.f32 $-1.258291200e+07, v29;
	v28 =	vtrunc.f32 v28  }
0x24b: {  	v40 =	vcvt.f32.s32 v28  }
0x24c: {  	v29 =	vtrunc.f32 v29;
	v28 =	vadd.s32 $0x14F, v42  }
0x24d: {  	v29 =	vcvt.f32.s32 v29;
	v30 =	vshll.u32 v40, $0x6  }
0x24e: {  	v43 =	vadd.s32 $0x2A0, v39;
	v30 =	vadd.s32 v41, v30  }
0x24f: {  	v29 =	vadd.s32 v29, v30  }
0x250: {  	v32 =	vadd.s32 $0x2A1, v39;
	v30 =	vshra.s32 v29, $0x7  }
0x251: {  	v29 =	vand.u32 $0x7F, v29;
	[tilespmem:v28+s8+$0x0] =	vst.idx.msk $0xffff, v30  }
0x252: {  	[tilespmem:v28+s9+$0x0] =	vst.idx.msk $0xffff, v29  }
0x253: {  	v29 =	vld.idx.msk [tilespmem:v43+s2+$0x0], $0xffff;
	_ =	sdelay $0x1  }
0x254: {  	v30 =	vld.idx.msk [tilespmem:v32+s2+$0x0], $0xffff;
	_ =	sdelay $0x2  }
0x255: {  	v29 =	vmul.f32 $6.400000000e+01, v29;
	_ =	sdelay $0x1  }
0x256: {  	v30 =	vmul.f32 $6.400000000e+01, v30;
	v29 =	vadd.f32 $1.258291200e+07, v29;
	_ =	sdelay $0x1  }
0x257: {  	v30 =	vadd.f32 $1.258291200e+07, v30;
	v29 =	vadd.f32 $-1.258291200e+07, v29  }
0x258: {  	v36 =	vld [tilespmem:$0x1FFB0]  }
0x259: {  	v30 =	vadd.f32 $-1.258291200e+07, v30;
	v29 =	vtrunc.f32 v29  }
0x25a: {  	v35 =	vcvt.f32.s32 v29  }
0x25b: {  	v30 =	vtrunc.f32 v30;
	v29 =	vadd.s32 $0x150, v42  }
0x25c: {  	v30 =	vcvt.f32.s32 v30;
	v31 =	vshll.u32 v35, $0x6  }
0x25d: {  	v37 =	vadd.s32 $0x2A2, v39;
	v31 =	vadd.s32 v36, v31  }
0x25e: {  	v30 =	vadd.s32 v30, v31  }
0x25f: {  	v33 =	vadd.s32 $0x2A3, v39;
	v31 =	vshra.s32 v30, $0x7  }
0x260: {  	v30 =	vand.u32 $0x7F, v30;
	[tilespmem:v29+s8+$0x0] =	vst.idx.msk $0xffff, v31  }
0x261: {  	[tilespmem:v29+s9+$0x0] =	vst.idx.msk $0xffff, v30  }
0x262: {  	v30 =	vld.idx.msk [tilespmem:v37+s2+$0x0], $0xffff;
	_ =	sdelay $0x1  }
0x263: {  	v31 =	vld.idx.msk [tilespmem:v33+s2+$0x0], $0xffff;
	_ =	sdelay $0x2  }
0x264: {  	v30 =	vmul.f32 $6.400000000e+01, v30;
	_ =	sdelay $0x1  }
0x265: {  	v31 =	vmul.f32 $6.400000000e+01, v31;
	v30 =	vadd.f32 $1.258291200e+07, v30;
	_ =	sdelay $0x1  }
0x266: {  	v31 =	vadd.f32 $1.258291200e+07, v31;
	v30 =	vadd.f32 $-1.258291200e+07, v30  }
0x267: {  	v40 =	vld [tilespmem:$0x1FFC0]  }
0x268: {  	v31 =	vadd.f32 $-1.258291200e+07, v31;
	v30 =	vtrunc.f32 v30  }
0x269: {  	v38 =	vcvt.f32.s32 v30  }
0x26a: {  	v31 =	vtrunc.f32 v31;
	v30 =	vadd.s32 $0x151, v42  }
0x26b: {  	v31 =	vcvt.f32.s32 v31;
	v32 =	vshll.u32 v38, $0x6  }
0x26c: {  	v41 =	vadd.s32 $0x2A4, v39;
	v32 =	vadd.s32 v40, v32  }
0x26d: {  	v31 =	vadd.s32 v31, v32  }
0x26e: {  	v34 =	vadd.s32 $0x2A5, v39;
	v32 =	vshra.s32 v31, $0x7  }
0x26f: {  	v31 =	vand.u32 $0x7F, v31;
	[tilespmem:v30+s8+$0x0] =	vst.idx.msk $0xffff, v32  }
0x270: {  	[tilespmem:v30+s9+$0x0] =	vst.idx.msk $0xffff, v31  }
0x271: {  	v31 =	vld.idx.msk [tilespmem:v41+s2+$0x0], $0xffff;
	_ =	sdelay $0x1  }
0x272: {  	v32 =	vld.idx.msk [tilespmem:v34+s2+$0x0], $0xffff;
	_ =	sdelay $0x2  }
0x273: {  	v31 =	vmul.f32 $6.400000000e+01, v31;
	_ =	sdelay $0x1  }
0x274: {  	v32 =	vmul.f32 $6.400000000e+01, v32;
	v31 =	vadd.f32 $1.258291200e+07, v31;
	_ =	sdelay $0x1  }
0x275: {  	v32 =	vadd.f32 $1.258291200e+07, v32;
	v31 =	vadd.f32 $-1.258291200e+07, v31  }
0x276: {  	v36 =	vld [tilespmem:$0x1FFD0]  }
0x277: {  	v32 =	vadd.f32 $-1.258291200e+07, v32;
	v31 =	vtrunc.f32 v31  }
0x278: {  	v43 =	vcvt.f32.s32 v31  }
0x279: {  	v32 =	vtrunc.f32 v32;
	v31 =	vadd.s32 $0x152, v42  }
0x27a: {  	v32 =	vcvt.f32.s32 v32;
	v33 =	vshll.u32 v43, $0x6  }
0x27b: {  	v37 =	vadd.s32 $0x2A6, v39;
	v33 =	vadd.s32 v36, v33  }
0x27c: {  	v32 =	vadd.s32 v32, v33  }
0x27d: {  	v35 =	vadd.s32 $0x2A7, v39;
	v33 =	vshra.s32 v32, $0x7  }
0x27e: {  	v32 =	vand.u32 $0x7F, v32;
	[tilespmem:v31+s8+$0x0] =	vst.idx.msk $0xffff, v33  }
0x27f: {  	[tilespmem:v31+s9+$0x0] =	vst.idx.msk $0xffff, v32  }
0x280: {  	v32 =	vld.idx.msk [tilespmem:v37+s2+$0x0], $0xffff;
	_ =	sdelay $0x1  }
0x281: {  	v33 =	vld.idx.msk [tilespmem:v35+s2+$0x0], $0xffff;
	_ =	sdelay $0x2  }
0x282: {  	v32 =	vmul.f32 $6.400000000e+01, v32;
	_ =	sdelay $0x1  }
0x283: {  	v33 =	vmul.f32 $6.400000000e+01, v33;
	v32 =	vadd.f32 $1.258291200e+07, v32;
	_ =	sdelay $0x1  }
0x284: {  	v33 =	vadd.f32 $1.258291200e+07, v33;
	v32 =	vadd.f32 $-1.258291200e+07, v32  }
0x285: {  	v40 =	vld [tilespmem:$0x1FFE0]  }
0x286: {  	v33 =	vadd.f32 $-1.258291200e+07, v33;
	v32 =	vtrunc.f32 v32  }
0x287: {  	v38 =	vcvt.f32.s32 v32  }
0x288: {  	v33 =	vtrunc.f32 v33;
	v32 =	vadd.s32 $0x153, v42  }
0x289: {  	v33 =	vcvt.f32.s32 v33;
	v34 =	vshll.u32 v38, $0x6  }
0x28a: {  	v34 =	vadd.s32 v40, v34  }
0x28b: {  	v33 =	vadd.s32 v33, v34  }
0x28c: {  	v34 =	vshra.s32 v33, $0x7  }
0x28d: {  	v33 =	vand.u32 $0x7F, v33;
	[tilespmem:v32+s8+$0x0] =	vst.idx.msk $0xffff, v34  }
0x28e: {  	[tilespmem:v32+s9+$0x0] =	vst.idx.msk $0xffff, v33  }
0x28f: {  	[tilespmem:s11], [sflag:$0x1] =	stream.indirect.gather [hbm4b:s3+s10], $0x80, s8, s10, $0xb8;
	[tilespmem:$0x14C00] =	vst v63  }
0x290: {  	_ = 	snop  }
0x291: {  	[tilespmem:s13], [sflag:$0x1] =	stream.indirect.gather [hbm4b:s3+s10], $0x80, s12, s10, $0xb8;
	[tilespmem:$0x14C00] =	vst v63  }
0x292: {  	_ = 	snop  }
0x293: {  	[tilespmem:s15], [sflag:$0x1] =	stream.indirect.gather [hbm4b:s3+s10], $0x80, s14, s10, $0xb8;
	[tilespmem:$0x14C00] =	vst v63  }
0x294: {  	_ = 	snop  }
0x295: {  	[tilespmem:s17], [sflag:$0x1] =	stream.indirect.gather [hbm4b:s3+s10], $0x80, s16, s10, $0xb8;
	[tilespmem:$0x14C00] =	vst v63  }
0x296: {  	_ = 	snop  }
0x297: {  	[tilespmem:s19], [sflag:$0x1] =	stream.indirect.gather [hbm4b:s3+s10], $0x80, s18, s10, $0xb8;
	[tilespmem:$0x14C00] =	vst v63  }
0x298: {  	_ =	swait.ge [sflag:s20], $0x4000  }
0x299: {  	[sflag:s20] =	ssyncset.done $0x0  }
0x29a: {  	[sflag:s20] =	ssyncadd.s32 $0xFFFFC000  }
0x29b: {  	_ =	swait.ge [sflag:s20], $0x4000  }
0x29c: {  	[sflag:s20] =	ssyncset.done $0x0  }
0x29d: {  	[sflag:s20] =	ssyncadd.s32 $0xFFFFC000  }
0x29e: {  	_ =	swait.ge [sflag:s20], $0x4000  }
0x29f: {  	[sflag:s20] =	ssyncset.done $0x0  }
0x2a0: {  	[sflag:s20] =	ssyncadd.s32 $0xFFFFC000  }
0x2a1: {  	_ =	swait.ge [sflag:s20], $0x4000  }
0x2a2: {  	[sflag:s20] =	ssyncset.done $0x0  }
0x2a3: {  	[sflag:s20] =	ssyncadd.s32 $0xFFFFC000  }
0x2a4: {  	_ =	swait.ge [sflag:s20], $0x4000  }
0x2a5: {  	[sflag:s20] =	ssyncset.done $0x0  }
0x2a6: {  	[sflag:s20] =	ssyncadd.s32 $0xFFFFC000  }
0x2a7: {  	v41 =	vld.idx.msk [tilespmem:v42+s9+$0x0], $0xffff  }
0x2a8: {  	v43 =	vld.idx.msk [tilespmem:v46+s9+$0x0], $0xffff  }
0x2a9: {  	v40 =	vlaneseq.u32;
	v36 =	vld.idx.msk [tilespmem:v49+s9+$0x0], $0xffff  }
0x2aa: {  	v33 =	vmul.u32 $0xA00, v40;
	v38 =	vld.idx.msk [tilespmem:v52+s9+$0x0], $0xffff  }
0x2ab: {  	v40 =	vld.idx.msk [tilespmem:v55+s9+$0x0], $0xffff  }
0x2ac: {  	v37 =	vor.u32 $0x80, v33;
	v34 =	vadd.s32 v33, v41  }
0x2ad: {  	v35 =	vadd.s32 v37, v43  }
0x2ae: {  	v37 =	vor.u32 $0x100, v33;
	v41 =	vor.u32 $0x180, v33  }
0x2af: {  	v36 =	vadd.s32 v37, v36;
	v37 =	vadd.s32 v41, v38;
	v38 =	vld.idx.msk [tilespmem:v58+s9+$0x0], $0xffff;
	v41 =	vadd.s32 $0x200, v33  }
0x2b0: {  	v40 =	vadd.s32 v41, v40;
	v41 =	vld.idx.msk [tilespmem:v61+s9+$0x0], $0xffff  }
0x2b1: {  	v34 =	vld.idx.msk [tilespmem:v34+s11+$0x0], $0xffff  }
0x2b2: {  	v35 =	vld.idx.msk [tilespmem:v35+s11+$0x0], $0xffff  }
0x2b3: {  	v0 =	vld.idx.msk [tilespmem:v0+s9+$0x0], $0xffff  }
0x2b4: {  	v43 =	vadd.s32 $0x280, v33;
	v36 =	vld.idx.msk [tilespmem:v36+s11+$0x0], $0xffff  }
0x2b5: {  	v1 =	vld.idx.msk [tilespmem:v1+s9+$0x0], $0xffff;
	v38 =	vadd.s32 v43, v38  }
0x2b6: {  	v37 =	vld.idx.msk [tilespmem:v37+s11+$0x0], $0xffff;
	v43 =	vadd.s32 $0x300, v33  }
0x2b7: {  	v2 =	vld.idx.msk [tilespmem:v2+s9+$0x0], $0xffff;
	vm0 =	vgt.f32 v34, $0.0e+00;
	vm1 =	vgt.f32 v35, $0.0e+00;
	v34 =	vadd.s32 v43, v41  }
0x2b8: {  	v40 =	vld.idx.msk [tilespmem:v40+s11+$0x0], $0xffff;
	v43 =	vadd.s32 $0x380, v33;
	v35 =	vsel vm0, $0x3F800000, v63;
	v41 =	vsel vm1, $0x3F800000, v63  }
0x2b9: {  	v3 =	vld.idx.msk [tilespmem:v3+s9+$0x0], $0xffff;
	vm14 =	vgt.f32 v36, $0.0e+00;
	v0 =	vadd.s32 v43, v0;
	v35 =	vadd.f32 v41, v35  }
0x2ba: {  	v36 =	vld.idx.msk [tilespmem:v38+s11+$0x0], $0xffff;
	v43 =	vadd.s32 $0x400, v33;
	v41 =	vsel vm14, $0x3F800000, v63  }
0x2bb: {  	v4 =	vld.idx.msk [tilespmem:v4+s9+$0x0], $0xffff;
	vm15 =	vgt.f32 v37, $0.0e+00;
	v1 =	vadd.s32 v43, v1;
	v35 =	vadd.f32 v41, v35  }
0x2bc: {  	v43 =	vadd.s32 $0x480, v33;
	v41 =	vsel vm15, $0x3F800000, v63;
	v34 =	vld.idx.msk [tilespmem:v34+s11+$0x0], $0xffff  }
0x2bd: {  	v5 =	vld.idx.msk [tilespmem:v5+s9+$0x0], $0xffff;
	vm4 =	vgt.f32 v40, $0.0e+00;
	v2 =	vadd.s32 v43, v2;
	v35 =	vadd.f32 v41, v35  }
0x2be: {  	v43 =	vsel vm4, $0x3F800000, v63;
	v41 =	vadd.s32 $0x500, v33;
	v0 =	vld.idx.msk [tilespmem:v0+s11+$0x0], $0xffff  }
0x2bf: {  	v6 =	vld.idx.msk [tilespmem:v6+s9+$0x0], $0xffff;
	vm5 =	vgt.f32 v36, $0.0e+00;
	v3 =	vadd.s32 v41, v3;
	v35 =	vadd.f32 v43, v35  }
0x2c0: {  	v40 =	vadd.s32 $0x580, v33;
	v41 =	vsel vm5, $0x3F800000, v63;
	v1 =	vld.idx.msk [tilespmem:v1+s11+$0x0], $0xffff  }
0x2c1: {  	v7 =	vld.idx.msk [tilespmem:v7+s9+$0x0], $0xffff;
	v4 =	vadd.s32 v40, v4;
	v35 =	vadd.f32 v41, v35;
	vm6 =	vgt.f32 v34, $0.0e+00  }
0x2c2: {  	v38 =	vadd.s32 $0x680, v33;
	v43 =	vadd.s32 $0x600, v33;
	v2 =	vld.idx.msk [tilespmem:v2+s11+$0x0], $0xffff;
	v36 =	vsel vm6, $0x3F800000, v63  }
0x2c3: {  	v8 =	vld.idx.msk [tilespmem:v8+s9+$0x0], $0xffff;
	v5 =	vadd.s32 v43, v5;
	vm7 =	vgt.f32 v0, $0.0e+00;
	v34 =	vadd.f32 v36, v35  }
0x2c4: {  	v37 =	vld.idx.msk [tilespmem:v3+s11+$0x0], $0xffff;
	v3 =	vadd.s32 v38, v6;
	v40 =	vsel vm7, $0x3F800000, v63  }
0x2c5: {  	v9 =	vld.idx.msk [tilespmem:v9+s9+$0x0], $0xffff;
	v43 =	vadd.s32 $0x700, v33;
	vm8 =	vgt.f32 v1, $0.0e+00;
	v6 =	vadd.f32 v40, v34  }
0x2c6: {  	v41 =	vld.idx.msk [tilespmem:v4+s11+$0x0], $0xffff;
	v4 =	vadd.s32 v43, v7;
	v34 =	vsel vm8, $0x3F800000, v63  }
0x2c7: {  	v10 =	vld.idx.msk [tilespmem:v10+s9+$0x0], $0xffff;
	vm9 =	vgt.f32 v2, $0.0e+00;
	v6 =	vadd.f32 v34, v6  }
0x2c8: {  	v36 =	vadd.s32 $0x780, v33;
	v2 =	vld.idx.msk [tilespmem:v5+s11+$0x0], $0xffff;
	v35 =	vsel vm9, $0x3F800000, v63  }
0x2c9: {  	vm10 =	vgt.f32 v37, $0.0e+00;
	v0 =	vld.idx.msk [tilespmem:v3+s11+$0x0], $0xffff;
	v3 =	vadd.s32 v36, v8;
	v5 =	vadd.f32 v35, v6  }
0x2ca: {  	v38 =	vadd.s32 $0x800, v33;
	v40 =	vld.idx.msk [tilespmem:v11+s9+$0x0], $0xffff;
	v37 =	vsel vm10, $0x3F800000, v63  }
0x2cb: {  	vm11 =	vgt.f32 v41, $0.0e+00;
	v1 =	vld.idx.msk [tilespmem:v4+s11+$0x0], $0xffff;
	v4 =	vadd.s32 v38, v9;
	v5 =	vadd.f32 v37, v5  }
0x2cc: {  	v43 =	vadd.s32 $0x880, v33;
	v41 =	vsel vm11, $0x3F800000, v63;
	v34 =	vld.idx.msk [tilespmem:v13+s9+$0x0], $0xffff  }
0x2cd: {  	v35 =	vadd.s32 v43, v10;
	vm12 =	vgt.f32 v2, $0.0e+00;
	v5 =	vadd.f32 v41, v5  }
0x2ce: {  	v36 =	vsel vm12, $0x3F800000, v63;
	v37 =	vadd.s32 $0x900, v33;
	v3 =	vld.idx.msk [tilespmem:v3+s11+$0x0], $0xffff  }
0x2cf: {  	v38 =	vadd.s32 v37, v40;
	vm13 =	vgt.f32 v0, $0.0e+00;
	v5 =	vadd.f32 v36, v5  }
0x2d0: {  	v4 =	vld.idx.msk [tilespmem:v4+s11+$0x0], $0xffff;
	v41 =	vadd.s32 $0x980, v33;
	v40 =	vsel vm13, $0x3F800000, v63  }
0x2d1: {  	vm14 =	vgt.f32 v1, $0.0e+00;
	v43 =	vadd.s32 v41, v34;
	v5 =	vadd.f32 v40, v5  }
0x2d2: {  	v1 =	vsel vm14, $0x3F800000, v63;
	v2 =	vld.idx.msk [tilespmem:v35+s11+$0x0], $0xffff  }
0x2d3: {  	vm15 =	vgt.f32 v3, $0.0e+00;
	v1 =	vadd.f32 v1, v5  }
0x2d4: {  	v0 =	vld.idx.msk [tilespmem:v38+s11+$0x0], $0xffff;
	v3 =	vsel vm15, $0x3F800000, v63  }
0x2d5: {  	vm4 =	vgt.f32 v4, $0.0e+00;
	v1 =	vadd.f32 v3, v1  }
0x2d6: {  	v8 =	vsel vm4, $0x3F800000, v63;
	v9 =	vld.idx.msk [tilespmem:v43+s11+$0x0], $0xffff  }
0x2d7: {  	vm5 =	vgt.f32 v2, $0.0e+00;
	v1 =	vadd.f32 v8, v1  }
0x2d8: {  	v2 =	vsel vm5, $0x3F800000, v63  }
0x2d9: {  	vm6 =	vgt.f32 v0, $0.0e+00;
	v1 =	vadd.f32 v2, v1  }
0x2da: {  	v0 =	vsel vm6, $0x3F800000, v63  }
0x2db: {  	vm7 =	vgt.f32 v9, $0.0e+00;
	v0 =	vadd.f32 v0, v1  }
0x2dc: {  	v10 =	vsel vm7, $0x3F800000, v63  }
0x2dd: {  	v0 =	vadd.f32 v10, v0;
	_ =	sdelay $0x1  }
0x2de: {  	[tilespmem:$0x14B80] =	vst v0  }
0x2df: {  	v0 =	vld.idx.msk [tilespmem:v12+s9+$0x0], $0xffff  }
0x2e0: {  	v11 =	vld.idx.msk [tilespmem:v14+s9+$0x0], $0xffff;
	_ =	sdelay $0x1  }
0x2e1: {  	v13 =	vld.idx.msk [tilespmem:v15+s9+$0x0], $0xffff  }
0x2e2: {  	v12 =	vadd.s32 $0xA000, v33  }
0x2e3: {  	v14 =	vadd.s32 $0xA080, v33;
	v15 =	vld.idx.msk [tilespmem:v16+s9+$0x0], $0xffff;
	v0 =	vadd.s32 v12, v0  }
0x2e4: {  	v1 =	vadd.s32 v14, v11  }
0x2e5: {  	v16 =	vadd.s32 $0xA100, v33;
	v17 =	vld.idx.msk [tilespmem:v17+s9+$0x0], $0xffff  }
0x2e6: {  	v35 =	vld.idx.msk [tilespmem:v18+s9+$0x0], $0xffff;
	v2 =	vadd.s32 v16, v13  }
0x2e7: {  	v34 =	vadd.s32 $0xA180, v33;
	v37 =	vld.idx.msk [tilespmem:v19+s9+$0x0], $0xffff  }
0x2e8: {  	v3 =	vadd.s32 v34, v15;
	v0 =	vld.idx.msk [tilespmem:v0+s11+$0x0], $0xffff  }
0x2e9: {  	v36 =	vadd.s32 $0xA200, v33;
	v1 =	vld.idx.msk [tilespmem:v1+s11+$0x0], $0xffff  }
0x2ea: {  	v40 =	vld.idx.msk [tilespmem:v20+s9+$0x0], $0xffff;
	v5 =	vadd.s32 v36, v17  }
0x2eb: {  	v38 =	vadd.s32 $0xA280, v33;
	v2 =	vld.idx.msk [tilespmem:v2+s11+$0x0], $0xffff  }
0x2ec: {  	v43 =	vld.idx.msk [tilespmem:v21+s9+$0x0], $0xffff;
	v4 =	vadd.s32 v38, v35  }
0x2ed: {  	v41 =	vadd.s32 $0xA300, v33;
	v3 =	vld.idx.msk [tilespmem:v3+s11+$0x0], $0xffff  }
0x2ee: {  	v13 =	vld.idx.msk [tilespmem:v22+s9+$0x0], $0xffff;
	vm8 =	vgt.f32 v0, $0.0e+00;
	vm9 =	vgt.f32 v1, $0.0e+00;
	v0 =	vadd.s32 v41, v37  }
0x2ef: {  	v12 =	vadd.s32 $0xA380, v33;
	v5 =	vld.idx.msk [tilespmem:v5+s11+$0x0], $0xffff;
	v10 =	vsel vm8, $0x3F800000, v63;
	v11 =	vsel vm9, $0x3F800000, v63  }
0x2f0: {  	v15 =	vld.idx.msk [tilespmem:v23+s9+$0x0], $0xffff;
	vm10 =	vgt.f32 v2, $0.0e+00;
	v2 =	vadd.s32 v12, v40;
	v6 =	vadd.f32 v11, v10  }
0x2f1: {  	v17 =	vadd.s32 $0xA400, v33;
	v16 =	vld.idx.msk [tilespmem:v4+s11+$0x0], $0xffff;
	v14 =	vsel vm10, $0x3F800000, v63  }
0x2f2: {  	v19 =	vld.idx.msk [tilespmem:v24+s9+$0x0], $0xffff;
	vm11 =	vgt.f32 v3, $0.0e+00;
	v1 =	vadd.s32 v17, v43;
	v6 =	vadd.f32 v14, v6  }
0x2f3: {  	v20 =	vadd.s32 $0xA480, v33;
	v18 =	vsel vm11, $0x3F800000, v63;
	v0 =	vld.idx.msk [tilespmem:v0+s11+$0x0], $0xffff  }
0x2f4: {  	v23 =	vld.idx.msk [tilespmem:v25+s9+$0x0], $0xffff;
	v21 =	vadd.s32 v20, v13;
	vm12 =	vgt.f32 v5, $0.0e+00;
	v4 =	vadd.f32 v18, v6  }
0x2f5: {  	v22 =	vadd.s32 $0xA500, v33;
	v24 =	vsel vm12, $0x3F800000, v63;
	v2 =	vld.idx.msk [tilespmem:v2+s11+$0x0], $0xffff  }
0x2f6: {  	v34 =	vld.idx.msk [tilespmem:v26+s9+$0x0], $0xffff;
	vm13 =	vgt.f32 v16, $0.0e+00;
	v6 =	vadd.s32 v22, v15;
	v4 =	vadd.f32 v24, v4  }
0x2f7: {  	v25 =	vadd.s32 $0xA580, v33;
	v35 =	vsel vm13, $0x3F800000, v63;
	v1 =	vld.idx.msk [tilespmem:v1+s11+$0x0], $0xffff  }
0x2f8: {  	v3 =	vadd.s32 v25, v19;
	v37 =	vld.idx.msk [tilespmem:v27+s9+$0x0], $0xffff;
	v4 =	vadd.f32 v35, v4;
	vm14 =	vgt.f32 v0, $0.0e+00  }
0x2f9: {  	v36 =	vadd.s32 $0xA600, v33;
	v5 =	vld.idx.msk [tilespmem:v21+s11+$0x0], $0xffff;
	v38 =	vsel vm14, $0x3F800000, v63  }
0x2fa: {  	v12 =	vld.idx.msk [tilespmem:v28+s9+$0x0], $0xffff;
	v0 =	vadd.s32 v36, v23;
	vm15 =	vgt.f32 v2, $0.0e+00;
	v4 =	vadd.f32 v38, v4  }
0x2fb: {  	v41 =	vadd.s32 $0xA680, v33;
	v40 =	vld.idx.msk [tilespmem:v6+s11+$0x0], $0xffff;
	v43 =	vsel vm15, $0x3F800000, v63  }
0x2fc: {  	v16 =	vld.idx.msk [tilespmem:v29+s9+$0x0], $0xffff;
	vm4 =	vgt.f32 v1, $0.0e+00;
	v6 =	vadd.s32 v41, v34;
	v4 =	vadd.f32 v43, v4  }
0x2fd: {  	v14 =	vadd.s32 $0xA700, v33;
	v13 =	vld.idx.msk [tilespmem:v3+s11+$0x0], $0xffff;
	v15 =	vsel vm4, $0x3F800000, v63  }
0x2fe: {  	v3 =	vadd.s32 v14, v37;
	vm5 =	vgt.f32 v5, $0.0e+00;
	v18 =	vld.idx.msk [tilespmem:v30+s9+$0x0], $0xffff;
	v4 =	vadd.f32 v15, v4  }
0x2ff: {  	v17 =	vadd.s32 $0xA780, v33;
	v5 =	vsel vm5, $0x3F800000, v63;
	v0 =	vld.idx.msk [tilespmem:v0+s11+$0x0], $0xffff  }
0x300: {  	v20 =	vadd.s32 v17, v12;
	v23 =	vld.idx.msk [tilespmem:v31+s9+$0x0], $0xffff;
	vm6 =	vgt.f32 v40, $0.0e+00;
	v4 =	vadd.f32 v5, v4  }
0x301: {  	v22 =	vadd.s32 $0xA800, v33;
	v19 =	vld.idx.msk [tilespmem:v6+s11+$0x0], $0xffff;
	v21 =	vsel vm6, $0x3F800000, v63  }
0x302: {  	v28 =	vld.idx.msk [tilespmem:v32+s9+$0x0], $0xffff;
	v25 =	vadd.s32 v22, v16;
	vm7 =	vgt.f32 v13, $0.0e+00;
	v4 =	vadd.f32 v21, v4  }
0x303: {  	v27 =	vadd.s32 $0xA880, v33;
	v24 =	vld.idx.msk [tilespmem:v3+s11+$0x0], $0xffff;
	v26 =	vsel vm7, $0x3F800000, v63  }
0x304: {  	v29 =	vadd.s32 v27, v18;
	vm8 =	vgt.f32 v0, $0.0e+00;
	v4 =	vadd.f32 v26, v4  }
0x305: {  	v31 =	vadd.s32 $0xA900, v33;
	v5 =	vld.idx.msk [tilespmem:v20+s11+$0x0], $0xffff;
	v30 =	vsel vm8, $0x3F800000, v63  }
0x306: {  	v32 =	vadd.s32 v31, v23;
	vm9 =	vgt.f32 v19, $0.0e+00;
	v4 =	vadd.f32 v30, v4  }
0x307: {  	v34 =	vadd.s32 $0xA980, v33;
	v3 =	vld.idx.msk [tilespmem:v25+s11+$0x0], $0xffff;
	v2 =	vsel vm9, $0x3F800000, v63  }
0x308: {  	v35 =	vadd.s32 v34, v28;
	vm10 =	vgt.f32 v24, $0.0e+00;
	v2 =	vadd.f32 v2, v4  }
0x309: {  	v1 =	vsel vm10, $0x3F800000, v63;
	v0 =	vld.idx.msk [tilespmem:v29+s11+$0x0], $0xffff  }
0x30a: {  	vm11 =	vgt.f32 v5, $0.0e+00;
	v1 =	vadd.f32 v1, v2  }
0x30b: {  	v37 =	vld.idx.msk [tilespmem:v32+s11+$0x0], $0xffff;
	v36 =	vsel vm11, $0x3F800000, v63  }
0x30c: {  	vm12 =	vgt.f32 v3, $0.0e+00;
	v1 =	vadd.f32 v36, v1  }
0x30d: {  	v40 =	vld.idx.msk [tilespmem:v35+s11+$0x0], $0xffff;
	v38 =	vsel vm12, $0x3F800000, v63  }
0x30e: {  	vm13 =	vgt.f32 v0, $0.0e+00;
	v1 =	vadd.f32 v38, v1  }
0x30f: {  	v0 =	vsel vm13, $0x3F800000, v63  }
0x310: {  	vm14 =	vgt.f32 v37, $0.0e+00;
	v0 =	vadd.f32 v0, v1  }
0x311: {  	v41 =	vsel vm14, $0x3F800000, v63  }
0x312: {  	vm15 =	vgt.f32 v40, $0.0e+00;
	v0 =	vadd.f32 v41, v0  }
0x313: {  	v43 =	vsel vm15, $0x3F800000, v63  }
0x314: {  	v0 =	vadd.f32 v43, v0  }
0x315: {  	p0 =	sne.s32 s6, $0x1  }
.Ltmp0:
0x316: {  	[tilespmem:$0x14B90] =	vst v0;
	(pc) =	sbr.rel @p0 .LBB2_1-.Ltmp0, $4  }
0x317: {  	[hbm4b:s5+s2] =	stream.linear.scatter [tilespmem:s21], [sflag:$0x2], $0x20, $0x38;
	[tilespmem:$0x14C00] =	vst v63  }
0x318: {  	_ =	swait.ge [sflag:s7], $0x20  }
0x319: {  	[sflag:s7] =	ssyncset.done $0x0  }
0x31a: {  	s6 =	sadd.s32 $0xFFFFFFFF, s6;
	[sflag:s7] =	ssyncadd.s32 $0xFFFFFFE0  }
0x31b: {  	_ =	sfence.sel $0x180000  }
0x31c: {  	[bflag:$0x0] =	sbarrier.arrive $0xFFFF  }
0x31d: {  	p0 =	sne.s32 s0, $0x0;
	_ =	strace $0x90000047  }
0x31e: {  	s0 =	sadd.s32 @!p0 $0x100000, s1;
	[bflag:$0x2] =	sbarrier.arrive $0xFFFF  }
0x31f: {  	[sflag:s0] =	ssyncadd.tile.s32 @!p0 $0x1;
	_ =	shalt  }
.Lfunc_end2:
_tile_overlayer_lowered:
.L_overlay_start_2:
0x320: {  	(tag) =	ssettag $0x2  }
0x321: {  	s0 =	rddreg [dreg:$0x0];
	s2 =	stileid.u32  }
0x322: {  	s1 =	rddreg [dreg:$0x1];
	p0 =	sne.s32 s2, $0x0  }
0x323: {  	s3 =	rddreg [dreg:$0x2];
	[bflag:$0x3] =	sbarrier.arrive $0xFFFF;
	s2 =	simm.s32 @!p0 $0x1C02  }
0x324: {  	[timem:s3], [sflag:s2] =	dma.local @!p0 [hbm:s0], s1  }
0x325: {  	s0 =	simm.s32 @!p0 $0x2  }
0x326: {  	_ =	swait.ge @!p0 [sflag:s0], s1  }
0x327: {  	s1 =	ssub.s32 @!p0 $0x0, s1;
	[sflag:s0] =	ssyncset.done @!p0 $0x0  }
0x328: {  	[sflag:s0] =	ssyncadd.s32 @!p0 s1  }
0x329: {  	[bflag:$0x3] =	sbarrier.arrive $0xFFFF  }
0x32a: {  	_ =	shalt  }

</sc_bundles>
